<compile_context>
chip_gen: v7x
topology: tpu7x:2x2x1
jax: 0.10.2.dev20260603
libtpu: 0.0.44.dev20260713+nightly
codegen_flags: <defaults>
</compile_context>

<pallas_src>
import functools

import jax
import jax.numpy as jnp
from jax import lax
from jax.experimental import pallas as pl
from jax.experimental.pallas import tpu as pltpu
from jax.experimental.pallas import tpu_sc as plsc

N = 10000
E = 320000
D = 128
C = 10

NC = 2
NS = 16
NW = NC * NS
EPW = E // NW

K = 80
NCHUNK = EPW // K
NSLOT = 3
NITER = NCHUNK // NSLOT
TAIL = NCHUNK - NITER * NSLOT

DK = 80
DCHUNK = EPW // DK
DGRP = 5

NP = 10240
RPT = NP // NS
RCH = K
DPT = NP // NS

_mesh = plsc.VectorSubcoreMesh(
    core_axis_name="c", subcore_axis_name="s", num_cores=NC, num_subcores=NS)


@functools.partial(
    pl.kernel,
    mesh=_mesh,
    out_type=jax.ShapeDtypeStruct((NC, 2, NP), jnp.float32),
    scratch_types=[
        pltpu.VMEM((DCHUNK, DK), jnp.int32),
        pltpu.VMEM((DCHUNK, DK), jnp.int32),
        pltpu.VMEM((DK,), jnp.float32),
        pltpu.VMEM((DPT,), jnp.float32),
        pltpu.VMEM_SHARED((NP,), jnp.float32),
        pltpu.VMEM_SHARED((NP,), jnp.float32),
        pltpu.SemaphoreType.DMA,
        pltpu.SemaphoreType.DMA,
    ],
)
def _degrees(src_hbm, dst_hbm, out_hbm, sidx, didx, ones_v, buf, odeg, ideg,
             sem_o, sem_i):
    cid = lax.axis_index("c")
    sid = lax.axis_index("s")
    wid = cid * NS + sid

    def zb(i, _):
        buf[pl.ds(i * 16, 16)] = jnp.zeros((16,), jnp.float32)
        return 0
    lax.fori_loop(0, DPT // 16, zb, 0)

    def ob(i, _):
        ones_v[pl.ds(i * 16, 16)] = jnp.ones((16,), jnp.float32)
        return 0
    lax.fori_loop(0, DK // 16, ob, 0)

    base = sid * DPT
    pltpu.sync_copy(buf, odeg.at[pl.ds(base, DPT)])
    pltpu.sync_copy(buf, ideg.at[pl.ds(base, DPT)])
    plsc.subcore_barrier()

    pltpu.sync_copy(src_hbm.at[wid], sidx)
    pltpu.sync_copy(dst_hbm.at[wid], didx)

    def step(g, _):
        for t in range(DGRP):
            c = g * DGRP + t
            pltpu.async_copy(ones_v, odeg.at[sidx.at[c]], sem_o, add=True)
            pltpu.async_copy(ones_v, ideg.at[didx.at[c]], sem_i, add=True)
        for t in range(DGRP):
            c = g * DGRP + t
            pltpu.make_async_copy(ones_v, odeg.at[sidx.at[c]], sem_o).wait()
            pltpu.make_async_copy(ones_v, ideg.at[didx.at[c]], sem_i).wait()
        return 0
    lax.fori_loop(0, DCHUNK // DGRP, step, 0)
    plsc.subcore_barrier()

    pltpu.sync_copy(odeg.at[pl.ds(base, DPT)], buf)
    pltpu.sync_copy(buf, out_hbm.at[cid, 0, pl.ds(base, DPT)])
    pltpu.sync_copy(ideg.at[pl.ds(base, DPT)], buf)
    pltpu.sync_copy(buf, out_hbm.at[cid, 1, pl.ds(base, DPT)])


@functools.partial(
    pl.kernel,
    mesh=_mesh,
    out_type=jax.ShapeDtypeStruct((NC, NP, D), jnp.float32),
    scratch_types=[
        [pltpu.VMEM((1, K), jnp.int32) for _ in range(NSLOT)],
        [pltpu.VMEM((1, K), jnp.int32) for _ in range(NSLOT)],
        [pltpu.VMEM((K, D), jnp.float32) for _ in range(NSLOT)],
        [pltpu.SemaphoreType.DMA for _ in range(NSLOT)],
        [pltpu.SemaphoreType.DMA for _ in range(NSLOT)],
        [pltpu.SemaphoreType.DMA for _ in range(NSLOT)],
        pltpu.VMEM_SHARED((NP, D), jnp.float32),
    ],
)
def _propagate(h_hbm, src_hbm, dst_hbm, out_hbm, sidx, didx, rows, isem, gsem,
               ssem, acc):
    cid = lax.axis_index("c")
    sid = lax.axis_index("s")
    wid = cid * NS + sid

    def zb(i, _):
        rows[0][i // 8, pl.ds((i % 8) * 16, 16)] = jnp.zeros((16,), jnp.float32)
        return 0
    lax.fori_loop(0, RCH * (D // 16), zb, 0)

    base = sid * RPT
    for r in range(RPT // RCH):
        pltpu.async_copy(rows[0], acc.at[pl.ds(base + r * RCH, RCH)], isem[0])
    for r in range(RPT // RCH):
        pltpu.make_async_copy(rows[0], acc.at[pl.ds(base, RCH)], isem[0]).wait()
    plsc.subcore_barrier()

    for s in range(NSLOT):
        pltpu.async_copy(src_hbm.at[wid, pl.ds(s, 1)], sidx[s], isem[s])
        pltpu.async_copy(dst_hbm.at[wid, pl.ds(s, 1)], didx[s], isem[s])
    for s in range(NSLOT):
        pltpu.make_async_copy(src_hbm.at[wid, pl.ds(s, 1)], sidx[s], isem[s]).wait()
        pltpu.make_async_copy(dst_hbm.at[wid, pl.ds(s, 1)], didx[s], isem[s]).wait()
        pltpu.async_copy(h_hbm.at[sidx[s].at[0]], rows[s], gsem[s])

    def body(j, _):
        for s in range(NSLOT):
            pltpu.make_async_copy(h_hbm.at[sidx[s].at[0]], rows[s], gsem[s]).wait()
            pltpu.async_copy(rows[s], acc.at[didx[s].at[0]], ssem[s], add=True)

        @pl.when(j < NITER - 1)
        def _():
            c0 = (j + 1) * NSLOT
            for s in range(NSLOT):
                pltpu.make_async_copy(rows[s], acc.at[didx[s].at[0]], ssem[s]).wait()
                pltpu.async_copy(src_hbm.at[wid, pl.ds(c0 + s, 1)], sidx[s], isem[s])
                pltpu.async_copy(dst_hbm.at[wid, pl.ds(c0 + s, 1)], didx[s], isem[s])
            for s in range(NSLOT):
                pltpu.make_async_copy(src_hbm.at[wid, pl.ds(c0 + s, 1)], sidx[s], isem[s]).wait()
                pltpu.make_async_copy(dst_hbm.at[wid, pl.ds(c0 + s, 1)], didx[s], isem[s]).wait()
                pltpu.async_copy(h_hbm.at[sidx[s].at[0]], rows[s], gsem[s])
        return 0
    lax.fori_loop(0, NITER, body, 0)

    for s in range(TAIL):
        c = NITER * NSLOT + s
        pltpu.make_async_copy(rows[s], acc.at[didx[s].at[0]], ssem[s]).wait()
        pltpu.async_copy(src_hbm.at[wid, pl.ds(c, 1)], sidx[s], isem[s])
        pltpu.async_copy(dst_hbm.at[wid, pl.ds(c, 1)], didx[s], isem[s])
    for s in range(TAIL):
        c = NITER * NSLOT + s
        pltpu.make_async_copy(src_hbm.at[wid, pl.ds(c, 1)], sidx[s], isem[s]).wait()
        pltpu.make_async_copy(dst_hbm.at[wid, pl.ds(c, 1)], didx[s], isem[s]).wait()
        pltpu.async_copy(h_hbm.at[sidx[s].at[0]], rows[s], gsem[s])
    for s in range(TAIL):
        pltpu.make_async_copy(h_hbm.at[sidx[s].at[0]], rows[s], gsem[s]).wait()
        pltpu.async_copy(rows[s], acc.at[didx[s].at[0]], ssem[s], add=True)
    for s in range(NSLOT):
        pltpu.make_async_copy(rows[s], acc.at[didx[s].at[0]], ssem[s]).wait()
    plsc.subcore_barrier()

    def osl(r):
        return pl.ds(base + r * RCH, RCH)

    for r in range(RPT // RCH):
        b = rows[r % 2]
        if r >= 2:
            pltpu.make_async_copy(b, out_hbm.at[cid, osl(r - 2)], gsem[r % 2]).wait()
        pltpu.sync_copy(acc.at[osl(r)], b)
        pltpu.async_copy(b, out_hbm.at[cid, osl(r)], gsem[r % 2])
    for r in range(RPT // RCH - 2, RPT // RCH):
        pltpu.make_async_copy(rows[r % 2], out_hbm.at[cid, osl(r)], gsem[r % 2]).wait()


def _prep_body(degT_ref, x_ref, h0_ref, ns_ref, nd_ref):
    d = degT_ref[...]
    od = d[:, 0:1] + d[:, 1:2]
    idg = d[:, 2:3] + d[:, 3:4]
    ns = lax.rsqrt(jnp.maximum(od, 1.0))
    nd = lax.rsqrt(jnp.maximum(idg, 1.0))
    h0_ref[...] = x_ref[...] * ns
    ns_ref[...] = ns
    nd_ref[...] = nd


_prep = pl.pallas_call(
    _prep_body,
    out_shape=[
        jax.ShapeDtypeStruct((N, D), jnp.float32),
        jax.ShapeDtypeStruct((N, 1), jnp.float32),
        jax.ShapeDtypeStruct((N, 1), jnp.float32),
    ],
)


def _mid_body(p_ref, ns_ref, nd_ref, w_ref, b_ref, out_ref):
    agg = (p_ref[0, :N] + p_ref[1, :N]) * nd_ref[...]
    z = jnp.dot(agg, w_ref[...], preferred_element_type=jnp.float32) + b_ref[...]
    out_ref[...] = jnp.maximum(z, 0.0) * ns_ref[...]


_mid = pl.pallas_call(
    _mid_body,
    out_shape=jax.ShapeDtypeStruct((N, D), jnp.float32),
)


def _final_body(p_ref, nd_ref, w_ref, b_ref, wl_ref, bl_ref, out_ref):
    agg = (p_ref[0, :N] + p_ref[1, :N]) * nd_ref[...]
    z = jnp.dot(agg, w_ref[...], preferred_element_type=jnp.float32) + b_ref[...]
    h = jnp.maximum(z, 0.0)
    m = jnp.sum(h, axis=0, keepdims=True) * (1.0 / N)
    lg = jnp.dot(m, wl_ref[...], preferred_element_type=jnp.float32) + bl_ref[...]
    e = jnp.exp(lg - jnp.max(lg, axis=1, keepdims=True))
    out_ref[...] = e / jnp.sum(e, axis=1, keepdims=True)


_final = pl.pallas_call(
    _final_body,
    out_shape=jax.ShapeDtypeStruct((1, C), jnp.float32),
)


def kernel(x, edge_index, W1, b1, W2, b2, Wl, bl):
    src_p = edge_index[0].reshape(NW, NCHUNK, K)
    dst_p = edge_index[1].reshape(NW, NCHUNK, K)
    src_d = edge_index[0].reshape(NW, DCHUNK, DK)
    dst_d = edge_index[1].reshape(NW, DCHUNK, DK)

    deg_parts = _degrees(src_d, dst_d)
    degT = deg_parts[:, :, :N].transpose(2, 1, 0).reshape(N, 4)

    h0, ns, nd = _prep(degT, x)
    parts1 = _propagate(h0, src_p, dst_p)
    h1 = _mid(parts1, ns, nd, W1, b1.reshape(1, D))
    parts2 = _propagate(h1, src_p, dst_p)
    out = _final(parts2, nd, W2, b2.reshape(1, D), Wl, bl.reshape(1, C))
    return out

# --- scband reference (transcript-rebuilt; emitter-appended) ---
"""Pipeline reference for scband-gcn-75479755260256 (READ-ONLY COPY).

The authoritative reference and input builder live on the scoring server;
editing this copy changes nothing except your own understanding.
"""

import jax, jax.numpy as jnp
import numpy as np

N = 10000
E = 320000
D = 128
H = 128
C = 10


def setup_inputs(seed: int = 0) -> dict:
    key = jax.random.key(seed)
    ks = jax.random.split(key, 8)
    x = jax.random.normal(ks[0], (N, D), dtype=jnp.float32)
    edge_index = jax.random.randint(ks[1], (2, E), 0, N, dtype=jnp.int32)
    W1 = jax.random.normal(ks[2], (D, H), dtype=jnp.float32) * 0.05
    b1 = jnp.zeros((H,), dtype=jnp.float32)
    W2 = jax.random.normal(ks[3], (H, H), dtype=jnp.float32) * 0.05
    b2 = jnp.zeros((H,), dtype=jnp.float32)
    Wl = jax.random.normal(ks[4], (H, C), dtype=jnp.float32) * 0.05
    bl = jnp.zeros((C,), dtype=jnp.float32)
    return {"x": x, "edge_index": edge_index, "W1": W1, "b1": b1, "W2": W2, "b2": b2, "Wl": Wl, "bl": bl}


def _gcn_conv(x, edge_index, W, b):
    # DGL GraphConv with norm='both': D_dst^{-1/2} A D_src^{-1/2} X W + b
    src = edge_index[0]
    dst = edge_index[1]
    n = x.shape[0]
    out_deg = jnp.zeros((n,), jnp.float32).at[src].add(1.0)
    in_deg = jnp.zeros((n,), jnp.float32).at[dst].add(1.0)
    norm_src = jnp.power(jnp.maximum(out_deg, 1.0), -0.5)
    norm_dst = jnp.power(jnp.maximum(in_deg, 1.0), -0.5)
    h = x * norm_src[:, None]
    msg = h[src]  # gather per-edge source features
    agg = jnp.zeros((n, x.shape[1]), x.dtype).at[dst].add(msg)  # scatter-add to dst
    agg = agg * norm_dst[:, None]
    return agg @ W + b


def reference(x, edge_index, W1, b1, W2, b2, Wl, bl):
    h = jax.nn.relu(_gcn_conv(x, edge_index, W1, b1))
    h = jax.nn.relu(_gcn_conv(h, edge_index, W2, b2))
    # AvgPooling over a single graph: mean over all nodes
    hg = jnp.mean(h, axis=0, keepdims=True)
    logits = hg @ Wl + bl
    return jax.nn.softmax(logits, axis=1)

if __name__ == "__main__":
    import jax
    _d = setup_inputs()
    print(jax.jit(kernel)(*tuple(_d.values())))

</pallas_src>

<mosaic_0001>
#map = affine_map<(d0, d1) -> (0, 0)>
#map1 = affine_map<(d0, d1) -> (0, 0, 0)>
module attributes {stable_mosaic.version = 14 : i64} {
  func.func @_propagate(%arg0: i32, %arg1: i32, %arg2: memref<10000x128xf32, #tpu.memory_space<hbm>>, %arg3: memref<32x125x80xi32, #tpu.memory_space<hbm>>, %arg4: memref<32x125x80xi32, #tpu.memory_space<hbm>>, %arg5: memref<2x10240x128xf32, #tpu.memory_space<hbm>>, %arg6: memref<1x80xi32, #tpu.memory_space<vmem>>, %arg7: memref<1x80xi32, #tpu.memory_space<vmem>>, %arg8: memref<1x80xi32, #tpu.memory_space<vmem>>, %arg9: memref<1x80xi32, #tpu.memory_space<vmem>>, %arg10: memref<1x80xi32, #tpu.memory_space<vmem>>, %arg11: memref<1x80xi32, #tpu.memory_space<vmem>>, %arg12: memref<80x128xf32, #tpu.memory_space<vmem>>, %arg13: memref<80x128xf32, #tpu.memory_space<vmem>>, %arg14: memref<80x128xf32, #tpu.memory_space<vmem>>, %arg15: memref<!tpu.dma_semaphore, #tpu.memory_space<semaphore_mem>>, %arg16: memref<!tpu.dma_semaphore, #tpu.memory_space<semaphore_mem>>, %arg17: memref<!tpu.dma_semaphore, #tpu.memory_space<semaphore_mem>>, %arg18: memref<!tpu.dma_semaphore, #tpu.memory_space<semaphore_mem>>, %arg19: memref<!tpu.dma_semaphore, #tpu.memory_space<semaphore_mem>>, %arg20: memref<!tpu.dma_semaphore, #tpu.memory_space<semaphore_mem>>, %arg21: memref<!tpu.dma_semaphore, #tpu.memory_space<semaphore_mem>>, %arg22: memref<!tpu.dma_semaphore, #tpu.memory_space<semaphore_mem>>, %arg23: memref<!tpu.dma_semaphore, #tpu.memory_space<semaphore_mem>>, %arg24: memref<10240x128xf32, #tpu.memory_space<vmem_shared>>) attributes {dimension_semantics = [#tpu.dimension_semantics<core_parallel>, #tpu.dimension_semantics<subcore_parallel>], iteration_bounds = array<i64: 2, 16>, scalar_prefetch = 0 : i64, scratch_operands = 19 : i64, tpu.core_type = #tpu.core_type<sc_vector_subcore>, window_params = [{transform_indices = #map}, {transform_indices = #map1}, {transform_indices = #map1}, {transform_indices = #map1}]} {
    %mul3A = arith.constant 16 : i32
    %mul3A_0 = arith.muli %arg0, %mul3A : i32
    %add3A = arith.addi %mul3A_0, %arg1 : i32
    %scan3A = arith.constant 0 : i32
    %scan3A_1 = arith.constant 0 : i32
    %scan3A_2 = arith.constant 640 : i32
    %scan3A_3 = arith.addi %scan3A_1, %scan3A_2 : i32
    %scan3A_4 = arith.constant 1 : i32
    %scan3A_5 = scf.for %scan3A_497 = %scan3A_1 to %scan3A_3 step %scan3A_4 iter_args(%scan3A_498 = %scan3A) -> (i32)  : i32 {
      %broadcast_in_dim3A = arith.constant 0.000000e+00 : f32
      %broadcast_in_dim3A_499 = vector.broadcast %broadcast_in_dim3A : f32 to vector<16xf32>
      %jit3A = arith.constant 8 : i32
      %div3A = arith.divsi %scan3A_497, %jit3A : i32
      %sign3A = arith.constant 0 : i32
      %sign3A_500 = arith.cmpi sgt, %scan3A_497, %sign3A : i32
      %sign3A_501 = arith.extui %sign3A_500 : i1 to i32
      %sign3A_502 = arith.constant 0 : i32
      %sign3A_503 = arith.cmpi slt, %scan3A_497, %sign3A_502 : i32
      %sign3A_504 = arith.extui %sign3A_503 : i1 to i32
      %sign3A_505 = arith.subi %sign3A_501, %sign3A_504 : i32
      %sign3A_506 = arith.constant 0 : i32
      %sign3A_507 = arith.cmpi sgt, %jit3A, %sign3A_506 : i32
      %sign3A_508 = arith.extui %sign3A_507 : i1 to i32
      %sign3A_509 = arith.constant 0 : i32
      %sign3A_510 = arith.cmpi slt, %jit3A, %sign3A_509 : i32
      %sign3A_511 = arith.extui %sign3A_510 : i1 to i32
      %sign3A_512 = arith.subi %sign3A_508, %sign3A_511 : i32
      %ne3A = arith.cmpi ne, %sign3A_505, %sign3A_512 : i32
      %rem3A = arith.remsi %scan3A_497, %jit3A : i32
      %ne3A_513 = arith.constant 0 : i32
      %ne3A_514 = arith.cmpi ne, %rem3A, %ne3A_513 : i32
      %and3A = arith.andi %ne3A, %ne3A_514 : i1
      %sub3A = arith.constant 1 : i32
      %sub3A_515 = arith.subi %div3A, %sub3A : i32
      %select_n3A = arith.select %and3A, %sub3A_515, %div3A : i32
      %jit3A_516 = arith.constant 8 : i32
      %eq3A = arith.constant 0 : i32
      %eq3A_517 = arith.cmpi eq, %jit3A_516, %eq3A : i32
      %jit3A_518 = arith.constant 1 : i32
      %select_n3A_519 = arith.select %eq3A_517, %jit3A_518, %jit3A_516 : i32
      %rem3A_520 = arith.remsi %scan3A_497, %select_n3A_519 : i32
      %ne3A_521 = arith.constant 0 : i32
      %ne3A_522 = arith.cmpi ne, %rem3A_520, %ne3A_521 : i32
      %lt3A = arith.constant 0 : i32
      %lt3A_523 = arith.cmpi slt, %rem3A_520, %lt3A : i32
      %lt3A_524 = arith.constant 0 : i32
      %lt3A_525 = arith.cmpi slt, %select_n3A_519, %lt3A_524 : i32
      %ne3A_526 = arith.xori %lt3A_523, %lt3A_525 : i1
      %and3A_527 = arith.andi %ne3A_526, %ne3A_522 : i1
      %add3A_528 = arith.addi %rem3A_520, %select_n3A_519 : i32
      %select_n3A_529 = arith.select %and3A_527, %add3A_528, %rem3A_520 : i32
      %mul3A_530 = arith.constant 16 : i32
      %mul3A_531 = arith.muli %select_n3A_529, %mul3A_530 : i32
      %swap3A = arith.index_cast %select_n3A : i32 to index
      %swap3A_532 = arith.index_cast %mul3A_531 : i32 to index
      %swap3A_533 = tpu.vector_load %arg12[%swap3A, %swap3A_532] {strides = array<i32>} : memref<80x128xf32, #tpu.memory_space<vmem>>, vector<1x16xf32>,
      %swap3A_534 = vector.shape_cast %swap3A_533 : vector<1x16xf32> to vector<16xf32>
      %swap3A_535 = vector.shape_cast %broadcast_in_dim3A_499 : vector<16xf32> to vector<1x16xf32>
      tpu.vector_store %arg12[%swap3A, %swap3A_532], %swap3A_535 {strides = array<i32>} : memref<80x128xf32, #tpu.memory_space<vmem>>, vector<1x16xf32>,
      %scan3A_536 = arith.constant 0 : i32
      scf.yield %scan3A_536 : i32
    }
    %scan3A_6 = arith.constant 640 : i32
    %mul3A_7 = arith.constant 640 : i32
    %mul3A_8 = arith.muli %arg1, %mul3A_7 : i32
    %add3A_9 = arith.constant 0 : i32
    %add3A_10 = arith.addi %mul3A_8, %add3A_9 : i32
    %dma_start3A = arith.constant 0 : i32
    %dma_start3A_11 = tpu.memref_slice %arg24[%add3A_10, %dma_start3A] : memref<10240x128xf32, #tpu.memory_space<vmem_shared>> -> memref<80x128xf32, #tpu.memory_space<vmem_shared>>
    %dma_start3A_12 = arith.constant 0 : i32
    %dma_start3A_13 = tpu.memref_slice %arg24[%add3A_10, %dma_start3A_12] : memref<10240x128xf32, #tpu.memory_space<vmem_shared>> -> memref<80x128xf32, #tpu.memory_space<vmem_shared>>
    tpu.enqueue_dma source(%arg12 : memref<80x128xf32, #tpu.memory_space<vmem>>) target(%dma_start3A_13 : memref<80x128xf32, #tpu.memory_space<vmem_shared>>) target_semaphore(%arg15 : memref<!tpu.dma_semaphore, #tpu.memory_space<semaphore_mem>>)
    %add3A_14 = arith.constant 80 : i32
    %add3A_15 = arith.addi %mul3A_8, %add3A_14 : i32
    %dma_start3A_16 = arith.constant 0 : i32
    %dma_start3A_17 = tpu.memref_slice %arg24[%add3A_15, %dma_start3A_16] : memref<10240x128xf32, #tpu.memory_space<vmem_shared>> -> memref<80x128xf32, #tpu.memory_space<vmem_shared>>
    %dma_start3A_18 = arith.constant 0 : i32
    %dma_start3A_19 = tpu.memref_slice %arg24[%add3A_15, %dma_start3A_18] : memref<10240x128xf32, #tpu.memory_space<vmem_shared>> -> memref<80x128xf32, #tpu.memory_space<vmem_shared>>
    tpu.enqueue_dma source(%arg12 : memref<80x128xf32, #tpu.memory_space<vmem>>) target(%dma_start3A_19 : memref<80x128xf32, #tpu.memory_space<vmem_shared>>) target_semaphore(%arg15 : memref<!tpu.dma_semaphore, #tpu.memory_space<semaphore_mem>>)
    %add3A_20 = arith.constant 160 : i32
    %add3A_21 = arith.addi %mul3A_8, %add3A_20 : i32
    %dma_start3A_22 = arith.constant 0 : i32
    %dma_start3A_23 = tpu.memref_slice %arg24[%add3A_21, %dma_start3A_22] : memref<10240x128xf32, #tpu.memory_space<vmem_shared>> -> memref<80x128xf32, #tpu.memory_space<vmem_shared>>
    %dma_start3A_24 = arith.constant 0 : i32
    %dma_start3A_25 = tpu.memref_slice %arg24[%add3A_21, %dma_start3A_24] : memref<10240x128xf32, #tpu.memory_space<vmem_shared>> -> memref<80x128xf32, #tpu.memory_space<vmem_shared>>
    tpu.enqueue_dma source(%arg12 : memref<80x128xf32, #tpu.memory_space<vmem>>) target(%dma_start3A_25 : memref<80x128xf32, #tpu.memory_space<vmem_shared>>) target_semaphore(%arg15 : memref<!tpu.dma_semaphore, #tpu.memory_space<semaphore_mem>>)
    %add3A_26 = arith.constant 240 : i32
    %add3A_27 = arith.addi %mul3A_8, %add3A_26 : i32
    %dma_start3A_28 = arith.constant 0 : i32
    %dma_start3A_29 = tpu.memref_slice %arg24[%add3A_27, %dma_start3A_28] : memref<10240x128xf32, #tpu.memory_space<vmem_shared>> -> memref<80x128xf32, #tpu.memory_space<vmem_shared>>
    %dma_start3A_30 = arith.constant 0 : i32
    %dma_start3A_31 = tpu.memref_slice %arg24[%add3A_27, %dma_start3A_30] : memref<10240x128xf32, #tpu.memory_space<vmem_shared>> -> memref<80x128xf32, #tpu.memory_space<vmem_shared>>
    tpu.enqueue_dma source(%arg12 : memref<80x128xf32, #tpu.memory_space<vmem>>) target(%dma_start3A_31 : memref<80x128xf32, #tpu.memory_space<vmem_shared>>) target_semaphore(%arg15 : memref<!tpu.dma_semaphore, #tpu.memory_space<semaphore_mem>>)
    %add3A_32 = arith.constant 320 : i32
    %add3A_33 = arith.addi %mul3A_8, %add3A_32 : i32
    %dma_start3A_34 = arith.constant 0 : i32
    %dma_start3A_35 = tpu.memref_slice %arg24[%add3A_33, %dma_start3A_34] : memref<10240x128xf32, #tpu.memory_space<vmem_shared>> -> memref<80x128xf32, #tpu.memory_space<vmem_shared>>
    %dma_start3A_36 = arith.constant 0 : i32
    %dma_start3A_37 = tpu.memref_slice %arg24[%add3A_33, %dma_start3A_36] : memref<10240x128xf32, #tpu.memory_space<vmem_shared>> -> memref<80x128xf32, #tpu.memory_space<vmem_shared>>
    tpu.enqueue_dma source(%arg12 : memref<80x128xf32, #tpu.memory_space<vmem>>) target(%dma_start3A_37 : memref<80x128xf32, #tpu.memory_space<vmem_shared>>) target_semaphore(%arg15 : memref<!tpu.dma_semaphore, #tpu.memory_space<semaphore_mem>>)
    %add3A_38 = arith.constant 400 : i32
    %add3A_39 = arith.addi %mul3A_8, %add3A_38 : i32
    %dma_start3A_40 = arith.constant 0 : i32
    %dma_start3A_41 = tpu.memref_slice %arg24[%add3A_39, %dma_start3A_40] : memref<10240x128xf32, #tpu.memory_space<vmem_shared>> -> memref<80x128xf32, #tpu.memory_space<vmem_shared>>
    %dma_start3A_42 = arith.constant 0 : i32
    %dma_start3A_43 = tpu.memref_slice %arg24[%add3A_39, %dma_start3A_42] : memref<10240x128xf32, #tpu.memory_space<vmem_shared>> -> memref<80x128xf32, #tpu.memory_space<vmem_shared>>
    tpu.enqueue_dma source(%arg12 : memref<80x128xf32, #tpu.memory_space<vmem>>) target(%dma_start3A_43 : memref<80x128xf32, #tpu.memory_space<vmem_shared>>) target_semaphore(%arg15 : memref<!tpu.dma_semaphore, #tpu.memory_space<semaphore_mem>>)
    %add3A_44 = arith.constant 480 : i32
    %add3A_45 = arith.addi %mul3A_8, %add3A_44 : i32
    %dma_start3A_46 = arith.constant 0 : i32
    %dma_start3A_47 = tpu.memref_slice %arg24[%add3A_45, %dma_start3A_46] : memref<10240x128xf32, #tpu.memory_space<vmem_shared>> -> memref<80x128xf32, #tpu.memory_space<vmem_shared>>
    %dma_start3A_48 = arith.constant 0 : i32
    %dma_start3A_49 = tpu.memref_slice %arg24[%add3A_45, %dma_start3A_48] : memref<10240x128xf32, #tpu.memory_space<vmem_shared>> -> memref<80x128xf32, #tpu.memory_space<vmem_shared>>
    tpu.enqueue_dma source(%arg12 : memref<80x128xf32, #tpu.memory_space<vmem>>) target(%dma_start3A_49 : memref<80x128xf32, #tpu.memory_space<vmem_shared>>) target_semaphore(%arg15 : memref<!tpu.dma_semaphore, #tpu.memory_space<semaphore_mem>>)
    %add3A_50 = arith.constant 560 : i32
    %add3A_51 = arith.addi %mul3A_8, %add3A_50 : i32
    %dma_start3A_52 = arith.constant 0 : i32
    %dma_start3A_53 = tpu.memref_slice %arg24[%add3A_51, %dma_start3A_52] : memref<10240x128xf32, #tpu.memory_space<vmem_shared>> -> memref<80x128xf32, #tpu.memory_space<vmem_shared>>
    %dma_start3A_54 = arith.constant 0 : i32
    %dma_start3A_55 = tpu.memref_slice %arg24[%add3A_51, %dma_start3A_54] : memref<10240x128xf32, #tpu.memory_space<vmem_shared>> -> memref<80x128xf32, #tpu.memory_space<vmem_shared>>
    tpu.enqueue_dma source(%arg12 : memref<80x128xf32, #tpu.memory_space<vmem>>) target(%dma_start3A_55 : memref<80x128xf32, #tpu.memory_space<vmem_shared>>) target_semaphore(%arg15 : memref<!tpu.dma_semaphore, #tpu.memory_space<semaphore_mem>>)
    %dma_wait3A = arith.constant 0 : i32
    %dma_wait3A_56 = tpu.memref_slice %arg24[%mul3A_8, %dma_wait3A] : memref<10240x128xf32, #tpu.memory_space<vmem_shared>> -> memref<80x128xf32, #tpu.memory_space<vmem_shared>>
    %dma_wait3A_57 = arith.constant 0 : i32
    %dma_wait3A_58 = tpu.memref_slice %arg24[%mul3A_8, %dma_wait3A_57] : memref<10240x128xf32, #tpu.memory_space<vmem_shared>> -> memref<80x128xf32, #tpu.memory_space<vmem_shared>>
    tpu.wait_dma2 semaphore(%arg15 : memref<!tpu.dma_semaphore, #tpu.memory_space<semaphore_mem>>) src(%arg12 : memref<80x128xf32, #tpu.memory_space<vmem>>) dst(%dma_wait3A_58 : memref<80x128xf32, #tpu.memory_space<vmem_shared>>)
    %dma_wait3A_59 = arith.constant 0 : i32
    %dma_wait3A_60 = tpu.memref_slice %arg24[%mul3A_8, %dma_wait3A_59] : memref<10240x128xf32, #tpu.memory_space<vmem_shared>> -> memref<80x128xf32, #tpu.memory_space<vmem_shared>>
    %dma_wait3A_61 = arith.constant 0 : i32
    %dma_wait3A_62 = tpu.memref_slice %arg24[%mul3A_8, %dma_wait3A_61] : memref<10240x128xf32, #tpu.memory_space<vmem_shared>> -> memref<80x128xf32, #tpu.memory_space<vmem_shared>>
    tpu.wait_dma2 semaphore(%arg15 : memref<!tpu.dma_semaphore, #tpu.memory_space<semaphore_mem>>) src(%arg12 : memref<80x128xf32, #tpu.memory_space<vmem>>) dst(%dma_wait3A_62 : memref<80x128xf32, #tpu.memory_space<vmem_shared>>)
    %dma_wait3A_63 = arith.constant 0 : i32
    %dma_wait3A_64 = tpu.memref_slice %arg24[%mul3A_8, %dma_wait3A_63] : memref<10240x128xf32, #tpu.memory_space<vmem_shared>> -> memref<80x128xf32, #tpu.memory_space<vmem_shared>>
    %dma_wait3A_65 = arith.constant 0 : i32
    %dma_wait3A_66 = tpu.memref_slice %arg24[%mul3A_8, %dma_wait3A_65] : memref<10240x128xf32, #tpu.memory_space<vmem_shared>> -> memref<80x128xf32, #tpu.memory_space<vmem_shared>>
    tpu.wait_dma2 semaphore(%arg15 : memref<!tpu.dma_semaphore, #tpu.memory_space<semaphore_mem>>) src(%arg12 : memref<80x128xf32, #tpu.memory_space<vmem>>) dst(%dma_wait3A_66 : memref<80x128xf32, #tpu.memory_space<vmem_shared>>)
    %dma_wait3A_67 = arith.constant 0 : i32
    %dma_wait3A_68 = tpu.memref_slice %arg24[%mul3A_8, %dma_wait3A_67] : memref<10240x128xf32, #tpu.memory_space<vmem_shared>> -> memref<80x128xf32, #tpu.memory_space<vmem_shared>>
    %dma_wait3A_69 = arith.constant 0 : i32
    %dma_wait3A_70 = tpu.memref_slice %arg24[%mul3A_8, %dma_wait3A_69] : memref<10240x128xf32, #tpu.memory_space<vmem_shared>> -> memref<80x128xf32, #tpu.memory_space<vmem_shared>>
    tpu.wait_dma2 semaphore(%arg15 : memref<!tpu.dma_semaphore, #tpu.memory_space<semaphore_mem>>) src(%arg12 : memref<80x128xf32, #tpu.memory_space<vmem>>) dst(%dma_wait3A_70 : memref<80x128xf32, #tpu.memory_space<vmem_shared>>)
    %dma_wait3A_71 = arith.constant 0 : i32
    %dma_wait3A_72 = tpu.memref_slice %arg24[%mul3A_8, %dma_wait3A_71] : memref<10240x128xf32, #tpu.memory_space<vmem_shared>> -> memref<80x128xf32, #tpu.memory_space<vmem_shared>>
    %dma_wait3A_73 = arith.constant 0 : i32
    %dma_wait3A_74 = tpu.memref_slice %arg24[%mul3A_8, %dma_wait3A_73] : memref<10240x128xf32, #tpu.memory_space<vmem_shared>> -> memref<80x128xf32, #tpu.memory_space<vmem_shared>>
    tpu.wait_dma2 semaphore(%arg15 : memref<!tpu.dma_semaphore, #tpu.memory_space<semaphore_mem>>) src(%arg12 : memref<80x128xf32, #tpu.memory_space<vmem>>) dst(%dma_wait3A_74 : memref<80x128xf32, #tpu.memory_space<vmem_shared>>)
    %dma_wait3A_75 = arith.constant 0 : i32
    %dma_wait3A_76 = tpu.memref_slice %arg24[%mul3A_8, %dma_wait3A_75] : memref<10240x128xf32, #tpu.memory_space<vmem_shared>> -> memref<80x128xf32, #tpu.memory_space<vmem_shared>>
    %dma_wait3A_77 = arith.constant 0 : i32
    %dma_wait3A_78 = tpu.memref_slice %arg24[%mul3A_8, %dma_wait3A_77] : memref<10240x128xf32, #tpu.memory_space<vmem_shared>> -> memref<80x128xf32, #tpu.memory_space<vmem_shared>>
    tpu.wait_dma2 semaphore(%arg15 : memref<!tpu.dma_semaphore, #tpu.memory_space<semaphore_mem>>) src(%arg12 : memref<80x128xf32, #tpu.memory_space<vmem>>) dst(%dma_wait3A_78 : memref<80x128xf32, #tpu.memory_space<vmem_shared>>)
    %dma_wait3A_79 = arith.constant 0 : i32
    %dma_wait3A_80 = tpu.memref_slice %arg24[%mul3A_8, %dma_wait3A_79] : memref<10240x128xf32, #tpu.memory_space<vmem_shared>> -> memref<80x128xf32, #tpu.memory_space<vmem_shared>>
    %dma_wait3A_81 = arith.constant 0 : i32
    %dma_wait3A_82 = tpu.memref_slice %arg24[%mul3A_8, %dma_wait3A_81] : memref<10240x128xf32, #tpu.memory_space<vmem_shared>> -> memref<80x128xf32, #tpu.memory_space<vmem_shared>>
    tpu.wait_dma2 semaphore(%arg15 : memref<!tpu.dma_semaphore, #tpu.memory_space<semaphore_mem>>) src(%arg12 : memref<80x128xf32, #tpu.memory_space<vmem>>) dst(%dma_wait3A_82 : memref<80x128xf32, #tpu.memory_space<vmem_shared>>)
    %dma_wait3A_83 = arith.constant 0 : i32
    %dma_wait3A_84 = tpu.memref_slice %arg24[%mul3A_8, %dma_wait3A_83] : memref<10240x128xf32, #tpu.memory_space<vmem_shared>> -> memref<80x128xf32, #tpu.memory_space<vmem_shared>>
    %dma_wait3A_85 = arith.constant 0 : i32
    %dma_wait3A_86 = tpu.memref_slice %arg24[%mul3A_8, %dma_wait3A_85] : memref<10240x128xf32, #tpu.memory_space<vmem_shared>> -> memref<80x128xf32, #tpu.memory_space<vmem_shared>>
    tpu.wait_dma2 semaphore(%arg15 : memref<!tpu.dma_semaphore, #tpu.memory_space<semaphore_mem>>) src(%arg12 : memref<80x128xf32, #tpu.memory_space<vmem>>) dst(%dma_wait3A_86 : memref<80x128xf32, #tpu.memory_space<vmem_shared>>)
    %barrier3A = arith.constant 0 : index
    tpu.barrier barrier_id(%barrier3A)
    %dma_start3A_87 = arith.constant 0 : i32
    %dma_start3A_88 = arith.constant 0 : i32
    %dma_start3A_89 = tpu.memref_slice %arg3[%add3A, %dma_start3A_87, %dma_start3A_88] : memref<32x125x80xi32, #tpu.memory_space<hbm>> -> memref<1x1x80xi32, #tpu.memory_space<hbm>>
    %dma_start3A_90 = tpu.memref_squeeze %dma_start3A_89 : memref<1x1x80xi32, #tpu.memory_space<hbm>> -> memref<1x80xi32, #tpu.memory_space<hbm>>
    %dma_start3A_91 = arith.constant 0 : i32
    %dma_start3A_92 = arith.constant 0 : i32
    %dma_start3A_93 = tpu.memref_slice %arg3[%add3A, %dma_start3A_91, %dma_start3A_92] : memref<32x125x80xi32, #tpu.memory_space<hbm>> -> memref<1x1x80xi32, #tpu.memory_space<hbm>>
    %dma_start3A_94 = tpu.memref_squeeze %dma_start3A_93 : memref<1x1x80xi32, #tpu.memory_space<hbm>> -> memref<1x80xi32, #tpu.memory_space<hbm>>
    tpu.enqueue_dma source(%dma_start3A_94 : memref<1x80xi32, #tpu.memory_space<hbm>>) target(%arg6 : memref<1x80xi32, #tpu.memory_space<vmem>>) target_semaphore(%arg15 : memref<!tpu.dma_semaphore, #tpu.memory_space<semaphore_mem>>)
    %dma_start3A_95 = arith.constant 0 : i32
    %dma_start3A_96 = arith.constant 0 : i32
    %dma_start3A_97 = tpu.memref_slice %arg4[%add3A, %dma_start3A_95, %dma_start3A_96] : memref<32x125x80xi32, #tpu.memory_space<hbm>> -> memref<1x1x80xi32, #tpu.memory_space<hbm>>
    %dma_start3A_98 = tpu.memref_squeeze %dma_start3A_97 : memref<1x1x80xi32, #tpu.memory_space<hbm>> -> memref<1x80xi32, #tpu.memory_space<hbm>>
    %dma_start3A_99 = arith.constant 0 : i32
    %dma_start3A_100 = arith.constant 0 : i32
    %dma_start3A_101 = tpu.memref_slice %arg4[%add3A, %dma_start3A_99, %dma_start3A_100] : memref<32x125x80xi32, #tpu.memory_space<hbm>> -> memref<1x1x80xi32, #tpu.memory_space<hbm>>
    %dma_start3A_102 = tpu.memref_squeeze %dma_start3A_101 : memref<1x1x80xi32, #tpu.memory_space<hbm>> -> memref<1x80xi32, #tpu.memory_space<hbm>>
    tpu.enqueue_dma source(%dma_start3A_102 : memref<1x80xi32, #tpu.memory_space<hbm>>) target(%arg9 : memref<1x80xi32, #tpu.memory_space<vmem>>) target_semaphore(%arg15 : memref<!tpu.dma_semaphore, #tpu.memory_space<semaphore_mem>>)
    %dma_start3A_103 = arith.constant 1 : i32
    %dma_start3A_104 = arith.constant 0 : i32
    %dma_start3A_105 = tpu.memref_slice %arg3[%add3A, %dma_start3A_103, %dma_start3A_104] : memref<32x125x80xi32, #tpu.memory_space<hbm>> -> memref<1x1x80xi32, #tpu.memory_space<hbm>>
    %dma_start3A_106 = tpu.memref_squeeze %dma_start3A_105 : memref<1x1x80xi32, #tpu.memory_space<hbm>> -> memref<1x80xi32, #tpu.memory_space<hbm>>
    %dma_start3A_107 = arith.constant 1 : i32
    %dma_start3A_108 = arith.constant 0 : i32
    %dma_start3A_109 = tpu.memref_slice %arg3[%add3A, %dma_start3A_107, %dma_start3A_108] : memref<32x125x80xi32, #tpu.memory_space<hbm>> -> memref<1x1x80xi32, #tpu.memory_space<hbm>>
    %dma_start3A_110 = tpu.memref_squeeze %dma_start3A_109 : memref<1x1x80xi32, #tpu.memory_space<hbm>> -> memref<1x80xi32, #tpu.memory_space<hbm>>
    tpu.enqueue_dma source(%dma_start3A_110 : memref<1x80xi32, #tpu.memory_space<hbm>>) target(%arg7 : memref<1x80xi32, #tpu.memory_space<vmem>>) target_semaphore(%arg16 : memref<!tpu.dma_semaphore, #tpu.memory_space<semaphore_mem>>)
    %dma_start3A_111 = arith.constant 1 : i32
    %dma_start3A_112 = arith.constant 0 : i32
    %dma_start3A_113 = tpu.memref_slice %arg4[%add3A, %dma_start3A_111, %dma_start3A_112] : memref<32x125x80xi32, #tpu.memory_space<hbm>> -> memref<1x1x80xi32, #tpu.memory_space<hbm>>
    %dma_start3A_114 = tpu.memref_squeeze %dma_start3A_113 : memref<1x1x80xi32, #tpu.memory_space<hbm>> -> memref<1x80xi32, #tpu.memory_space<hbm>>
    %dma_start3A_115 = arith.constant 1 : i32
    %dma_start3A_116 = arith.constant 0 : i32
    %dma_start3A_117 = tpu.memref_slice %arg4[%add3A, %dma_start3A_115, %dma_start3A_116] : memref<32x125x80xi32, #tpu.memory_space<hbm>> -> memref<1x1x80xi32, #tpu.memory_space<hbm>>
    %dma_start3A_118 = tpu.memref_squeeze %dma_start3A_117 : memref<1x1x80xi32, #tpu.memory_space<hbm>> -> memref<1x80xi32, #tpu.memory_space<hbm>>
    tpu.enqueue_dma source(%dma_start3A_118 : memref<1x80xi32, #tpu.memory_space<hbm>>) target(%arg10 : memref<1x80xi32, #tpu.memory_space<vmem>>) target_semaphore(%arg16 : memref<!tpu.dma_semaphore, #tpu.memory_space<semaphore_mem>>)
    %dma_start3A_119 = arith.constant 2 : i32
    %dma_start3A_120 = arith.constant 0 : i32
    %dma_start3A_121 = tpu.memref_slice %arg3[%add3A, %dma_start3A_119, %dma_start3A_120] : memref<32x125x80xi32, #tpu.memory_space<hbm>> -> memref<1x1x80xi32, #tpu.memory_space<hbm>>
    %dma_start3A_122 = tpu.memref_squeeze %dma_start3A_121 : memref<1x1x80xi32, #tpu.memory_space<hbm>> -> memref<1x80xi32, #tpu.memory_space<hbm>>
    %dma_start3A_123 = arith.constant 2 : i32
    %dma_start3A_124 = arith.constant 0 : i32
    %dma_start3A_125 = tpu.memref_slice %arg3[%add3A, %dma_start3A_123, %dma_start3A_124] : memref<32x125x80xi32, #tpu.memory_space<hbm>> -> memref<1x1x80xi32, #tpu.memory_space<hbm>>
    %dma_start3A_126 = tpu.memref_squeeze %dma_start3A_125 : memref<1x1x80xi32, #tpu.memory_space<hbm>> -> memref<1x80xi32, #tpu.memory_space<hbm>>
    tpu.enqueue_dma source(%dma_start3A_126 : memref<1x80xi32, #tpu.memory_space<hbm>>) target(%arg8 : memref<1x80xi32, #tpu.memory_space<vmem>>) target_semaphore(%arg17 : memref<!tpu.dma_semaphore, #tpu.memory_space<semaphore_mem>>)
    %dma_start3A_127 = arith.constant 2 : i32
    %dma_start3A_128 = arith.constant 0 : i32
    %dma_start3A_129 = tpu.memref_slice %arg4[%add3A, %dma_start3A_127, %dma_start3A_128] : memref<32x125x80xi32, #tpu.memory_space<hbm>> -> memref<1x1x80xi32, #tpu.memory_space<hbm>>
    %dma_start3A_130 = tpu.memref_squeeze %dma_start3A_129 : memref<1x1x80xi32, #tpu.memory_space<hbm>> -> memref<1x80xi32, #tpu.memory_space<hbm>>
    %dma_start3A_131 = arith.constant 2 : i32
    %dma_start3A_132 = arith.constant 0 : i32
    %dma_start3A_133 = tpu.memref_slice %arg4[%add3A, %dma_start3A_131, %dma_start3A_132] : memref<32x125x80xi32, #tpu.memory_space<hbm>> -> memref<1x1x80xi32, #tpu.memory_space<hbm>>
    %dma_start3A_134 = tpu.memref_squeeze %dma_start3A_133 : memref<1x1x80xi32, #tpu.memory_space<hbm>> -> memref<1x80xi32, #tpu.memory_space<hbm>>
    tpu.enqueue_dma source(%dma_start3A_134 : memref<1x80xi32, #tpu.memory_space<hbm>>) target(%arg11 : memref<1x80xi32, #tpu.memory_space<vmem>>) target_semaphore(%arg17 : memref<!tpu.dma_semaphore, #tpu.memory_space<semaphore_mem>>)
    %dma_wait3A_135 = arith.constant 0 : i32
    %dma_wait3A_136 = arith.constant 0 : i32
    %dma_wait3A_137 = tpu.memref_slice %arg3[%add3A, %dma_wait3A_135, %dma_wait3A_136] : memref<32x125x80xi32, #tpu.memory_space<hbm>> -> memref<1x1x80xi32, #tpu.memory_space<hbm>>
    %dma_wait3A_138 = tpu.memref_squeeze %dma_wait3A_137 : memref<1x1x80xi32, #tpu.memory_space<hbm>> -> memref<1x80xi32, #tpu.memory_space<hbm>>
    %dma_wait3A_139 = arith.constant 0 : i32
    %dma_wait3A_140 = arith.constant 0 : i32
    %dma_wait3A_141 = tpu.memref_slice %arg3[%add3A, %dma_wait3A_139, %dma_wait3A_140] : memref<32x125x80xi32, #tpu.memory_space<hbm>> -> memref<1x1x80xi32, #tpu.memory_space<hbm>>
    %dma_wait3A_142 = tpu.memref_squeeze %dma_wait3A_141 : memref<1x1x80xi32, #tpu.memory_space<hbm>> -> memref<1x80xi32, #tpu.memory_space<hbm>>
    tpu.wait_dma2 semaphore(%arg15 : memref<!tpu.dma_semaphore, #tpu.memory_space<semaphore_mem>>) src(%dma_wait3A_142 : memref<1x80xi32, #tpu.memory_space<hbm>>) dst(%arg6 : memref<1x80xi32, #tpu.memory_space<vmem>>)
    %dma_wait3A_143 = arith.constant 0 : i32
    %dma_wait3A_144 = arith.constant 0 : i32
    %dma_wait3A_145 = tpu.memref_slice %arg4[%add3A, %dma_wait3A_143, %dma_wait3A_144] : memref<32x125x80xi32, #tpu.memory_space<hbm>> -> memref<1x1x80xi32, #tpu.memory_space<hbm>>
    %dma_wait3A_146 = tpu.memref_squeeze %dma_wait3A_145 : memref<1x1x80xi32, #tpu.memory_space<hbm>> -> memref<1x80xi32, #tpu.memory_space<hbm>>
    %dma_wait3A_147 = arith.constant 0 : i32
    %dma_wait3A_148 = arith.constant 0 : i32
    %dma_wait3A_149 = tpu.memref_slice %arg4[%add3A, %dma_wait3A_147, %dma_wait3A_148] : memref<32x125x80xi32, #tpu.memory_space<hbm>> -> memref<1x1x80xi32, #tpu.memory_space<hbm>>
    %dma_wait3A_150 = tpu.memref_squeeze %dma_wait3A_149 : memref<1x1x80xi32, #tpu.memory_space<hbm>> -> memref<1x80xi32, #tpu.memory_space<hbm>>
    tpu.wait_dma2 semaphore(%arg15 : memref<!tpu.dma_semaphore, #tpu.memory_space<semaphore_mem>>) src(%dma_wait3A_150 : memref<1x80xi32, #tpu.memory_space<hbm>>) dst(%arg9 : memref<1x80xi32, #tpu.memory_space<vmem>>)
    %dma_start3A_151 = arith.constant 0 : i32
    %dma_start3A_152 = arith.constant 0 : i32
    %dma_start3A_153 = tpu.memref_slice %arg6[%dma_start3A_151, %dma_start3A_152] : memref<1x80xi32, #tpu.memory_space<vmem>> -> memref<1x80xi32, #tpu.memory_space<vmem>>
    %dma_start3A_154 = tpu.memref_squeeze %dma_start3A_153 : memref<1x80xi32, #tpu.memory_space<vmem>> -> memref<80xi32, #tpu.memory_space<vmem>>
    %dma_start3A_155 = arith.constant 0 : i32
    %dma_start3A_156 = arith.constant 0 : i32
    %dma_start3A_157 = tpu.memref_slice %arg2[%dma_start3A_155, %dma_start3A_156] : memref<10000x128xf32, #tpu.memory_space<hbm>> -> memref<10000x128xf32, #tpu.memory_space<hbm>>
    tpu.enqueue_indirect_dma source(%dma_start3A_157 : memref<10000x128xf32, #tpu.memory_space<hbm>>) target(%arg12 : memref<80x128xf32, #tpu.memory_space<vmem>>) offsets(%dma_start3A_154 : memref<80xi32, #tpu.memory_space<vmem>>) semaphore(%arg18 : memref<!tpu.dma_semaphore, #tpu.memory_space<semaphore_mem>>)
    %dma_wait3A_158 = arith.constant 1 : i32
    %dma_wait3A_159 = arith.constant 0 : i32
    %dma_wait3A_160 = tpu.memref_slice %arg3[%add3A, %dma_wait3A_158, %dma_wait3A_159] : memref<32x125x80xi32, #tpu.memory_space<hbm>> -> memref<1x1x80xi32, #tpu.memory_space<hbm>>
    %dma_wait3A_161 = tpu.memref_squeeze %dma_wait3A_160 : memref<1x1x80xi32, #tpu.memory_space<hbm>> -> memref<1x80xi32, #tpu.memory_space<hbm>>
    %dma_wait3A_162 = arith.constant 1 : i32
    %dma_wait3A_163 = arith.constant 0 : i32
    %dma_wait3A_164 = tpu.memref_slice %arg3[%add3A, %dma_wait3A_162, %dma_wait3A_163] : memref<32x125x80xi32, #tpu.memory_space<hbm>> -> memref<1x1x80xi32, #tpu.memory_space<hbm>>
    %dma_wait3A_165 = tpu.memref_squeeze %dma_wait3A_164 : memref<1x1x80xi32, #tpu.memory_space<hbm>> -> memref<1x80xi32, #tpu.memory_space<hbm>>
    tpu.wait_dma2 semaphore(%arg16 : memref<!tpu.dma_semaphore, #tpu.memory_space<semaphore_mem>>) src(%dma_wait3A_165 : memref<1x80xi32, #tpu.memory_space<hbm>>) dst(%arg7 : memref<1x80xi32, #tpu.memory_space<vmem>>)
    %dma_wait3A_166 = arith.constant 1 : i32
    %dma_wait3A_167 = arith.constant 0 : i32
    %dma_wait3A_168 = tpu.memref_slice %arg4[%add3A, %dma_wait3A_166, %dma_wait3A_167] : memref<32x125x80xi32, #tpu.memory_space<hbm>> -> memref<1x1x80xi32, #tpu.memory_space<hbm>>
    %dma_wait3A_169 = tpu.memref_squeeze %dma_wait3A_168 : memref<1x1x80xi32, #tpu.memory_space<hbm>> -> memref<1x80xi32, #tpu.memory_space<hbm>>
    %dma_wait3A_170 = arith.constant 1 : i32
    %dma_wait3A_171 = arith.constant 0 : i32
    %dma_wait3A_172 = tpu.memref_slice %arg4[%add3A, %dma_wait3A_170, %dma_wait3A_171] : memref<32x125x80xi32, #tpu.memory_space<hbm>> -> memref<1x1x80xi32, #tpu.memory_space<hbm>>
    %dma_wait3A_173 = tpu.memref_squeeze %dma_wait3A_172 : memref<1x1x80xi32, #tpu.memory_space<hbm>> -> memref<1x80xi32, #tpu.memory_space<hbm>>
    tpu.wait_dma2 semaphore(%arg16 : memref<!tpu.dma_semaphore, #tpu.memory_space<semaphore_mem>>) src(%dma_wait3A_173 : memref<1x80xi32, #tpu.memory_space<hbm>>) dst(%arg10 : memref<1x80xi32, #tpu.memory_space<vmem>>)
    %dma_start3A_174 = arith.constant 0 : i32
    %dma_start3A_175 = arith.constant 0 : i32
    %dma_start3A_176 = tpu.memref_slice %arg7[%dma_start3A_174, %dma_start3A_175] : memref<1x80xi32, #tpu.memory_space<vmem>> -> memref<1x80xi32, #tpu.memory_space<vmem>>
    %dma_start3A_177 = tpu.memref_squeeze %dma_start3A_176 : memref<1x80xi32, #tpu.memory_space<vmem>> -> memref<80xi32, #tpu.memory_space<vmem>>
    %dma_start3A_178 = arith.constant 0 : i32
    %dma_start3A_179 = arith.constant 0 : i32
    %dma_start3A_180 = tpu.memref_slice %arg2[%dma_start3A_178, %dma_start3A_179] : memref<10000x128xf32, #tpu.memory_space<hbm>> -> memref<10000x128xf32, #tpu.memory_space<hbm>>
    tpu.enqueue_indirect_dma source(%dma_start3A_180 : memref<10000x128xf32, #tpu.memory_space<hbm>>) target(%arg13 : memref<80x128xf32, #tpu.memory_space<vmem>>) offsets(%dma_start3A_177 : memref<80xi32, #tpu.memory_space<vmem>>) semaphore(%arg19 : memref<!tpu.dma_semaphore, #tpu.memory_space<semaphore_mem>>)
    %dma_wait3A_181 = arith.constant 2 : i32
    %dma_wait3A_182 = arith.constant 0 : i32
    %dma_wait3A_183 = tpu.memref_slice %arg3[%add3A, %dma_wait3A_181, %dma_wait3A_182] : memref<32x125x80xi32, #tpu.memory_space<hbm>> -> memref<1x1x80xi32, #tpu.memory_space<hbm>>
    %dma_wait3A_184 = tpu.memref_squeeze %dma_wait3A_183 : memref<1x1x80xi32, #tpu.memory_space<hbm>> -> memref<1x80xi32, #tpu.memory_space<hbm>>
    %dma_wait3A_185 = arith.constant 2 : i32
    %dma_wait3A_186 = arith.constant 0 : i32
    %dma_wait3A_187 = tpu.memref_slice %arg3[%add3A, %dma_wait3A_185, %dma_wait3A_186] : memref<32x125x80xi32, #tpu.memory_space<hbm>> -> memref<1x1x80xi32, #tpu.memory_space<hbm>>
    %dma_wait3A_188 = tpu.memref_squeeze %dma_wait3A_187 : memref<1x1x80xi32, #tpu.memory_space<hbm>> -> memref<1x80xi32, #tpu.memory_space<hbm>>
    tpu.wait_dma2 semaphore(%arg17 : memref<!tpu.dma_semaphore, #tpu.memory_space<semaphore_mem>>) src(%dma_wait3A_188 : memref<1x80xi32, #tpu.memory_space<hbm>>) dst(%arg8 : memref<1x80xi32, #tpu.memory_space<vmem>>)
    %dma_wait3A_189 = arith.constant 2 : i32
    %dma_wait3A_190 = arith.constant 0 : i32
    %dma_wait3A_191 = tpu.memref_slice %arg4[%add3A, %dma_wait3A_189, %dma_wait3A_190] : memref<32x125x80xi32, #tpu.memory_space<hbm>> -> memref<1x1x80xi32, #tpu.memory_space<hbm>>
    %dma_wait3A_192 = tpu.memref_squeeze %dma_wait3A_191 : memref<1x1x80xi32, #tpu.memory_space<hbm>> -> memref<1x80xi32, #tpu.memory_space<hbm>>
    %dma_wait3A_193 = arith.constant 2 : i32
    %dma_wait3A_194 = arith.constant 0 : i32
    %dma_wait3A_195 = tpu.memref_slice %arg4[%add3A, %dma_wait3A_193, %dma_wait3A_194] : memref<32x125x80xi32, #tpu.memory_space<hbm>> -> memref<1x1x80xi32, #tpu.memory_space<hbm>>
    %dma_wait3A_196 = tpu.memref_squeeze %dma_wait3A_195 : memref<1x1x80xi32, #tpu.memory_space<hbm>> -> memref<1x80xi32, #tpu.memory_space<hbm>>
    tpu.wait_dma2 semaphore(%arg17 : memref<!tpu.dma_semaphore, #tpu.memory_space<semaphore_mem>>) src(%dma_wait3A_196 : memref<1x80xi32, #tpu.memory_space<hbm>>) dst(%arg11 : memref<1x80xi32, #tpu.memory_space<vmem>>)
    %dma_start3A_197 = arith.constant 0 : i32
    %dma_start3A_198 = arith.constant 0 : i32
    %dma_start3A_199 = tpu.memref_slice %arg8[%dma_start3A_197, %dma_start3A_198] : memref<1x80xi32, #tpu.memory_space<vmem>> -> memref<1x80xi32, #tpu.memory_space<vmem>>
    %dma_start3A_200 = tpu.memref_squeeze %dma_start3A_199 : memref<1x80xi32, #tpu.memory_space<vmem>> -> memref<80xi32, #tpu.memory_space<vmem>>
    %dma_start3A_201 = arith.constant 0 : i32
    %dma_start3A_202 = arith.constant 0 : i32
    %dma_start3A_203 = tpu.memref_slice %arg2[%dma_start3A_201, %dma_start3A_202] : memref<10000x128xf32, #tpu.memory_space<hbm>> -> memref<10000x128xf32, #tpu.memory_space<hbm>>
    tpu.enqueue_indirect_dma source(%dma_start3A_203 : memref<10000x128xf32, #tpu.memory_space<hbm>>) target(%arg14 : memref<80x128xf32, #tpu.memory_space<vmem>>) offsets(%dma_start3A_200 : memref<80xi32, #tpu.memory_space<vmem>>) semaphore(%arg20 : memref<!tpu.dma_semaphore, #tpu.memory_space<semaphore_mem>>)
    %scan3A_204 = arith.constant 0 : i32
    %scan3A_205 = arith.constant 0 : i32
    %scan3A_206 = arith.constant 41 : i32
    %scan3A_207 = arith.addi %scan3A_205, %scan3A_206 : i32
    %scan3A_208 = arith.constant 1 : i32
    %scan3A_209 = scf.for %scan3A_497 = %scan3A_205 to %scan3A_207 step %scan3A_208 iter_args(%scan3A_498 = %scan3A_204) -> (i32)  : i32 {
      %dma_wait3A_499 = arith.constant 0 : i32
      %dma_wait3A_500 = arith.constant 0 : i32
      %dma_wait3A_501 = tpu.memref_slice %arg6[%dma_wait3A_499, %dma_wait3A_500] : memref<1x80xi32, #tpu.memory_space<vmem>> -> memref<1x80xi32, #tpu.memory_space<vmem>>
      %dma_wait3A_502 = tpu.memref_squeeze %dma_wait3A_501 : memref<1x80xi32, #tpu.memory_space<vmem>> -> memref<80xi32, #tpu.memory_space<vmem>>
      %dma_wait3A_503 = arith.constant 0 : i32
      %dma_wait3A_504 = arith.constant 0 : i32
      %dma_wait3A_505 = tpu.memref_slice %arg2[%dma_wait3A_503, %dma_wait3A_504] : memref<10000x128xf32, #tpu.memory_space<hbm>> -> memref<10000x128xf32, #tpu.memory_space<hbm>>
      tpu.wait_indirect_dma semaphore(%arg18 : memref<!tpu.dma_semaphore, #tpu.memory_space<semaphore_mem>>) src(%dma_wait3A_505 : memref<10000x128xf32, #tpu.memory_space<hbm>>) dst(%arg12 : memref<80x128xf32, #tpu.memory_space<vmem>>)
      %dma_start3A_506 = arith.constant 0 : i32
      %dma_start3A_507 = arith.constant 0 : i32
      %dma_start3A_508 = tpu.memref_slice %arg9[%dma_start3A_506, %dma_start3A_507] : memref<1x80xi32, #tpu.memory_space<vmem>> -> memref<1x80xi32, #tpu.memory_space<vmem>>
      %dma_start3A_509 = tpu.memref_squeeze %dma_start3A_508 : memref<1x80xi32, #tpu.memory_space<vmem>> -> memref<80xi32, #tpu.memory_space<vmem>>
      %dma_start3A_510 = arith.constant 0 : i32
      %dma_start3A_511 = arith.constant 0 : i32
      %dma_start3A_512 = tpu.memref_slice %arg24[%dma_start3A_510, %dma_start3A_511] : memref<10240x128xf32, #tpu.memory_space<vmem_shared>> -> memref<10240x128xf32, #tpu.memory_space<vmem_shared>>
      tpu.enqueue_indirect_dma source(%arg12 : memref<80x128xf32, #tpu.memory_space<vmem>>) target(%dma_start3A_512 : memref<10240x128xf32, #tpu.memory_space<vmem_shared>>) offsets(%dma_start3A_509 : memref<80xi32, #tpu.memory_space<vmem>>) semaphore(%arg21 : memref<!tpu.dma_semaphore, #tpu.memory_space<semaphore_mem>>) {add = true}
      %dma_wait3A_513 = arith.constant 0 : i32
      %dma_wait3A_514 = arith.constant 0 : i32
      %dma_wait3A_515 = tpu.memref_slice %arg7[%dma_wait3A_513, %dma_wait3A_514] : memref<1x80xi32, #tpu.memory_space<vmem>> -> memref<1x80xi32, #tpu.memory_space<vmem>>
      %dma_wait3A_516 = tpu.memref_squeeze %dma_wait3A_515 : memref<1x80xi32, #tpu.memory_space<vmem>> -> memref<80xi32, #tpu.memory_space<vmem>>
      %dma_wait3A_517 = arith.constant 0 : i32
      %dma_wait3A_518 = arith.constant 0 : i32
      %dma_wait3A_519 = tpu.memref_slice %arg2[%dma_wait3A_517, %dma_wait3A_518] : memref<10000x128xf32, #tpu.memory_space<hbm>> -> memref<10000x128xf32, #tpu.memory_space<hbm>>
      tpu.wait_indirect_dma semaphore(%arg19 : memref<!tpu.dma_semaphore, #tpu.memory_space<semaphore_mem>>) src(%dma_wait3A_519 : memref<10000x128xf32, #tpu.memory_space<hbm>>) dst(%arg13 : memref<80x128xf32, #tpu.memory_space<vmem>>)
      %dma_start3A_520 = arith.constant 0 : i32
      %dma_start3A_521 = arith.constant 0 : i32
      %dma_start3A_522 = tpu.memref_slice %arg10[%dma_start3A_520, %dma_start3A_521] : memref<1x80xi32, #tpu.memory_space<vmem>> -> memref<1x80xi32, #tpu.memory_space<vmem>>
      %dma_start3A_523 = tpu.memref_squeeze %dma_start3A_522 : memref<1x80xi32, #tpu.memory_space<vmem>> -> memref<80xi32, #tpu.memory_space<vmem>>
      %dma_start3A_524 = arith.constant 0 : i32
      %dma_start3A_525 = arith.constant 0 : i32
      %dma_start3A_526 = tpu.memref_slice %arg24[%dma_start3A_524, %dma_start3A_525] : memref<10240x128xf32, #tpu.memory_space<vmem_shared>> -> memref<10240x128xf32, #tpu.memory_space<vmem_shared>>
      tpu.enqueue_indirect_dma source(%arg13 : memref<80x128xf32, #tpu.memory_space<vmem>>) target(%dma_start3A_526 : memref<10240x128xf32, #tpu.memory_space<vmem_shared>>) offsets(%dma_start3A_523 : memref<80xi32, #tpu.memory_space<vmem>>) semaphore(%arg22 : memref<!tpu.dma_semaphore, #tpu.memory_space<semaphore_mem>>) {add = true}
      %dma_wait3A_527 = arith.constant 0 : i32
      %dma_wait3A_528 = arith.constant 0 : i32
      %dma_wait3A_529 = tpu.memref_slice %arg8[%dma_wait3A_527, %dma_wait3A_528] : memref<1x80xi32, #tpu.memory_space<vmem>> -> memref<1x80xi32, #tpu.memory_space<vmem>>
      %dma_wait3A_530 = tpu.memref_squeeze %dma_wait3A_529 : memref<1x80xi32, #tpu.memory_space<vmem>> -> memref<80xi32, #tpu.memory_space<vmem>>
      %dma_wait3A_531 = arith.constant 0 : i32
      %dma_wait3A_532 = arith.constant 0 : i32
      %dma_wait3A_533 = tpu.memref_slice %arg2[%dma_wait3A_531, %dma_wait3A_532] : memref<10000x128xf32, #tpu.memory_space<hbm>> -> memref<10000x128xf32, #tpu.memory_space<hbm>>
      tpu.wait_indirect_dma semaphore(%arg20 : memref<!tpu.dma_semaphore, #tpu.memory_space<semaphore_mem>>) src(%dma_wait3A_533 : memref<10000x128xf32, #tpu.memory_space<hbm>>) dst(%arg14 : memref<80x128xf32, #tpu.memory_space<vmem>>)
      %dma_start3A_534 = arith.constant 0 : i32
      %dma_start3A_535 = arith.constant 0 : i32
      %dma_start3A_536 = tpu.memref_slice %arg11[%dma_start3A_534, %dma_start3A_535] : memref<1x80xi32, #tpu.memory_space<vmem>> -> memref<1x80xi32, #tpu.memory_space<vmem>>
      %dma_start3A_537 = tpu.memref_squeeze %dma_start3A_536 : memref<1x80xi32, #tpu.memory_space<vmem>> -> memref<80xi32, #tpu.memory_space<vmem>>
      %dma_start3A_538 = arith.constant 0 : i32
      %dma_start3A_539 = arith.constant 0 : i32
      %dma_start3A_540 = tpu.memref_slice %arg24[%dma_start3A_538, %dma_start3A_539] : memref<10240x128xf32, #tpu.memory_space<vmem_shared>> -> memref<10240x128xf32, #tpu.memory_space<vmem_shared>>
      tpu.enqueue_indirect_dma source(%arg14 : memref<80x128xf32, #tpu.memory_space<vmem>>) target(%dma_start3A_540 : memref<10240x128xf32, #tpu.memory_space<vmem_shared>>) offsets(%dma_start3A_537 : memref<80xi32, #tpu.memory_space<vmem>>) semaphore(%arg23 : memref<!tpu.dma_semaphore, #tpu.memory_space<semaphore_mem>>) {add = true}
      %lt3A = arith.constant 40 : i32
      %lt3A_541 = arith.cmpi slt, %scan3A_497, %lt3A : i32
      %convert_element_type3A = arith.extui %lt3A_541 : i1 to i32
      %cond3A = arith.constant 0 : i32
      %cond3A_542 = arith.cmpi ne, %convert_element_type3A, %cond3A : i32
      scf.if %cond3A_542 {
        %add3A_544 = arith.constant 1 : i32
        %add3A_545 = arith.addi %scan3A_497, %add3A_544 : i32
        %mul3A_546 = arith.constant 3 : i32
        %mul3A_547 = arith.muli %add3A_545, %mul3A_546 : i32
        %dma_wait3A_548 = arith.constant 0 : i32
        %dma_wait3A_549 = arith.constant 0 : i32
        %dma_wait3A_550 = tpu.memref_slice %arg9[%dma_wait3A_548, %dma_wait3A_549] : memref<1x80xi32, #tpu.memory_space<vmem>> -> memref<1x80xi32, #tpu.memory_space<vmem>>
        %dma_wait3A_551 = tpu.memref_squeeze %dma_wait3A_550 : memref<1x80xi32, #tpu.memory_space<vmem>> -> memref<80xi32, #tpu.memory_space<vmem>>
        %dma_wait3A_552 = arith.constant 0 : i32
        %dma_wait3A_553 = arith.constant 0 : i32
        %dma_wait3A_554 = tpu.memref_slice %arg24[%dma_wait3A_552, %dma_wait3A_553] : memref<10240x128xf32, #tpu.memory_space<vmem_shared>> -> memref<10240x128xf32, #tpu.memory_space<vmem_shared>>
        tpu.wait_indirect_dma semaphore(%arg21 : memref<!tpu.dma_semaphore, #tpu.memory_space<semaphore_mem>>) src(%arg12 : memref<80x128xf32, #tpu.memory_space<vmem>>) dst(%dma_wait3A_554 : memref<10240x128xf32, #tpu.memory_space<vmem_shared>>)
        %add3A_555 = arith.constant 0 : i32
        %add3A_556 = arith.addi %mul3A_547, %add3A_555 : i32
        %dma_start3A_557 = arith.constant 0 : i32
        %dma_start3A_558 = tpu.memref_slice %arg3[%add3A, %add3A_556, %dma_start3A_557] : memref<32x125x80xi32, #tpu.memory_space<hbm>> -> memref<1x1x80xi32, #tpu.memory_space<hbm>>
        %dma_start3A_559 = tpu.memref_squeeze %dma_start3A_558 : memref<1x1x80xi32, #tpu.memory_space<hbm>> -> memref<1x80xi32, #tpu.memory_space<hbm>>
        %dma_start3A_560 = arith.constant 0 : i32
        %dma_start3A_561 = tpu.memref_slice %arg3[%add3A, %add3A_556, %dma_start3A_560] : memref<32x125x80xi32, #tpu.memory_space<hbm>> -> memref<1x1x80xi32, #tpu.memory_space<hbm>>
        %dma_start3A_562 = tpu.memref_squeeze %dma_start3A_561 : memref<1x1x80xi32, #tpu.memory_space<hbm>> -> memref<1x80xi32, #tpu.memory_space<hbm>>
        tpu.enqueue_dma source(%dma_start3A_562 : memref<1x80xi32, #tpu.memory_space<hbm>>) target(%arg6 : memref<1x80xi32, #tpu.memory_space<vmem>>) target_semaphore(%arg15 : memref<!tpu.dma_semaphore, #tpu.memory_space<semaphore_mem>>)
        %add3A_563 = arith.constant 0 : i32
        %add3A_564 = arith.addi %mul3A_547, %add3A_563 : i32
        %dma_start3A_565 = arith.constant 0 : i32
        %dma_start3A_566 = tpu.memref_slice %arg4[%add3A, %add3A_564, %dma_start3A_565] : memref<32x125x80xi32, #tpu.memory_space<hbm>> -> memref<1x1x80xi32, #tpu.memory_space<hbm>>
        %dma_start3A_567 = tpu.memref_squeeze %dma_start3A_566 : memref<1x1x80xi32, #tpu.memory_space<hbm>> -> memref<1x80xi32, #tpu.memory_space<hbm>>
        %dma_start3A_568 = arith.constant 0 : i32
        %dma_start3A_569 = tpu.memref_slice %arg4[%add3A, %add3A_564, %dma_start3A_568] : memref<32x125x80xi32, #tpu.memory_space<hbm>> -> memref<1x1x80xi32, #tpu.memory_space<hbm>>
        %dma_start3A_570 = tpu.memref_squeeze %dma_start3A_569 : memref<1x1x80xi32, #tpu.memory_space<hbm>> -> memref<1x80xi32, #tpu.memory_space<hbm>>
        tpu.enqueue_dma source(%dma_start3A_570 : memref<1x80xi32, #tpu.memory_space<hbm>>) target(%arg9 : memref<1x80xi32, #tpu.memory_space<vmem>>) target_semaphore(%arg15 : memref<!tpu.dma_semaphore, #tpu.memory_space<semaphore_mem>>)
        %dma_wait3A_571 = arith.constant 0 : i32
        %dma_wait3A_572 = arith.constant 0 : i32
        %dma_wait3A_573 = tpu.memref_slice %arg10[%dma_wait3A_571, %dma_wait3A_572] : memref<1x80xi32, #tpu.memory_space<vmem>> -> memref<1x80xi32, #tpu.memory_space<vmem>>
        %dma_wait3A_574 = tpu.memref_squeeze %dma_wait3A_573 : memref<1x80xi32, #tpu.memory_space<vmem>> -> memref<80xi32, #tpu.memory_space<vmem>>
        %dma_wait3A_575 = arith.constant 0 : i32
        %dma_wait3A_576 = arith.constant 0 : i32
        %dma_wait3A_577 = tpu.memref_slice %arg24[%dma_wait3A_575, %dma_wait3A_576] : memref<10240x128xf32, #tpu.memory_space<vmem_shared>> -> memref<10240x128xf32, #tpu.memory_space<vmem_shared>>
        tpu.wait_indirect_dma semaphore(%arg22 : memref<!tpu.dma_semaphore, #tpu.memory_space<semaphore_mem>>) src(%arg13 : memref<80x128xf32, #tpu.memory_space<vmem>>) dst(%dma_wait3A_577 : memref<10240x128xf32, #tpu.memory_space<vmem_shared>>)
        %add3A_578 = arith.constant 1 : i32
        %add3A_579 = arith.addi %mul3A_547, %add3A_578 : i32
        %dma_start3A_580 = arith.constant 0 : i32
        %dma_start3A_581 = tpu.memref_slice %arg3[%add3A, %add3A_579, %dma_start3A_580] : memref<32x125x80xi32, #tpu.memory_space<hbm>> -> memref<1x1x80xi32, #tpu.memory_space<hbm>>
        %dma_start3A_582 = tpu.memref_squeeze %dma_start3A_581 : memref<1x1x80xi32, #tpu.memory_space<hbm>> -> memref<1x80xi32, #tpu.memory_space<hbm>>
        %dma_start3A_583 = arith.constant 0 : i32
        %dma_start3A_584 = tpu.memref_slice %arg3[%add3A, %add3A_579, %dma_start3A_583] : memref<32x125x80xi32, #tpu.memory_space<hbm>> -> memref<1x1x80xi32, #tpu.memory_space<hbm>>
        %dma_start3A_585 = tpu.memref_squeeze %dma_start3A_584 : memref<1x1x80xi32, #tpu.memory_space<hbm>> -> memref<1x80xi32, #tpu.memory_space<hbm>>
        tpu.enqueue_dma source(%dma_start3A_585 : memref<1x80xi32, #tpu.memory_space<hbm>>) target(%arg7 : memref<1x80xi32, #tpu.memory_space<vmem>>) target_semaphore(%arg16 : memref<!tpu.dma_semaphore, #tpu.memory_space<semaphore_mem>>)
        %add3A_586 = arith.constant 1 : i32
        %add3A_587 = arith.addi %mul3A_547, %add3A_586 : i32
        %dma_start3A_588 = arith.constant 0 : i32
        %dma_start3A_589 = tpu.memref_slice %arg4[%add3A, %add3A_587, %dma_start3A_588] : memref<32x125x80xi32, #tpu.memory_space<hbm>> -> memref<1x1x80xi32, #tpu.memory_space<hbm>>
        %dma_start3A_590 = tpu.memref_squeeze %dma_start3A_589 : memref<1x1x80xi32, #tpu.memory_space<hbm>> -> memref<1x80xi32, #tpu.memory_space<hbm>>
        %dma_start3A_591 = arith.constant 0 : i32
        %dma_start3A_592 = tpu.memref_slice %arg4[%add3A, %add3A_587, %dma_start3A_591] : memref<32x125x80xi32, #tpu.memory_space<hbm>> -> memref<1x1x80xi32, #tpu.memory_space<hbm>>
        %dma_start3A_593 = tpu.memref_squeeze %dma_start3A_592 : memref<1x1x80xi32, #tpu.memory_space<hbm>> -> memref<1x80xi32, #tpu.memory_space<hbm>>
        tpu.enqueue_dma source(%dma_start3A_593 : memref<1x80xi32, #tpu.memory_space<hbm>>) target(%arg10 : memref<1x80xi32, #tpu.memory_space<vmem>>) target_semaphore(%arg16 : memref<!tpu.dma_semaphore, #tpu.memory_space<semaphore_mem>>)
        %dma_wait3A_594 = arith.constant 0 : i32
        %dma_wait3A_595 = arith.constant 0 : i32
        %dma_wait3A_596 = tpu.memref_slice %arg11[%dma_wait3A_594, %dma_wait3A_595] : memref<1x80xi32, #tpu.memory_space<vmem>> -> memref<1x80xi32, #tpu.memory_space<vmem>>
        %dma_wait3A_597 = tpu.memref_squeeze %dma_wait3A_596 : memref<1x80xi32, #tpu.memory_space<vmem>> -> memref<80xi32, #tpu.memory_space<vmem>>
        %dma_wait3A_598 = arith.constant 0 : i32
        %dma_wait3A_599 = arith.constant 0 : i32
        %dma_wait3A_600 = tpu.memref_slice %arg24[%dma_wait3A_598, %dma_wait3A_599] : memref<10240x128xf32, #tpu.memory_space<vmem_shared>> -> memref<10240x128xf32, #tpu.memory_space<vmem_shared>>
        tpu.wait_indirect_dma semaphore(%arg23 : memref<!tpu.dma_semaphore, #tpu.memory_space<semaphore_mem>>) src(%arg14 : memref<80x128xf32, #tpu.memory_space<vmem>>) dst(%dma_wait3A_600 : memref<10240x128xf32, #tpu.memory_space<vmem_shared>>)
        %add3A_601 = arith.constant 2 : i32
        %add3A_602 = arith.addi %mul3A_547, %add3A_601 : i32
        %dma_start3A_603 = arith.constant 0 : i32
        %dma_start3A_604 = tpu.memref_slice %arg3[%add3A, %add3A_602, %dma_start3A_603] : memref<32x125x80xi32, #tpu.memory_space<hbm>> -> memref<1x1x80xi32, #tpu.memory_space<hbm>>
        %dma_start3A_605 = tpu.memref_squeeze %dma_start3A_604 : memref<1x1x80xi32, #tpu.memory_space<hbm>> -> memref<1x80xi32, #tpu.memory_space<hbm>>
        %dma_start3A_606 = arith.constant 0 : i32
        %dma_start3A_607 = tpu.memref_slice %arg3[%add3A, %add3A_602, %dma_start3A_606] : memref<32x125x80xi32, #tpu.memory_space<hbm>> -> memref<1x1x80xi32, #tpu.memory_space<hbm>>
        %dma_start3A_608 = tpu.memref_squeeze %dma_start3A_607 : memref<1x1x80xi32, #tpu.memory_space<hbm>> -> memref<1x80xi32, #tpu.memory_space<hbm>>
        tpu.enqueue_dma source(%dma_start3A_608 : memref<1x80xi32, #tpu.memory_space<hbm>>) target(%arg8 : memref<1x80xi32, #tpu.memory_space<vmem>>) target_semaphore(%arg17 : memref<!tpu.dma_semaphore, #tpu.memory_space<semaphore_mem>>)
        %add3A_609 = arith.constant 2 : i32
        %add3A_610 = arith.addi %mul3A_547, %add3A_609 : i32
        %dma_start3A_611 = arith.constant 0 : i32
        %dma_start3A_612 = tpu.memref_slice %arg4[%add3A, %add3A_610, %dma_start3A_611] : memref<32x125x80xi32, #tpu.memory_space<hbm>> -> memref<1x1x80xi32, #tpu.memory_space<hbm>>
        %dma_start3A_613 = tpu.memref_squeeze %dma_start3A_612 : memref<1x1x80xi32, #tpu.memory_space<hbm>> -> memref<1x80xi32, #tpu.memory_space<hbm>>
        %dma_start3A_614 = arith.constant 0 : i32
        %dma_start3A_615 = tpu.memref_slice %arg4[%add3A, %add3A_610, %dma_start3A_614] : memref<32x125x80xi32, #tpu.memory_space<hbm>> -> memref<1x1x80xi32, #tpu.memory_space<hbm>>
        %dma_start3A_616 = tpu.memref_squeeze %dma_start3A_615 : memref<1x1x80xi32, #tpu.memory_space<hbm>> -> memref<1x80xi32, #tpu.memory_space<hbm>>
        tpu.enqueue_dma source(%dma_start3A_616 : memref<1x80xi32, #tpu.memory_space<hbm>>) target(%arg11 : memref<1x80xi32, #tpu.memory_space<vmem>>) target_semaphore(%arg17 : memref<!tpu.dma_semaphore, #tpu.memory_space<semaphore_mem>>)
        %add3A_617 = arith.constant 0 : i32
        %add3A_618 = arith.addi %mul3A_547, %add3A_617 : i32
        %dma_wait3A_619 = arith.constant 0 : i32
        %dma_wait3A_620 = tpu.memref_slice %arg3[%add3A, %add3A_618, %dma_wait3A_619] : memref<32x125x80xi32, #tpu.memory_space<hbm>> -> memref<1x1x80xi32, #tpu.memory_space<hbm>>
        %dma_wait3A_621 = tpu.memref_squeeze %dma_wait3A_620 : memref<1x1x80xi32, #tpu.memory_space<hbm>> -> memref<1x80xi32, #tpu.memory_space<hbm>>
        %dma_wait3A_622 = arith.constant 0 : i32
        %dma_wait3A_623 = tpu.memref_slice %arg3[%add3A, %add3A_618, %dma_wait3A_622] : memref<32x125x80xi32, #tpu.memory_space<hbm>> -> memref<1x1x80xi32, #tpu.memory_space<hbm>>
        %dma_wait3A_624 = tpu.memref_squeeze %dma_wait3A_623 : memref<1x1x80xi32, #tpu.memory_space<hbm>> -> memref<1x80xi32, #tpu.memory_space<hbm>>
        tpu.wait_dma2 semaphore(%arg15 : memref<!tpu.dma_semaphore, #tpu.memory_space<semaphore_mem>>) src(%dma_wait3A_624 : memref<1x80xi32, #tpu.memory_space<hbm>>) dst(%arg6 : memref<1x80xi32, #tpu.memory_space<vmem>>)
        %add3A_625 = arith.constant 0 : i32
        %add3A_626 = arith.addi %mul3A_547, %add3A_625 : i32
        %dma_wait3A_627 = arith.constant 0 : i32
        %dma_wait3A_628 = tpu.memref_slice %arg4[%add3A, %add3A_626, %dma_wait3A_627] : memref<32x125x80xi32, #tpu.memory_space<hbm>> -> memref<1x1x80xi32, #tpu.memory_space<hbm>>
        %dma_wait3A_629 = tpu.memref_squeeze %dma_wait3A_628 : memref<1x1x80xi32, #tpu.memory_space<hbm>> -> memref<1x80xi32, #tpu.memory_space<hbm>>
        %dma_wait3A_630 = arith.constant 0 : i32
        %dma_wait3A_631 = tpu.memref_slice %arg4[%add3A, %add3A_626, %dma_wait3A_630] : memref<32x125x80xi32, #tpu.memory_space<hbm>> -> memref<1x1x80xi32, #tpu.memory_space<hbm>>
        %dma_wait3A_632 = tpu.memref_squeeze %dma_wait3A_631 : memref<1x1x80xi32, #tpu.memory_space<hbm>> -> memref<1x80xi32, #tpu.memory_space<hbm>>
        tpu.wait_dma2 semaphore(%arg15 : memref<!tpu.dma_semaphore, #tpu.memory_space<semaphore_mem>>) src(%dma_wait3A_632 : memref<1x80xi32, #tpu.memory_space<hbm>>) dst(%arg9 : memref<1x80xi32, #tpu.memory_space<vmem>>)
        %dma_start3A_633 = arith.constant 0 : i32
        %dma_start3A_634 = arith.constant 0 : i32
        %dma_start3A_635 = tpu.memref_slice %arg6[%dma_start3A_633, %dma_start3A_634] : memref<1x80xi32, #tpu.memory_space<vmem>> -> memref<1x80xi32, #tpu.memory_space<vmem>>
        %dma_start3A_636 = tpu.memref_squeeze %dma_start3A_635 : memref<1x80xi32, #tpu.memory_space<vmem>> -> memref<80xi32, #tpu.memory_space<vmem>>
        %dma_start3A_637 = arith.constant 0 : i32
        %dma_start3A_638 = arith.constant 0 : i32
        %dma_start3A_639 = tpu.memref_slice %arg2[%dma_start3A_637, %dma_start3A_638] : memref<10000x128xf32, #tpu.memory_space<hbm>> -> memref<10000x128xf32, #tpu.memory_space<hbm>>
        tpu.enqueue_indirect_dma source(%dma_start3A_639 : memref<10000x128xf32, #tpu.memory_space<hbm>>) target(%arg12 : memref<80x128xf32, #tpu.memory_space<vmem>>) offsets(%dma_start3A_636 : memref<80xi32, #tpu.memory_space<vmem>>) semaphore(%arg18 : memref<!tpu.dma_semaphore, #tpu.memory_space<semaphore_mem>>)
        %add3A_640 = arith.constant 1 : i32
        %add3A_641 = arith.addi %mul3A_547, %add3A_640 : i32
        %dma_wait3A_642 = arith.constant 0 : i32
        %dma_wait3A_643 = tpu.memref_slice %arg3[%add3A, %add3A_641, %dma_wait3A_642] : memref<32x125x80xi32, #tpu.memory_space<hbm>> -> memref<1x1x80xi32, #tpu.memory_space<hbm>>
        %dma_wait3A_644 = tpu.memref_squeeze %dma_wait3A_643 : memref<1x1x80xi32, #tpu.memory_space<hbm>> -> memref<1x80xi32, #tpu.memory_space<hbm>>
        %dma_wait3A_645 = arith.constant 0 : i32
        %dma_wait3A_646 = tpu.memref_slice %arg3[%add3A, %add3A_641, %dma_wait3A_645] : memref<32x125x80xi32, #tpu.memory_space<hbm>> -> memref<1x1x80xi32, #tpu.memory_space<hbm>>
        %dma_wait3A_647 = tpu.memref_squeeze %dma_wait3A_646 : memref<1x1x80xi32, #tpu.memory_space<hbm>> -> memref<1x80xi32, #tpu.memory_space<hbm>>
        tpu.wait_dma2 semaphore(%arg16 : memref<!tpu.dma_semaphore, #tpu.memory_space<semaphore_mem>>) src(%dma_wait3A_647 : memref<1x80xi32, #tpu.memory_space<hbm>>) dst(%arg7 : memref<1x80xi32, #tpu.memory_space<vmem>>)
        %add3A_648 = arith.constant 1 : i32
        %add3A_649 = arith.addi %mul3A_547, %add3A_648 : i32
        %dma_wait3A_650 = arith.constant 0 : i32
        %dma_wait3A_651 = tpu.memref_slice %arg4[%add3A, %add3A_649, %dma_wait3A_650] : memref<32x125x80xi32, #tpu.memory_space<hbm>> -> memref<1x1x80xi32, #tpu.memory_space<hbm>>
        %dma_wait3A_652 = tpu.memref_squeeze %dma_wait3A_651 : memref<1x1x80xi32, #tpu.memory_space<hbm>> -> memref<1x80xi32, #tpu.memory_space<hbm>>
        %dma_wait3A_653 = arith.constant 0 : i32
        %dma_wait3A_654 = tpu.memref_slice %arg4[%add3A, %add3A_649, %dma_wait3A_653] : memref<32x125x80xi32, #tpu.memory_space<hbm>> -> memref<1x1x80xi32, #tpu.memory_space<hbm>>
        %dma_wait3A_655 = tpu.memref_squeeze %dma_wait3A_654 : memref<1x1x80xi32, #tpu.memory_space<hbm>> -> memref<1x80xi32, #tpu.memory_space<hbm>>
        tpu.wait_dma2 semaphore(%arg16 : memref<!tpu.dma_semaphore, #tpu.memory_space<semaphore_mem>>) src(%dma_wait3A_655 : memref<1x80xi32, #tpu.memory_space<hbm>>) dst(%arg10 : memref<1x80xi32, #tpu.memory_space<vmem>>)
        %dma_start3A_656 = arith.constant 0 : i32
        %dma_start3A_657 = arith.constant 0 : i32
        %dma_start3A_658 = tpu.memref_slice %arg7[%dma_start3A_656, %dma_start3A_657] : memref<1x80xi32, #tpu.memory_space<vmem>> -> memref<1x80xi32, #tpu.memory_space<vmem>>
        %dma_start3A_659 = tpu.memref_squeeze %dma_start3A_658 : memref<1x80xi32, #tpu.memory_space<vmem>> -> memref<80xi32, #tpu.memory_space<vmem>>
        %dma_start3A_660 = arith.constant 0 : i32
        %dma_start3A_661 = arith.constant 0 : i32
        %dma_start3A_662 = tpu.memref_slice %arg2[%dma_start3A_660, %dma_start3A_661] : memref<10000x128xf32, #tpu.memory_space<hbm>> -> memref<10000x128xf32, #tpu.memory_space<hbm>>
        tpu.enqueue_indirect_dma source(%dma_start3A_662 : memref<10000x128xf32, #tpu.memory_space<hbm>>) target(%arg13 : memref<80x128xf32, #tpu.memory_space<vmem>>) offsets(%dma_start3A_659 : memref<80xi32, #tpu.memory_space<vmem>>) semaphore(%arg19 : memref<!tpu.dma_semaphore, #tpu.memory_space<semaphore_mem>>)
        %add3A_663 = arith.constant 2 : i32
        %add3A_664 = arith.addi %mul3A_547, %add3A_663 : i32
        %dma_wait3A_665 = arith.constant 0 : i32
        %dma_wait3A_666 = tpu.memref_slice %arg3[%add3A, %add3A_664, %dma_wait3A_665] : memref<32x125x80xi32, #tpu.memory_space<hbm>> -> memref<1x1x80xi32, #tpu.memory_space<hbm>>
        %dma_wait3A_667 = tpu.memref_squeeze %dma_wait3A_666 : memref<1x1x80xi32, #tpu.memory_space<hbm>> -> memref<1x80xi32, #tpu.memory_space<hbm>>
        %dma_wait3A_668 = arith.constant 0 : i32
        %dma_wait3A_669 = tpu.memref_slice %arg3[%add3A, %add3A_664, %dma_wait3A_668] : memref<32x125x80xi32, #tpu.memory_space<hbm>> -> memref<1x1x80xi32, #tpu.memory_space<hbm>>
        %dma_wait3A_670 = tpu.memref_squeeze %dma_wait3A_669 : memref<1x1x80xi32, #tpu.memory_space<hbm>> -> memref<1x80xi32, #tpu.memory_space<hbm>>
        tpu.wait_dma2 semaphore(%arg17 : memref<!tpu.dma_semaphore, #tpu.memory_space<semaphore_mem>>) src(%dma_wait3A_670 : memref<1x80xi32, #tpu.memory_space<hbm>>) dst(%arg8 : memref<1x80xi32, #tpu.memory_space<vmem>>)
        %add3A_671 = arith.constant 2 : i32
        %add3A_672 = arith.addi %mul3A_547, %add3A_671 : i32
        %dma_wait3A_673 = arith.constant 0 : i32
        %dma_wait3A_674 = tpu.memref_slice %arg4[%add3A, %add3A_672, %dma_wait3A_673] : memref<32x125x80xi32, #tpu.memory_space<hbm>> -> memref<1x1x80xi32, #tpu.memory_space<hbm>>
        %dma_wait3A_675 = tpu.memref_squeeze %dma_wait3A_674 : memref<1x1x80xi32, #tpu.memory_space<hbm>> -> memref<1x80xi32, #tpu.memory_space<hbm>>
        %dma_wait3A_676 = arith.constant 0 : i32
        %dma_wait3A_677 = tpu.memref_slice %arg4[%add3A, %add3A_672, %dma_wait3A_676] : memref<32x125x80xi32, #tpu.memory_space<hbm>> -> memref<1x1x80xi32, #tpu.memory_space<hbm>>
        %dma_wait3A_678 = tpu.memref_squeeze %dma_wait3A_677 : memref<1x1x80xi32, #tpu.memory_space<hbm>> -> memref<1x80xi32, #tpu.memory_space<hbm>>
        tpu.wait_dma2 semaphore(%arg17 : memref<!tpu.dma_semaphore, #tpu.memory_space<semaphore_mem>>) src(%dma_wait3A_678 : memref<1x80xi32, #tpu.memory_space<hbm>>) dst(%arg11 : memref<1x80xi32, #tpu.memory_space<vmem>>)
        %dma_start3A_679 = arith.constant 0 : i32
        %dma_start3A_680 = arith.constant 0 : i32
        %dma_start3A_681 = tpu.memref_slice %arg8[%dma_start3A_679, %dma_start3A_680] : memref<1x80xi32, #tpu.memory_space<vmem>> -> memref<1x80xi32, #tpu.memory_space<vmem>>
        %dma_start3A_682 = tpu.memref_squeeze %dma_start3A_681 : memref<1x80xi32, #tpu.memory_space<vmem>> -> memref<80xi32, #tpu.memory_space<vmem>>
        %dma_start3A_683 = arith.constant 0 : i32
        %dma_start3A_684 = arith.constant 0 : i32
        %dma_start3A_685 = tpu.memref_slice %arg2[%dma_start3A_683, %dma_start3A_684] : memref<10000x128xf32, #tpu.memory_space<hbm>> -> memref<10000x128xf32, #tpu.memory_space<hbm>>
        tpu.enqueue_indirect_dma source(%dma_start3A_685 : memref<10000x128xf32, #tpu.memory_space<hbm>>) target(%arg14 : memref<80x128xf32, #tpu.memory_space<vmem>>) offsets(%dma_start3A_682 : memref<80xi32, #tpu.memory_space<vmem>>) semaphore(%arg20 : memref<!tpu.dma_semaphore, #tpu.memory_space<semaphore_mem>>)
      } else {
      }
      %scan3A_543 = arith.constant 0 : i32
      scf.yield %scan3A_543 : i32
    }
    %scan3A_210 = arith.constant 41 : i32
    %dma_wait3A_211 = arith.constant 0 : i32
    %dma_wait3A_212 = arith.constant 0 : i32
    %dma_wait3A_213 = tpu.memref_slice %arg9[%dma_wait3A_211, %dma_wait3A_212] : memref<1x80xi32, #tpu.memory_space<vmem>> -> memref<1x80xi32, #tpu.memory_space<vmem>>
    %dma_wait3A_214 = tpu.memref_squeeze %dma_wait3A_213 : memref<1x80xi32, #tpu.memory_space<vmem>> -> memref<80xi32, #tpu.memory_space<vmem>>
    %dma_wait3A_215 = arith.constant 0 : i32
    %dma_wait3A_216 = arith.constant 0 : i32
    %dma_wait3A_217 = tpu.memref_slice %arg24[%dma_wait3A_215, %dma_wait3A_216] : memref<10240x128xf32, #tpu.memory_space<vmem_shared>> -> memref<10240x128xf32, #tpu.memory_space<vmem_shared>>
    tpu.wait_indirect_dma semaphore(%arg21 : memref<!tpu.dma_semaphore, #tpu.memory_space<semaphore_mem>>) src(%arg12 : memref<80x128xf32, #tpu.memory_space<vmem>>) dst(%dma_wait3A_217 : memref<10240x128xf32, #tpu.memory_space<vmem_shared>>)
    %dma_start3A_218 = arith.constant 123 : i32
    %dma_start3A_219 = arith.constant 0 : i32
    %dma_start3A_220 = tpu.memref_slice %arg3[%add3A, %dma_start3A_218, %dma_start3A_219] : memref<32x125x80xi32, #tpu.memory_space<hbm>> -> memref<1x1x80xi32, #tpu.memory_space<hbm>>
    %dma_start3A_221 = tpu.memref_squeeze %dma_start3A_220 : memref<1x1x80xi32, #tpu.memory_space<hbm>> -> memref<1x80xi32, #tpu.memory_space<hbm>>
    %dma_start3A_222 = arith.constant 123 : i32
    %dma_start3A_223 = arith.constant 0 : i32
    %dma_start3A_224 = tpu.memref_slice %arg3[%add3A, %dma_start3A_222, %dma_start3A_223] : memref<32x125x80xi32, #tpu.memory_space<hbm>> -> memref<1x1x80xi32, #tpu.memory_space<hbm>>
    %dma_start3A_225 = tpu.memref_squeeze %dma_start3A_224 : memref<1x1x80xi32, #tpu.memory_space<hbm>> -> memref<1x80xi32, #tpu.memory_space<hbm>>
    tpu.enqueue_dma source(%dma_start3A_225 : memref<1x80xi32, #tpu.memory_space<hbm>>) target(%arg6 : memref<1x80xi32, #tpu.memory_space<vmem>>) target_semaphore(%arg15 : memref<!tpu.dma_semaphore, #tpu.memory_space<semaphore_mem>>)
    %dma_start3A_226 = arith.constant 123 : i32
    %dma_start3A_227 = arith.constant 0 : i32
    %dma_start3A_228 = tpu.memref_slice %arg4[%add3A, %dma_start3A_226, %dma_start3A_227] : memref<32x125x80xi32, #tpu.memory_space<hbm>> -> memref<1x1x80xi32, #tpu.memory_space<hbm>>
    %dma_start3A_229 = tpu.memref_squeeze %dma_start3A_228 : memref<1x1x80xi32, #tpu.memory_space<hbm>> -> memref<1x80xi32, #tpu.memory_space<hbm>>
    %dma_start3A_230 = arith.constant 123 : i32
    %dma_start3A_231 = arith.constant 0 : i32
    %dma_start3A_232 = tpu.memref_slice %arg4[%add3A, %dma_start3A_230, %dma_start3A_231] : memref<32x125x80xi32, #tpu.memory_space<hbm>> -> memref<1x1x80xi32, #tpu.memory_space<hbm>>
    %dma_start3A_233 = tpu.memref_squeeze %dma_start3A_232 : memref<1x1x80xi32, #tpu.memory_space<hbm>> -> memref<1x80xi32, #tpu.memory_space<hbm>>
    tpu.enqueue_dma source(%dma_start3A_233 : memref<1x80xi32, #tpu.memory_space<hbm>>) target(%arg9 : memref<1x80xi32, #tpu.memory_space<vmem>>) target_semaphore(%arg15 : memref<!tpu.dma_semaphore, #tpu.memory_space<semaphore_mem>>)
    %dma_wait3A_234 = arith.constant 0 : i32
    %dma_wait3A_235 = arith.constant 0 : i32
    %dma_wait3A_236 = tpu.memref_slice %arg10[%dma_wait3A_234, %dma_wait3A_235] : memref<1x80xi32, #tpu.memory_space<vmem>> -> memref<1x80xi32, #tpu.memory_space<vmem>>
    %dma_wait3A_237 = tpu.memref_squeeze %dma_wait3A_236 : memref<1x80xi32, #tpu.memory_space<vmem>> -> memref<80xi32, #tpu.memory_space<vmem>>
    %dma_wait3A_238 = arith.constant 0 : i32
    %dma_wait3A_239 = arith.constant 0 : i32
    %dma_wait3A_240 = tpu.memref_slice %arg24[%dma_wait3A_238, %dma_wait3A_239] : memref<10240x128xf32, #tpu.memory_space<vmem_shared>> -> memref<10240x128xf32, #tpu.memory_space<vmem_shared>>
    tpu.wait_indirect_dma semaphore(%arg22 : memref<!tpu.dma_semaphore, #tpu.memory_space<semaphore_mem>>) src(%arg13 : memref<80x128xf32, #tpu.memory_space<vmem>>) dst(%dma_wait3A_240 : memref<10240x128xf32, #tpu.memory_space<vmem_shared>>)
    %dma_start3A_241 = arith.constant 124 : i32
    %dma_start3A_242 = arith.constant 0 : i32
    %dma_start3A_243 = tpu.memref_slice %arg3[%add3A, %dma_start3A_241, %dma_start3A_242] : memref<32x125x80xi32, #tpu.memory_space<hbm>> -> memref<1x1x80xi32, #tpu.memory_space<hbm>>
    %dma_start3A_244 = tpu.memref_squeeze %dma_start3A_243 : memref<1x1x80xi32, #tpu.memory_space<hbm>> -> memref<1x80xi32, #tpu.memory_space<hbm>>
    %dma_start3A_245 = arith.constant 124 : i32
    %dma_start3A_246 = arith.constant 0 : i32
    %dma_start3A_247 = tpu.memref_slice %arg3[%add3A, %dma_start3A_245, %dma_start3A_246] : memref<32x125x80xi32, #tpu.memory_space<hbm>> -> memref<1x1x80xi32, #tpu.memory_space<hbm>>
    %dma_start3A_248 = tpu.memref_squeeze %dma_start3A_247 : memref<1x1x80xi32, #tpu.memory_space<hbm>> -> memref<1x80xi32, #tpu.memory_space<hbm>>
    tpu.enqueue_dma source(%dma_start3A_248 : memref<1x80xi32, #tpu.memory_space<hbm>>) target(%arg7 : memref<1x80xi32, #tpu.memory_space<vmem>>) target_semaphore(%arg16 : memref<!tpu.dma_semaphore, #tpu.memory_space<semaphore_mem>>)
    %dma_start3A_249 = arith.constant 124 : i32
    %dma_start3A_250 = arith.constant 0 : i32
    %dma_start3A_251 = tpu.memref_slice %arg4[%add3A, %dma_start3A_249, %dma_start3A_250] : memref<32x125x80xi32, #tpu.memory_space<hbm>> -> memref<1x1x80xi32, #tpu.memory_space<hbm>>
    %dma_start3A_252 = tpu.memref_squeeze %dma_start3A_251 : memref<1x1x80xi32, #tpu.memory_space<hbm>> -> memref<1x80xi32, #tpu.memory_space<hbm>>
    %dma_start3A_253 = arith.constant 124 : i32
    %dma_start3A_254 = arith.constant 0 : i32
    %dma_start3A_255 = tpu.memref_slice %arg4[%add3A, %dma_start3A_253, %dma_start3A_254] : memref<32x125x80xi32, #tpu.memory_space<hbm>> -> memref<1x1x80xi32, #tpu.memory_space<hbm>>
    %dma_start3A_256 = tpu.memref_squeeze %dma_start3A_255 : memref<1x1x80xi32, #tpu.memory_space<hbm>> -> memref<1x80xi32, #tpu.memory_space<hbm>>
    tpu.enqueue_dma source(%dma_start3A_256 : memref<1x80xi32, #tpu.memory_space<hbm>>) target(%arg10 : memref<1x80xi32, #tpu.memory_space<vmem>>) target_semaphore(%arg16 : memref<!tpu.dma_semaphore, #tpu.memory_space<semaphore_mem>>)
    %dma_wait3A_257 = arith.constant 123 : i32
    %dma_wait3A_258 = arith.constant 0 : i32
    %dma_wait3A_259 = tpu.memref_slice %arg3[%add3A, %dma_wait3A_257, %dma_wait3A_258] : memref<32x125x80xi32, #tpu.memory_space<hbm>> -> memref<1x1x80xi32, #tpu.memory_space<hbm>>
    %dma_wait3A_260 = tpu.memref_squeeze %dma_wait3A_259 : memref<1x1x80xi32, #tpu.memory_space<hbm>> -> memref<1x80xi32, #tpu.memory_space<hbm>>
    %dma_wait3A_261 = arith.constant 123 : i32
    %dma_wait3A_262 = arith.constant 0 : i32
    %dma_wait3A_263 = tpu.memref_slice %arg3[%add3A, %dma_wait3A_261, %dma_wait3A_262] : memref<32x125x80xi32, #tpu.memory_space<hbm>> -> memref<1x1x80xi32, #tpu.memory_space<hbm>>
    %dma_wait3A_264 = tpu.memref_squeeze %dma_wait3A_263 : memref<1x1x80xi32, #tpu.memory_space<hbm>> -> memref<1x80xi32, #tpu.memory_space<hbm>>
    tpu.wait_dma2 semaphore(%arg15 : memref<!tpu.dma_semaphore, #tpu.memory_space<semaphore_mem>>) src(%dma_wait3A_264 : memref<1x80xi32, #tpu.memory_space<hbm>>) dst(%arg6 : memref<1x80xi32, #tpu.memory_space<vmem>>)
    %dma_wait3A_265 = arith.constant 123 : i32
    %dma_wait3A_266 = arith.constant 0 : i32
    %dma_wait3A_267 = tpu.memref_slice %arg4[%add3A, %dma_wait3A_265, %dma_wait3A_266] : memref<32x125x80xi32, #tpu.memory_space<hbm>> -> memref<1x1x80xi32, #tpu.memory_space<hbm>>
    %dma_wait3A_268 = tpu.memref_squeeze %dma_wait3A_267 : memref<1x1x80xi32, #tpu.memory_space<hbm>> -> memref<1x80xi32, #tpu.memory_space<hbm>>
    %dma_wait3A_269 = arith.constant 123 : i32
    %dma_wait3A_270 = arith.constant 0 : i32
    %dma_wait3A_271 = tpu.memref_slice %arg4[%add3A, %dma_wait3A_269, %dma_wait3A_270] : memref<32x125x80xi32, #tpu.memory_space<hbm>> -> memref<1x1x80xi32, #tpu.memory_space<hbm>>
    %dma_wait3A_272 = tpu.memref_squeeze %dma_wait3A_271 : memref<1x1x80xi32, #tpu.memory_space<hbm>> -> memref<1x80xi32, #tpu.memory_space<hbm>>
    tpu.wait_dma2 semaphore(%arg15 : memref<!tpu.dma_semaphore, #tpu.memory_space<semaphore_mem>>) src(%dma_wait3A_272 : memref<1x80xi32, #tpu.memory_space<hbm>>) dst(%arg9 : memref<1x80xi32, #tpu.memory_space<vmem>>)
    %dma_start3A_273 = arith.constant 0 : i32
    %dma_start3A_274 = arith.constant 0 : i32
    %dma_start3A_275 = tpu.memref_slice %arg6[%dma_start3A_273, %dma_start3A_274] : memref<1x80xi32, #tpu.memory_space<vmem>> -> memref<1x80xi32, #tpu.memory_space<vmem>>
    %dma_start3A_276 = tpu.memref_squeeze %dma_start3A_275 : memref<1x80xi32, #tpu.memory_space<vmem>> -> memref<80xi32, #tpu.memory_space<vmem>>
    %dma_start3A_277 = arith.constant 0 : i32
    %dma_start3A_278 = arith.constant 0 : i32
    %dma_start3A_279 = tpu.memref_slice %arg2[%dma_start3A_277, %dma_start3A_278] : memref<10000x128xf32, #tpu.memory_space<hbm>> -> memref<10000x128xf32, #tpu.memory_space<hbm>>
    tpu.enqueue_indirect_dma source(%dma_start3A_279 : memref<10000x128xf32, #tpu.memory_space<hbm>>) target(%arg12 : memref<80x128xf32, #tpu.memory_space<vmem>>) offsets(%dma_start3A_276 : memref<80xi32, #tpu.memory_space<vmem>>) semaphore(%arg18 : memref<!tpu.dma_semaphore, #tpu.memory_space<semaphore_mem>>)
    %dma_wait3A_280 = arith.constant 124 : i32
    %dma_wait3A_281 = arith.constant 0 : i32
    %dma_wait3A_282 = tpu.memref_slice %arg3[%add3A, %dma_wait3A_280, %dma_wait3A_281] : memref<32x125x80xi32, #tpu.memory_space<hbm>> -> memref<1x1x80xi32, #tpu.memory_space<hbm>>
    %dma_wait3A_283 = tpu.memref_squeeze %dma_wait3A_282 : memref<1x1x80xi32, #tpu.memory_space<hbm>> -> memref<1x80xi32, #tpu.memory_space<hbm>>
    %dma_wait3A_284 = arith.constant 124 : i32
    %dma_wait3A_285 = arith.constant 0 : i32
    %dma_wait3A_286 = tpu.memref_slice %arg3[%add3A, %dma_wait3A_284, %dma_wait3A_285] : memref<32x125x80xi32, #tpu.memory_space<hbm>> -> memref<1x1x80xi32, #tpu.memory_space<hbm>>
    %dma_wait3A_287 = tpu.memref_squeeze %dma_wait3A_286 : memref<1x1x80xi32, #tpu.memory_space<hbm>> -> memref<1x80xi32, #tpu.memory_space<hbm>>
    tpu.wait_dma2 semaphore(%arg16 : memref<!tpu.dma_semaphore, #tpu.memory_space<semaphore_mem>>) src(%dma_wait3A_287 : memref<1x80xi32, #tpu.memory_space<hbm>>) dst(%arg7 : memref<1x80xi32, #tpu.memory_space<vmem>>)
    %dma_wait3A_288 = arith.constant 124 : i32
    %dma_wait3A_289 = arith.constant 0 : i32
    %dma_wait3A_290 = tpu.memref_slice %arg4[%add3A, %dma_wait3A_288, %dma_wait3A_289] : memref<32x125x80xi32, #tpu.memory_space<hbm>> -> memref<1x1x80xi32, #tpu.memory_space<hbm>>
    %dma_wait3A_291 = tpu.memref_squeeze %dma_wait3A_290 : memref<1x1x80xi32, #tpu.memory_space<hbm>> -> memref<1x80xi32, #tpu.memory_space<hbm>>
    %dma_wait3A_292 = arith.constant 124 : i32
    %dma_wait3A_293 = arith.constant 0 : i32
    %dma_wait3A_294 = tpu.memref_slice %arg4[%add3A, %dma_wait3A_292, %dma_wait3A_293] : memref<32x125x80xi32, #tpu.memory_space<hbm>> -> memref<1x1x80xi32, #tpu.memory_space<hbm>>
    %dma_wait3A_295 = tpu.memref_squeeze %dma_wait3A_294 : memref<1x1x80xi32, #tpu.memory_space<hbm>> -> memref<1x80xi32, #tpu.memory_space<hbm>>
    tpu.wait_dma2 semaphore(%arg16 : memref<!tpu.dma_semaphore, #tpu.memory_space<semaphore_mem>>) src(%dma_wait3A_295 : memref<1x80xi32, #tpu.memory_space<hbm>>) dst(%arg10 : memref<1x80xi32, #tpu.memory_space<vmem>>)
    %dma_start3A_296 = arith.constant 0 : i32
    %dma_start3A_297 = arith.constant 0 : i32
    %dma_start3A_298 = tpu.memref_slice %arg7[%dma_start3A_296, %dma_start3A_297] : memref<1x80xi32, #tpu.memory_space<vmem>> -> memref<1x80xi32, #tpu.memory_space<vmem>>
    %dma_start3A_299 = tpu.memref_squeeze %dma_start3A_298 : memref<1x80xi32, #tpu.memory_space<vmem>> -> memref<80xi32, #tpu.memory_space<vmem>>
    %dma_start3A_300 = arith.constant 0 : i32
    %dma_start3A_301 = arith.constant 0 : i32
    %dma_start3A_302 = tpu.memref_slice %arg2[%dma_start3A_300, %dma_start3A_301] : memref<10000x128xf32, #tpu.memory_space<hbm>> -> memref<10000x128xf32, #tpu.memory_space<hbm>>
    tpu.enqueue_indirect_dma source(%dma_start3A_302 : memref<10000x128xf32, #tpu.memory_space<hbm>>) target(%arg13 : memref<80x128xf32, #tpu.memory_space<vmem>>) offsets(%dma_start3A_299 : memref<80xi32, #tpu.memory_space<vmem>>) semaphore(%arg19 : memref<!tpu.dma_semaphore, #tpu.memory_space<semaphore_mem>>)
    %dma_wait3A_303 = arith.constant 0 : i32
    %dma_wait3A_304 = arith.constant 0 : i32
    %dma_wait3A_305 = tpu.memref_slice %arg6[%dma_wait3A_303, %dma_wait3A_304] : memref<1x80xi32, #tpu.memory_space<vmem>> -> memref<1x80xi32, #tpu.memory_space<vmem>>
    %dma_wait3A_306 = tpu.memref_squeeze %dma_wait3A_305 : memref<1x80xi32, #tpu.memory_space<vmem>> -> memref<80xi32, #tpu.memory_space<vmem>>
    %dma_wait3A_307 = arith.constant 0 : i32
    %dma_wait3A_308 = arith.constant 0 : i32
    %dma_wait3A_309 = tpu.memref_slice %arg2[%dma_wait3A_307, %dma_wait3A_308] : memref<10000x128xf32, #tpu.memory_space<hbm>> -> memref<10000x128xf32, #tpu.memory_space<hbm>>
    tpu.wait_indirect_dma semaphore(%arg18 : memref<!tpu.dma_semaphore, #tpu.memory_space<semaphore_mem>>) src(%dma_wait3A_309 : memref<10000x128xf32, #tpu.memory_space<hbm>>) dst(%arg12 : memref<80x128xf32, #tpu.memory_space<vmem>>)
    %dma_start3A_310 = arith.constant 0 : i32
    %dma_start3A_311 = arith.constant 0 : i32
    %dma_start3A_312 = tpu.memref_slice %arg9[%dma_start3A_310, %dma_start3A_311] : memref<1x80xi32, #tpu.memory_space<vmem>> -> memref<1x80xi32, #tpu.memory_space<vmem>>
    %dma_start3A_313 = tpu.memref_squeeze %dma_start3A_312 : memref<1x80xi32, #tpu.memory_space<vmem>> -> memref<80xi32, #tpu.memory_space<vmem>>
    %dma_start3A_314 = arith.constant 0 : i32
    %dma_start3A_315 = arith.constant 0 : i32
    %dma_start3A_316 = tpu.memref_slice %arg24[%dma_start3A_314, %dma_start3A_315] : memref<10240x128xf32, #tpu.memory_space<vmem_shared>> -> memref<10240x128xf32, #tpu.memory_space<vmem_shared>>
    tpu.enqueue_indirect_dma source(%arg12 : memref<80x128xf32, #tpu.memory_space<vmem>>) target(%dma_start3A_316 : memref<10240x128xf32, #tpu.memory_space<vmem_shared>>) offsets(%dma_start3A_313 : memref<80xi32, #tpu.memory_space<vmem>>) semaphore(%arg21 : memref<!tpu.dma_semaphore, #tpu.memory_space<semaphore_mem>>) {add = true}
    %dma_wait3A_317 = arith.constant 0 : i32
    %dma_wait3A_318 = arith.constant 0 : i32
    %dma_wait3A_319 = tpu.memref_slice %arg7[%dma_wait3A_317, %dma_wait3A_318] : memref<1x80xi32, #tpu.memory_space<vmem>> -> memref<1x80xi32, #tpu.memory_space<vmem>>
    %dma_wait3A_320 = tpu.memref_squeeze %dma_wait3A_319 : memref<1x80xi32, #tpu.memory_space<vmem>> -> memref<80xi32, #tpu.memory_space<vmem>>
    %dma_wait3A_321 = arith.constant 0 : i32
    %dma_wait3A_322 = arith.constant 0 : i32
    %dma_wait3A_323 = tpu.memref_slice %arg2[%dma_wait3A_321, %dma_wait3A_322] : memref<10000x128xf32, #tpu.memory_space<hbm>> -> memref<10000x128xf32, #tpu.memory_space<hbm>>
    tpu.wait_indirect_dma semaphore(%arg19 : memref<!tpu.dma_semaphore, #tpu.memory_space<semaphore_mem>>) src(%dma_wait3A_323 : memref<10000x128xf32, #tpu.memory_space<hbm>>) dst(%arg13 : memref<80x128xf32, #tpu.memory_space<vmem>>)
    %dma_start3A_324 = arith.constant 0 : i32
    %dma_start3A_325 = arith.constant 0 : i32
    %dma_start3A_326 = tpu.memref_slice %arg10[%dma_start3A_324, %dma_start3A_325] : memref<1x80xi32, #tpu.memory_space<vmem>> -> memref<1x80xi32, #tpu.memory_space<vmem>>
    %dma_start3A_327 = tpu.memref_squeeze %dma_start3A_326 : memref<1x80xi32, #tpu.memory_space<vmem>> -> memref<80xi32, #tpu.memory_space<vmem>>
    %dma_start3A_328 = arith.constant 0 : i32
    %dma_start3A_329 = arith.constant 0 : i32
    %dma_start3A_330 = tpu.memref_slice %arg24[%dma_start3A_328, %dma_start3A_329] : memref<10240x128xf32, #tpu.memory_space<vmem_shared>> -> memref<10240x128xf32, #tpu.memory_space<vmem_shared>>
    tpu.enqueue_indirect_dma source(%arg13 : memref<80x128xf32, #tpu.memory_space<vmem>>) target(%dma_start3A_330 : memref<10240x128xf32, #tpu.memory_space<vmem_shared>>) offsets(%dma_start3A_327 : memref<80xi32, #tpu.memory_space<vmem>>) semaphore(%arg22 : memref<!tpu.dma_semaphore, #tpu.memory_space<semaphore_mem>>) {add = true}
    %dma_wait3A_331 = arith.constant 0 : i32
    %dma_wait3A_332 = arith.constant 0 : i32
    %dma_wait3A_333 = tpu.memref_slice %arg9[%dma_wait3A_331, %dma_wait3A_332] : memref<1x80xi32, #tpu.memory_space<vmem>> -> memref<1x80xi32, #tpu.memory_space<vmem>>
    %dma_wait3A_334 = tpu.memref_squeeze %dma_wait3A_333 : memref<1x80xi32, #tpu.memory_space<vmem>> -> memref<80xi32, #tpu.memory_space<vmem>>
    %dma_wait3A_335 = arith.constant 0 : i32
    %dma_wait3A_336 = arith.constant 0 : i32
    %dma_wait3A_337 = tpu.memref_slice %arg24[%dma_wait3A_335, %dma_wait3A_336] : memref<10240x128xf32, #tpu.memory_space<vmem_shared>> -> memref<10240x128xf32, #tpu.memory_space<vmem_shared>>
    tpu.wait_indirect_dma semaphore(%arg21 : memref<!tpu.dma_semaphore, #tpu.memory_space<semaphore_mem>>) src(%arg12 : memref<80x128xf32, #tpu.memory_space<vmem>>) dst(%dma_wait3A_337 : memref<10240x128xf32, #tpu.memory_space<vmem_shared>>)
    %dma_wait3A_338 = arith.constant 0 : i32
    %dma_wait3A_339 = arith.constant 0 : i32
    %dma_wait3A_340 = tpu.memref_slice %arg10[%dma_wait3A_338, %dma_wait3A_339] : memref<1x80xi32, #tpu.memory_space<vmem>> -> memref<1x80xi32, #tpu.memory_space<vmem>>
    %dma_wait3A_341 = tpu.memref_squeeze %dma_wait3A_340 : memref<1x80xi32, #tpu.memory_space<vmem>> -> memref<80xi32, #tpu.memory_space<vmem>>
    %dma_wait3A_342 = arith.constant 0 : i32
    %dma_wait3A_343 = arith.constant 0 : i32
    %dma_wait3A_344 = tpu.memref_slice %arg24[%dma_wait3A_342, %dma_wait3A_343] : memref<10240x128xf32, #tpu.memory_space<vmem_shared>> -> memref<10240x128xf32, #tpu.memory_space<vmem_shared>>
    tpu.wait_indirect_dma semaphore(%arg22 : memref<!tpu.dma_semaphore, #tpu.memory_space<semaphore_mem>>) src(%arg13 : memref<80x128xf32, #tpu.memory_space<vmem>>) dst(%dma_wait3A_344 : memref<10240x128xf32, #tpu.memory_space<vmem_shared>>)
    %dma_wait3A_345 = arith.constant 0 : i32
    %dma_wait3A_346 = arith.constant 0 : i32
    %dma_wait3A_347 = tpu.memref_slice %arg11[%dma_wait3A_345, %dma_wait3A_346] : memref<1x80xi32, #tpu.memory_space<vmem>> -> memref<1x80xi32, #tpu.memory_space<vmem>>
    %dma_wait3A_348 = tpu.memref_squeeze %dma_wait3A_347 : memref<1x80xi32, #tpu.memory_space<vmem>> -> memref<80xi32, #tpu.memory_space<vmem>>
    %dma_wait3A_349 = arith.constant 0 : i32
    %dma_wait3A_350 = arith.constant 0 : i32
    %dma_wait3A_351 = tpu.memref_slice %arg24[%dma_wait3A_349, %dma_wait3A_350] : memref<10240x128xf32, #tpu.memory_space<vmem_shared>> -> memref<10240x128xf32, #tpu.memory_space<vmem_shared>>
    tpu.wait_indirect_dma semaphore(%arg23 : memref<!tpu.dma_semaphore, #tpu.memory_space<semaphore_mem>>) src(%arg14 : memref<80x128xf32, #tpu.memory_space<vmem>>) dst(%dma_wait3A_351 : memref<10240x128xf32, #tpu.memory_space<vmem_shared>>)
    %barrier3A_352 = arith.constant 0 : index
    tpu.barrier barrier_id(%barrier3A_352)
    %add3A_353 = arith.constant 0 : i32
    %add3A_354 = arith.addi %mul3A_8, %add3A_353 : i32
    "tpu.region"() ({
      %run_scoped3A = tpu.sem_alloc : memref<!tpu.dma_semaphore, #tpu.memory_space<semaphore_mem>>
      %dma_start3A_497 = arith.constant 0 : i32
      %dma_start3A_498 = tpu.memref_slice %arg24[%add3A_354, %dma_start3A_497] : memref<10240x128xf32, #tpu.memory_space<vmem_shared>> -> memref<80x128xf32, #tpu.memory_space<vmem_shared>>
      %dma_start3A_499 = arith.constant 0 : i32
      %dma_start3A_500 = tpu.memref_slice %arg24[%add3A_354, %dma_start3A_499] : memref<10240x128xf32, #tpu.memory_space<vmem_shared>> -> memref<80x128xf32, #tpu.memory_space<vmem_shared>>
      tpu.enqueue_dma source(%dma_start3A_500 : memref<80x128xf32, #tpu.memory_space<vmem_shared>>) target(%arg12 : memref<80x128xf32, #tpu.memory_space<vmem>>) target_semaphore(%run_scoped3A : memref<!tpu.dma_semaphore, #tpu.memory_space<semaphore_mem>>)
      %dma_wait3A_501 = arith.constant 0 : i32
      %dma_wait3A_502 = tpu.memref_slice %arg24[%add3A_354, %dma_wait3A_501] : memref<10240x128xf32, #tpu.memory_space<vmem_shared>> -> memref<80x128xf32, #tpu.memory_space<vmem_shared>>
      %dma_wait3A_503 = arith.constant 0 : i32
      %dma_wait3A_504 = tpu.memref_slice %arg24[%add3A_354, %dma_wait3A_503] : memref<10240x128xf32, #tpu.memory_space<vmem_shared>> -> memref<80x128xf32, #tpu.memory_space<vmem_shared>>
      tpu.wait_dma2 semaphore(%run_scoped3A : memref<!tpu.dma_semaphore, #tpu.memory_space<semaphore_mem>>) src(%dma_wait3A_504 : memref<80x128xf32, #tpu.memory_space<vmem_shared>>) dst(%arg12 : memref<80x128xf32, #tpu.memory_space<vmem>>)
      tpu.yield
    }) : () -> ()
    %add3A_355 = arith.constant 0 : i32
    %add3A_356 = arith.addi %mul3A_8, %add3A_355 : i32
    %dma_start3A_357 = arith.constant 0 : i32
    %dma_start3A_358 = tpu.memref_slice %arg5[%arg0, %add3A_356, %dma_start3A_357] : memref<2x10240x128xf32, #tpu.memory_space<hbm>> -> memref<1x80x128xf32, #tpu.memory_space<hbm>>
    %dma_start3A_359 = tpu.memref_squeeze %dma_start3A_358 : memref<1x80x128xf32, #tpu.memory_space<hbm>> -> memref<80x128xf32, #tpu.memory_space<hbm>>
    %dma_start3A_360 = arith.constant 0 : i32
    %dma_start3A_361 = tpu.memref_slice %arg5[%arg0, %add3A_356, %dma_start3A_360] : memref<2x10240x128xf32, #tpu.memory_space<hbm>> -> memref<1x80x128xf32, #tpu.memory_space<hbm>>
    %dma_start3A_362 = tpu.memref_squeeze %dma_start3A_361 : memref<1x80x128xf32, #tpu.memory_space<hbm>> -> memref<80x128xf32, #tpu.memory_space<hbm>>
    tpu.enqueue_dma source(%arg12 : memref<80x128xf32, #tpu.memory_space<vmem>>) target(%dma_start3A_362 : memref<80x128xf32, #tpu.memory_space<hbm>>) target_semaphore(%arg18 : memref<!tpu.dma_semaphore, #tpu.memory_space<semaphore_mem>>)
    %add3A_363 = arith.constant 80 : i32
    %add3A_364 = arith.addi %mul3A_8, %add3A_363 : i32
    "tpu.region"() ({
      %run_scoped3A = tpu.sem_alloc : memref<!tpu.dma_semaphore, #tpu.memory_space<semaphore_mem>>
      %dma_start3A_497 = arith.constant 0 : i32
      %dma_start3A_498 = tpu.memref_slice %arg24[%add3A_364, %dma_start3A_497] : memref<10240x128xf32, #tpu.memory_space<vmem_shared>> -> memref<80x128xf32, #tpu.memory_space<vmem_shared>>
      %dma_start3A_499 = arith.constant 0 : i32
      %dma_start3A_500 = tpu.memref_slice %arg24[%add3A_364, %dma_start3A_499] : memref<10240x128xf32, #tpu.memory_space<vmem_shared>> -> memref<80x128xf32, #tpu.memory_space<vmem_shared>>
      tpu.enqueue_dma source(%dma_start3A_500 : memref<80x128xf32, #tpu.memory_space<vmem_shared>>) target(%arg13 : memref<80x128xf32, #tpu.memory_space<vmem>>) target_semaphore(%run_scoped3A : memref<!tpu.dma_semaphore, #tpu.memory_space<semaphore_mem>>)
      %dma_wait3A_501 = arith.constant 0 : i32
      %dma_wait3A_502 = tpu.memref_slice %arg24[%add3A_364, %dma_wait3A_501] : memref<10240x128xf32, #tpu.memory_space<vmem_shared>> -> memref<80x128xf32, #tpu.memory_space<vmem_shared>>
      %dma_wait3A_503 = arith.constant 0 : i32
      %dma_wait3A_504 = tpu.memref_slice %arg24[%add3A_364, %dma_wait3A_503] : memref<10240x128xf32, #tpu.memory_space<vmem_shared>> -> memref<80x128xf32, #tpu.memory_space<vmem_shared>>
      tpu.wait_dma2 semaphore(%run_scoped3A : memref<!tpu.dma_semaphore, #tpu.memory_space<semaphore_mem>>) src(%dma_wait3A_504 : memref<80x128xf32, #tpu.memory_space<vmem_shared>>) dst(%arg13 : memref<80x128xf32, #tpu.memory_space<vmem>>)
      tpu.yield
    }) : () -> ()
    %add3A_365 = arith.constant 80 : i32
    %add3A_366 = arith.addi %mul3A_8, %add3A_365 : i32
    %dma_start3A_367 = arith.constant 0 : i32
    %dma_start3A_368 = tpu.memref_slice %arg5[%arg0, %add3A_366, %dma_start3A_367] : memref<2x10240x128xf32, #tpu.memory_space<hbm>> -> memref<1x80x128xf32, #tpu.memory_space<hbm>>
    %dma_start3A_369 = tpu.memref_squeeze %dma_start3A_368 : memref<1x80x128xf32, #tpu.memory_space<hbm>> -> memref<80x128xf32, #tpu.memory_space<hbm>>
    %dma_start3A_370 = arith.constant 0 : i32
    %dma_start3A_371 = tpu.memref_slice %arg5[%arg0, %add3A_366, %dma_start3A_370] : memref<2x10240x128xf32, #tpu.memory_space<hbm>> -> memref<1x80x128xf32, #tpu.memory_space<hbm>>
    %dma_start3A_372 = tpu.memref_squeeze %dma_start3A_371 : memref<1x80x128xf32, #tpu.memory_space<hbm>> -> memref<80x128xf32, #tpu.memory_space<hbm>>
    tpu.enqueue_dma source(%arg13 : memref<80x128xf32, #tpu.memory_space<vmem>>) target(%dma_start3A_372 : memref<80x128xf32, #tpu.memory_space<hbm>>) target_semaphore(%arg19 : memref<!tpu.dma_semaphore, #tpu.memory_space<semaphore_mem>>)
    %add3A_373 = arith.constant 0 : i32
    %add3A_374 = arith.addi %mul3A_8, %add3A_373 : i32
    %dma_wait3A_375 = arith.constant 0 : i32
    %dma_wait3A_376 = tpu.memref_slice %arg5[%arg0, %add3A_374, %dma_wait3A_375] : memref<2x10240x128xf32, #tpu.memory_space<hbm>> -> memref<1x80x128xf32, #tpu.memory_space<hbm>>
    %dma_wait3A_377 = tpu.memref_squeeze %dma_wait3A_376 : memref<1x80x128xf32, #tpu.memory_space<hbm>> -> memref<80x128xf32, #tpu.memory_space<hbm>>
    %dma_wait3A_378 = arith.constant 0 : i32
    %dma_wait3A_379 = tpu.memref_slice %arg5[%arg0, %add3A_374, %dma_wait3A_378] : memref<2x10240x128xf32, #tpu.memory_space<hbm>> -> memref<1x80x128xf32, #tpu.memory_space<hbm>>
    %dma_wait3A_380 = tpu.memref_squeeze %dma_wait3A_379 : memref<1x80x128xf32, #tpu.memory_space<hbm>> -> memref<80x128xf32, #tpu.memory_space<hbm>>
    tpu.wait_dma2 semaphore(%arg18 : memref<!tpu.dma_semaphore, #tpu.memory_space<semaphore_mem>>) src(%arg12 : memref<80x128xf32, #tpu.memory_space<vmem>>) dst(%dma_wait3A_380 : memref<80x128xf32, #tpu.memory_space<hbm>>)
    %add3A_381 = arith.constant 160 : i32
    %add3A_382 = arith.addi %mul3A_8, %add3A_381 : i32
    "tpu.region"() ({
      %run_scoped3A = tpu.sem_alloc : memref<!tpu.dma_semaphore, #tpu.memory_space<semaphore_mem>>
      %dma_start3A_497 = arith.constant 0 : i32
      %dma_start3A_498 = tpu.memref_slice %arg24[%add3A_382, %dma_start3A_497] : memref<10240x128xf32, #tpu.memory_space<vmem_shared>> -> memref<80x128xf32, #tpu.memory_space<vmem_shared>>
      %dma_start3A_499 = arith.constant 0 : i32
      %dma_start3A_500 = tpu.memref_slice %arg24[%add3A_382, %dma_start3A_499] : memref<10240x128xf32, #tpu.memory_space<vmem_shared>> -> memref<80x128xf32, #tpu.memory_space<vmem_shared>>
      tpu.enqueue_dma source(%dma_start3A_500 : memref<80x128xf32, #tpu.memory_space<vmem_shared>>) target(%arg12 : memref<80x128xf32, #tpu.memory_space<vmem>>) target_semaphore(%run_scoped3A : memref<!tpu.dma_semaphore, #tpu.memory_space<semaphore_mem>>)
      %dma_wait3A_501 = arith.constant 0 : i32
      %dma_wait3A_502 = tpu.memref_slice %arg24[%add3A_382, %dma_wait3A_501] : memref<10240x128xf32, #tpu.memory_space<vmem_shared>> -> memref<80x128xf32, #tpu.memory_space<vmem_shared>>
      %dma_wait3A_503 = arith.constant 0 : i32
      %dma_wait3A_504 = tpu.memref_slice %arg24[%add3A_382, %dma_wait3A_503] : memref<10240x128xf32, #tpu.memory_space<vmem_shared>> -> memref<80x128xf32, #tpu.memory_space<vmem_shared>>
      tpu.wait_dma2 semaphore(%run_scoped3A : memref<!tpu.dma_semaphore, #tpu.memory_space<semaphore_mem>>) src(%dma_wait3A_504 : memref<80x128xf32, #tpu.memory_space<vmem_shared>>) dst(%arg12 : memref<80x128xf32, #tpu.memory_space<vmem>>)
      tpu.yield
    }) : () -> ()
    %add3A_383 = arith.constant 160 : i32
    %add3A_384 = arith.addi %mul3A_8, %add3A_383 : i32
    %dma_start3A_385 = arith.constant 0 : i32
    %dma_start3A_386 = tpu.memref_slice %arg5[%arg0, %add3A_384, %dma_start3A_385] : memref<2x10240x128xf32, #tpu.memory_space<hbm>> -> memref<1x80x128xf32, #tpu.memory_space<hbm>>
    %dma_start3A_387 = tpu.memref_squeeze %dma_start3A_386 : memref<1x80x128xf32, #tpu.memory_space<hbm>> -> memref<80x128xf32, #tpu.memory_space<hbm>>
    %dma_start3A_388 = arith.constant 0 : i32
    %dma_start3A_389 = tpu.memref_slice %arg5[%arg0, %add3A_384, %dma_start3A_388] : memref<2x10240x128xf32, #tpu.memory_space<hbm>> -> memref<1x80x128xf32, #tpu.memory_space<hbm>>
    %dma_start3A_390 = tpu.memref_squeeze %dma_start3A_389 : memref<1x80x128xf32, #tpu.memory_space<hbm>> -> memref<80x128xf32, #tpu.memory_space<hbm>>
    tpu.enqueue_dma source(%arg12 : memref<80x128xf32, #tpu.memory_space<vmem>>) target(%dma_start3A_390 : memref<80x128xf32, #tpu.memory_space<hbm>>) target_semaphore(%arg18 : memref<!tpu.dma_semaphore, #tpu.memory_space<semaphore_mem>>)
    %add3A_391 = arith.constant 80 : i32
    %add3A_392 = arith.addi %mul3A_8, %add3A_391 : i32
    %dma_wait3A_393 = arith.constant 0 : i32
    %dma_wait3A_394 = tpu.memref_slice %arg5[%arg0, %add3A_392, %dma_wait3A_393] : memref<2x10240x128xf32, #tpu.memory_space<hbm>> -> memref<1x80x128xf32, #tpu.memory_space<hbm>>
    %dma_wait3A_395 = tpu.memref_squeeze %dma_wait3A_394 : memref<1x80x128xf32, #tpu.memory_space<hbm>> -> memref<80x128xf32, #tpu.memory_space<hbm>>
    %dma_wait3A_396 = arith.constant 0 : i32
    %dma_wait3A_397 = tpu.memref_slice %arg5[%arg0, %add3A_392, %dma_wait3A_396] : memref<2x10240x128xf32, #tpu.memory_space<hbm>> -> memref<1x80x128xf32, #tpu.memory_space<hbm>>
    %dma_wait3A_398 = tpu.memref_squeeze %dma_wait3A_397 : memref<1x80x128xf32, #tpu.memory_space<hbm>> -> memref<80x128xf32, #tpu.memory_space<hbm>>
    tpu.wait_dma2 semaphore(%arg19 : memref<!tpu.dma_semaphore, #tpu.memory_space<semaphore_mem>>) src(%arg13 : memref<80x128xf32, #tpu.memory_space<vmem>>) dst(%dma_wait3A_398 : memref<80x128xf32, #tpu.memory_space<hbm>>)
    %add3A_399 = arith.constant 240 : i32
    %add3A_400 = arith.addi %mul3A_8, %add3A_399 : i32
    "tpu.region"() ({
      %run_scoped3A = tpu.sem_alloc : memref<!tpu.dma_semaphore, #tpu.memory_space<semaphore_mem>>
      %dma_start3A_497 = arith.constant 0 : i32
      %dma_start3A_498 = tpu.memref_slice %arg24[%add3A_400, %dma_start3A_497] : memref<10240x128xf32, #tpu.memory_space<vmem_shared>> -> memref<80x128xf32, #tpu.memory_space<vmem_shared>>
      %dma_start3A_499 = arith.constant 0 : i32
      %dma_start3A_500 = tpu.memref_slice %arg24[%add3A_400, %dma_start3A_499] : memref<10240x128xf32, #tpu.memory_space<vmem_shared>> -> memref<80x128xf32, #tpu.memory_space<vmem_shared>>
      tpu.enqueue_dma source(%dma_start3A_500 : memref<80x128xf32, #tpu.memory_space<vmem_shared>>) target(%arg13 : memref<80x128xf32, #tpu.memory_space<vmem>>) target_semaphore(%run_scoped3A : memref<!tpu.dma_semaphore, #tpu.memory_space<semaphore_mem>>)
      %dma_wait3A_501 = arith.constant 0 : i32
      %dma_wait3A_502 = tpu.memref_slice %arg24[%add3A_400, %dma_wait3A_501] : memref<10240x128xf32, #tpu.memory_space<vmem_shared>> -> memref<80x128xf32, #tpu.memory_space<vmem_shared>>
      %dma_wait3A_503 = arith.constant 0 : i32
      %dma_wait3A_504 = tpu.memref_slice %arg24[%add3A_400, %dma_wait3A_503] : memref<10240x128xf32, #tpu.memory_space<vmem_shared>> -> memref<80x128xf32, #tpu.memory_space<vmem_shared>>
      tpu.wait_dma2 semaphore(%run_scoped3A : memref<!tpu.dma_semaphore, #tpu.memory_space<semaphore_mem>>) src(%dma_wait3A_504 : memref<80x128xf32, #tpu.memory_space<vmem_shared>>) dst(%arg13 : memref<80x128xf32, #tpu.memory_space<vmem>>)
      tpu.yield
    }) : () -> ()
    %add3A_401 = arith.constant 240 : i32
    %add3A_402 = arith.addi %mul3A_8, %add3A_401 : i32
    %dma_start3A_403 = arith.constant 0 : i32
    %dma_start3A_404 = tpu.memref_slice %arg5[%arg0, %add3A_402, %dma_start3A_403] : memref<2x10240x128xf32, #tpu.memory_space<hbm>> -> memref<1x80x128xf32, #tpu.memory_space<hbm>>
    %dma_start3A_405 = tpu.memref_squeeze %dma_start3A_404 : memref<1x80x128xf32, #tpu.memory_space<hbm>> -> memref<80x128xf32, #tpu.memory_space<hbm>>
    %dma_start3A_406 = arith.constant 0 : i32
    %dma_start3A_407 = tpu.memref_slice %arg5[%arg0, %add3A_402, %dma_start3A_406] : memref<2x10240x128xf32, #tpu.memory_space<hbm>> -> memref<1x80x128xf32, #tpu.memory_space<hbm>>
    %dma_start3A_408 = tpu.memref_squeeze %dma_start3A_407 : memref<1x80x128xf32, #tpu.memory_space<hbm>> -> memref<80x128xf32, #tpu.memory_space<hbm>>
    tpu.enqueue_dma source(%arg13 : memref<80x128xf32, #tpu.memory_space<vmem>>) target(%dma_start3A_408 : memref<80x128xf32, #tpu.memory_space<hbm>>) target_semaphore(%arg19 : memref<!tpu.dma_semaphore, #tpu.memory_space<semaphore_mem>>)
    %add3A_409 = arith.constant 160 : i32
    %add3A_410 = arith.addi %mul3A_8, %add3A_409 : i32
    %dma_wait3A_411 = arith.constant 0 : i32
    %dma_wait3A_412 = tpu.memref_slice %arg5[%arg0, %add3A_410, %dma_wait3A_411] : memref<2x10240x128xf32, #tpu.memory_space<hbm>> -> memref<1x80x128xf32, #tpu.memory_space<hbm>>
    %dma_wait3A_413 = tpu.memref_squeeze %dma_wait3A_412 : memref<1x80x128xf32, #tpu.memory_space<hbm>> -> memref<80x128xf32, #tpu.memory_space<hbm>>
    %dma_wait3A_414 = arith.constant 0 : i32
    %dma_wait3A_415 = tpu.memref_slice %arg5[%arg0, %add3A_410, %dma_wait3A_414] : memref<2x10240x128xf32, #tpu.memory_space<hbm>> -> memref<1x80x128xf32, #tpu.memory_space<hbm>>
    %dma_wait3A_416 = tpu.memref_squeeze %dma_wait3A_415 : memref<1x80x128xf32, #tpu.memory_space<hbm>> -> memref<80x128xf32, #tpu.memory_space<hbm>>
    tpu.wait_dma2 semaphore(%arg18 : memref<!tpu.dma_semaphore, #tpu.memory_space<semaphore_mem>>) src(%arg12 : memref<80x128xf32, #tpu.memory_space<vmem>>) dst(%dma_wait3A_416 : memref<80x128xf32, #tpu.memory_space<hbm>>)
    %add3A_417 = arith.constant 320 : i32
    %add3A_418 = arith.addi %mul3A_8, %add3A_417 : i32
    "tpu.region"() ({
      %run_scoped3A = tpu.sem_alloc : memref<!tpu.dma_semaphore, #tpu.memory_space<semaphore_mem>>
      %dma_start3A_497 = arith.constant 0 : i32
      %dma_start3A_498 = tpu.memref_slice %arg24[%add3A_418, %dma_start3A_497] : memref<10240x128xf32, #tpu.memory_space<vmem_shared>> -> memref<80x128xf32, #tpu.memory_space<vmem_shared>>
      %dma_start3A_499 = arith.constant 0 : i32
      %dma_start3A_500 = tpu.memref_slice %arg24[%add3A_418, %dma_start3A_499] : memref<10240x128xf32, #tpu.memory_space<vmem_shared>> -> memref<80x128xf32, #tpu.memory_space<vmem_shared>>
      tpu.enqueue_dma source(%dma_start3A_500 : memref<80x128xf32, #tpu.memory_space<vmem_shared>>) target(%arg12 : memref<80x128xf32, #tpu.memory_space<vmem>>) target_semaphore(%run_scoped3A : memref<!tpu.dma_semaphore, #tpu.memory_space<semaphore_mem>>)
      %dma_wait3A_501 = arith.constant 0 : i32
      %dma_wait3A_502 = tpu.memref_slice %arg24[%add3A_418, %dma_wait3A_501] : memref<10240x128xf32, #tpu.memory_space<vmem_shared>> -> memref<80x128xf32, #tpu.memory_space<vmem_shared>>
      %dma_wait3A_503 = arith.constant 0 : i32
      %dma_wait3A_504 = tpu.memref_slice %arg24[%add3A_418, %dma_wait3A_503] : memref<10240x128xf32, #tpu.memory_space<vmem_shared>> -> memref<80x128xf32, #tpu.memory_space<vmem_shared>>
      tpu.wait_dma2 semaphore(%run_scoped3A : memref<!tpu.dma_semaphore, #tpu.memory_space<semaphore_mem>>) src(%dma_wait3A_504 : memref<80x128xf32, #tpu.memory_space<vmem_shared>>) dst(%arg12 : memref<80x128xf32, #tpu.memory_space<vmem>>)
      tpu.yield
    }) : () -> ()
    %add3A_419 = arith.constant 320 : i32
    %add3A_420 = arith.addi %mul3A_8, %add3A_419 : i32
    %dma_start3A_421 = arith.constant 0 : i32
    %dma_start3A_422 = tpu.memref_slice %arg5[%arg0, %add3A_420, %dma_start3A_421] : memref<2x10240x128xf32, #tpu.memory_space<hbm>> -> memref<1x80x128xf32, #tpu.memory_space<hbm>>
    %dma_start3A_423 = tpu.memref_squeeze %dma_start3A_422 : memref<1x80x128xf32, #tpu.memory_space<hbm>> -> memref<80x128xf32, #tpu.memory_space<hbm>>
    %dma_start3A_424 = arith.constant 0 : i32
    %dma_start3A_425 = tpu.memref_slice %arg5[%arg0, %add3A_420, %dma_start3A_424] : memref<2x10240x128xf32, #tpu.memory_space<hbm>> -> memref<1x80x128xf32, #tpu.memory_space<hbm>>
    %dma_start3A_426 = tpu.memref_squeeze %dma_start3A_425 : memref<1x80x128xf32, #tpu.memory_space<hbm>> -> memref<80x128xf32, #tpu.memory_space<hbm>>
    tpu.enqueue_dma source(%arg12 : memref<80x128xf32, #tpu.memory_space<vmem>>) target(%dma_start3A_426 : memref<80x128xf32, #tpu.memory_space<hbm>>) target_semaphore(%arg18 : memref<!tpu.dma_semaphore, #tpu.memory_space<semaphore_mem>>)
    %add3A_427 = arith.constant 240 : i32
    %add3A_428 = arith.addi %mul3A_8, %add3A_427 : i32
    %dma_wait3A_429 = arith.constant 0 : i32
    %dma_wait3A_430 = tpu.memref_slice %arg5[%arg0, %add3A_428, %dma_wait3A_429] : memref<2x10240x128xf32, #tpu.memory_space<hbm>> -> memref<1x80x128xf32, #tpu.memory_space<hbm>>
    %dma_wait3A_431 = tpu.memref_squeeze %dma_wait3A_430 : memref<1x80x128xf32, #tpu.memory_space<hbm>> -> memref<80x128xf32, #tpu.memory_space<hbm>>
    %dma_wait3A_432 = arith.constant 0 : i32
    %dma_wait3A_433 = tpu.memref_slice %arg5[%arg0, %add3A_428, %dma_wait3A_432] : memref<2x10240x128xf32, #tpu.memory_space<hbm>> -> memref<1x80x128xf32, #tpu.memory_space<hbm>>
    %dma_wait3A_434 = tpu.memref_squeeze %dma_wait3A_433 : memref<1x80x128xf32, #tpu.memory_space<hbm>> -> memref<80x128xf32, #tpu.memory_space<hbm>>
    tpu.wait_dma2 semaphore(%arg19 : memref<!tpu.dma_semaphore, #tpu.memory_space<semaphore_mem>>) src(%arg13 : memref<80x128xf32, #tpu.memory_space<vmem>>) dst(%dma_wait3A_434 : memref<80x128xf32, #tpu.memory_space<hbm>>)
    %add3A_435 = arith.constant 400 : i32
    %add3A_436 = arith.addi %mul3A_8, %add3A_435 : i32
    "tpu.region"() ({
      %run_scoped3A = tpu.sem_alloc : memref<!tpu.dma_semaphore, #tpu.memory_space<semaphore_mem>>
      %dma_start3A_497 = arith.constant 0 : i32
      %dma_start3A_498 = tpu.memref_slice %arg24[%add3A_436, %dma_start3A_497] : memref<10240x128xf32, #tpu.memory_space<vmem_shared>> -> memref<80x128xf32, #tpu.memory_space<vmem_shared>>
      %dma_start3A_499 = arith.constant 0 : i32
      %dma_start3A_500 = tpu.memref_slice %arg24[%add3A_436, %dma_start3A_499] : memref<10240x128xf32, #tpu.memory_space<vmem_shared>> -> memref<80x128xf32, #tpu.memory_space<vmem_shared>>
      tpu.enqueue_dma source(%dma_start3A_500 : memref<80x128xf32, #tpu.memory_space<vmem_shared>>) target(%arg13 : memref<80x128xf32, #tpu.memory_space<vmem>>) target_semaphore(%run_scoped3A : memref<!tpu.dma_semaphore, #tpu.memory_space<semaphore_mem>>)
      %dma_wait3A_501 = arith.constant 0 : i32
      %dma_wait3A_502 = tpu.memref_slice %arg24[%add3A_436, %dma_wait3A_501] : memref<10240x128xf32, #tpu.memory_space<vmem_shared>> -> memref<80x128xf32, #tpu.memory_space<vmem_shared>>
      %dma_wait3A_503 = arith.constant 0 : i32
      %dma_wait3A_504 = tpu.memref_slice %arg24[%add3A_436, %dma_wait3A_503] : memref<10240x128xf32, #tpu.memory_space<vmem_shared>> -> memref<80x128xf32, #tpu.memory_space<vmem_shared>>
      tpu.wait_dma2 semaphore(%run_scoped3A : memref<!tpu.dma_semaphore, #tpu.memory_space<semaphore_mem>>) src(%dma_wait3A_504 : memref<80x128xf32, #tpu.memory_space<vmem_shared>>) dst(%arg13 : memref<80x128xf32, #tpu.memory_space<vmem>>)
      tpu.yield
    }) : () -> ()
    %add3A_437 = arith.constant 400 : i32
    %add3A_438 = arith.addi %mul3A_8, %add3A_437 : i32
    %dma_start3A_439 = arith.constant 0 : i32
    %dma_start3A_440 = tpu.memref_slice %arg5[%arg0, %add3A_438, %dma_start3A_439] : memref<2x10240x128xf32, #tpu.memory_space<hbm>> -> memref<1x80x128xf32, #tpu.memory_space<hbm>>
    %dma_start3A_441 = tpu.memref_squeeze %dma_start3A_440 : memref<1x80x128xf32, #tpu.memory_space<hbm>> -> memref<80x128xf32, #tpu.memory_space<hbm>>
    %dma_start3A_442 = arith.constant 0 : i32
    %dma_start3A_443 = tpu.memref_slice %arg5[%arg0, %add3A_438, %dma_start3A_442] : memref<2x10240x128xf32, #tpu.memory_space<hbm>> -> memref<1x80x128xf32, #tpu.memory_space<hbm>>
    %dma_start3A_444 = tpu.memref_squeeze %dma_start3A_443 : memref<1x80x128xf32, #tpu.memory_space<hbm>> -> memref<80x128xf32, #tpu.memory_space<hbm>>
    tpu.enqueue_dma source(%arg13 : memref<80x128xf32, #tpu.memory_space<vmem>>) target(%dma_start3A_444 : memref<80x128xf32, #tpu.memory_space<hbm>>) target_semaphore(%arg19 : memref<!tpu.dma_semaphore, #tpu.memory_space<semaphore_mem>>)
    %add3A_445 = arith.constant 320 : i32
    %add3A_446 = arith.addi %mul3A_8, %add3A_445 : i32
    %dma_wait3A_447 = arith.constant 0 : i32
    %dma_wait3A_448 = tpu.memref_slice %arg5[%arg0, %add3A_446, %dma_wait3A_447] : memref<2x10240x128xf32, #tpu.memory_space<hbm>> -> memref<1x80x128xf32, #tpu.memory_space<hbm>>
    %dma_wait3A_449 = tpu.memref_squeeze %dma_wait3A_448 : memref<1x80x128xf32, #tpu.memory_space<hbm>> -> memref<80x128xf32, #tpu.memory_space<hbm>>
    %dma_wait3A_450 = arith.constant 0 : i32
    %dma_wait3A_451 = tpu.memref_slice %arg5[%arg0, %add3A_446, %dma_wait3A_450] : memref<2x10240x128xf32, #tpu.memory_space<hbm>> -> memref<1x80x128xf32, #tpu.memory_space<hbm>>
    %dma_wait3A_452 = tpu.memref_squeeze %dma_wait3A_451 : memref<1x80x128xf32, #tpu.memory_space<hbm>> -> memref<80x128xf32, #tpu.memory_space<hbm>>
    tpu.wait_dma2 semaphore(%arg18 : memref<!tpu.dma_semaphore, #tpu.memory_space<semaphore_mem>>) src(%arg12 : memref<80x128xf32, #tpu.memory_space<vmem>>) dst(%dma_wait3A_452 : memref<80x128xf32, #tpu.memory_space<hbm>>)
    %add3A_453 = arith.constant 480 : i32
    %add3A_454 = arith.addi %mul3A_8, %add3A_453 : i32
    "tpu.region"() ({
      %run_scoped3A = tpu.sem_alloc : memref<!tpu.dma_semaphore, #tpu.memory_space<semaphore_mem>>
      %dma_start3A_497 = arith.constant 0 : i32
      %dma_start3A_498 = tpu.memref_slice %arg24[%add3A_454, %dma_start3A_497] : memref<10240x128xf32, #tpu.memory_space<vmem_shared>> -> memref<80x128xf32, #tpu.memory_space<vmem_shared>>
      %dma_start3A_499 = arith.constant 0 : i32
      %dma_start3A_500 = tpu.memref_slice %arg24[%add3A_454, %dma_start3A_499] : memref<10240x128xf32, #tpu.memory_space<vmem_shared>> -> memref<80x128xf32, #tpu.memory_space<vmem_shared>>
      tpu.enqueue_dma source(%dma_start3A_500 : memref<80x128xf32, #tpu.memory_space<vmem_shared>>) target(%arg12 : memref<80x128xf32, #tpu.memory_space<vmem>>) target_semaphore(%run_scoped3A : memref<!tpu.dma_semaphore, #tpu.memory_space<semaphore_mem>>)
      %dma_wait3A_501 = arith.constant 0 : i32
      %dma_wait3A_502 = tpu.memref_slice %arg24[%add3A_454, %dma_wait3A_501] : memref<10240x128xf32, #tpu.memory_space<vmem_shared>> -> memref<80x128xf32, #tpu.memory_space<vmem_shared>>
      %dma_wait3A_503 = arith.constant 0 : i32
      %dma_wait3A_504 = tpu.memref_slice %arg24[%add3A_454, %dma_wait3A_503] : memref<10240x128xf32, #tpu.memory_space<vmem_shared>> -> memref<80x128xf32, #tpu.memory_space<vmem_shared>>
      tpu.wait_dma2 semaphore(%run_scoped3A : memref<!tpu.dma_semaphore, #tpu.memory_space<semaphore_mem>>) src(%dma_wait3A_504 : memref<80x128xf32, #tpu.memory_space<vmem_shared>>) dst(%arg12 : memref<80x128xf32, #tpu.memory_space<vmem>>)
      tpu.yield
    }) : () -> ()
    %add3A_455 = arith.constant 480 : i32
    %add3A_456 = arith.addi %mul3A_8, %add3A_455 : i32
    %dma_start3A_457 = arith.constant 0 : i32
    %dma_start3A_458 = tpu.memref_slice %arg5[%arg0, %add3A_456, %dma_start3A_457] : memref<2x10240x128xf32, #tpu.memory_space<hbm>> -> memref<1x80x128xf32, #tpu.memory_space<hbm>>
    %dma_start3A_459 = tpu.memref_squeeze %dma_start3A_458 : memref<1x80x128xf32, #tpu.memory_space<hbm>> -> memref<80x128xf32, #tpu.memory_space<hbm>>
    %dma_start3A_460 = arith.constant 0 : i32
    %dma_start3A_461 = tpu.memref_slice %arg5[%arg0, %add3A_456, %dma_start3A_460] : memref<2x10240x128xf32, #tpu.memory_space<hbm>> -> memref<1x80x128xf32, #tpu.memory_space<hbm>>
    %dma_start3A_462 = tpu.memref_squeeze %dma_start3A_461 : memref<1x80x128xf32, #tpu.memory_space<hbm>> -> memref<80x128xf32, #tpu.memory_space<hbm>>
    tpu.enqueue_dma source(%arg12 : memref<80x128xf32, #tpu.memory_space<vmem>>) target(%dma_start3A_462 : memref<80x128xf32, #tpu.memory_space<hbm>>) target_semaphore(%arg18 : memref<!tpu.dma_semaphore, #tpu.memory_space<semaphore_mem>>)
    %add3A_463 = arith.constant 400 : i32
    %add3A_464 = arith.addi %mul3A_8, %add3A_463 : i32
    %dma_wait3A_465 = arith.constant 0 : i32
    %dma_wait3A_466 = tpu.memref_slice %arg5[%arg0, %add3A_464, %dma_wait3A_465] : memref<2x10240x128xf32, #tpu.memory_space<hbm>> -> memref<1x80x128xf32, #tpu.memory_space<hbm>>
    %dma_wait3A_467 = tpu.memref_squeeze %dma_wait3A_466 : memref<1x80x128xf32, #tpu.memory_space<hbm>> -> memref<80x128xf32, #tpu.memory_space<hbm>>
    %dma_wait3A_468 = arith.constant 0 : i32
    %dma_wait3A_469 = tpu.memref_slice %arg5[%arg0, %add3A_464, %dma_wait3A_468] : memref<2x10240x128xf32, #tpu.memory_space<hbm>> -> memref<1x80x128xf32, #tpu.memory_space<hbm>>
    %dma_wait3A_470 = tpu.memref_squeeze %dma_wait3A_469 : memref<1x80x128xf32, #tpu.memory_space<hbm>> -> memref<80x128xf32, #tpu.memory_space<hbm>>
    tpu.wait_dma2 semaphore(%arg19 : memref<!tpu.dma_semaphore, #tpu.memory_space<semaphore_mem>>) src(%arg13 : memref<80x128xf32, #tpu.memory_space<vmem>>) dst(%dma_wait3A_470 : memref<80x128xf32, #tpu.memory_space<hbm>>)
    %add3A_471 = arith.constant 560 : i32
    %add3A_472 = arith.addi %mul3A_8, %add3A_471 : i32
    "tpu.region"() ({
      %run_scoped3A = tpu.sem_alloc : memref<!tpu.dma_semaphore, #tpu.memory_space<semaphore_mem>>
      %dma_start3A_497 = arith.constant 0 : i32
      %dma_start3A_498 = tpu.memref_slice %arg24[%add3A_472, %dma_start3A_497] : memref<10240x128xf32, #tpu.memory_space<vmem_shared>> -> memref<80x128xf32, #tpu.memory_space<vmem_shared>>
      %dma_start3A_499 = arith.constant 0 : i32
      %dma_start3A_500 = tpu.memref_slice %arg24[%add3A_472, %dma_start3A_499] : memref<10240x128xf32, #tpu.memory_space<vmem_shared>> -> memref<80x128xf32, #tpu.memory_space<vmem_shared>>
      tpu.enqueue_dma source(%dma_start3A_500 : memref<80x128xf32, #tpu.memory_space<vmem_shared>>) target(%arg13 : memref<80x128xf32, #tpu.memory_space<vmem>>) target_semaphore(%run_scoped3A : memref<!tpu.dma_semaphore, #tpu.memory_space<semaphore_mem>>)
      %dma_wait3A_501 = arith.constant 0 : i32
      %dma_wait3A_502 = tpu.memref_slice %arg24[%add3A_472, %dma_wait3A_501] : memref<10240x128xf32, #tpu.memory_space<vmem_shared>> -> memref<80x128xf32, #tpu.memory_space<vmem_shared>>
      %dma_wait3A_503 = arith.constant 0 : i32
      %dma_wait3A_504 = tpu.memref_slice %arg24[%add3A_472, %dma_wait3A_503] : memref<10240x128xf32, #tpu.memory_space<vmem_shared>> -> memref<80x128xf32, #tpu.memory_space<vmem_shared>>
      tpu.wait_dma2 semaphore(%run_scoped3A : memref<!tpu.dma_semaphore, #tpu.memory_space<semaphore_mem>>) src(%dma_wait3A_504 : memref<80x128xf32, #tpu.memory_space<vmem_shared>>) dst(%arg13 : memref<80x128xf32, #tpu.memory_space<vmem>>)
      tpu.yield
    }) : () -> ()
    %add3A_473 = arith.constant 560 : i32
    %add3A_474 = arith.addi %mul3A_8, %add3A_473 : i32
    %dma_start3A_475 = arith.constant 0 : i32
    %dma_start3A_476 = tpu.memref_slice %arg5[%arg0, %add3A_474, %dma_start3A_475] : memref<2x10240x128xf32, #tpu.memory_space<hbm>> -> memref<1x80x128xf32, #tpu.memory_space<hbm>>
    %dma_start3A_477 = tpu.memref_squeeze %dma_start3A_476 : memref<1x80x128xf32, #tpu.memory_space<hbm>> -> memref<80x128xf32, #tpu.memory_space<hbm>>
    %dma_start3A_478 = arith.constant 0 : i32
    %dma_start3A_479 = tpu.memref_slice %arg5[%arg0, %add3A_474, %dma_start3A_478] : memref<2x10240x128xf32, #tpu.memory_space<hbm>> -> memref<1x80x128xf32, #tpu.memory_space<hbm>>
    %dma_start3A_480 = tpu.memref_squeeze %dma_start3A_479 : memref<1x80x128xf32, #tpu.memory_space<hbm>> -> memref<80x128xf32, #tpu.memory_space<hbm>>
    tpu.enqueue_dma source(%arg13 : memref<80x128xf32, #tpu.memory_space<vmem>>) target(%dma_start3A_480 : memref<80x128xf32, #tpu.memory_space<hbm>>) target_semaphore(%arg19 : memref<!tpu.dma_semaphore, #tpu.memory_space<semaphore_mem>>)
    %add3A_481 = arith.constant 480 : i32
    %add3A_482 = arith.addi %mul3A_8, %add3A_481 : i32
    %dma_wait3A_483 = arith.constant 0 : i32
    %dma_wait3A_484 = tpu.memref_slice %arg5[%arg0, %add3A_482, %dma_wait3A_483] : memref<2x10240x128xf32, #tpu.memory_space<hbm>> -> memref<1x80x128xf32, #tpu.memory_space<hbm>>
    %dma_wait3A_485 = tpu.memref_squeeze %dma_wait3A_484 : memref<1x80x128xf32, #tpu.memory_space<hbm>> -> memref<80x128xf32, #tpu.memory_space<hbm>>
    %dma_wait3A_486 = arith.constant 0 : i32
    %dma_wait3A_487 = tpu.memref_slice %arg5[%arg0, %add3A_482, %dma_wait3A_486] : memref<2x10240x128xf32, #tpu.memory_space<hbm>> -> memref<1x80x128xf32, #tpu.memory_space<hbm>>
    %dma_wait3A_488 = tpu.memref_squeeze %dma_wait3A_487 : memref<1x80x128xf32, #tpu.memory_space<hbm>> -> memref<80x128xf32, #tpu.memory_space<hbm>>
    tpu.wait_dma2 semaphore(%arg18 : memref<!tpu.dma_semaphore, #tpu.memory_space<semaphore_mem>>) src(%arg12 : memref<80x128xf32, #tpu.memory_space<vmem>>) dst(%dma_wait3A_488 : memref<80x128xf32, #tpu.memory_space<hbm>>)
    %add3A_489 = arith.constant 560 : i32
    %add3A_490 = arith.addi %mul3A_8, %add3A_489 : i32
    %dma_wait3A_491 = arith.constant 0 : i32
    %dma_wait3A_492 = tpu.memref_slice %arg5[%arg0, %add3A_490, %dma_wait3A_491] : memref<2x10240x128xf32, #tpu.memory_space<hbm>> -> memref<1x80x128xf32, #tpu.memory_space<hbm>>
    %dma_wait3A_493 = tpu.memref_squeeze %dma_wait3A_492 : memref<1x80x128xf32, #tpu.memory_space<hbm>> -> memref<80x128xf32, #tpu.memory_space<hbm>>
    %dma_wait3A_494 = arith.constant 0 : i32
    %dma_wait3A_495 = tpu.memref_slice %arg5[%arg0, %add3A_490, %dma_wait3A_494] : memref<2x10240x128xf32, #tpu.memory_space<hbm>> -> memref<1x80x128xf32, #tpu.memory_space<hbm>>
    %dma_wait3A_496 = tpu.memref_squeeze %dma_wait3A_495 : memref<1x80x128xf32, #tpu.memory_space<hbm>> -> memref<80x128xf32, #tpu.memory_space<hbm>>
    tpu.wait_dma2 semaphore(%arg19 : memref<!tpu.dma_semaphore, #tpu.memory_space<semaphore_mem>>) src(%arg13 : memref<80x128xf32, #tpu.memory_space<vmem>>) dst(%dma_wait3A_496 : memref<80x128xf32, #tpu.memory_space<hbm>>)
    return
  }
}

#map = affine_map<(d0, d1) -> (0, 0)>
#map1 = affine_map<(d0, d1) -> (0, 0, 0)>
module attributes {stable_mosaic.version = 14 : i64} {
  func.func @_propagate(%arg0: i32, %arg1: i32, %arg2: memref<10000x128xf32, #tpu.memory_space<hbm>>, %arg3: memref<32x125x80xi32, #tpu.memory_space<hbm>>, %arg4: memref<32x125x80xi32, #tpu.memory_space<hbm>>, %arg5: memref<2x10240x128xf32, #tpu.memory_space<hbm>>, %arg6: memref<1x80xi32, #tpu.memory_space<vmem>>, %arg7: memref<1x80xi32, #tpu.memory_space<vmem>>, %arg8: memref<1x80xi32, #tpu.memory_space<vmem>>, %arg9: memref<1x80xi32, #tpu.memory_space<vmem>>, %arg10: memref<1x80xi32, #tpu.memory_space<vmem>>, %arg11: memref<1x80xi32, #tpu.memory_space<vmem>>, %arg12: memref<80x128xf32, #tpu.memory_space<vmem>>, %arg13: memref<80x128xf32, #tpu.memory_space<vmem>>, %arg14: memref<80x128xf32, #tpu.memory_space<vmem>>, %arg15: memref<!tpu.dma_semaphore, #tpu.memory_space<semaphore_mem>>, %arg16: memref<!tpu.dma_semaphore, #tpu.memory_space<semaphore_mem>>, %arg17: memref<!tpu.dma_semaphore, #tpu.memory_space<semaphore_mem>>, %arg18: memref<!tpu.dma_semaphore, #tpu.memory_space<semaphore_mem>>, %arg19: memref<!tpu.dma_semaphore, #tpu.memory_space<semaphore_mem>>, %arg20: memref<!tpu.dma_semaphore, #tpu.memory_space<semaphore_mem>>, %arg21: memref<!tpu.dma_semaphore, #tpu.memory_space<semaphore_mem>>, %arg22: memref<!tpu.dma_semaphore, #tpu.memory_space<semaphore_mem>>, %arg23: memref<!tpu.dma_semaphore, #tpu.memory_space<semaphore_mem>>, %arg24: memref<10240x128xf32, #tpu.memory_space<vmem_shared>>) attributes {dimension_semantics = [#tpu.dimension_semantics<core_parallel>, #tpu.dimension_semantics<subcore_parallel>], iteration_bounds = array<i64: 2, 16>, scalar_prefetch = 0 : i64, scratch_operands = 19 : i64, tpu.core_type = #tpu.core_type<sc_vector_subcore>, window_params = [{transform_indices = #map}, {transform_indices = #map1}, {transform_indices = #map1}, {transform_indices = #map1}]} {
    %mul3A = arith.constant 16 : i32
    %mul3A_0 = arith.muli %arg0, %mul3A : i32
    %add3A = arith.addi %mul3A_0, %arg1 : i32
    %scan3A = arith.constant 0 : i32
    %scan3A_1 = arith.constant 0 : i32
    %scan3A_2 = arith.constant 640 : i32
    %scan3A_3 = arith.addi %scan3A_1, %scan3A_2 : i32
    %scan3A_4 = arith.constant 1 : i32
    %scan3A_5 = scf.for %scan3A_497 = %scan3A_1 to %scan3A_3 step %scan3A_4 iter_args(%scan3A_498 = %scan3A) -> (i32)  : i32 {
      %broadcast_in_dim3A = arith.constant 0.000000e+00 : f32
      %broadcast_in_dim3A_499 = vector.broadcast %broadcast_in_dim3A : f32 to vector<16xf32>
      %jit3A = arith.constant 8 : i32
      %div3A = arith.divsi %scan3A_497, %jit3A : i32
      %sign3A = arith.constant 0 : i32
      %sign3A_500 = arith.cmpi sgt, %scan3A_497, %sign3A : i32
      %sign3A_501 = arith.extui %sign3A_500 : i1 to i32
      %sign3A_502 = arith.constant 0 : i32
      %sign3A_503 = arith.cmpi slt, %scan3A_497, %sign3A_502 : i32
      %sign3A_504 = arith.extui %sign3A_503 : i1 to i32
      %sign3A_505 = arith.subi %sign3A_501, %sign3A_504 : i32
      %sign3A_506 = arith.constant 0 : i32
      %sign3A_507 = arith.cmpi sgt, %jit3A, %sign3A_506 : i32
      %sign3A_508 = arith.extui %sign3A_507 : i1 to i32
      %sign3A_509 = arith.constant 0 : i32
      %sign3A_510 = arith.cmpi slt, %jit3A, %sign3A_509 : i32
      %sign3A_511 = arith.extui %sign3A_510 : i1 to i32
      %sign3A_512 = arith.subi %sign3A_508, %sign3A_511 : i32
      %ne3A = arith.cmpi ne, %sign3A_505, %sign3A_512 : i32
      %rem3A = arith.remsi %scan3A_497, %jit3A : i32
      %ne3A_513 = arith.constant 0 : i32
      %ne3A_514 = arith.cmpi ne, %rem3A, %ne3A_513 : i32
      %and3A = arith.andi %ne3A, %ne3A_514 : i1
      %sub3A = arith.constant 1 : i32
      %sub3A_515 = arith.subi %div3A, %sub3A : i32
      %select_n3A = arith.select %and3A, %sub3A_515, %div3A : i32
      %jit3A_516 = arith.constant 8 : i32
      %eq3A = arith.constant 0 : i32
      %eq3A_517 = arith.cmpi eq, %jit3A_516, %eq3A : i32
      %jit3A_518 = arith.constant 1 : i32
      %select_n3A_519 = arith.select %eq3A_517, %jit3A_518, %jit3A_516 : i32
      %rem3A_520 = arith.remsi %scan3A_497, %select_n3A_519 : i32
      %ne3A_521 = arith.constant 0 : i32
      %ne3A_522 = arith.cmpi ne, %rem3A_520, %ne3A_521 : i32
      %lt3A = arith.constant 0 : i32
      %lt3A_523 = arith.cmpi slt, %rem3A_520, %lt3A : i32
      %lt3A_524 = arith.constant 0 : i32
      %lt3A_525 = arith.cmpi slt, %select_n3A_519, %lt3A_524 : i32
      %ne3A_526 = arith.xori %lt3A_523, %lt3A_525 : i1
      %and3A_527 = arith.andi %ne3A_526, %ne3A_522 : i1
      %add3A_528 = arith.addi %rem3A_520, %select_n3A_519 : i32
      %select_n3A_529 = arith.select %and3A_527, %add3A_528, %rem3A_520 : i32
      %mul3A_530 = arith.constant 16 : i32
      %mul3A_531 = arith.muli %select_n3A_529, %mul3A_530 : i32
      %swap3A = arith.index_cast %select_n3A : i32 to index
      %swap3A_532 = arith.index_cast %mul3A_531 : i32 to index
      %swap3A_533 = tpu.vector_load %arg12[%swap3A, %swap3A_532] {strides = array<i32>} : memref<80x128xf32, #tpu.memory_space<vmem>>, vector<1x16xf32>,
      %swap3A_534 = vector.shape_cast %swap3A_533 : vector<1x16xf32> to vector<16xf32>
      %swap3A_535 = vector.shape_cast %broadcast_in_dim3A_499 : vector<16xf32> to vector<1x16xf32>
      tpu.vector_store %arg12[%swap3A, %swap3A_532], %swap3A_535 {strides = array<i32>} : memref<80x128xf32, #tpu.memory_space<vmem>>, vector<1x16xf32>,
      %scan3A_536 = arith.constant 0 : i32
      scf.yield %scan3A_536 : i32
    }
    %scan3A_6 = arith.constant 640 : i32
    %mul3A_7 = arith.constant 640 : i32
    %mul3A_8 = arith.muli %arg1, %mul3A_7 : i32
    %add3A_9 = arith.constant 0 : i32
    %add3A_10 = arith.addi %mul3A_8, %add3A_9 : i32
    %dma_start3A = arith.constant 0 : i32
    %dma_start3A_11 = tpu.memref_slice %arg24[%add3A_10, %dma_start3A] : memref<10240x128xf32, #tpu.memory_space<vmem_shared>> -> memref<80x128xf32, #tpu.memory_space<vmem_shared>>
    %dma_start3A_12 = arith.constant 0 : i32
    %dma_start3A_13 = tpu.memref_slice %arg24[%add3A_10, %dma_start3A_12] : memref<10240x128xf32, #tpu.memory_space<vmem_shared>> -> memref<80x128xf32, #tpu.memory_space<vmem_shared>>
    tpu.enqueue_dma source(%arg12 : memref<80x128xf32, #tpu.memory_space<vmem>>) target(%dma_start3A_13 : memref<80x128xf32, #tpu.memory_space<vmem_shared>>) target_semaphore(%arg15 : memref<!tpu.dma_semaphore, #tpu.memory_space<semaphore_mem>>)
    %add3A_14 = arith.constant 80 : i32
    %add3A_15 = arith.addi %mul3A_8, %add3A_14 : i32
    %dma_start3A_16 = arith.constant 0 : i32
    %dma_start3A_17 = tpu.memref_slice %arg24[%add3A_15, %dma_start3A_16] : memref<10240x128xf32, #tpu.memory_space<vmem_shared>> -> memref<80x128xf32, #tpu.memory_space<vmem_shared>>
    %dma_start3A_18 = arith.constant 0 : i32
    %dma_start3A_19 = tpu.memref_slice %arg24[%add3A_15, %dma_start3A_18] : memref<10240x128xf32, #tpu.memory_space<vmem_shared>> -> memref<80x128xf32, #tpu.memory_space<vmem_shared>>
    tpu.enqueue_dma source(%arg12 : memref<80x128xf32, #tpu.memory_space<vmem>>) target(%dma_start3A_19 : memref<80x128xf32, #tpu.memory_space<vmem_shared>>) target_semaphore(%arg15 : memref<!tpu.dma_semaphore, #tpu.memory_space<semaphore_mem>>)
    %add3A_20 = arith.constant 160 : i32
    %add3A_21 = arith.addi %mul3A_8, %add3A_20 : i32
    %dma_start3A_22 = arith.constant 0 : i32
    %dma_start3A_23 = tpu.memref_slice %arg24[%add3A_21, %dma_start3A_22] : memref<10240x128xf32, #tpu.memory_space<vmem_shared>> -> memref<80x128xf32, #tpu.memory_space<vmem_shared>>
    %dma_start3A_24 = arith.constant 0 : i32
    %dma_start3A_25 = tpu.memref_slice %arg24[%add3A_21, %dma_start3A_24] : memref<10240x128xf32, #tpu.memory_space<vmem_shared>> -> memref<80x128xf32, #tpu.memory_space<vmem_shared>>
    tpu.enqueue_dma source(%arg12 : memref<80x128xf32, #tpu.memory_space<vmem>>) target(%dma_start3A_25 : memref<80x128xf32, #tpu.memory_space<vmem_shared>>) target_semaphore(%arg15 : memref<!tpu.dma_semaphore, #tpu.memory_space<semaphore_mem>>)
    %add3A_26 = arith.constant 240 : i32
    %add3A_27 = arith.addi %mul3A_8, %add3A_26 : i32
    %dma_start3A_28 = arith.constant 0 : i32
    %dma_start3A_29 = tpu.memref_slice %arg24[%add3A_27, %dma_start3A_28] : memref<10240x128xf32, #tpu.memory_space<vmem_shared>> -> memref<80x128xf32, #tpu.memory_space<vmem_shared>>
    %dma_start3A_30 = arith.constant 0 : i32
    %dma_start3A_31 = tpu.memref_slice %arg24[%add3A_27, %dma_start3A_30] : memref<10240x128xf32, #tpu.memory_space<vmem_shared>> -> memref<80x128xf32, #tpu.memory_space<vmem_shared>>
    tpu.enqueue_dma source(%arg12 : memref<80x128xf32, #tpu.memory_space<vmem>>) target(%dma_start3A_31 : memref<80x128xf32, #tpu.memory_space<vmem_shared>>) target_semaphore(%arg15 : memref<!tpu.dma_semaphore, #tpu.memory_space<semaphore_mem>>)
    %add3A_32 = arith.constant 320 : i32
    %add3A_33 = arith.addi %mul3A_8, %add3A_32 : i32
    %dma_start3A_34 = arith.constant 0 : i32
    %dma_start3A_35 = tpu.memref_slice %arg24[%add3A_33, %dma_start3A_34] : memref<10240x128xf32, #tpu.memory_space<vmem_shared>> -> memref<80x128xf32, #tpu.memory_space<vmem_shared>>
    %dma_start3A_36 = arith.constant 0 : i32
    %dma_start3A_37 = tpu.memref_slice %arg24[%add3A_33, %dma_start3A_36] : memref<10240x128xf32, #tpu.memory_space<vmem_shared>> -> memref<80x128xf32, #tpu.memory_space<vmem_shared>>
    tpu.enqueue_dma source(%arg12 : memref<80x128xf32, #tpu.memory_space<vmem>>) target(%dma_start3A_37 : memref<80x128xf32, #tpu.memory_space<vmem_shared>>) target_semaphore(%arg15 : memref<!tpu.dma_semaphore, #tpu.memory_space<semaphore_mem>>)
    %add3A_38 = arith.constant 400 : i32
    %add3A_39 = arith.addi %mul3A_8, %add3A_38 : i32
    %dma_start3A_40 = arith.constant 0 : i32
    %dma_start3A_41 = tpu.memref_slice %arg24[%add3A_39, %dma_start3A_40] : memref<10240x128xf32, #tpu.memory_space<vmem_shared>> -> memref<80x128xf32, #tpu.memory_space<vmem_shared>>
    %dma_start3A_42 = arith.constant 0 : i32
    %dma_start3A_43 = tpu.memref_slice %arg24[%add3A_39, %dma_start3A_42] : memref<10240x128xf32, #tpu.memory_space<vmem_shared>> -> memref<80x128xf32, #tpu.memory_space<vmem_shared>>
    tpu.enqueue_dma source(%arg12 : memref<80x128xf32, #tpu.memory_space<vmem>>) target(%dma_start3A_43 : memref<80x128xf32, #tpu.memory_space<vmem_shared>>) target_semaphore(%arg15 : memref<!tpu.dma_semaphore, #tpu.memory_space<semaphore_mem>>)
    %add3A_44 = arith.constant 480 : i32
    %add3A_45 = arith.addi %mul3A_8, %add3A_44 : i32
    %dma_start3A_46 = arith.constant 0 : i32
    %dma_start3A_47 = tpu.memref_slice %arg24[%add3A_45, %dma_start3A_46] : memref<10240x128xf32, #tpu.memory_space<vmem_shared>> -> memref<80x128xf32, #tpu.memory_space<vmem_shared>>
    %dma_start3A_48 = arith.constant 0 : i32
    %dma_start3A_49 = tpu.memref_slice %arg24[%add3A_45, %dma_start3A_48] : memref<10240x128xf32, #tpu.memory_space<vmem_shared>> -> memref<80x128xf32, #tpu.memory_space<vmem_shared>>
    tpu.enqueue_dma source(%arg12 : memref<80x128xf32, #tpu.memory_space<vmem>>) target(%dma_start3A_49 : memref<80x128xf32, #tpu.memory_space<vmem_shared>>) target_semaphore(%arg15 : memref<!tpu.dma_semaphore, #tpu.memory_space<semaphore_mem>>)
    %add3A_50 = arith.constant 560 : i32
    %add3A_51 = arith.addi %mul3A_8, %add3A_50 : i32
    %dma_start3A_52 = arith.constant 0 : i32
    %dma_start3A_53 = tpu.memref_slice %arg24[%add3A_51, %dma_start3A_52] : memref<10240x128xf32, #tpu.memory_space<vmem_shared>> -> memref<80x128xf32, #tpu.memory_space<vmem_shared>>
    %dma_start3A_54 = arith.constant 0 : i32
    %dma_start3A_55 = tpu.memref_slice %arg24[%add3A_51, %dma_start3A_54] : memref<10240x128xf32, #tpu.memory_space<vmem_shared>> -> memref<80x128xf32, #tpu.memory_space<vmem_shared>>
    tpu.enqueue_dma source(%arg12 : memref<80x128xf32, #tpu.memory_space<vmem>>) target(%dma_start3A_55 : memref<80x128xf32, #tpu.memory_space<vmem_shared>>) target_semaphore(%arg15 : memref<!tpu.dma_semaphore, #tpu.memory_space<semaphore_mem>>)
    %dma_wait3A = arith.constant 0 : i32
    %dma_wait3A_56 = tpu.memref_slice %arg24[%mul3A_8, %dma_wait3A] : memref<10240x128xf32, #tpu.memory_space<vmem_shared>> -> memref<80x128xf32, #tpu.memory_space<vmem_shared>>
    %dma_wait3A_57 = arith.constant 0 : i32
    %dma_wait3A_58 = tpu.memref_slice %arg24[%mul3A_8, %dma_wait3A_57] : memref<10240x128xf32, #tpu.memory_space<vmem_shared>> -> memref<80x128xf32, #tpu.memory_space<vmem_shared>>
    tpu.wait_dma2 semaphore(%arg15 : memref<!tpu.dma_semaphore, #tpu.memory_space<semaphore_mem>>) src(%arg12 : memref<80x128xf32, #tpu.memory_space<vmem>>) dst(%dma_wait3A_58 : memref<80x128xf32, #tpu.memory_space<vmem_shared>>)
    %dma_wait3A_59 = arith.constant 0 : i32
    %dma_wait3A_60 = tpu.memref_slice %arg24[%mul3A_8, %dma_wait3A_59] : memref<10240x128xf32, #tpu.memory_space<vmem_shared>> -> memref<80x128xf32, #tpu.memory_space<vmem_shared>>
    %dma_wait3A_61 = arith.constant 0 : i32
    %dma_wait3A_62 = tpu.memref_slice %arg24[%mul3A_8, %dma_wait3A_61] : memref<10240x128xf32, #tpu.memory_space<vmem_shared>> -> memref<80x128xf32, #tpu.memory_space<vmem_shared>>
    tpu.wait_dma2 semaphore(%arg15 : memref<!tpu.dma_semaphore, #tpu.memory_space<semaphore_mem>>) src(%arg12 : memref<80x128xf32, #tpu.memory_space<vmem>>) dst(%dma_wait3A_62 : memref<80x128xf32, #tpu.memory_space<vmem_shared>>)
    %dma_wait3A_63 = arith.constant 0 : i32
    %dma_wait3A_64 = tpu.memref_slice %arg24[%mul3A_8, %dma_wait3A_63] : memref<10240x128xf32, #tpu.memory_space<vmem_shared>> -> memref<80x128xf32, #tpu.memory_space<vmem_shared>>
    %dma_wait3A_65 = arith.constant 0 : i32
    %dma_wait3A_66 = tpu.memref_slice %arg24[%mul3A_8, %dma_wait3A_65] : memref<10240x128xf32, #tpu.memory_space<vmem_shared>> -> memref<80x128xf32, #tpu.memory_space<vmem_shared>>
    tpu.wait_dma2 semaphore(%arg15 : memref<!tpu.dma_semaphore, #tpu.memory_space<semaphore_mem>>) src(%arg12 : memref<80x128xf32, #tpu.memory_space<vmem>>) dst(%dma_wait3A_66 : memref<80x128xf32, #tpu.memory_space<vmem_shared>>)
    %dma_wait3A_67 = arith.constant 0 : i32
    %dma_wait3A_68 = tpu.memref_slice %arg24[%mul3A_8, %dma_wait3A_67] : memref<10240x128xf32, #tpu.memory_space<vmem_shared>> -> memref<80x128xf32, #tpu.memory_space<vmem_shared>>
    %dma_wait3A_69 = arith.constant 0 : i32
    %dma_wait3A_70 = tpu.memref_slice %arg24[%mul3A_8, %dma_wait3A_69] : memref<10240x128xf32, #tpu.memory_space<vmem_shared>> -> memref<80x128xf32, #tpu.memory_space<vmem_shared>>
    tpu.wait_dma2 semaphore(%arg15 : memref<!tpu.dma_semaphore, #tpu.memory_space<semaphore_mem>>) src(%arg12 : memref<80x128xf32, #tpu.memory_space<vmem>>) dst(%dma_wait3A_70 : memref<80x128xf32, #tpu.memory_space<vmem_shared>>)
    %dma_wait3A_71 = arith.constant 0 : i32
    %dma_wait3A_72 = tpu.memref_slice %arg24[%mul3A_8, %dma_wait3A_71] : memref<10240x128xf32, #tpu.memory_space<vmem_shared>> -> memref<80x128xf32, #tpu.memory_space<vmem_shared>>
    %dma_wait3A_73 = arith.constant 0 : i32
    %dma_wait3A_74 = tpu.memref_slice %arg24[%mul3A_8, %dma_wait3A_73] : memref<10240x128xf32, #tpu.memory_space<vmem_shared>> -> memref<80x128xf32, #tpu.memory_space<vmem_shared>>
    tpu.wait_dma2 semaphore(%arg15 : memref<!tpu.dma_semaphore, #tpu.memory_space<semaphore_mem>>) src(%arg12 : memref<80x128xf32, #tpu.memory_space<vmem>>) dst(%dma_wait3A_74 : memref<80x128xf32, #tpu.memory_space<vmem_shared>>)
    %dma_wait3A_75 = arith.constant 0 : i32
    %dma_wait3A_76 = tpu.memref_slice %arg24[%mul3A_8, %dma_wait3A_75] : memref<10240x128xf32, #tpu.memory_space<vmem_shared>> -> memref<80x128xf32, #tpu.memory_space<vmem_shared>>
    %dma_wait3A_77 = arith.constant 0 : i32
    %dma_wait3A_78 = tpu.memref_slice %arg24[%mul3A_8, %dma_wait3A_77] : memref<10240x128xf32, #tpu.memory_space<vmem_shared>> -> memref<80x128xf32, #tpu.memory_space<vmem_shared>>
    tpu.wait_dma2 semaphore(%arg15 : memref<!tpu.dma_semaphore, #tpu.memory_space<semaphore_mem>>) src(%arg12 : memref<80x128xf32, #tpu.memory_space<vmem>>) dst(%dma_wait3A_78 : memref<80x128xf32, #tpu.memory_space<vmem_shared>>)
    %dma_wait3A_79 = arith.constant 0 : i32
    %dma_wait3A_80 = tpu.memref_slice %arg24[%mul3A_8, %dma_wait3A_79] : memref<10240x128xf32, #tpu.memory_space<vmem_shared>> -> memref<80x128xf32, #tpu.memory_space<vmem_shared>>
    %dma_wait3A_81 = arith.constant 0 : i32
    %dma_wait3A_82 = tpu.memref_slice %arg24[%mul3A_8, %dma_wait3A_81] : memref<10240x128xf32, #tpu.memory_space<vmem_shared>> -> memref<80x128xf32, #tpu.memory_space<vmem_shared>>
    tpu.wait_dma2 semaphore(%arg15 : memref<!tpu.dma_semaphore, #tpu.memory_space<semaphore_mem>>) src(%arg12 : memref<80x128xf32, #tpu.memory_space<vmem>>) dst(%dma_wait3A_82 : memref<80x128xf32, #tpu.memory_space<vmem_shared>>)
    %dma_wait3A_83 = arith.constant 0 : i32
    %dma_wait3A_84 = tpu.memref_slice %arg24[%mul3A_8, %dma_wait3A_83] : memref<10240x128xf32, #tpu.memory_space<vmem_shared>> -> memref<80x128xf32, #tpu.memory_space<vmem_shared>>
    %dma_wait3A_85 = arith.constant 0 : i32
    %dma_wait3A_86 = tpu.memref_slice %arg24[%mul3A_8, %dma_wait3A_85] : memref<10240x128xf32, #tpu.memory_space<vmem_shared>> -> memref<80x128xf32, #tpu.memory_space<vmem_shared>>
    tpu.wait_dma2 semaphore(%arg15 : memref<!tpu.dma_semaphore, #tpu.memory_space<semaphore_mem>>) src(%arg12 : memref<80x128xf32, #tpu.memory_space<vmem>>) dst(%dma_wait3A_86 : memref<80x128xf32, #tpu.memory_space<vmem_shared>>)
    %barrier3A = arith.constant 0 : index
    tpu.barrier barrier_id(%barrier3A)
    %dma_start3A_87 = arith.constant 0 : i32
    %dma_start3A_88 = arith.constant 0 : i32
    %dma_start3A_89 = tpu.memref_slice %arg3[%add3A, %dma_start3A_87, %dma_start3A_88] : memref<32x125x80xi32, #tpu.memory_space<hbm>> -> memref<1x1x80xi32, #tpu.memory_space<hbm>>
    %dma_start3A_90 = tpu.memref_squeeze %dma_start3A_89 : memref<1x1x80xi32, #tpu.memory_space<hbm>> -> memref<1x80xi32, #tpu.memory_space<hbm>>
    %dma_start3A_91 = arith.constant 0 : i32
    %dma_start3A_92 = arith.constant 0 : i32
    %dma_start3A_93 = tpu.memref_slice %arg3[%add3A, %dma_start3A_91, %dma_start3A_92] : memref<32x125x80xi32, #tpu.memory_space<hbm>> -> memref<1x1x80xi32, #tpu.memory_space<hbm>>
    %dma_start3A_94 = tpu.memref_squeeze %dma_start3A_93 : memref<1x1x80xi32, #tpu.memory_space<hbm>> -> memref<1x80xi32, #tpu.memory_space<hbm>>
    tpu.enqueue_dma source(%dma_start3A_94 : memref<1x80xi32, #tpu.memory_space<hbm>>) target(%arg6 : memref<1x80xi32, #tpu.memory_space<vmem>>) target_semaphore(%arg15 : memref<!tpu.dma_semaphore, #tpu.memory_space<semaphore_mem>>)
    %dma_start3A_95 = arith.constant 0 : i32
    %dma_start3A_96 = arith.constant 0 : i32
    %dma_start3A_97 = tpu.memref_slice %arg4[%add3A, %dma_start3A_95, %dma_start3A_96] : memref<32x125x80xi32, #tpu.memory_space<hbm>> -> memref<1x1x80xi32, #tpu.memory_space<hbm>>
    %dma_start3A_98 = tpu.memref_squeeze %dma_start3A_97 : memref<1x1x80xi32, #tpu.memory_space<hbm>> -> memref<1x80xi32, #tpu.memory_space<hbm>>
    %dma_start3A_99 = arith.constant 0 : i32
    %dma_start3A_100 = arith.constant 0 : i32
    %dma_start3A_101 = tpu.memref_slice %arg4[%add3A, %dma_start3A_99, %dma_start3A_100] : memref<32x125x80xi32, #tpu.memory_space<hbm>> -> memref<1x1x80xi32, #tpu.memory_space<hbm>>
    %dma_start3A_102 = tpu.memref_squeeze %dma_start3A_101 : memref<1x1x80xi32, #tpu.memory_space<hbm>> -> memref<1x80xi32, #tpu.memory_space<hbm>>
    tpu.enqueue_dma source(%dma_start3A_102 : memref<1x80xi32, #tpu.memory_space<hbm>>) target(%arg9 : memref<1x80xi32, #tpu.memory_space<vmem>>) target_semaphore(%arg15 : memref<!tpu.dma_semaphore, #tpu.memory_space<semaphore_mem>>)
    %dma_start3A_103 = arith.constant 1 : i32
    %dma_start3A_104 = arith.constant 0 : i32
    %dma_start3A_105 = tpu.memref_slice %arg3[%add3A, %dma_start3A_103, %dma_start3A_104] : memref<32x125x80xi32, #tpu.memory_space<hbm>> -> memref<1x1x80xi32, #tpu.memory_space<hbm>>
    %dma_start3A_106 = tpu.memref_squeeze %dma_start3A_105 : memref<1x1x80xi32, #tpu.memory_space<hbm>> -> memref<1x80xi32, #tpu.memory_space<hbm>>
    %dma_start3A_107 = arith.constant 1 : i32
    %dma_start3A_108 = arith.constant 0 : i32
    %dma_start3A_109 = tpu.memref_slice %arg3[%add3A, %dma_start3A_107, %dma_start3A_108] : memref<32x125x80xi32, #tpu.memory_space<hbm>> -> memref<1x1x80xi32, #tpu.memory_space<hbm>>
    %dma_start3A_110 = tpu.memref_squeeze %dma_start3A_109 : memref<1x1x80xi32, #tpu.memory_space<hbm>> -> memref<1x80xi32, #tpu.memory_space<hbm>>
    tpu.enqueue_dma source(%dma_start3A_110 : memref<1x80xi32, #tpu.memory_space<hbm>>) target(%arg7 : memref<1x80xi32, #tpu.memory_space<vmem>>) target_semaphore(%arg16 : memref<!tpu.dma_semaphore, #tpu.memory_space<semaphore_mem>>)
    %dma_start3A_111 = arith.constant 1 : i32
    %dma_start3A_112 = arith.constant 0 : i32
    %dma_start3A_113 = tpu.memref_slice %arg4[%add3A, %dma_start3A_111, %dma_start3A_112] : memref<32x125x80xi32, #tpu.memory_space<hbm>> -> memref<1x1x80xi32, #tpu.memory_space<hbm>>
    %dma_start3A_114 = tpu.memref_squeeze %dma_start3A_113 : memref<1x1x80xi32, #tpu.memory_space<hbm>> -> memref<1x80xi32, #tpu.memory_space<hbm>>
    %dma_start3A_115 = arith.constant 1 : i32
    %dma_start3A_116 = arith.constant 0 : i32
    %dma_start3A_117 = tpu.memref_slice %arg4[%add3A, %dma_start3A_115, %dma_start3A_116] : memref<32x125x80xi32, #tpu.memory_space<hbm>> -> memref<1x1x80xi32, #tpu.memory_space<hbm>>
    %dma_start3A_118 = tpu.memref_squeeze %dma_start3A_117 : memref<1x1x80xi32, #tpu.memory_space<hbm>> -> memref<1x80xi32, #tpu.memory_space<hbm>>
    tpu.enqueue_dma source(%dma_start3A_118 : memref<1x80xi32, #tpu.memory_space<hbm>>) target(%arg10 : memref<1x80xi32, #tpu.memory_space<vmem>>) target_semaphore(%arg16 : memref<!tpu.dma_semaphore, #tpu.memory_space<semaphore_mem>>)
    %dma_start3A_119 = arith.constant 2 : i32
    %dma_start3A_120 = arith.constant 0 : i32
    %dma_start3A_121 = tpu.memref_slice %arg3[%add3A, %dma_start3A_119, %dma_start3A_120] : memref<32x125x80xi32, #tpu.memory_space<hbm>> -> memref<1x1x80xi32, #tpu.memory_space<hbm>>
    %dma_start3A_122 = tpu.memref_squeeze %dma_start3A_121 : memref<1x1x80xi32, #tpu.memory_space<hbm>> -> memref<1x80xi32, #tpu.memory_space<hbm>>
    %dma_start3A_123 = arith.constant 2 : i32
    %dma_start3A_124 = arith.constant 0 : i32
    %dma_start3A_125 = tpu.memref_slice %arg3[%add3A, %dma_start3A_123, %dma_start3A_124] : memref<32x125x80xi32, #tpu.memory_space<hbm>> -> memref<1x1x80xi32, #tpu.memory_space<hbm>>
    %dma_start3A_126 = tpu.memref_squeeze %dma_start3A_125 : memref<1x1x80xi32, #tpu.memory_space<hbm>> -> memref<1x80xi32, #tpu.memory_space<hbm>>
    tpu.enqueue_dma source(%dma_start3A_126 : memref<1x80xi32, #tpu.memory_space<hbm>>) target(%arg8 : memref<1x80xi32, #tpu.memory_space<vmem>>) target_semaphore(%arg17 : memref<!tpu.dma_semaphore, #tpu.memory_space<semaphore_mem>>)
    %dma_start3A_127 = arith.constant 2 : i32
    %dma_start3A_128 = arith.constant 0 : i32
    %dma_start3A_129 = tpu.memref_slice %arg4[%add3A, %dma_start3A_127, %dma_start3A_128] : memref<32x125x80xi32, #tpu.memory_space<hbm>> -> memref<1x1x80xi32, #tpu.memory_space<hbm>>
    %dma_start3A_130 = tpu.memref_squeeze %dma_start3A_129 : memref<1x1x80xi32, #tpu.memory_space<hbm>> -> memref<1x80xi32, #tpu.memory_space<hbm>>
    %dma_start3A_131 = arith.constant 2 : i32
    %dma_start3A_132 = arith.constant 0 : i32
    %dma_start3A_133 = tpu.memref_slice %arg4[%add3A, %dma_start3A_131, %dma_start3A_132] : memref<32x125x80xi32, #tpu.memory_space<hbm>> -> memref<1x1x80xi32, #tpu.memory_space<hbm>>
    %dma_start3A_134 = tpu.memref_squeeze %dma_start3A_133 : memref<1x1x80xi32, #tpu.memory_space<hbm>> -> memref<1x80xi32, #tpu.memory_space<hbm>>
    tpu.enqueue_dma source(%dma_start3A_134 : memref<1x80xi32, #tpu.memory_space<hbm>>) target(%arg11 : memref<1x80xi32, #tpu.memory_space<vmem>>) target_semaphore(%arg17 : memref<!tpu.dma_semaphore, #tpu.memory_space<semaphore_mem>>)
    %dma_wait3A_135 = arith.constant 0 : i32
    %dma_wait3A_136 = arith.constant 0 : i32
    %dma_wait3A_137 = tpu.memref_slice %arg3[%add3A, %dma_wait3A_135, %dma_wait3A_136] : memref<32x125x80xi32, #tpu.memory_space<hbm>> -> memref<1x1x80xi32, #tpu.memory_space<hbm>>
    %dma_wait3A_138 = tpu.memref_squeeze %dma_wait3A_137 : memref<1x1x80xi32, #tpu.memory_space<hbm>> -> memref<1x80xi32, #tpu.memory_space<hbm>>
    %dma_wait3A_139 = arith.constant 0 : i32
    %dma_wait3A_140 = arith.constant 0 : i32
    %dma_wait3A_141 = tpu.memref_slice %arg3[%add3A, %dma_wait3A_139, %dma_wait3A_140] : memref<32x125x80xi32, #tpu.memory_space<hbm>> -> memref<1x1x80xi32, #tpu.memory_space<hbm>>
    %dma_wait3A_142 = tpu.memref_squeeze %dma_wait3A_141 : memref<1x1x80xi32, #tpu.memory_space<hbm>> -> memref<1x80xi32, #tpu.memory_space<hbm>>
    tpu.wait_dma2 semaphore(%arg15 : memref<!tpu.dma_semaphore, #tpu.memory_space<semaphore_mem>>) src(%dma_wait3A_142 : memref<1x80xi32, #tpu.memory_space<hbm>>) dst(%arg6 : memref<1x80xi32, #tpu.memory_space<vmem>>)
    %dma_wait3A_143 = arith.constant 0 : i32
    %dma_wait3A_144 = arith.constant 0 : i32
    %dma_wait3A_145 = tpu.memref_slice %arg4[%add3A, %dma_wait3A_143, %dma_wait3A_144] : memref<32x125x80xi32, #tpu.memory_space<hbm>> -> memref<1x1x80xi32, #tpu.memory_space<hbm>>
    %dma_wait3A_146 = tpu.memref_squeeze %dma_wait3A_145 : memref<1x1x80xi32, #tpu.memory_space<hbm>> -> memref<1x80xi32, #tpu.memory_space<hbm>>
    %dma_wait3A_147 = arith.constant 0 : i32
    %dma_wait3A_148 = arith.constant 0 : i32
    %dma_wait3A_149 = tpu.memref_slice %arg4[%add3A, %dma_wait3A_147, %dma_wait3A_148] : memref<32x125x80xi32, #tpu.memory_space<hbm>> -> memref<1x1x80xi32, #tpu.memory_space<hbm>>
    %dma_wait3A_150 = tpu.memref_squeeze %dma_wait3A_149 : memref<1x1x80xi32, #tpu.memory_space<hbm>> -> memref<1x80xi32, #tpu.memory_space<hbm>>
    tpu.wait_dma2 semaphore(%arg15 : memref<!tpu.dma_semaphore, #tpu.memory_space<semaphore_mem>>) src(%dma_wait3A_150 : memref<1x80xi32, #tpu.memory_space<hbm>>) dst(%arg9 : memref<1x80xi32, #tpu.memory_space<vmem>>)
    %dma_start3A_151 = arith.constant 0 : i32
    %dma_start3A_152 = arith.constant 0 : i32
    %dma_start3A_153 = tpu.memref_slice %arg6[%dma_start3A_151, %dma_start3A_152] : memref<1x80xi32, #tpu.memory_space<vmem>> -> memref<1x80xi32, #tpu.memory_space<vmem>>
    %dma_start3A_154 = tpu.memref_squeeze %dma_start3A_153 : memref<1x80xi32, #tpu.memory_space<vmem>> -> memref<80xi32, #tpu.memory_space<vmem>>
    %dma_start3A_155 = arith.constant 0 : i32
    %dma_start3A_156 = arith.constant 0 : i32
    %dma_start3A_157 = tpu.memref_slice %arg2[%dma_start3A_155, %dma_start3A_156] : memref<10000x128xf32, #tpu.memory_space<hbm>> -> memref<10000x128xf32, #tpu.memory_space<hbm>>
    tpu.enqueue_indirect_dma source(%dma_start3A_157 : memref<10000x128xf32, #tpu.memory_space<hbm>>) target(%arg12 : memref<80x128xf32, #tpu.memory_space<vmem>>) offsets(%dma_start3A_154 : memref<80xi32, #tpu.memory_space<vmem>>) semaphore(%arg18 : memref<!tpu.dma_semaphore, #tpu.memory_space<semaphore_mem>>)
    %dma_wait3A_158 = arith.constant 1 : i32
    %dma_wait3A_159 = arith.constant 0 : i32
    %dma_wait3A_160 = tpu.memref_slice %arg3[%add3A, %dma_wait3A_158, %dma_wait3A_159] : memref<32x125x80xi32, #tpu.memory_space<hbm>> -> memref<1x1x80xi32, #tpu.memory_space<hbm>>
    %dma_wait3A_161 = tpu.memref_squeeze %dma_wait3A_160 : memref<1x1x80xi32, #tpu.memory_space<hbm>> -> memref<1x80xi32, #tpu.memory_space<hbm>>
    %dma_wait3A_162 = arith.constant 1 : i32
    %dma_wait3A_163 = arith.constant 0 : i32
    %dma_wait3A_164 = tpu.memref_slice %arg3[%add3A, %dma_wait3A_162, %dma_wait3A_163] : memref<32x125x80xi32, #tpu.memory_space<hbm>> -> memref<1x1x80xi32, #tpu.memory_space<hbm>>
    %dma_wait3A_165 = tpu.memref_squeeze %dma_wait3A_164 : memref<1x1x80xi32, #tpu.memory_space<hbm>> -> memref<1x80xi32, #tpu.memory_space<hbm>>
    tpu.wait_dma2 semaphore(%arg16 : memref<!tpu.dma_semaphore, #tpu.memory_space<semaphore_mem>>) src(%dma_wait3A_165 : memref<1x80xi32, #tpu.memory_space<hbm>>) dst(%arg7 : memref<1x80xi32, #tpu.memory_space<vmem>>)
    %dma_wait3A_166 = arith.constant 1 : i32
    %dma_wait3A_167 = arith.constant 0 : i32
    %dma_wait3A_168 = tpu.memref_slice %arg4[%add3A, %dma_wait3A_166, %dma_wait3A_167] : memref<32x125x80xi32, #tpu.memory_space<hbm>> -> memref<1x1x80xi32, #tpu.memory_space<hbm>>
    %dma_wait3A_169 = tpu.memref_squeeze %dma_wait3A_168 : memref<1x1x80xi32, #tpu.memory_space<hbm>> -> memref<1x80xi32, #tpu.memory_space<hbm>>
    %dma_wait3A_170 = arith.constant 1 : i32
    %dma_wait3A_171 = arith.constant 0 : i32
    %dma_wait3A_172 = tpu.memref_slice %arg4[%add3A, %dma_wait3A_170, %dma_wait3A_171] : memref<32x125x80xi32, #tpu.memory_space<hbm>> -> memref<1x1x80xi32, #tpu.memory_space<hbm>>
    %dma_wait3A_173 = tpu.memref_squeeze %dma_wait3A_172 : memref<1x1x80xi32, #tpu.memory_space<hbm>> -> memref<1x80xi32, #tpu.memory_space<hbm>>
    tpu.wait_dma2 semaphore(%arg16 : memref<!tpu.dma_semaphore, #tpu.memory_space<semaphore_mem>>) src(%dma_wait3A_173 : memref<1x80xi32, #tpu.memory_space<hbm>>) dst(%arg10 : memref<1x80xi32, #tpu.memory_space<vmem>>)
    %dma_start3A_174 = arith.constant 0 : i32
    %dma_start3A_175 = arith.constant 0 : i32
    %dma_start3A_176 = tpu.memref_slice %arg7[%dma_start3A_174, %dma_start3A_175] : memref<1x80xi32, #tpu.memory_space<vmem>> -> memref<1x80xi32, #tpu.memory_space<vmem>>
    %dma_start3A_177 = tpu.memref_squeeze %dma_start3A_176 : memref<1x80xi32, #tpu.memory_space<vmem>> -> memref<80xi32, #tpu.memory_space<vmem>>
    %dma_start3A_178 = arith.constant 0 : i32
    %dma_start3A_179 = arith.constant 0 : i32
    %dma_start3A_180 = tpu.memref_slice %arg2[%dma_start3A_178, %dma_start3A_179] : memref<10000x128xf32, #tpu.memory_space<hbm>> -> memref<10000x128xf32, #tpu.memory_space<hbm>>
    tpu.enqueue_indirect_dma source(%dma_start3A_180 : memref<10000x128xf32, #tpu.memory_space<hbm>>) target(%arg13 : memref<80x128xf32, #tpu.memory_space<vmem>>) offsets(%dma_start3A_177 : memref<80xi32, #tpu.memory_space<vmem>>) semaphore(%arg19 : memref<!tpu.dma_semaphore, #tpu.memory_space<semaphore_mem>>)
    %dma_wait3A_181 = arith.constant 2 : i32
    %dma_wait3A_182 = arith.constant 0 : i32
    %dma_wait3A_183 = tpu.memref_slice %arg3[%add3A, %dma_wait3A_181, %dma_wait3A_182] : memref<32x125x80xi32, #tpu.memory_space<hbm>> -> memref<1x1x80xi32, #tpu.memory_space<hbm>>
    %dma_wait3A_184 = tpu.memref_squeeze %dma_wait3A_183 : memref<1x1x80xi32, #tpu.memory_space<hbm>> -> memref<1x80xi32, #tpu.memory_space<hbm>>
    %dma_wait3A_185 = arith.constant 2 : i32
    %dma_wait3A_186 = arith.constant 0 : i32
    %dma_wait3A_187 = tpu.memref_slice %arg3[%add3A, %dma_wait3A_185, %dma_wait3A_186] : memref<32x125x80xi32, #tpu.memory_space<hbm>> -> memref<1x1x80xi32, #tpu.memory_space<hbm>>
    %dma_wait3A_188 = tpu.memref_squeeze %dma_wait3A_187 : memref<1x1x80xi32, #tpu.memory_space<hbm>> -> memref<1x80xi32, #tpu.memory_space<hbm>>
    tpu.wait_dma2 semaphore(%arg17 : memref<!tpu.dma_semaphore, #tpu.memory_space<semaphore_mem>>) src(%dma_wait3A_188 : memref<1x80xi32, #tpu.memory_space<hbm>>) dst(%arg8 : memref<1x80xi32, #tpu.memory_space<vmem>>)
    %dma_wait3A_189 = arith.constant 2 : i32
    %dma_wait3A_190 = arith.constant 0 : i32
    %dma_wait3A_191 = tpu.memref_slice %arg4[%add3A, %dma_wait3A_189, %dma_wait3A_190] : memref<32x125x80xi32, #tpu.memory_space<hbm>> -> memref<1x1x80xi32, #tpu.memory_space<hbm>>
    %dma_wait3A_192 = tpu.memref_squeeze %dma_wait3A_191 : memref<1x1x80xi32, #tpu.memory_space<hbm>> -> memref<1x80xi32, #tpu.memory_space<hbm>>
    %dma_wait3A_193 = arith.constant 2 : i32
    %dma_wait3A_194 = arith.constant 0 : i32
    %dma_wait3A_195 = tpu.memref_slice %arg4[%add3A, %dma_wait3A_193, %dma_wait3A_194] : memref<32x125x80xi32, #tpu.memory_space<hbm>> -> memref<1x1x80xi32, #tpu.memory_space<hbm>>
    %dma_wait3A_196 = tpu.memref_squeeze %dma_wait3A_195 : memref<1x1x80xi32, #tpu.memory_space<hbm>> -> memref<1x80xi32, #tpu.memory_space<hbm>>
    tpu.wait_dma2 semaphore(%arg17 : memref<!tpu.dma_semaphore, #tpu.memory_space<semaphore_mem>>) src(%dma_wait3A_196 : memref<1x80xi32, #tpu.memory_space<hbm>>) dst(%arg11 : memref<1x80xi32, #tpu.memory_space<vmem>>)
    %dma_start3A_197 = arith.constant 0 : i32
    %dma_start3A_198 = arith.constant 0 : i32
    %dma_start3A_199 = tpu.memref_slice %arg8[%dma_start3A_197, %dma_start3A_198] : memref<1x80xi32, #tpu.memory_space<vmem>> -> memref<1x80xi32, #tpu.memory_space<vmem>>
    %dma_start3A_200 = tpu.memref_squeeze %dma_start3A_199 : memref<1x80xi32, #tpu.memory_space<vmem>> -> memref<80xi32, #tpu.memory_space<vmem>>
    %dma_start3A_201 = arith.constant 0 : i32
    %dma_start3A_202 = arith.constant 0 : i32
    %dma_start3A_203 = tpu.memref_slice %arg2[%dma_start3A_201, %dma_start3A_202] : memref<10000x128xf32, #tpu.memory_space<hbm>> -> memref<10000x128xf32, #tpu.memory_space<hbm>>
    tpu.enqueue_indirect_dma source(%dma_start3A_203 : memref<10000x128xf32, #tpu.memory_space<hbm>>) target(%arg14 : memref<80x128xf32, #tpu.memory_space<vmem>>) offsets(%dma_start3A_200 : memref<80xi32, #tpu.memory_space<vmem>>) semaphore(%arg20 : memref<!tpu.dma_semaphore, #tpu.memory_space<semaphore_mem>>)
    %scan3A_204 = arith.constant 0 : i32
    %scan3A_205 = arith.constant 0 : i32
    %scan3A_206 = arith.constant 41 : i32
    %scan3A_207 = arith.addi %scan3A_205, %scan3A_206 : i32
    %scan3A_208 = arith.constant 1 : i32
    %scan3A_209 = scf.for %scan3A_497 = %scan3A_205 to %scan3A_207 step %scan3A_208 iter_args(%scan3A_498 = %scan3A_204) -> (i32)  : i32 {
      %dma_wait3A_499 = arith.constant 0 : i32
      %dma_wait3A_500 = arith.constant 0 : i32
      %dma_wait3A_501 = tpu.memref_slice %arg6[%dma_wait3A_499, %dma_wait3A_500] : memref<1x80xi32, #tpu.memory_space<vmem>> -> memref<1x80xi32, #tpu.memory_space<vmem>>
      %dma_wait3A_502 = tpu.memref_squeeze %dma_wait3A_501 : memref<1x80xi32, #tpu.memory_space<vmem>> -> memref<80xi32, #tpu.memory_space<vmem>>
      %dma_wait3A_503 = arith.constant 0 : i32
      %dma_wait3A_504 = arith.constant 0 : i32
      %dma_wait3A_505 = tpu.memref_slice %arg2[%dma_wait3A_503, %dma_wait3A_504] : memref<10000x128xf32, #tpu.memory_space<hbm>> -> memref<10000x128xf32, #tpu.memory_space<hbm>>
      tpu.wait_indirect_dma semaphore(%arg18 : memref<!tpu.dma_semaphore, #tpu.memory_space<semaphore_mem>>) src(%dma_wait3A_505 : memref<10000x128xf32, #tpu.memory_space<hbm>>) dst(%arg12 : memref<80x128xf32, #tpu.memory_space<vmem>>)
      %dma_start3A_506 = arith.constant 0 : i32
      %dma_start3A_507 = arith.constant 0 : i32
      %dma_start3A_508 = tpu.memref_slice %arg9[%dma_start3A_506, %dma_start3A_507] : memref<1x80xi32, #tpu.memory_space<vmem>> -> memref<1x80xi32, #tpu.memory_space<vmem>>
      %dma_start3A_509 = tpu.memref_squeeze %dma_start3A_508 : memref<1x80xi32, #tpu.memory_space<vmem>> -> memref<80xi32, #tpu.memory_space<vmem>>
      %dma_start3A_510 = arith.constant 0 : i32
      %dma_start3A_511 = arith.constant 0 : i32
      %dma_start3A_512 = tpu.memref_slice %arg24[%dma_start3A_510, %dma_start3A_511] : memref<10240x128xf32, #tpu.memory_space<vmem_shared>> -> memref<10240x128xf32, #tpu.memory_space<vmem_shared>>
      tpu.enqueue_indirect_dma source(%arg12 : memref<80x128xf32, #tpu.memory_space<vmem>>) target(%dma_start3A_512 : memref<10240x128xf32, #tpu.memory_space<vmem_shared>>) offsets(%dma_start3A_509 : memref<80xi32, #tpu.memory_space<vmem>>) semaphore(%arg21 : memref<!tpu.dma_semaphore, #tpu.memory_space<semaphore_mem>>) {add = true}
      %dma_wait3A_513 = arith.constant 0 : i32
      %dma_wait3A_514 = arith.constant 0 : i32
      %dma_wait3A_515 = tpu.memref_slice %arg7[%dma_wait3A_513, %dma_wait3A_514] : memref<1x80xi32, #tpu.memory_space<vmem>> -> memref<1x80xi32, #tpu.memory_space<vmem>>
      %dma_wait3A_516 = tpu.memref_squeeze %dma_wait3A_515 : memref<1x80xi32, #tpu.memory_space<vmem>> -> memref<80xi32, #tpu.memory_space<vmem>>
      %dma_wait3A_517 = arith.constant 0 : i32
      %dma_wait3A_518 = arith.constant 0 : i32
      %dma_wait3A_519 = tpu.memref_slice %arg2[%dma_wait3A_517, %dma_wait3A_518] : memref<10000x128xf32, #tpu.memory_space<hbm>> -> memref<10000x128xf32, #tpu.memory_space<hbm>>
      tpu.wait_indirect_dma semaphore(%arg19 : memref<!tpu.dma_semaphore, #tpu.memory_space<semaphore_mem>>) src(%dma_wait3A_519 : memref<10000x128xf32, #tpu.memory_space<hbm>>) dst(%arg13 : memref<80x128xf32, #tpu.memory_space<vmem>>)
      %dma_start3A_520 = arith.constant 0 : i32
      %dma_start3A_521 = arith.constant 0 : i32
      %dma_start3A_522 = tpu.memref_slice %arg10[%dma_start3A_520, %dma_start3A_521] : memref<1x80xi32, #tpu.memory_space<vmem>> -> memref<1x80xi32, #tpu.memory_space<vmem>>
      %dma_start3A_523 = tpu.memref_squeeze %dma_start3A_522 : memref<1x80xi32, #tpu.memory_space<vmem>> -> memref<80xi32, #tpu.memory_space<vmem>>
      %dma_start3A_524 = arith.constant 0 : i32
      %dma_start3A_525 = arith.constant 0 : i32
      %dma_start3A_526 = tpu.memref_slice %arg24[%dma_start3A_524, %dma_start3A_525] : memref<10240x128xf32, #tpu.memory_space<vmem_shared>> -> memref<10240x128xf32, #tpu.memory_space<vmem_shared>>
      tpu.enqueue_indirect_dma source(%arg13 : memref<80x128xf32, #tpu.memory_space<vmem>>) target(%dma_start3A_526 : memref<10240x128xf32, #tpu.memory_space<vmem_shared>>) offsets(%dma_start3A_523 : memref<80xi32, #tpu.memory_space<vmem>>) semaphore(%arg22 : memref<!tpu.dma_semaphore, #tpu.memory_space<semaphore_mem>>) {add = true}
      %dma_wait3A_527 = arith.constant 0 : i32
      %dma_wait3A_528 = arith.constant 0 : i32
      %dma_wait3A_529 = tpu.memref_slice %arg8[%dma_wait3A_527, %dma_wait3A_528] : memref<1x80xi32, #tpu.memory_space<vmem>> -> memref<1x80xi32, #tpu.memory_space<vmem>>
      %dma_wait3A_530 = tpu.memref_squeeze %dma_wait3A_529 : memref<1x80xi32, #tpu.memory_space<vmem>> -> memref<80xi32, #tpu.memory_space<vmem>>
      %dma_wait3A_531 = arith.constant 0 : i32
      %dma_wait3A_532 = arith.constant 0 : i32
      %dma_wait3A_533 = tpu.memref_slice %arg2[%dma_wait3A_531, %dma_wait3A_532] : memref<10000x128xf32, #tpu.memory_space<hbm>> -> memref<10000x128xf32, #tpu.memory_space<hbm>>
      tpu.wait_indirect_dma semaphore(%arg20 : memref<!tpu.dma_semaphore, #tpu.memory_space<semaphore_mem>>) src(%dma_wait3A_533 : memref<10000x128xf32, #tpu.memory_space<hbm>>) dst(%arg14 : memref<80x128xf32, #tpu.memory_space<vmem>>)
      %dma_start3A_534 = arith.constant 0 : i32
      %dma_start3A_535 = arith.constant 0 : i32
      %dma_start3A_536 = tpu.memref_slice %arg11[%dma_start3A_534, %dma_start3A_535] : memref<1x80xi32, #tpu.memory_space<vmem>> -> memref<1x80xi32, #tpu.memory_space<vmem>>
      %dma_start3A_537 = tpu.memref_squeeze %dma_start3A_536 : memref<1x80xi32, #tpu.memory_space<vmem>> -> memref<80xi32, #tpu.memory_space<vmem>>
      %dma_start3A_538 = arith.constant 0 : i32
      %dma_start3A_539 = arith.constant 0 : i32
      %dma_start3A_540 = tpu.memref_slice %arg24[%dma_start3A_538, %dma_start3A_539] : memref<10240x128xf32, #tpu.memory_space<vmem_shared>> -> memref<10240x128xf32, #tpu.memory_space<vmem_shared>>
      tpu.enqueue_indirect_dma source(%arg14 : memref<80x128xf32, #tpu.memory_space<vmem>>) target(%dma_start3A_540 : memref<10240x128xf32, #tpu.memory_space<vmem_shared>>) offsets(%dma_start3A_537 : memref<80xi32, #tpu.memory_space<vmem>>) semaphore(%arg23 : memref<!tpu.dma_semaphore, #tpu.memory_space<semaphore_mem>>) {add = true}
      %lt3A = arith.constant 40 : i32
      %lt3A_541 = arith.cmpi slt, %scan3A_497, %lt3A : i32
      %convert_element_type3A = arith.extui %lt3A_541 : i1 to i32
      %cond3A = arith.constant 0 : i32
      %cond3A_542 = arith.cmpi ne, %convert_element_type3A, %cond3A : i32
      scf.if %cond3A_542 {
        %add3A_544 = arith.constant 1 : i32
        %add3A_545 = arith.addi %scan3A_497, %add3A_544 : i32
        %mul3A_546 = arith.constant 3 : i32
        %mul3A_547 = arith.muli %add3A_545, %mul3A_546 : i32
        %dma_wait3A_548 = arith.constant 0 : i32
        %dma_wait3A_549 = arith.constant 0 : i32
        %dma_wait3A_550 = tpu.memref_slice %arg9[%dma_wait3A_548, %dma_wait3A_549] : memref<1x80xi32, #tpu.memory_space<vmem>> -> memref<1x80xi32, #tpu.memory_space<vmem>>
        %dma_wait3A_551 = tpu.memref_squeeze %dma_wait3A_550 : memref<1x80xi32, #tpu.memory_space<vmem>> -> memref<80xi32, #tpu.memory_space<vmem>>
        %dma_wait3A_552 = arith.constant 0 : i32
        %dma_wait3A_553 = arith.constant 0 : i32
        %dma_wait3A_554 = tpu.memref_slice %arg24[%dma_wait3A_552, %dma_wait3A_553] : memref<10240x128xf32, #tpu.memory_space<vmem_shared>> -> memref<10240x128xf32, #tpu.memory_space<vmem_shared>>
        tpu.wait_indirect_dma semaphore(%arg21 : memref<!tpu.dma_semaphore, #tpu.memory_space<semaphore_mem>>) src(%arg12 : memref<80x128xf32, #tpu.memory_space<vmem>>) dst(%dma_wait3A_554 : memref<10240x128xf32, #tpu.memory_space<vmem_shared>>)
        %add3A_555 = arith.constant 0 : i32
        %add3A_556 = arith.addi %mul3A_547, %add3A_555 : i32
        %dma_start3A_557 = arith.constant 0 : i32
        %dma_start3A_558 = tpu.memref_slice %arg3[%add3A, %add3A_556, %dma_start3A_557] : memref<32x125x80xi32, #tpu.memory_space<hbm>> -> memref<1x1x80xi32, #tpu.memory_space<hbm>>
        %dma_start3A_559 = tpu.memref_squeeze %dma_start3A_558 : memref<1x1x80xi32, #tpu.memory_space<hbm>> -> memref<1x80xi32, #tpu.memory_space<hbm>>
        %dma_start3A_560 = arith.constant 0 : i32
        %dma_start3A_561 = tpu.memref_slice %arg3[%add3A, %add3A_556, %dma_start3A_560] : memref<32x125x80xi32, #tpu.memory_space<hbm>> -> memref<1x1x80xi32, #tpu.memory_space<hbm>>
        %dma_start3A_562 = tpu.memref_squeeze %dma_start3A_561 : memref<1x1x80xi32, #tpu.memory_space<hbm>> -> memref<1x80xi32, #tpu.memory_space<hbm>>
        tpu.enqueue_dma source(%dma_start3A_562 : memref<1x80xi32, #tpu.memory_space<hbm>>) target(%arg6 : memref<1x80xi32, #tpu.memory_space<vmem>>) target_semaphore(%arg15 : memref<!tpu.dma_semaphore, #tpu.memory_space<semaphore_mem>>)
        %add3A_563 = arith.constant 0 : i32
        %add3A_564 = arith.addi %mul3A_547, %add3A_563 : i32
        %dma_start3A_565 = arith.constant 0 : i32
        %dma_start3A_566 = tpu.memref_slice %arg4[%add3A, %add3A_564, %dma_start3A_565] : memref<32x125x80xi32, #tpu.memory_space<hbm>> -> memref<1x1x80xi32, #tpu.memory_space<hbm>>
        %dma_start3A_567 = tpu.memref_squeeze %dma_start3A_566 : memref<1x1x80xi32, #tpu.memory_space<hbm>> -> memref<1x80xi32, #tpu.memory_space<hbm>>
        %dma_start3A_568 = arith.constant 0 : i32
        %dma_start3A_569 = tpu.memref_slice %arg4[%add3A, %add3A_564, %dma_start3A_568] : memref<32x125x80xi32, #tpu.memory_space<hbm>> -> memref<1x1x80xi32, #tpu.memory_space<hbm>>
        %dma_start3A_570 = tpu.memref_squeeze %dma_start3A_569 : memref<1x1x80xi32, #tpu.memory_space<hbm>> -> memref<1x80xi32, #tpu.memory_space<hbm>>
        tpu.enqueue_dma source(%dma_start3A_570 : memref<1x80xi32, #tpu.memory_space<hbm>>) target(%arg9 : memref<1x80xi32, #tpu.memory_space<vmem>>) target_semaphore(%arg15 : memref<!tpu.dma_semaphore, #tpu.memory_space<semaphore_mem>>)
        %dma_wait3A_571 = arith.constant 0 : i32
        %dma_wait3A_572 = arith.constant 0 : i32
        %dma_wait3A_573 = tpu.memref_slice %arg10[%dma_wait3A_571, %dma_wait3A_572] : memref<1x80xi32, #tpu.memory_space<vmem>> -> memref<1x80xi32, #tpu.memory_space<vmem>>
        %dma_wait3A_574 = tpu.memref_squeeze %dma_wait3A_573 : memref<1x80xi32, #tpu.memory_space<vmem>> -> memref<80xi32, #tpu.memory_space<vmem>>
        %dma_wait3A_575 = arith.constant 0 : i32
        %dma_wait3A_576 = arith.constant 0 : i32
        %dma_wait3A_577 = tpu.memref_slice %arg24[%dma_wait3A_575, %dma_wait3A_576] : memref<10240x128xf32, #tpu.memory_space<vmem_shared>> -> memref<10240x128xf32, #tpu.memory_space<vmem_shared>>
        tpu.wait_indirect_dma semaphore(%arg22 : memref<!tpu.dma_semaphore, #tpu.memory_space<semaphore_mem>>) src(%arg13 : memref<80x128xf32, #tpu.memory_space<vmem>>) dst(%dma_wait3A_577 : memref<10240x128xf32, #tpu.memory_space<vmem_shared>>)
        %add3A_578 = arith.constant 1 : i32
        %add3A_579 = arith.addi %mul3A_547, %add3A_578 : i32
        %dma_start3A_580 = arith.constant 0 : i32
        %dma_start3A_581 = tpu.memref_slice %arg3[%add3A, %add3A_579, %dma_start3A_580] : memref<32x125x80xi32, #tpu.memory_space<hbm>> -> memref<1x1x80xi32, #tpu.memory_space<hbm>>
        %dma_start3A_582 = tpu.memref_squeeze %dma_start3A_581 : memref<1x1x80xi32, #tpu.memory_space<hbm>> -> memref<1x80xi32, #tpu.memory_space<hbm>>
        %dma_start3A_583 = arith.constant 0 : i32
        %dma_start3A_584 = tpu.memref_slice %arg3[%add3A, %add3A_579, %dma_start3A_583] : memref<32x125x80xi32, #tpu.memory_space<hbm>> -> memref<1x1x80xi32, #tpu.memory_space<hbm>>
        %dma_start3A_585 = tpu.memref_squeeze %dma_start3A_584 : memref<1x1x80xi32, #tpu.memory_space<hbm>> -> memref<1x80xi32, #tpu.memory_space<hbm>>
        tpu.enqueue_dma source(%dma_start3A_585 : memref<1x80xi32, #tpu.memory_space<hbm>>) target(%arg7 : memref<1x80xi32, #tpu.memory_space<vmem>>) target_semaphore(%arg16 : memref<!tpu.dma_semaphore, #tpu.memory_space<semaphore_mem>>)
        %add3A_586 = arith.constant 1 : i32
        %add3A_587 = arith.addi %mul3A_547, %add3A_586 : i32
        %dma_start3A_588 = arith.constant 0 : i32
        %dma_start3A_589 = tpu.memref_slice %arg4[%add3A, %add3A_587, %dma_start3A_588] : memref<32x125x80xi32, #tpu.memory_space<hbm>> -> memref<1x1x80xi32, #tpu.memory_space<hbm>>
        %dma_start3A_590 = tpu.memref_squeeze %dma_start3A_589 : memref<1x1x80xi32, #tpu.memory_space<hbm>> -> memref<1x80xi32, #tpu.memory_space<hbm>>
        %dma_start3A_591 = arith.constant 0 : i32
        %dma_start3A_592 = tpu.memref_slice %arg4[%add3A, %add3A_587, %dma_start3A_591] : memref<32x125x80xi32, #tpu.memory_space<hbm>> -> memref<1x1x80xi32, #tpu.memory_space<hbm>>
        %dma_start3A_593 = tpu.memref_squeeze %dma_start3A_592 : memref<1x1x80xi32, #tpu.memory_space<hbm>> -> memref<1x80xi32, #tpu.memory_space<hbm>>
        tpu.enqueue_dma source(%dma_start3A_593 : memref<1x80xi32, #tpu.memory_space<hbm>>) target(%arg10 : memref<1x80xi32, #tpu.memory_space<vmem>>) target_semaphore(%arg16 : memref<!tpu.dma_semaphore, #tpu.memory_space<semaphore_mem>>)
        %dma_wait3A_594 = arith.constant 0 : i32
        %dma_wait3A_595 = arith.constant 0 : i32
        %dma_wait3A_596 = tpu.memref_slice %arg11[%dma_wait3A_594, %dma_wait3A_595] : memref<1x80xi32, #tpu.memory_space<vmem>> -> memref<1x80xi32, #tpu.memory_space<vmem>>
        %dma_wait3A_597 = tpu.memref_squeeze %dma_wait3A_596 : memref<1x80xi32, #tpu.memory_space<vmem>> -> memref<80xi32, #tpu.memory_space<vmem>>
        %dma_wait3A_598 = arith.constant 0 : i32
        %dma_wait3A_599 = arith.constant 0 : i32
        %dma_wait3A_600 = tpu.memref_slice %arg24[%dma_wait3A_598, %dma_wait3A_599] : memref<10240x128xf32, #tpu.memory_space<vmem_shared>> -> memref<10240x128xf32, #tpu.memory_space<vmem_shared>>
        tpu.wait_indirect_dma semaphore(%arg23 : memref<!tpu.dma_semaphore, #tpu.memory_space<semaphore_mem>>) src(%arg14 : memref<80x128xf32, #tpu.memory_space<vmem>>) dst(%dma_wait3A_600 : memref<10240x128xf32, #tpu.memory_space<vmem_shared>>)
        %add3A_601 = arith.constant 2 : i32
        %add3A_602 = arith.addi %mul3A_547, %add3A_601 : i32
        %dma_start3A_603 = arith.constant 0 : i32
        %dma_start3A_604 = tpu.memref_slice %arg3[%add3A, %add3A_602, %dma_start3A_603] : memref<32x125x80xi32, #tpu.memory_space<hbm>> -> memref<1x1x80xi32, #tpu.memory_space<hbm>>
        %dma_start3A_605 = tpu.memref_squeeze %dma_start3A_604 : memref<1x1x80xi32, #tpu.memory_space<hbm>> -> memref<1x80xi32, #tpu.memory_space<hbm>>
        %dma_start3A_606 = arith.constant 0 : i32
        %dma_start3A_607 = tpu.memref_slice %arg3[%add3A, %add3A_602, %dma_start3A_606] : memref<32x125x80xi32, #tpu.memory_space<hbm>> -> memref<1x1x80xi32, #tpu.memory_space<hbm>>
        %dma_start3A_608 = tpu.memref_squeeze %dma_start3A_607 : memref<1x1x80xi32, #tpu.memory_space<hbm>> -> memref<1x80xi32, #tpu.memory_space<hbm>>
        tpu.enqueue_dma source(%dma_start3A_608 : memref<1x80xi32, #tpu.memory_space<hbm>>) target(%arg8 : memref<1x80xi32, #tpu.memory_space<vmem>>) target_semaphore(%arg17 : memref<!tpu.dma_semaphore, #tpu.memory_space<semaphore_mem>>)
        %add3A_609 = arith.constant 2 : i32
        %add3A_610 = arith.addi %mul3A_547, %add3A_609 : i32
        %dma_start3A_611 = arith.constant 0 : i32
        %dma_start3A_612 = tpu.memref_slice %arg4[%add3A, %add3A_610, %dma_start3A_611] : memref<32x125x80xi32, #tpu.memory_space<hbm>> -> memref<1x1x80xi32, #tpu.memory_space<hbm>>
        %dma_start3A_613 = tpu.memref_squeeze %dma_start3A_612 : memref<1x1x80xi32, #tpu.memory_space<hbm>> -> memref<1x80xi32, #tpu.memory_space<hbm>>
        %dma_start3A_614 = arith.constant 0 : i32
        %dma_start3A_615 = tpu.memref_slice %arg4[%add3A, %add3A_610, %dma_start3A_614] : memref<32x125x80xi32, #tpu.memory_space<hbm>> -> memref<1x1x80xi32, #tpu.memory_space<hbm>>
        %dma_start3A_616 = tpu.memref_squeeze %dma_start3A_615 : memref<1x1x80xi32, #tpu.memory_space<hbm>> -> memref<1x80xi32, #tpu.memory_space<hbm>>
        tpu.enqueue_dma source(%dma_start3A_616 : memref<1x80xi32, #tpu.memory_space<hbm>>) target(%arg11 : memref<1x80xi32, #tpu.memory_space<vmem>>) target_semaphore(%arg17 : memref<!tpu.dma_semaphore, #tpu.memory_space<semaphore_mem>>)
        %add3A_617 = arith.constant 0 : i32
        %add3A_618 = arith.addi %mul3A_547, %add3A_617 : i32
        %dma_wait3A_619 = arith.constant 0 : i32
        %dma_wait3A_620 = tpu.memref_slice %arg3[%add3A, %add3A_618, %dma_wait3A_619] : memref<32x125x80xi32, #tpu.memory_space<hbm>> -> memref<1x1x80xi32, #tpu.memory_space<hbm>>
        %dma_wait3A_621 = tpu.memref_squeeze %dma_wait3A_620 : memref<1x1x80xi32, #tpu.memory_space<hbm>> -> memref<1x80xi32, #tpu.memory_space<hbm>>
        %dma_wait3A_622 = arith.constant 0 : i32
        %dma_wait3A_623 = tpu.memref_slice %arg3[%add3A, %add3A_618, %dma_wait3A_622] : memref<32x125x80xi32, #tpu.memory_space<hbm>> -> memref<1x1x80xi32, #tpu.memory_space<hbm>>
        %dma_wait3A_624 = tpu.memref_squeeze %dma_wait3A_623 : memref<1x1x80xi32, #tpu.memory_space<hbm>> -> memref<1x80xi32, #tpu.memory_space<hbm>>
        tpu.wait_dma2 semaphore(%arg15 : memref<!tpu.dma_semaphore, #tpu.memory_space<semaphore_mem>>) src(%dma_wait3A_624 : memref<1x80xi32, #tpu.memory_space<hbm>>) dst(%arg6 : memref<1x80xi32, #tpu.memory_space<vmem>>)
        %add3A_625 = arith.constant 0 : i32
        %add3A_626 = arith.addi %mul3A_547, %add3A_625 : i32
        %dma_wait3A_627 = arith.constant 0 : i32
        %dma_wait3A_628 = tpu.memref_slice %arg4[%add3A, %add3A_626, %dma_wait3A_627] : memref<32x125x80xi32, #tpu.memory_space<hbm>> -> memref<1x1x80xi32, #tpu.memory_space<hbm>>
        %dma_wait3A_629 = tpu.memref_squeeze %dma_wait3A_628 : memref<1x1x80xi32, #tpu.memory_space<hbm>> -> memref<1x80xi32, #tpu.memory_space<hbm>>
        %dma_wait3A_630 = arith.constant 0 : i32
        %dma_wait3A_631 = tpu.memref_slice %arg4[%add3A, %add3A_626, %dma_wait3A_630] : memref<32x125x80xi32, #tpu.memory_space<hbm>> -> memref<1x1x80xi32, #tpu.memory_space<hbm>>
        %dma_wait3A_632 = tpu.memref_squeeze %dma_wait3A_631 : memref<1x1x80xi32, #tpu.memory_space<hbm>> -> memref<1x80xi32, #tpu.memory_space<hbm>>
        tpu.wait_dma2 semaphore(%arg15 : memref<!tpu.dma_semaphore, #tpu.memory_space<semaphore_mem>>) src(%dma_wait3A_632 : memref<1x80xi32, #tpu.memory_space<hbm>>) dst(%arg9 : memref<1x80xi32, #tpu.memory_space<vmem>>)
        %dma_start3A_633 = arith.constant 0 : i32
        %dma_start3A_634 = arith.constant 0 : i32
        %dma_start3A_635 = tpu.memref_slice %arg6[%dma_start3A_633, %dma_start3A_634] : memref<1x80xi32, #tpu.memory_space<vmem>> -> memref<1x80xi32, #tpu.memory_space<vmem>>
        %dma_start3A_636 = tpu.memref_squeeze %dma_start3A_635 : memref<1x80xi32, #tpu.memory_space<vmem>> -> memref<80xi32, #tpu.memory_space<vmem>>
        %dma_start3A_637 = arith.constant 0 : i32
        %dma_start3A_638 = arith.constant 0 : i32
        %dma_start3A_639 = tpu.memref_slice %arg2[%dma_start3A_637, %dma_start3A_638] : memref<10000x128xf32, #tpu.memory_space<hbm>> -> memref<10000x128xf32, #tpu.memory_space<hbm>>
        tpu.enqueue_indirect_dma source(%dma_start3A_639 : memref<10000x128xf32, #tpu.memory_space<hbm>>) target(%arg12 : memref<80x128xf32, #tpu.memory_space<vmem>>) offsets(%dma_start3A_636 : memref<80xi32, #tpu.memory_space<vmem>>) semaphore(%arg18 : memref<!tpu.dma_semaphore, #tpu.memory_space<semaphore_mem>>)
        %add3A_640 = arith.constant 1 : i32
        %add3A_641 = arith.addi %mul3A_547, %add3A_640 : i32
        %dma_wait3A_642 = arith.constant 0 : i32
        %dma_wait3A_643 = tpu.memref_slice %arg3[%add3A, %add3A_641, %dma_wait3A_642] : memref<32x125x80xi32, #tpu.memory_space<hbm>> -> memref<1x1x80xi32, #tpu.memory_space<hbm>>
        %dma_wait3A_644 = tpu.memref_squeeze %dma_wait3A_643 : memref<1x1x80xi32, #tpu.memory_space<hbm>> -> memref<1x80xi32, #tpu.memory_space<hbm>>
        %dma_wait3A_645 = arith.constant 0 : i32
        %dma_wait3A_646 = tpu.memref_slice %arg3[%add3A, %add3A_641, %dma_wait3A_645] : memref<32x125x80xi32, #tpu.memory_space<hbm>> -> memref<1x1x80xi32, #tpu.memory_space<hbm>>
        %dma_wait3A_647 = tpu.memref_squeeze %dma_wait3A_646 : memref<1x1x80xi32, #tpu.memory_space<hbm>> -> memref<1x80xi32, #tpu.memory_space<hbm>>
        tpu.wait_dma2 semaphore(%arg16 : memref<!tpu.dma_semaphore, #tpu.memory_space<semaphore_mem>>) src(%dma_wait3A_647 : memref<1x80xi32, #tpu.memory_space<hbm>>) dst(%arg7 : memref<1x80xi32, #tpu.memory_space<vmem>>)
        %add3A_648 = arith.constant 1 : i32
        %add3A_649 = arith.addi %mul3A_547, %add3A_648 : i32
        %dma_wait3A_650 = arith.constant 0 : i32
        %dma_wait3A_651 = tpu.memref_slice %arg4[%add3A, %add3A_649, %dma_wait3A_650] : memref<32x125x80xi32, #tpu.memory_space<hbm>> -> memref<1x1x80xi32, #tpu.memory_space<hbm>>
        %dma_wait3A_652 = tpu.memref_squeeze %dma_wait3A_651 : memref<1x1x80xi32, #tpu.memory_space<hbm>> -> memref<1x80xi32, #tpu.memory_space<hbm>>
        %dma_wait3A_653 = arith.constant 0 : i32
        %dma_wait3A_654 = tpu.memref_slice %arg4[%add3A, %add3A_649, %dma_wait3A_653] : memref<32x125x80xi32, #tpu.memory_space<hbm>> -> memref<1x1x80xi32, #tpu.memory_space<hbm>>
        %dma_wait3A_655 = tpu.memref_squeeze %dma_wait3A_654 : memref<1x1x80xi32, #tpu.memory_space<hbm>> -> memref<1x80xi32, #tpu.memory_space<hbm>>
        tpu.wait_dma2 semaphore(%arg16 : memref<!tpu.dma_semaphore, #tpu.memory_space<semaphore_mem>>) src(%dma_wait3A_655 : memref<1x80xi32, #tpu.memory_space<hbm>>) dst(%arg10 : memref<1x80xi32, #tpu.memory_space<vmem>>)
        %dma_start3A_656 = arith.constant 0 : i32
        %dma_start3A_657 = arith.constant 0 : i32
        %dma_start3A_658 = tpu.memref_slice %arg7[%dma_start3A_656, %dma_start3A_657] : memref<1x80xi32, #tpu.memory_space<vmem>> -> memref<1x80xi32, #tpu.memory_space<vmem>>
        %dma_start3A_659 = tpu.memref_squeeze %dma_start3A_658 : memref<1x80xi32, #tpu.memory_space<vmem>> -> memref<80xi32, #tpu.memory_space<vmem>>
        %dma_start3A_660 = arith.constant 0 : i32
        %dma_start3A_661 = arith.constant 0 : i32
        %dma_start3A_662 = tpu.memref_slice %arg2[%dma_start3A_660, %dma_start3A_661] : memref<10000x128xf32, #tpu.memory_space<hbm>> -> memref<10000x128xf32, #tpu.memory_space<hbm>>
        tpu.enqueue_indirect_dma source(%dma_start3A_662 : memref<10000x128xf32, #tpu.memory_space<hbm>>) target(%arg13 : memref<80x128xf32, #tpu.memory_space<vmem>>) offsets(%dma_start3A_659 : memref<80xi32, #tpu.memory_space<vmem>>) semaphore(%arg19 : memref<!tpu.dma_semaphore, #tpu.memory_space<semaphore_mem>>)
        %add3A_663 = arith.constant 2 : i32
        %add3A_664 = arith.addi %mul3A_547, %add3A_663 : i32
        %dma_wait3A_665 = arith.constant 0 : i32
        %dma_wait3A_666 = tpu.memref_slice %arg3[%add3A, %add3A_664, %dma_wait3A_665] : memref<32x125x80xi32, #tpu.memory_space<hbm>> -> memref<1x1x80xi32, #tpu.memory_space<hbm>>
        %dma_wait3A_667 = tpu.memref_squeeze %dma_wait3A_666 : memref<1x1x80xi32, #tpu.memory_space<hbm>> -> memref<1x80xi32, #tpu.memory_space<hbm>>
        %dma_wait3A_668 = arith.constant 0 : i32
        %dma_wait3A_669 = tpu.memref_slice %arg3[%add3A, %add3A_664, %dma_wait3A_668] : memref<32x125x80xi32, #tpu.memory_space<hbm>> -> memref<1x1x80xi32, #tpu.memory_space<hbm>>
        %dma_wait3A_670 = tpu.memref_squeeze %dma_wait3A_669 : memref<1x1x80xi32, #tpu.memory_space<hbm>> -> memref<1x80xi32, #tpu.memory_space<hbm>>
        tpu.wait_dma2 semaphore(%arg17 : memref<!tpu.dma_semaphore, #tpu.memory_space<semaphore_mem>>) src(%dma_wait3A_670 : memref<1x80xi32, #tpu.memory_space<hbm>>) dst(%arg8 : memref<1x80xi32, #tpu.memory_space<vmem>>)
        %add3A_671 = arith.constant 2 : i32
        %add3A_672 = arith.addi %mul3A_547, %add3A_671 : i32
        %dma_wait3A_673 = arith.constant 0 : i32
        %dma_wait3A_674 = tpu.memref_slice %arg4[%add3A, %add3A_672, %dma_wait3A_673] : memref<32x125x80xi32, #tpu.memory_space<hbm>> -> memref<1x1x80xi32, #tpu.memory_space<hbm>>
        %dma_wait3A_675 = tpu.memref_squeeze %dma_wait3A_674 : memref<1x1x80xi32, #tpu.memory_space<hbm>> -> memref<1x80xi32, #tpu.memory_space<hbm>>
        %dma_wait3A_676 = arith.constant 0 : i32
        %dma_wait3A_677 = tpu.memref_slice %arg4[%add3A, %add3A_672, %dma_wait3A_676] : memref<32x125x80xi32, #tpu.memory_space<hbm>> -> memref<1x1x80xi32, #tpu.memory_space<hbm>>
        %dma_wait3A_678 = tpu.memref_squeeze %dma_wait3A_677 : memref<1x1x80xi32, #tpu.memory_space<hbm>> -> memref<1x80xi32, #tpu.memory_space<hbm>>
        tpu.wait_dma2 semaphore(%arg17 : memref<!tpu.dma_semaphore, #tpu.memory_space<semaphore_mem>>) src(%dma_wait3A_678 : memref<1x80xi32, #tpu.memory_space<hbm>>) dst(%arg11 : memref<1x80xi32, #tpu.memory_space<vmem>>)
        %dma_start3A_679 = arith.constant 0 : i32
        %dma_start3A_680 = arith.constant 0 : i32
        %dma_start3A_681 = tpu.memref_slice %arg8[%dma_start3A_679, %dma_start3A_680] : memref<1x80xi32, #tpu.memory_space<vmem>> -> memref<1x80xi32, #tpu.memory_space<vmem>>
        %dma_start3A_682 = tpu.memref_squeeze %dma_start3A_681 : memref<1x80xi32, #tpu.memory_space<vmem>> -> memref<80xi32, #tpu.memory_space<vmem>>
        %dma_start3A_683 = arith.constant 0 : i32
        %dma_start3A_684 = arith.constant 0 : i32
        %dma_start3A_685 = tpu.memref_slice %arg2[%dma_start3A_683, %dma_start3A_684] : memref<10000x128xf32, #tpu.memory_space<hbm>> -> memref<10000x128xf32, #tpu.memory_space<hbm>>
        tpu.enqueue_indirect_dma source(%dma_start3A_685 : memref<10000x128xf32, #tpu.memory_space<hbm>>) target(%arg14 : memref<80x128xf32, #tpu.memory_space<vmem>>) offsets(%dma_start3A_682 : memref<80xi32, #tpu.memory_space<vmem>>) semaphore(%arg20 : memref<!tpu.dma_semaphore, #tpu.memory_space<semaphore_mem>>)
      } else {
      }
      %scan3A_543 = arith.constant 0 : i32
      scf.yield %scan3A_543 : i32
    }
    %scan3A_210 = arith.constant 41 : i32
    %dma_wait3A_211 = arith.constant 0 : i32
    %dma_wait3A_212 = arith.constant 0 : i32
    %dma_wait3A_213 = tpu.memref_slice %arg9[%dma_wait3A_211, %dma_wait3A_212] : memref<1x80xi32, #tpu.memory_space<vmem>> -> memref<1x80xi32, #tpu.memory_space<vmem>>
    %dma_wait3A_214 = tpu.memref_squeeze %dma_wait3A_213 : memref<1x80xi32, #tpu.memory_space<vmem>> -> memref<80xi32, #tpu.memory_space<vmem>>
    %dma_wait3A_215 = arith.constant 0 : i32
    %dma_wait3A_216 = arith.constant 0 : i32
    %dma_wait3A_217 = tpu.memref_slice %arg24[%dma_wait3A_215, %dma_wait3A_216] : memref<10240x128xf32, #tpu.memory_space<vmem_shared>> -> memref<10240x128xf32, #tpu.memory_space<vmem_shared>>
    tpu.wait_indirect_dma semaphore(%arg21 : memref<!tpu.dma_semaphore, #tpu.memory_space<semaphore_mem>>) src(%arg12 : memref<80x128xf32, #tpu.memory_space<vmem>>) dst(%dma_wait3A_217 : memref<10240x128xf32, #tpu.memory_space<vmem_shared>>)
    %dma_start3A_218 = arith.constant 123 : i32
    %dma_start3A_219 = arith.constant 0 : i32
    %dma_start3A_220 = tpu.memref_slice %arg3[%add3A, %dma_start3A_218, %dma_start3A_219] : memref<32x125x80xi32, #tpu.memory_space<hbm>> -> memref<1x1x80xi32, #tpu.memory_space<hbm>>
    %dma_start3A_221 = tpu.memref_squeeze %dma_start3A_220 : memref<1x1x80xi32, #tpu.memory_space<hbm>> -> memref<1x80xi32, #tpu.memory_space<hbm>>
    %dma_start3A_222 = arith.constant 123 : i32
    %dma_start3A_223 = arith.constant 0 : i32
    %dma_start3A_224 = tpu.memref_slice %arg3[%add3A, %dma_start3A_222, %dma_start3A_223] : memref<32x125x80xi32, #tpu.memory_space<hbm>> -> memref<1x1x80xi32, #tpu.memory_space<hbm>>
    %dma_start3A_225 = tpu.memref_squeeze %dma_start3A_224 : memref<1x1x80xi32, #tpu.memory_space<hbm>> -> memref<1x80xi32, #tpu.memory_space<hbm>>
    tpu.enqueue_dma source(%dma_start3A_225 : memref<1x80xi32, #tpu.memory_space<hbm>>) target(%arg6 : memref<1x80xi32, #tpu.memory_space<vmem>>) target_semaphore(%arg15 : memref<!tpu.dma_semaphore, #tpu.memory_space<semaphore_mem>>)
    %dma_start3A_226 = arith.constant 123 : i32
    %dma_start3A_227 = arith.constant 0 : i32
    %dma_start3A_228 = tpu.memref_slice %arg4[%add3A, %dma_start3A_226, %dma_start3A_227] : memref<32x125x80xi32, #tpu.memory_space<hbm>> -> memref<1x1x80xi32, #tpu.memory_space<hbm>>
    %dma_start3A_229 = tpu.memref_squeeze %dma_start3A_228 : memref<1x1x80xi32, #tpu.memory_space<hbm>> -> memref<1x80xi32, #tpu.memory_space<hbm>>
    %dma_start3A_230 = arith.constant 123 : i32
    %dma_start3A_231 = arith.constant 0 : i32
    %dma_start3A_232 = tpu.memref_slice %arg4[%add3A, %dma_start3A_230, %dma_start3A_231] : memref<32x125x80xi32, #tpu.memory_space<hbm>> -> memref<1x1x80xi32, #tpu.memory_space<hbm>>
    %dma_start3A_233 = tpu.memref_squeeze %dma_start3A_232 : memref<1x1x80xi32, #tpu.memory_space<hbm>> -> memref<1x80xi32, #tpu.memory_space<hbm>>
    tpu.enqueue_dma source(%dma_start3A_233 : memref<1x80xi32, #tpu.memory_space<hbm>>) target(%arg9 : memref<1x80xi32, #tpu.memory_space<vmem>>) target_semaphore(%arg15 : memref<!tpu.dma_semaphore, #tpu.memory_space<semaphore_mem>>)
    %dma_wait3A_234 = arith.constant 0 : i32
    %dma_wait3A_235 = arith.constant 0 : i32
    %dma_wait3A_236 = tpu.memref_slice %arg10[%dma_wait3A_234, %dma_wait3A_235] : memref<1x80xi32, #tpu.memory_space<vmem>> -> memref<1x80xi32, #tpu.memory_space<vmem>>
    %dma_wait3A_237 = tpu.memref_squeeze %dma_wait3A_236 : memref<1x80xi32, #tpu.memory_space<vmem>> -> memref<80xi32, #tpu.memory_space<vmem>>
    %dma_wait3A_238 = arith.constant 0 : i32
    %dma_wait3A_239 = arith.constant 0 : i32
    %dma_wait3A_240 = tpu.memref_slice %arg24[%dma_wait3A_238, %dma_wait3A_239] : memref<10240x128xf32, #tpu.memory_space<vmem_shared>> -> memref<10240x128xf32, #tpu.memory_space<vmem_shared>>
    tpu.wait_indirect_dma semaphore(%arg22 : memref<!tpu.dma_semaphore, #tpu.memory_space<semaphore_mem>>) src(%arg13 : memref<80x128xf32, #tpu.memory_space<vmem>>) dst(%dma_wait3A_240 : memref<10240x128xf32, #tpu.memory_space<vmem_shared>>)
    %dma_start3A_241 = arith.constant 124 : i32
    %dma_start3A_242 = arith.constant 0 : i32
    %dma_start3A_243 = tpu.memref_slice %arg3[%add3A, %dma_start3A_241, %dma_start3A_242] : memref<32x125x80xi32, #tpu.memory_space<hbm>> -> memref<1x1x80xi32, #tpu.memory_space<hbm>>
    %dma_start3A_244 = tpu.memref_squeeze %dma_start3A_243 : memref<1x1x80xi32, #tpu.memory_space<hbm>> -> memref<1x80xi32, #tpu.memory_space<hbm>>
    %dma_start3A_245 = arith.constant 124 : i32
    %dma_start3A_246 = arith.constant 0 : i32
    %dma_start3A_247 = tpu.memref_slice %arg3[%add3A, %dma_start3A_245, %dma_start3A_246] : memref<32x125x80xi32, #tpu.memory_space<hbm>> -> memref<1x1x80xi32, #tpu.memory_space<hbm>>
    %dma_start3A_248 = tpu.memref_squeeze %dma_start3A_247 : memref<1x1x80xi32, #tpu.memory_space<hbm>> -> memref<1x80xi32, #tpu.memory_space<hbm>>
    tpu.enqueue_dma source(%dma_start3A_248 : memref<1x80xi32, #tpu.memory_space<hbm>>) target(%arg7 : memref<1x80xi32, #tpu.memory_space<vmem>>) target_semaphore(%arg16 : memref<!tpu.dma_semaphore, #tpu.memory_space<semaphore_mem>>)
    %dma_start3A_249 = arith.constant 124 : i32
    %dma_start3A_250 = arith.constant 0 : i32
    %dma_start3A_251 = tpu.memref_slice %arg4[%add3A, %dma_start3A_249, %dma_start3A_250] : memref<32x125x80xi32, #tpu.memory_space<hbm>> -> memref<1x1x80xi32, #tpu.memory_space<hbm>>
    %dma_start3A_252 = tpu.memref_squeeze %dma_start3A_251 : memref<1x1x80xi32, #tpu.memory_space<hbm>> -> memref<1x80xi32, #tpu.memory_space<hbm>>
    %dma_start3A_253 = arith.constant 124 : i32
    %dma_start3A_254 = arith.constant 0 : i32
    %dma_start3A_255 = tpu.memref_slice %arg4[%add3A, %dma_start3A_253, %dma_start3A_254] : memref<32x125x80xi32, #tpu.memory_space<hbm>> -> memref<1x1x80xi32, #tpu.memory_space<hbm>>
    %dma_start3A_256 = tpu.memref_squeeze %dma_start3A_255 : memref<1x1x80xi32, #tpu.memory_space<hbm>> -> memref<1x80xi32, #tpu.memory_space<hbm>>
    tpu.enqueue_dma source(%dma_start3A_256 : memref<1x80xi32, #tpu.memory_space<hbm>>) target(%arg10 : memref<1x80xi32, #tpu.memory_space<vmem>>) target_semaphore(%arg16 : memref<!tpu.dma_semaphore, #tpu.memory_space<semaphore_mem>>)
    %dma_wait3A_257 = arith.constant 123 : i32
    %dma_wait3A_258 = arith.constant 0 : i32
    %dma_wait3A_259 = tpu.memref_slice %arg3[%add3A, %dma_wait3A_257, %dma_wait3A_258] : memref<32x125x80xi32, #tpu.memory_space<hbm>> -> memref<1x1x80xi32, #tpu.memory_space<hbm>>
    %dma_wait3A_260 = tpu.memref_squeeze %dma_wait3A_259 : memref<1x1x80xi32, #tpu.memory_space<hbm>> -> memref<1x80xi32, #tpu.memory_space<hbm>>
    %dma_wait3A_261 = arith.constant 123 : i32
    %dma_wait3A_262 = arith.constant 0 : i32
    %dma_wait3A_263 = tpu.memref_slice %arg3[%add3A, %dma_wait3A_261, %dma_wait3A_262] : memref<32x125x80xi32, #tpu.memory_space<hbm>> -> memref<1x1x80xi32, #tpu.memory_space<hbm>>
    %dma_wait3A_264 = tpu.memref_squeeze %dma_wait3A_263 : memref<1x1x80xi32, #tpu.memory_space<hbm>> -> memref<1x80xi32, #tpu.memory_space<hbm>>
    tpu.wait_dma2 semaphore(%arg15 : memref<!tpu.dma_semaphore, #tpu.memory_space<semaphore_mem>>) src(%dma_wait3A_264 : memref<1x80xi32, #tpu.memory_space<hbm>>) dst(%arg6 : memref<1x80xi32, #tpu.memory_space<vmem>>)
    %dma_wait3A_265 = arith.constant 123 : i32
    %dma_wait3A_266 = arith.constant 0 : i32
    %dma_wait3A_267 = tpu.memref_slice %arg4[%add3A, %dma_wait3A_265, %dma_wait3A_266] : memref<32x125x80xi32, #tpu.memory_space<hbm>> -> memref<1x1x80xi32, #tpu.memory_space<hbm>>
    %dma_wait3A_268 = tpu.memref_squeeze %dma_wait3A_267 : memref<1x1x80xi32, #tpu.memory_space<hbm>> -> memref<1x80xi32, #tpu.memory_space<hbm>>
    %dma_wait3A_269 = arith.constant 123 : i32
    %dma_wait3A_270 = arith.constant 0 : i32
    %dma_wait3A_271 = tpu.memref_slice %arg4[%add3A, %dma_wait3A_269, %dma_wait3A_270] : memref<32x125x80xi32, #tpu.memory_space<hbm>> -> memref<1x1x80xi32, #tpu.memory_space<hbm>>
    %dma_wait3A_272 = tpu.memref_squeeze %dma_wait3A_271 : memref<1x1x80xi32, #tpu.memory_space<hbm>> -> memref<1x80xi32, #tpu.memory_space<hbm>>
    tpu.wait_dma2 semaphore(%arg15 : memref<!tpu.dma_semaphore, #tpu.memory_space<semaphore_mem>>) src(%dma_wait3A_272 : memref<1x80xi32, #tpu.memory_space<hbm>>) dst(%arg9 : memref<1x80xi32, #tpu.memory_space<vmem>>)
    %dma_start3A_273 = arith.constant 0 : i32
    %dma_start3A_274 = arith.constant 0 : i32
    %dma_start3A_275 = tpu.memref_slice %arg6[%dma_start3A_273, %dma_start3A_274] : memref<1x80xi32, #tpu.memory_space<vmem>> -> memref<1x80xi32, #tpu.memory_space<vmem>>
    %dma_start3A_276 = tpu.memref_squeeze %dma_start3A_275 : memref<1x80xi32, #tpu.memory_space<vmem>> -> memref<80xi32, #tpu.memory_space<vmem>>
    %dma_start3A_277 = arith.constant 0 : i32
    %dma_start3A_278 = arith.constant 0 : i32
    %dma_start3A_279 = tpu.memref_slice %arg2[%dma_start3A_277, %dma_start3A_278] : memref<10000x128xf32, #tpu.memory_space<hbm>> -> memref<10000x128xf32, #tpu.memory_space<hbm>>
    tpu.enqueue_indirect_dma source(%dma_start3A_279 : memref<10000x128xf32, #tpu.memory_space<hbm>>) target(%arg12 : memref<80x128xf32, #tpu.memory_space<vmem>>) offsets(%dma_start3A_276 : memref<80xi32, #tpu.memory_space<vmem>>) semaphore(%arg18 : memref<!tpu.dma_semaphore, #tpu.memory_space<semaphore_mem>>)
    %dma_wait3A_280 = arith.constant 124 : i32
    %dma_wait3A_281 = arith.constant 0 : i32
    %dma_wait3A_282 = tpu.memref_slice %arg3[%add3A, %dma_wait3A_280, %dma_wait3A_281] : memref<32x125x80xi32, #tpu.memory_space<hbm>> -> memref<1x1x80xi32, #tpu.memory_space<hbm>>
    %dma_wait3A_283 = tpu.memref_squeeze %dma_wait3A_282 : memref<1x1x80xi32, #tpu.memory_space<hbm>> -> memref<1x80xi32, #tpu.memory_space<hbm>>
    %dma_wait3A_284 = arith.constant 124 : i32
    %dma_wait3A_285 = arith.constant 0 : i32
    %dma_wait3A_286 = tpu.memref_slice %arg3[%add3A, %dma_wait3A_284, %dma_wait3A_285] : memref<32x125x80xi32, #tpu.memory_space<hbm>> -> memref<1x1x80xi32, #tpu.memory_space<hbm>>
    %dma_wait3A_287 = tpu.memref_squeeze %dma_wait3A_286 : memref<1x1x80xi32, #tpu.memory_space<hbm>> -> memref<1x80xi32, #tpu.memory_space<hbm>>
    tpu.wait_dma2 semaphore(%arg16 : memref<!tpu.dma_semaphore, #tpu.memory_space<semaphore_mem>>) src(%dma_wait3A_287 : memref<1x80xi32, #tpu.memory_space<hbm>>) dst(%arg7 : memref<1x80xi32, #tpu.memory_space<vmem>>)
    %dma_wait3A_288 = arith.constant 124 : i32
    %dma_wait3A_289 = arith.constant 0 : i32
    %dma_wait3A_290 = tpu.memref_slice %arg4[%add3A, %dma_wait3A_288, %dma_wait3A_289] : memref<32x125x80xi32, #tpu.memory_space<hbm>> -> memref<1x1x80xi32, #tpu.memory_space<hbm>>
    %dma_wait3A_291 = tpu.memref_squeeze %dma_wait3A_290 : memref<1x1x80xi32, #tpu.memory_space<hbm>> -> memref<1x80xi32, #tpu.memory_space<hbm>>
    %dma_wait3A_292 = arith.constant 124 : i32
    %dma_wait3A_293 = arith.constant 0 : i32
    %dma_wait3A_294 = tpu.memref_slice %arg4[%add3A, %dma_wait3A_292, %dma_wait3A_293] : memref<32x125x80xi32, #tpu.memory_space<hbm>> -> memref<1x1x80xi32, #tpu.memory_space<hbm>>
    %dma_wait3A_295 = tpu.memref_squeeze %dma_wait3A_294 : memref<1x1x80xi32, #tpu.memory_space<hbm>> -> memref<1x80xi32, #tpu.memory_space<hbm>>
    tpu.wait_dma2 semaphore(%arg16 : memref<!tpu.dma_semaphore, #tpu.memory_space<semaphore_mem>>) src(%dma_wait3A_295 : memref<1x80xi32, #tpu.memory_space<hbm>>) dst(%arg10 : memref<1x80xi32, #tpu.memory_space<vmem>>)
    %dma_start3A_296 = arith.constant 0 : i32
    %dma_start3A_297 = arith.constant 0 : i32
    %dma_start3A_298 = tpu.memref_slice %arg7[%dma_start3A_296, %dma_start3A_297] : memref<1x80xi32, #tpu.memory_space<vmem>> -> memref<1x80xi32, #tpu.memory_space<vmem>>
    %dma_start3A_299 = tpu.memref_squeeze %dma_start3A_298 : memref<1x80xi32, #tpu.memory_space<vmem>> -> memref<80xi32, #tpu.memory_space<vmem>>
    %dma_start3A_300 = arith.constant 0 : i32
    %dma_start3A_301 = arith.constant 0 : i32
    %dma_start3A_302 = tpu.memref_slice %arg2[%dma_start3A_300, %dma_start3A_301] : memref<10000x128xf32, #tpu.memory_space<hbm>> -> memref<10000x128xf32, #tpu.memory_space<hbm>>
    tpu.enqueue_indirect_dma source(%dma_start3A_302 : memref<10000x128xf32, #tpu.memory_space<hbm>>) target(%arg13 : memref<80x128xf32, #tpu.memory_space<vmem>>) offsets(%dma_start3A_299 : memref<80xi32, #tpu.memory_space<vmem>>) semaphore(%arg19 : memref<!tpu.dma_semaphore, #tpu.memory_space<semaphore_mem>>)
    %dma_wait3A_303 = arith.constant 0 : i32
    %dma_wait3A_304 = arith.constant 0 : i32
    %dma_wait3A_305 = tpu.memref_slice %arg6[%dma_wait3A_303, %dma_wait3A_304] : memref<1x80xi32, #tpu.memory_space<vmem>> -> memref<1x80xi32, #tpu.memory_space<vmem>>
    %dma_wait3A_306 = tpu.memref_squeeze %dma_wait3A_305 : memref<1x80xi32, #tpu.memory_space<vmem>> -> memref<80xi32, #tpu.memory_space<vmem>>
    %dma_wait3A_307 = arith.constant 0 : i32
    %dma_wait3A_308 = arith.constant 0 : i32
    %dma_wait3A_309 = tpu.memref_slice %arg2[%dma_wait3A_307, %dma_wait3A_308] : memref<10000x128xf32, #tpu.memory_space<hbm>> -> memref<10000x128xf32, #tpu.memory_space<hbm>>
    tpu.wait_indirect_dma semaphore(%arg18 : memref<!tpu.dma_semaphore, #tpu.memory_space<semaphore_mem>>) src(%dma_wait3A_309 : memref<10000x128xf32, #tpu.memory_space<hbm>>) dst(%arg12 : memref<80x128xf32, #tpu.memory_space<vmem>>)
    %dma_start3A_310 = arith.constant 0 : i32
    %dma_start3A_311 = arith.constant 0 : i32
    %dma_start3A_312 = tpu.memref_slice %arg9[%dma_start3A_310, %dma_start3A_311] : memref<1x80xi32, #tpu.memory_space<vmem>> -> memref<1x80xi32, #tpu.memory_space<vmem>>
    %dma_start3A_313 = tpu.memref_squeeze %dma_start3A_312 : memref<1x80xi32, #tpu.memory_space<vmem>> -> memref<80xi32, #tpu.memory_space<vmem>>
    %dma_start3A_314 = arith.constant 0 : i32
    %dma_start3A_315 = arith.constant 0 : i32
    %dma_start3A_316 = tpu.memref_slice %arg24[%dma_start3A_314, %dma_start3A_315] : memref<10240x128xf32, #tpu.memory_space<vmem_shared>> -> memref<10240x128xf32, #tpu.memory_space<vmem_shared>>
    tpu.enqueue_indirect_dma source(%arg12 : memref<80x128xf32, #tpu.memory_space<vmem>>) target(%dma_start3A_316 : memref<10240x128xf32, #tpu.memory_space<vmem_shared>>) offsets(%dma_start3A_313 : memref<80xi32, #tpu.memory_space<vmem>>) semaphore(%arg21 : memref<!tpu.dma_semaphore, #tpu.memory_space<semaphore_mem>>) {add = true}
    %dma_wait3A_317 = arith.constant 0 : i32
    %dma_wait3A_318 = arith.constant 0 : i32
    %dma_wait3A_319 = tpu.memref_slice %arg7[%dma_wait3A_317, %dma_wait3A_318] : memref<1x80xi32, #tpu.memory_space<vmem>> -> memref<1x80xi32, #tpu.memory_space<vmem>>
    %dma_wait3A_320 = tpu.memref_squeeze %dma_wait3A_319 : memref<1x80xi32, #tpu.memory_space<vmem>> -> memref<80xi32, #tpu.memory_space<vmem>>
    %dma_wait3A_321 = arith.constant 0 : i32
    %dma_wait3A_322 = arith.constant 0 : i32
    %dma_wait3A_323 = tpu.memref_slice %arg2[%dma_wait3A_321, %dma_wait3A_322] : memref<10000x128xf32, #tpu.memory_space<hbm>> -> memref<10000x128xf32, #tpu.memory_space<hbm>>
    tpu.wait_indirect_dma semaphore(%arg19 : memref<!tpu.dma_semaphore, #tpu.memory_space<semaphore_mem>>) src(%dma_wait3A_323 : memref<10000x128xf32, #tpu.memory_space<hbm>>) dst(%arg13 : memref<80x128xf32, #tpu.memory_space<vmem>>)
    %dma_start3A_324 = arith.constant 0 : i32
    %dma_start3A_325 = arith.constant 0 : i32
    %dma_start3A_326 = tpu.memref_slice %arg10[%dma_start3A_324, %dma_start3A_325] : memref<1x80xi32, #tpu.memory_space<vmem>> -> memref<1x80xi32, #tpu.memory_space<vmem>>
    %dma_start3A_327 = tpu.memref_squeeze %dma_start3A_326 : memref<1x80xi32, #tpu.memory_space<vmem>> -> memref<80xi32, #tpu.memory_space<vmem>>
    %dma_start3A_328 = arith.constant 0 : i32
    %dma_start3A_329 = arith.constant 0 : i32
    %dma_start3A_330 = tpu.memref_slice %arg24[%dma_start3A_328, %dma_start3A_329] : memref<10240x128xf32, #tpu.memory_space<vmem_shared>> -> memref<10240x128xf32, #tpu.memory_space<vmem_shared>>
    tpu.enqueue_indirect_dma source(%arg13 : memref<80x128xf32, #tpu.memory_space<vmem>>) target(%dma_start3A_330 : memref<10240x128xf32, #tpu.memory_space<vmem_shared>>) offsets(%dma_start3A_327 : memref<80xi32, #tpu.memory_space<vmem>>) semaphore(%arg22 : memref<!tpu.dma_semaphore, #tpu.memory_space<semaphore_mem>>) {add = true}
    %dma_wait3A_331 = arith.constant 0 : i32
    %dma_wait3A_332 = arith.constant 0 : i32
    %dma_wait3A_333 = tpu.memref_slice %arg9[%dma_wait3A_331, %dma_wait3A_332] : memref<1x80xi32, #tpu.memory_space<vmem>> -> memref<1x80xi32, #tpu.memory_space<vmem>>
    %dma_wait3A_334 = tpu.memref_squeeze %dma_wait3A_333 : memref<1x80xi32, #tpu.memory_space<vmem>> -> memref<80xi32, #tpu.memory_space<vmem>>
    %dma_wait3A_335 = arith.constant 0 : i32
    %dma_wait3A_336 = arith.constant 0 : i32
    %dma_wait3A_337 = tpu.memref_slice %arg24[%dma_wait3A_335, %dma_wait3A_336] : memref<10240x128xf32, #tpu.memory_space<vmem_shared>> -> memref<10240x128xf32, #tpu.memory_space<vmem_shared>>
    tpu.wait_indirect_dma semaphore(%arg21 : memref<!tpu.dma_semaphore, #tpu.memory_space<semaphore_mem>>) src(%arg12 : memref<80x128xf32, #tpu.memory_space<vmem>>) dst(%dma_wait3A_337 : memref<10240x128xf32, #tpu.memory_space<vmem_shared>>)
    %dma_wait3A_338 = arith.constant 0 : i32
    %dma_wait3A_339 = arith.constant 0 : i32
    %dma_wait3A_340 = tpu.memref_slice %arg10[%dma_wait3A_338, %dma_wait3A_339] : memref<1x80xi32, #tpu.memory_space<vmem>> -> memref<1x80xi32, #tpu.memory_space<vmem>>
    %dma_wait3A_341 = tpu.memref_squeeze %dma_wait3A_340 : memref<1x80xi32, #tpu.memory_space<vmem>> -> memref<80xi32, #tpu.memory_space<vmem>>
    %dma_wait3A_342 = arith.constant 0 : i32
    %dma_wait3A_343 = arith.constant 0 : i32
    %dma_wait3A_344 = tpu.memref_slice %arg24[%dma_wait3A_342, %dma_wait3A_343] : memref<10240x128xf32, #tpu.memory_space<vmem_shared>> -> memref<10240x128xf32, #tpu.memory_space<vmem_shared>>
    tpu.wait_indirect_dma semaphore(%arg22 : memref<!tpu.dma_semaphore, #tpu.memory_space<semaphore_mem>>) src(%arg13 : memref<80x128xf32, #tpu.memory_space<vmem>>) dst(%dma_wait3A_344 : memref<10240x128xf32, #tpu.memory_space<vmem_shared>>)
    %dma_wait3A_345 = arith.constant 0 : i32
    %dma_wait3A_346 = arith.constant 0 : i32
    %dma_wait3A_347 = tpu.memref_slice %arg11[%dma_wait3A_345, %dma_wait3A_346] : memref<1x80xi32, #tpu.memory_space<vmem>> -> memref<1x80xi32, #tpu.memory_space<vmem>>
    %dma_wait3A_348 = tpu.memref_squeeze %dma_wait3A_347 : memref<1x80xi32, #tpu.memory_space<vmem>> -> memref<80xi32, #tpu.memory_space<vmem>>
    %dma_wait3A_349 = arith.constant 0 : i32
    %dma_wait3A_350 = arith.constant 0 : i32
    %dma_wait3A_351 = tpu.memref_slice %arg24[%dma_wait3A_349, %dma_wait3A_350] : memref<10240x128xf32, #tpu.memory_space<vmem_shared>> -> memref<10240x128xf32, #tpu.memory_space<vmem_shared>>
    tpu.wait_indirect_dma semaphore(%arg23 : memref<!tpu.dma_semaphore, #tpu.memory_space<semaphore_mem>>) src(%arg14 : memref<80x128xf32, #tpu.memory_space<vmem>>) dst(%dma_wait3A_351 : memref<10240x128xf32, #tpu.memory_space<vmem_shared>>)
    %barrier3A_352 = arith.constant 0 : index
    tpu.barrier barrier_id(%barrier3A_352)
    %add3A_353 = arith.constant 0 : i32
    %add3A_354 = arith.addi %mul3A_8, %add3A_353 : i32
    "tpu.region"() ({
      %run_scoped3A = tpu.sem_alloc : memref<!tpu.dma_semaphore, #tpu.memory_space<semaphore_mem>>
      %dma_start3A_497 = arith.constant 0 : i32
      %dma_start3A_498 = tpu.memref_slice %arg24[%add3A_354, %dma_start3A_497] : memref<10240x128xf32, #tpu.memory_space<vmem_shared>> -> memref<80x128xf32, #tpu.memory_space<vmem_shared>>
      %dma_start3A_499 = arith.constant 0 : i32
      %dma_start3A_500 = tpu.memref_slice %arg24[%add3A_354, %dma_start3A_499] : memref<10240x128xf32, #tpu.memory_space<vmem_shared>> -> memref<80x128xf32, #tpu.memory_space<vmem_shared>>
      tpu.enqueue_dma source(%dma_start3A_500 : memref<80x128xf32, #tpu.memory_space<vmem_shared>>) target(%arg12 : memref<80x128xf32, #tpu.memory_space<vmem>>) target_semaphore(%run_scoped3A : memref<!tpu.dma_semaphore, #tpu.memory_space<semaphore_mem>>)
      %dma_wait3A_501 = arith.constant 0 : i32
      %dma_wait3A_502 = tpu.memref_slice %arg24[%add3A_354, %dma_wait3A_501] : memref<10240x128xf32, #tpu.memory_space<vmem_shared>> -> memref<80x128xf32, #tpu.memory_space<vmem_shared>>
      %dma_wait3A_503 = arith.constant 0 : i32
      %dma_wait3A_504 = tpu.memref_slice %arg24[%add3A_354, %dma_wait3A_503] : memref<10240x128xf32, #tpu.memory_space<vmem_shared>> -> memref<80x128xf32, #tpu.memory_space<vmem_shared>>
      tpu.wait_dma2 semaphore(%run_scoped3A : memref<!tpu.dma_semaphore, #tpu.memory_space<semaphore_mem>>) src(%dma_wait3A_504 : memref<80x128xf32, #tpu.memory_space<vmem_shared>>) dst(%arg12 : memref<80x128xf32, #tpu.memory_space<vmem>>)
      tpu.yield
    }) : () -> ()
    %add3A_355 = arith.constant 0 : i32
    %add3A_356 = arith.addi %mul3A_8, %add3A_355 : i32
    %dma_start3A_357 = arith.constant 0 : i32
    %dma_start3A_358 = tpu.memref_slice %arg5[%arg0, %add3A_356, %dma_start3A_357] : memref<2x10240x128xf32, #tpu.memory_space<hbm>> -> memref<1x80x128xf32, #tpu.memory_space<hbm>>
    %dma_start3A_359 = tpu.memref_squeeze %dma_start3A_358 : memref<1x80x128xf32, #tpu.memory_space<hbm>> -> memref<80x128xf32, #tpu.memory_space<hbm>>
    %dma_start3A_360 = arith.constant 0 : i32
    %dma_start3A_361 = tpu.memref_slice %arg5[%arg0, %add3A_356, %dma_start3A_360] : memref<2x10240x128xf32, #tpu.memory_space<hbm>> -> memref<1x80x128xf32, #tpu.memory_space<hbm>>
    %dma_start3A_362 = tpu.memref_squeeze %dma_start3A_361 : memref<1x80x128xf32, #tpu.memory_space<hbm>> -> memref<80x128xf32, #tpu.memory_space<hbm>>
    tpu.enqueue_dma source(%arg12 : memref<80x128xf32, #tpu.memory_space<vmem>>) target(%dma_start3A_362 : memref<80x128xf32, #tpu.memory_space<hbm>>) target_semaphore(%arg18 : memref<!tpu.dma_semaphore, #tpu.memory_space<semaphore_mem>>)
    %add3A_363 = arith.constant 80 : i32
    %add3A_364 = arith.addi %mul3A_8, %add3A_363 : i32
    "tpu.region"() ({
      %run_scoped3A = tpu.sem_alloc : memref<!tpu.dma_semaphore, #tpu.memory_space<semaphore_mem>>
      %dma_start3A_497 = arith.constant 0 : i32
      %dma_start3A_498 = tpu.memref_slice %arg24[%add3A_364, %dma_start3A_497] : memref<10240x128xf32, #tpu.memory_space<vmem_shared>> -> memref<80x128xf32, #tpu.memory_space<vmem_shared>>
      %dma_start3A_499 = arith.constant 0 : i32
      %dma_start3A_500 = tpu.memref_slice %arg24[%add3A_364, %dma_start3A_499] : memref<10240x128xf32, #tpu.memory_space<vmem_shared>> -> memref<80x128xf32, #tpu.memory_space<vmem_shared>>
      tpu.enqueue_dma source(%dma_start3A_500 : memref<80x128xf32, #tpu.memory_space<vmem_shared>>) target(%arg13 : memref<80x128xf32, #tpu.memory_space<vmem>>) target_semaphore(%run_scoped3A : memref<!tpu.dma_semaphore, #tpu.memory_space<semaphore_mem>>)
      %dma_wait3A_501 = arith.constant 0 : i32
      %dma_wait3A_502 = tpu.memref_slice %arg24[%add3A_364, %dma_wait3A_501] : memref<10240x128xf32, #tpu.memory_space<vmem_shared>> -> memref<80x128xf32, #tpu.memory_space<vmem_shared>>
      %dma_wait3A_503 = arith.constant 0 : i32
      %dma_wait3A_504 = tpu.memref_slice %arg24[%add3A_364, %dma_wait3A_503] : memref<10240x128xf32, #tpu.memory_space<vmem_shared>> -> memref<80x128xf32, #tpu.memory_space<vmem_shared>>
      tpu.wait_dma2 semaphore(%run_scoped3A : memref<!tpu.dma_semaphore, #tpu.memory_space<semaphore_mem>>) src(%dma_wait3A_504 : memref<80x128xf32, #tpu.memory_space<vmem_shared>>) dst(%arg13 : memref<80x128xf32, #tpu.memory_space<vmem>>)
      tpu.yield
    }) : () -> ()
    %add3A_365 = arith.constant 80 : i32
    %add3A_366 = arith.addi %mul3A_8, %add3A_365 : i32
    %dma_start3A_367 = arith.constant 0 : i32
    %dma_start3A_368 = tpu.memref_slice %arg5[%arg0, %add3A_366, %dma_start3A_367] : memref<2x10240x128xf32, #tpu.memory_space<hbm>> -> memref<1x80x128xf32, #tpu.memory_space<hbm>>
    %dma_start3A_369 = tpu.memref_squeeze %dma_start3A_368 : memref<1x80x128xf32, #tpu.memory_space<hbm>> -> memref<80x128xf32, #tpu.memory_space<hbm>>
    %dma_start3A_370 = arith.constant 0 : i32
    %dma_start3A_371 = tpu.memref_slice %arg5[%arg0, %add3A_366, %dma_start3A_370] : memref<2x10240x128xf32, #tpu.memory_space<hbm>> -> memref<1x80x128xf32, #tpu.memory_space<hbm>>
    %dma_start3A_372 = tpu.memref_squeeze %dma_start3A_371 : memref<1x80x128xf32, #tpu.memory_space<hbm>> -> memref<80x128xf32, #tpu.memory_space<hbm>>
    tpu.enqueue_dma source(%arg13 : memref<80x128xf32, #tpu.memory_space<vmem>>) target(%dma_start3A_372 : memref<80x128xf32, #tpu.memory_space<hbm>>) target_semaphore(%arg19 : memref<!tpu.dma_semaphore, #tpu.memory_space<semaphore_mem>>)
    %add3A_373 = arith.constant 0 : i32
    %add3A_374 = arith.addi %mul3A_8, %add3A_373 : i32
    %dma_wait3A_375 = arith.constant 0 : i32
    %dma_wait3A_376 = tpu.memref_slice %arg5[%arg0, %add3A_374, %dma_wait3A_375] : memref<2x10240x128xf32, #tpu.memory_space<hbm>> -> memref<1x80x128xf32, #tpu.memory_space<hbm>>
    %dma_wait3A_377 = tpu.memref_squeeze %dma_wait3A_376 : memref<1x80x128xf32, #tpu.memory_space<hbm>> -> memref<80x128xf32, #tpu.memory_space<hbm>>
    %dma_wait3A_378 = arith.constant 0 : i32
    %dma_wait3A_379 = tpu.memref_slice %arg5[%arg0, %add3A_374, %dma_wait3A_378] : memref<2x10240x128xf32, #tpu.memory_space<hbm>> -> memref<1x80x128xf32, #tpu.memory_space<hbm>>
    %dma_wait3A_380 = tpu.memref_squeeze %dma_wait3A_379 : memref<1x80x128xf32, #tpu.memory_space<hbm>> -> memref<80x128xf32, #tpu.memory_space<hbm>>
    tpu.wait_dma2 semaphore(%arg18 : memref<!tpu.dma_semaphore, #tpu.memory_space<semaphore_mem>>) src(%arg12 : memref<80x128xf32, #tpu.memory_space<vmem>>) dst(%dma_wait3A_380 : memref<80x128xf32, #tpu.memory_space<hbm>>)
    %add3A_381 = arith.constant 160 : i32
    %add3A_382 = arith.addi %mul3A_8, %add3A_381 : i32
    "tpu.region"() ({
      %run_scoped3A = tpu.sem_alloc : memref<!tpu.dma_semaphore, #tpu.memory_space<semaphore_mem>>
      %dma_start3A_497 = arith.constant 0 : i32
      %dma_start3A_498 = tpu.memref_slice %arg24[%add3A_382, %dma_start3A_497] : memref<10240x128xf32, #tpu.memory_space<vmem_shared>> -> memref<80x128xf32, #tpu.memory_space<vmem_shared>>
      %dma_start3A_499 = arith.constant 0 : i32
      %dma_start3A_500 = tpu.memref_slice %arg24[%add3A_382, %dma_start3A_499] : memref<10240x128xf32, #tpu.memory_space<vmem_shared>> -> memref<80x128xf32, #tpu.memory_space<vmem_shared>>
      tpu.enqueue_dma source(%dma_start3A_500 : memref<80x128xf32, #tpu.memory_space<vmem_shared>>) target(%arg12 : memref<80x128xf32, #tpu.memory_space<vmem>>) target_semaphore(%run_scoped3A : memref<!tpu.dma_semaphore, #tpu.memory_space<semaphore_mem>>)
      %dma_wait3A_501 = arith.constant 0 : i32
      %dma_wait3A_502 = tpu.memref_slice %arg24[%add3A_382, %dma_wait3A_501] : memref<10240x128xf32, #tpu.memory_space<vmem_shared>> -> memref<80x128xf32, #tpu.memory_space<vmem_shared>>
      %dma_wait3A_503 = arith.constant 0 : i32
      %dma_wait3A_504 = tpu.memref_slice %arg24[%add3A_382, %dma_wait3A_503] : memref<10240x128xf32, #tpu.memory_space<vmem_shared>> -> memref<80x128xf32, #tpu.memory_space<vmem_shared>>
      tpu.wait_dma2 semaphore(%run_scoped3A : memref<!tpu.dma_semaphore, #tpu.memory_space<semaphore_mem>>) src(%dma_wait3A_504 : memref<80x128xf32, #tpu.memory_space<vmem_shared>>) dst(%arg12 : memref<80x128xf32, #tpu.memory_space<vmem>>)
      tpu.yield
    }) : () -> ()
    %add3A_383 = arith.constant 160 : i32
    %add3A_384 = arith.addi %mul3A_8, %add3A_383 : i32
    %dma_start3A_385 = arith.constant 0 : i32
    %dma_start3A_386 = tpu.memref_slice %arg5[%arg0, %add3A_384, %dma_start3A_385] : memref<2x10240x128xf32, #tpu.memory_space<hbm>> -> memref<1x80x128xf32, #tpu.memory_space<hbm>>
    %dma_start3A_387 = tpu.memref_squeeze %dma_start3A_386 : memref<1x80x128xf32, #tpu.memory_space<hbm>> -> memref<80x128xf32, #tpu.memory_space<hbm>>
    %dma_start3A_388 = arith.constant 0 : i32
    %dma_start3A_389 = tpu.memref_slice %arg5[%arg0, %add3A_384, %dma_start3A_388] : memref<2x10240x128xf32, #tpu.memory_space<hbm>> -> memref<1x80x128xf32, #tpu.memory_space<hbm>>
    %dma_start3A_390 = tpu.memref_squeeze %dma_start3A_389 : memref<1x80x128xf32, #tpu.memory_space<hbm>> -> memref<80x128xf32, #tpu.memory_space<hbm>>
    tpu.enqueue_dma source(%arg12 : memref<80x128xf32, #tpu.memory_space<vmem>>) target(%dma_start3A_390 : memref<80x128xf32, #tpu.memory_space<hbm>>) target_semaphore(%arg18 : memref<!tpu.dma_semaphore, #tpu.memory_space<semaphore_mem>>)
    %add3A_391 = arith.constant 80 : i32
    %add3A_392 = arith.addi %mul3A_8, %add3A_391 : i32
    %dma_wait3A_393 = arith.constant 0 : i32
    %dma_wait3A_394 = tpu.memref_slice %arg5[%arg0, %add3A_392, %dma_wait3A_393] : memref<2x10240x128xf32, #tpu.memory_space<hbm>> -> memref<1x80x128xf32, #tpu.memory_space<hbm>>
    %dma_wait3A_395 = tpu.memref_squeeze %dma_wait3A_394 : memref<1x80x128xf32, #tpu.memory_space<hbm>> -> memref<80x128xf32, #tpu.memory_space<hbm>>
    %dma_wait3A_396 = arith.constant 0 : i32
    %dma_wait3A_397 = tpu.memref_slice %arg5[%arg0, %add3A_392, %dma_wait3A_396] : memref<2x10240x128xf32, #tpu.memory_space<hbm>> -> memref<1x80x128xf32, #tpu.memory_space<hbm>>
    %dma_wait3A_398 = tpu.memref_squeeze %dma_wait3A_397 : memref<1x80x128xf32, #tpu.memory_space<hbm>> -> memref<80x128xf32, #tpu.memory_space<hbm>>
    tpu.wait_dma2 semaphore(%arg19 : memref<!tpu.dma_semaphore, #tpu.memory_space<semaphore_mem>>) src(%arg13 : memref<80x128xf32, #tpu.memory_space<vmem>>) dst(%dma_wait3A_398 : memref<80x128xf32, #tpu.memory_space<hbm>>)
    %add3A_399 = arith.constant 240 : i32
    %add3A_400 = arith.addi %mul3A_8, %add3A_399 : i32
    "tpu.region"() ({
      %run_scoped3A = tpu.sem_alloc : memref<!tpu.dma_semaphore, #tpu.memory_space<semaphore_mem>>
      %dma_start3A_497 = arith.constant 0 : i32
      %dma_start3A_498 = tpu.memref_slice %arg24[%add3A_400, %dma_start3A_497] : memref<10240x128xf32, #tpu.memory_space<vmem_shared>> -> memref<80x128xf32, #tpu.memory_space<vmem_shared>>
      %dma_start3A_499 = arith.constant 0 : i32
      %dma_start3A_500 = tpu.memref_slice %arg24[%add3A_400, %dma_start3A_499] : memref<10240x128xf32, #tpu.memory_space<vmem_shared>> -> memref<80x128xf32, #tpu.memory_space<vmem_shared>>
      tpu.enqueue_dma source(%dma_start3A_500 : memref<80x128xf32, #tpu.memory_space<vmem_shared>>) target(%arg13 : memref<80x128xf32, #tpu.memory_space<vmem>>) target_semaphore(%run_scoped3A : memref<!tpu.dma_semaphore, #tpu.memory_space<semaphore_mem>>)
      %dma_wait3A_501 = arith.constant 0 : i32
      %dma_wait3A_502 = tpu.memref_slice %arg24[%add3A_400, %dma_wait3A_501] : memref<10240x128xf32, #tpu.memory_space<vmem_shared>> -> memref<80x128xf32, #tpu.memory_space<vmem_shared>>
      %dma_wait3A_503 = arith.constant 0 : i32
      %dma_wait3A_504 = tpu.memref_slice %arg24[%add3A_400, %dma_wait3A_503] : memref<10240x128xf32, #tpu.memory_space<vmem_shared>> -> memref<80x128xf32, #tpu.memory_space<vmem_shared>>
      tpu.wait_dma2 semaphore(%run_scoped3A : memref<!tpu.dma_semaphore, #tpu.memory_space<semaphore_mem>>) src(%dma_wait3A_504 : memref<80x128xf32, #tpu.memory_space<vmem_shared>>) dst(%arg13 : memref<80x128xf32, #tpu.memory_space<vmem>>)
      tpu.yield
    }) : () -> ()
    %add3A_401 = arith.constant 240 : i32
    %add3A_402 = arith.addi %mul3A_8, %add3A_401 : i32
    %dma_start3A_403 = arith.constant 0 : i32
    %dma_start3A_404 = tpu.memref_slice %arg5[%arg0, %add3A_402, %dma_start3A_403] : memref<2x10240x128xf32, #tpu.memory_space<hbm>> -> memref<1x80x128xf32, #tpu.memory_space<hbm>>
    %dma_start3A_405 = tpu.memref_squeeze %dma_start3A_404 : memref<1x80x128xf32, #tpu.memory_space<hbm>> -> memref<80x128xf32, #tpu.memory_space<hbm>>
    %dma_start3A_406 = arith.constant 0 : i32
    %dma_start3A_407 = tpu.memref_slice %arg5[%arg0, %add3A_402, %dma_start3A_406] : memref<2x10240x128xf32, #tpu.memory_space<hbm>> -> memref<1x80x128xf32, #tpu.memory_space<hbm>>
    %dma_start3A_408 = tpu.memref_squeeze %dma_start3A_407 : memref<1x80x128xf32, #tpu.memory_space<hbm>> -> memref<80x128xf32, #tpu.memory_space<hbm>>
    tpu.enqueue_dma source(%arg13 : memref<80x128xf32, #tpu.memory_space<vmem>>) target(%dma_start3A_408 : memref<80x128xf32, #tpu.memory_space<hbm>>) target_semaphore(%arg19 : memref<!tpu.dma_semaphore, #tpu.memory_space<semaphore_mem>>)
    %add3A_409 = arith.constant 160 : i32
    %add3A_410 = arith.addi %mul3A_8, %add3A_409 : i32
    %dma_wait3A_411 = arith.constant 0 : i32
    %dma_wait3A_412 = tpu.memref_slice %arg5[%arg0, %add3A_410, %dma_wait3A_411] : memref<2x10240x128xf32, #tpu.memory_space<hbm>> -> memref<1x80x128xf32, #tpu.memory_space<hbm>>
    %dma_wait3A_413 = tpu.memref_squeeze %dma_wait3A_412 : memref<1x80x128xf32, #tpu.memory_space<hbm>> -> memref<80x128xf32, #tpu.memory_space<hbm>>
    %dma_wait3A_414 = arith.constant 0 : i32
    %dma_wait3A_415 = tpu.memref_slice %arg5[%arg0, %add3A_410, %dma_wait3A_414] : memref<2x10240x128xf32, #tpu.memory_space<hbm>> -> memref<1x80x128xf32, #tpu.memory_space<hbm>>
    %dma_wait3A_416 = tpu.memref_squeeze %dma_wait3A_415 : memref<1x80x128xf32, #tpu.memory_space<hbm>> -> memref<80x128xf32, #tpu.memory_space<hbm>>
    tpu.wait_dma2 semaphore(%arg18 : memref<!tpu.dma_semaphore, #tpu.memory_space<semaphore_mem>>) src(%arg12 : memref<80x128xf32, #tpu.memory_space<vmem>>) dst(%dma_wait3A_416 : memref<80x128xf32, #tpu.memory_space<hbm>>)
    %add3A_417 = arith.constant 320 : i32
    %add3A_418 = arith.addi %mul3A_8, %add3A_417 : i32
    "tpu.region"() ({
      %run_scoped3A = tpu.sem_alloc : memref<!tpu.dma_semaphore, #tpu.memory_space<semaphore_mem>>
      %dma_start3A_497 = arith.constant 0 : i32
      %dma_start3A_498 = tpu.memref_slice %arg24[%add3A_418, %dma_start3A_497] : memref<10240x128xf32, #tpu.memory_space<vmem_shared>> -> memref<80x128xf32, #tpu.memory_space<vmem_shared>>
      %dma_start3A_499 = arith.constant 0 : i32
      %dma_start3A_500 = tpu.memref_slice %arg24[%add3A_418, %dma_start3A_499] : memref<10240x128xf32, #tpu.memory_space<vmem_shared>> -> memref<80x128xf32, #tpu.memory_space<vmem_shared>>
      tpu.enqueue_dma source(%dma_start3A_500 : memref<80x128xf32, #tpu.memory_space<vmem_shared>>) target(%arg12 : memref<80x128xf32, #tpu.memory_space<vmem>>) target_semaphore(%run_scoped3A : memref<!tpu.dma_semaphore, #tpu.memory_space<semaphore_mem>>)
      %dma_wait3A_501 = arith.constant 0 : i32
      %dma_wait3A_502 = tpu.memref_slice %arg24[%add3A_418, %dma_wait3A_501] : memref<10240x128xf32, #tpu.memory_space<vmem_shared>> -> memref<80x128xf32, #tpu.memory_space<vmem_shared>>
      %dma_wait3A_503 = arith.constant 0 : i32
      %dma_wait3A_504 = tpu.memref_slice %arg24[%add3A_418, %dma_wait3A_503] : memref<10240x128xf32, #tpu.memory_space<vmem_shared>> -> memref<80x128xf32, #tpu.memory_space<vmem_shared>>
      tpu.wait_dma2 semaphore(%run_scoped3A : memref<!tpu.dma_semaphore, #tpu.memory_space<semaphore_mem>>) src(%dma_wait3A_504 : memref<80x128xf32, #tpu.memory_space<vmem_shared>>) dst(%arg12 : memref<80x128xf32, #tpu.memory_space<vmem>>)
      tpu.yield
    }) : () -> ()
    %add3A_419 = arith.constant 320 : i32
    %add3A_420 = arith.addi %mul3A_8, %add3A_419 : i32
    %dma_start3A_421 = arith.constant 0 : i32
    %dma_start3A_422 = tpu.memref_slice %arg5[%arg0, %add3A_420, %dma_start3A_421] : memref<2x10240x128xf32, #tpu.memory_space<hbm>> -> memref<1x80x128xf32, #tpu.memory_space<hbm>>
    %dma_start3A_423 = tpu.memref_squeeze %dma_start3A_422 : memref<1x80x128xf32, #tpu.memory_space<hbm>> -> memref<80x128xf32, #tpu.memory_space<hbm>>
    %dma_start3A_424 = arith.constant 0 : i32
    %dma_start3A_425 = tpu.memref_slice %arg5[%arg0, %add3A_420, %dma_start3A_424] : memref<2x10240x128xf32, #tpu.memory_space<hbm>> -> memref<1x80x128xf32, #tpu.memory_space<hbm>>
    %dma_start3A_426 = tpu.memref_squeeze %dma_start3A_425 : memref<1x80x128xf32, #tpu.memory_space<hbm>> -> memref<80x128xf32, #tpu.memory_space<hbm>>
    tpu.enqueue_dma source(%arg12 : memref<80x128xf32, #tpu.memory_space<vmem>>) target(%dma_start3A_426 : memref<80x128xf32, #tpu.memory_space<hbm>>) target_semaphore(%arg18 : memref<!tpu.dma_semaphore, #tpu.memory_space<semaphore_mem>>)
    %add3A_427 = arith.constant 240 : i32
    %add3A_428 = arith.addi %mul3A_8, %add3A_427 : i32
    %dma_wait3A_429 = arith.constant 0 : i32
    %dma_wait3A_430 = tpu.memref_slice %arg5[%arg0, %add3A_428, %dma_wait3A_429] : memref<2x10240x128xf32, #tpu.memory_space<hbm>> -> memref<1x80x128xf32, #tpu.memory_space<hbm>>
    %dma_wait3A_431 = tpu.memref_squeeze %dma_wait3A_430 : memref<1x80x128xf32, #tpu.memory_space<hbm>> -> memref<80x128xf32, #tpu.memory_space<hbm>>
    %dma_wait3A_432 = arith.constant 0 : i32
    %dma_wait3A_433 = tpu.memref_slice %arg5[%arg0, %add3A_428, %dma_wait3A_432] : memref<2x10240x128xf32, #tpu.memory_space<hbm>> -> memref<1x80x128xf32, #tpu.memory_space<hbm>>
    %dma_wait3A_434 = tpu.memref_squeeze %dma_wait3A_433 : memref<1x80x128xf32, #tpu.memory_space<hbm>> -> memref<80x128xf32, #tpu.memory_space<hbm>>
    tpu.wait_dma2 semaphore(%arg19 : memref<!tpu.dma_semaphore, #tpu.memory_space<semaphore_mem>>) src(%arg13 : memref<80x128xf32, #tpu.memory_space<vmem>>) dst(%dma_wait3A_434 : memref<80x128xf32, #tpu.memory_space<hbm>>)
    %add3A_435 = arith.constant 400 : i32
    %add3A_436 = arith.addi %mul3A_8, %add3A_435 : i32
    "tpu.region"() ({
      %run_scoped3A = tpu.sem_alloc : memref<!tpu.dma_semaphore, #tpu.memory_space<semaphore_mem>>
      %dma_start3A_497 = arith.constant 0 : i32
      %dma_start3A_498 = tpu.memref_slice %arg24[%add3A_436, %dma_start3A_497] : memref<10240x128xf32, #tpu.memory_space<vmem_shared>> -> memref<80x128xf32, #tpu.memory_space<vmem_shared>>
      %dma_start3A_499 = arith.constant 0 : i32
      %dma_start3A_500 = tpu.memref_slice %arg24[%add3A_436, %dma_start3A_499] : memref<10240x128xf32, #tpu.memory_space<vmem_shared>> -> memref<80x128xf32, #tpu.memory_space<vmem_shared>>
      tpu.enqueue_dma source(%dma_start3A_500 : memref<80x128xf32, #tpu.memory_space<vmem_shared>>) target(%arg13 : memref<80x128xf32, #tpu.memory_space<vmem>>) target_semaphore(%run_scoped3A : memref<!tpu.dma_semaphore, #tpu.memory_space<semaphore_mem>>)
      %dma_wait3A_501 = arith.constant 0 : i32
      %dma_wait3A_502 = tpu.memref_slice %arg24[%add3A_436, %dma_wait3A_501] : memref<10240x128xf32, #tpu.memory_space<vmem_shared>> -> memref<80x128xf32, #tpu.memory_space<vmem_shared>>
      %dma_wait3A_503 = arith.constant 0 : i32
      %dma_wait3A_504 = tpu.memref_slice %arg24[%add3A_436, %dma_wait3A_503] : memref<10240x128xf32, #tpu.memory_space<vmem_shared>> -> memref<80x128xf32, #tpu.memory_space<vmem_shared>>
      tpu.wait_dma2 semaphore(%run_scoped3A : memref<!tpu.dma_semaphore, #tpu.memory_space<semaphore_mem>>) src(%dma_wait3A_504 : memref<80x128xf32, #tpu.memory_space<vmem_shared>>) dst(%arg13 : memref<80x128xf32, #tpu.memory_space<vmem>>)
      tpu.yield
    }) : () -> ()
    %add3A_437 = arith.constant 400 : i32
    %add3A_438 = arith.addi %mul3A_8, %add3A_437 : i32
    %dma_start3A_439 = arith.constant 0 : i32
    %dma_start3A_440 = tpu.memref_slice %arg5[%arg0, %add3A_438, %dma_start3A_439] : memref<2x10240x128xf32, #tpu.memory_space<hbm>> -> memref<1x80x128xf32, #tpu.memory_space<hbm>>
    %dma_start3A_441 = tpu.memref_squeeze %dma_start3A_440 : memref<1x80x128xf32, #tpu.memory_space<hbm>> -> memref<80x128xf32, #tpu.memory_space<hbm>>
    %dma_start3A_442 = arith.constant 0 : i32
    %dma_start3A_443 = tpu.memref_slice %arg5[%arg0, %add3A_438, %dma_start3A_442] : memref<2x10240x128xf32, #tpu.memory_space<hbm>> -> memref<1x80x128xf32, #tpu.memory_space<hbm>>
    %dma_start3A_444 = tpu.memref_squeeze %dma_start3A_443 : memref<1x80x128xf32, #tpu.memory_space<hbm>> -> memref<80x128xf32, #tpu.memory_space<hbm>>
    tpu.enqueue_dma source(%arg13 : memref<80x128xf32, #tpu.memory_space<vmem>>) target(%dma_start3A_444 : memref<80x128xf32, #tpu.memory_space<hbm>>) target_semaphore(%arg19 : memref<!tpu.dma_semaphore, #tpu.memory_space<semaphore_mem>>)
    %add3A_445 = arith.constant 320 : i32
    %add3A_446 = arith.addi %mul3A_8, %add3A_445 : i32
    %dma_wait3A_447 = arith.constant 0 : i32
    %dma_wait3A_448 = tpu.memref_slice %arg5[%arg0, %add3A_446, %dma_wait3A_447] : memref<2x10240x128xf32, #tpu.memory_space<hbm>> -> memref<1x80x128xf32, #tpu.memory_space<hbm>>
    %dma_wait3A_449 = tpu.memref_squeeze %dma_wait3A_448 : memref<1x80x128xf32, #tpu.memory_space<hbm>> -> memref<80x128xf32, #tpu.memory_space<hbm>>
    %dma_wait3A_450 = arith.constant 0 : i32
    %dma_wait3A_451 = tpu.memref_slice %arg5[%arg0, %add3A_446, %dma_wait3A_450] : memref<2x10240x128xf32, #tpu.memory_space<hbm>> -> memref<1x80x128xf32, #tpu.memory_space<hbm>>
    %dma_wait3A_452 = tpu.memref_squeeze %dma_wait3A_451 : memref<1x80x128xf32, #tpu.memory_space<hbm>> -> memref<80x128xf32, #tpu.memory_space<hbm>>
    tpu.wait_dma2 semaphore(%arg18 : memref<!tpu.dma_semaphore, #tpu.memory_space<semaphore_mem>>) src(%arg12 : memref<80x128xf32, #tpu.memory_space<vmem>>) dst(%dma_wait3A_452 : memref<80x128xf32, #tpu.memory_space<hbm>>)
    %add3A_453 = arith.constant 480 : i32
    %add3A_454 = arith.addi %mul3A_8, %add3A_453 : i32
    "tpu.region"() ({
      %run_scoped3A = tpu.sem_alloc : memref<!tpu.dma_semaphore, #tpu.memory_space<semaphore_mem>>
      %dma_start3A_497 = arith.constant 0 : i32
      %dma_start3A_498 = tpu.memref_slice %arg24[%add3A_454, %dma_start3A_497] : memref<10240x128xf32, #tpu.memory_space<vmem_shared>> -> memref<80x128xf32, #tpu.memory_space<vmem_shared>>
      %dma_start3A_499 = arith.constant 0 : i32
      %dma_start3A_500 = tpu.memref_slice %arg24[%add3A_454, %dma_start3A_499] : memref<10240x128xf32, #tpu.memory_space<vmem_shared>> -> memref<80x128xf32, #tpu.memory_space<vmem_shared>>
      tpu.enqueue_dma source(%dma_start3A_500 : memref<80x128xf32, #tpu.memory_space<vmem_shared>>) target(%arg12 : memref<80x128xf32, #tpu.memory_space<vmem>>) target_semaphore(%run_scoped3A : memref<!tpu.dma_semaphore, #tpu.memory_space<semaphore_mem>>)
      %dma_wait3A_501 = arith.constant 0 : i32
      %dma_wait3A_502 = tpu.memref_slice %arg24[%add3A_454, %dma_wait3A_501] : memref<10240x128xf32, #tpu.memory_space<vmem_shared>> -> memref<80x128xf32, #tpu.memory_space<vmem_shared>>
      %dma_wait3A_503 = arith.constant 0 : i32
      %dma_wait3A_504 = tpu.memref_slice %arg24[%add3A_454, %dma_wait3A_503] : memref<10240x128xf32, #tpu.memory_space<vmem_shared>> -> memref<80x128xf32, #tpu.memory_space<vmem_shared>>
      tpu.wait_dma2 semaphore(%run_scoped3A : memref<!tpu.dma_semaphore, #tpu.memory_space<semaphore_mem>>) src(%dma_wait3A_504 : memref<80x128xf32, #tpu.memory_space<vmem_shared>>) dst(%arg12 : memref<80x128xf32, #tpu.memory_space<vmem>>)
      tpu.yield
    }) : () -> ()
    %add3A_455 = arith.constant 480 : i32
    %add3A_456 = arith.addi %mul3A_8, %add3A_455 : i32
    %dma_start3A_457 = arith.constant 0 : i32
    %dma_start3A_458 = tpu.memref_slice %arg5[%arg0, %add3A_456, %dma_start3A_457] : memref<2x10240x128xf32, #tpu.memory_space<hbm>> -> memref<1x80x128xf32, #tpu.memory_space<hbm>>
    %dma_start3A_459 = tpu.memref_squeeze %dma_start3A_458 : memref<1x80x128xf32, #tpu.memory_space<hbm>> -> memref<80x128xf32, #tpu.memory_space<hbm>>
    %dma_start3A_460 = arith.constant 0 : i32
    %dma_start3A_461 = tpu.memref_slice %arg5[%arg0, %add3A_456, %dma_start3A_460] : memref<2x10240x128xf32, #tpu.memory_space<hbm>> -> memref<1x80x128xf32, #tpu.memory_space<hbm>>
    %dma_start3A_462 = tpu.memref_squeeze %dma_start3A_461 : memref<1x80x128xf32, #tpu.memory_space<hbm>> -> memref<80x128xf32, #tpu.memory_space<hbm>>
    tpu.enqueue_dma source(%arg12 : memref<80x128xf32, #tpu.memory_space<vmem>>) target(%dma_start3A_462 : memref<80x128xf32, #tpu.memory_space<hbm>>) target_semaphore(%arg18 : memref<!tpu.dma_semaphore, #tpu.memory_space<semaphore_mem>>)
    %add3A_463 = arith.constant 400 : i32
    %add3A_464 = arith.addi %mul3A_8, %add3A_463 : i32
    %dma_wait3A_465 = arith.constant 0 : i32
    %dma_wait3A_466 = tpu.memref_slice %arg5[%arg0, %add3A_464, %dma_wait3A_465] : memref<2x10240x128xf32, #tpu.memory_space<hbm>> -> memref<1x80x128xf32, #tpu.memory_space<hbm>>
    %dma_wait3A_467 = tpu.memref_squeeze %dma_wait3A_466 : memref<1x80x128xf32, #tpu.memory_space<hbm>> -> memref<80x128xf32, #tpu.memory_space<hbm>>
    %dma_wait3A_468 = arith.constant 0 : i32
    %dma_wait3A_469 = tpu.memref_slice %arg5[%arg0, %add3A_464, %dma_wait3A_468] : memref<2x10240x128xf32, #tpu.memory_space<hbm>> -> memref<1x80x128xf32, #tpu.memory_space<hbm>>
    %dma_wait3A_470 = tpu.memref_squeeze %dma_wait3A_469 : memref<1x80x128xf32, #tpu.memory_space<hbm>> -> memref<80x128xf32, #tpu.memory_space<hbm>>
    tpu.wait_dma2 semaphore(%arg19 : memref<!tpu.dma_semaphore, #tpu.memory_space<semaphore_mem>>) src(%arg13 : memref<80x128xf32, #tpu.memory_space<vmem>>) dst(%dma_wait3A_470 : memref<80x128xf32, #tpu.memory_space<hbm>>)
    %add3A_471 = arith.constant 560 : i32
    %add3A_472 = arith.addi %mul3A_8, %add3A_471 : i32
    "tpu.region"() ({
      %run_scoped3A = tpu.sem_alloc : memref<!tpu.dma_semaphore, #tpu.memory_space<semaphore_mem>>
      %dma_start3A_497 = arith.constant 0 : i32
      %dma_start3A_498 = tpu.memref_slice %arg24[%add3A_472, %dma_start3A_497] : memref<10240x128xf32, #tpu.memory_space<vmem_shared>> -> memref<80x128xf32, #tpu.memory_space<vmem_shared>>
      %dma_start3A_499 = arith.constant 0 : i32
      %dma_start3A_500 = tpu.memref_slice %arg24[%add3A_472, %dma_start3A_499] : memref<10240x128xf32, #tpu.memory_space<vmem_shared>> -> memref<80x128xf32, #tpu.memory_space<vmem_shared>>
      tpu.enqueue_dma source(%dma_start3A_500 : memref<80x128xf32, #tpu.memory_space<vmem_shared>>) target(%arg13 : memref<80x128xf32, #tpu.memory_space<vmem>>) target_semaphore(%run_scoped3A : memref<!tpu.dma_semaphore, #tpu.memory_space<semaphore_mem>>)
      %dma_wait3A_501 = arith.constant 0 : i32
      %dma_wait3A_502 = tpu.memref_slice %arg24[%add3A_472, %dma_wait3A_501] : memref<10240x128xf32, #tpu.memory_space<vmem_shared>> -> memref<80x128xf32, #tpu.memory_space<vmem_shared>>
      %dma_wait3A_503 = arith.constant 0 : i32
      %dma_wait3A_504 = tpu.memref_slice %arg24[%add3A_472, %dma_wait3A_503] : memref<10240x128xf32, #tpu.memory_space<vmem_shared>> -> memref<80x128xf32, #tpu.memory_space<vmem_shared>>
      tpu.wait_dma2 semaphore(%run_scoped3A : memref<!tpu.dma_semaphore, #tpu.memory_space<semaphore_mem>>) src(%dma_wait3A_504 : memref<80x128xf32, #tpu.memory_space<vmem_shared>>) dst(%arg13 : memref<80x128xf32, #tpu.memory_space<vmem>>)
      tpu.yield
    }) : () -> ()
    %add3A_473 = arith.constant 560 : i32
    %add3A_474 = arith.addi %mul3A_8, %add3A_473 : i32
    %dma_start3A_475 = arith.constant 0 : i32
    %dma_start3A_476 = tpu.memref_slice %arg5[%arg0, %add3A_474, %dma_start3A_475] : memref<2x10240x128xf32, #tpu.memory_space<hbm>> -> memref<1x80x128xf32, #tpu.memory_space<hbm>>
    %dma_start3A_477 = tpu.memref_squeeze %dma_start3A_476 : memref<1x80x128xf32, #tpu.memory_space<hbm>> -> memref<80x128xf32, #tpu.memory_space<hbm>>
    %dma_start3A_478 = arith.constant 0 : i32
    %dma_start3A_479 = tpu.memref_slice %arg5[%arg0, %add3A_474, %dma_start3A_478] : memref<2x10240x128xf32, #tpu.memory_space<hbm>> -> memref<1x80x128xf32, #tpu.memory_space<hbm>>
    %dma_start3A_480 = tpu.memref_squeeze %dma_start3A_479 : memref<1x80x128xf32, #tpu.memory_space<hbm>> -> memref<80x128xf32, #tpu.memory_space<hbm>>
    tpu.enqueue_dma source(%arg13 : memref<80x128xf32, #tpu.memory_space<vmem>>) target(%dma_start3A_480 : memref<80x128xf32, #tpu.memory_space<hbm>>) target_semaphore(%arg19 : memref<!tpu.dma_semaphore, #tpu.memory_space<semaphore_mem>>)
    %add3A_481 = arith.constant 480 : i32
    %add3A_482 = arith.addi %mul3A_8, %add3A_481 : i32
    %dma_wait3A_483 = arith.constant 0 : i32
    %dma_wait3A_484 = tpu.memref_slice %arg5[%arg0, %add3A_482, %dma_wait3A_483] : memref<2x10240x128xf32, #tpu.memory_space<hbm>> -> memref<1x80x128xf32, #tpu.memory_space<hbm>>
    %dma_wait3A_485 = tpu.memref_squeeze %dma_wait3A_484 : memref<1x80x128xf32, #tpu.memory_space<hbm>> -> memref<80x128xf32, #tpu.memory_space<hbm>>
    %dma_wait3A_486 = arith.constant 0 : i32
    %dma_wait3A_487 = tpu.memref_slice %arg5[%arg0, %add3A_482, %dma_wait3A_486] : memref<2x10240x128xf32, #tpu.memory_space<hbm>> -> memref<1x80x128xf32, #tpu.memory_space<hbm>>
    %dma_wait3A_488 = tpu.memref_squeeze %dma_wait3A_487 : memref<1x80x128xf32, #tpu.memory_space<hbm>> -> memref<80x128xf32, #tpu.memory_space<hbm>>
    tpu.wait_dma2 semaphore(%arg18 : memref<!tpu.dma_semaphore, #tpu.memory_space<semaphore_mem>>) src(%arg12 : memref<80x128xf32, #tpu.memory_space<vmem>>) dst(%dma_wait3A_488 : memref<80x128xf32, #tpu.memory_space<hbm>>)
    %add3A_489 = arith.constant 560 : i32
    %add3A_490 = arith.addi %mul3A_8, %add3A_489 : i32
    %dma_wait3A_491 = arith.constant 0 : i32
    %dma_wait3A_492 = tpu.memref_slice %arg5[%arg0, %add3A_490, %dma_wait3A_491] : memref<2x10240x128xf32, #tpu.memory_space<hbm>> -> memref<1x80x128xf32, #tpu.memory_space<hbm>>
    %dma_wait3A_493 = tpu.memref_squeeze %dma_wait3A_492 : memref<1x80x128xf32, #tpu.memory_space<hbm>> -> memref<80x128xf32, #tpu.memory_space<hbm>>
    %dma_wait3A_494 = arith.constant 0 : i32
    %dma_wait3A_495 = tpu.memref_slice %arg5[%arg0, %add3A_490, %dma_wait3A_494] : memref<2x10240x128xf32, #tpu.memory_space<hbm>> -> memref<1x80x128xf32, #tpu.memory_space<hbm>>
    %dma_wait3A_496 = tpu.memref_squeeze %dma_wait3A_495 : memref<1x80x128xf32, #tpu.memory_space<hbm>> -> memref<80x128xf32, #tpu.memory_space<hbm>>
    tpu.wait_dma2 semaphore(%arg19 : memref<!tpu.dma_semaphore, #tpu.memory_space<semaphore_mem>>) src(%arg13 : memref<80x128xf32, #tpu.memory_space<vmem>>) dst(%dma_wait3A_496 : memref<80x128xf32, #tpu.memory_space<hbm>>)
    return
  }
}

#map = affine_map<(d0, d1) -> (0, 0, 0)>
module attributes {stable_mosaic.version = 14 : i64} {
  func.func @_degrees(%arg0: i32, %arg1: i32, %arg2: memref<32x125x80xi32, #tpu.memory_space<hbm>>, %arg3: memref<32x125x80xi32, #tpu.memory_space<hbm>>, %arg4: memref<2x2x10240xf32, #tpu.memory_space<hbm>>, %arg5: memref<125x80xi32, #tpu.memory_space<vmem>>, %arg6: memref<125x80xi32, #tpu.memory_space<vmem>>, %arg7: memref<80xf32, #tpu.memory_space<vmem>>, %arg8: memref<640xf32, #tpu.memory_space<vmem>>, %arg9: memref<10240xf32, #tpu.memory_space<vmem_shared>>, %arg10: memref<10240xf32, #tpu.memory_space<vmem_shared>>, %arg11: memref<!tpu.dma_semaphore, #tpu.memory_space<semaphore_mem>>, %arg12: memref<!tpu.dma_semaphore, #tpu.memory_space<semaphore_mem>>) attributes {dimension_semantics = [#tpu.dimension_semantics<core_parallel>, #tpu.dimension_semantics<subcore_parallel>], iteration_bounds = array<i64: 2, 16>, scalar_prefetch = 0 : i64, scratch_operands = 8 : i64, tpu.core_type = #tpu.core_type<sc_vector_subcore>, window_params = [{transform_indices = #map}, {transform_indices = #map}, {transform_indices = #map}]} {
    %mul3A = arith.constant 16 : i32
    %mul3A_0 = arith.muli %arg0, %mul3A : i32
    %add3A = arith.addi %mul3A_0, %arg1 : i32
    %scan3A = arith.constant 0 : i32
    %scan3A_1 = arith.constant 0 : i32
    %scan3A_2 = arith.constant 40 : i32
    %scan3A_3 = arith.addi %scan3A_1, %scan3A_2 : i32
    %scan3A_4 = arith.constant 1 : i32
    %scan3A_5 = scf.for %scan3A_25 = %scan3A_1 to %scan3A_3 step %scan3A_4 iter_args(%scan3A_26 = %scan3A) -> (i32)  : i32 {
      %broadcast_in_dim3A = arith.constant 0.000000e+00 : f32
      %broadcast_in_dim3A_27 = vector.broadcast %broadcast_in_dim3A : f32 to vector<16xf32>
      %mul3A_28 = arith.constant 16 : i32
      %mul3A_29 = arith.muli %scan3A_25, %mul3A_28 : i32
      %swap3A = arith.index_cast %mul3A_29 : i32 to index
      %swap3A_30 = tpu.vector_load %arg8[%swap3A] {strides = array<i32>} : memref<640xf32, #tpu.memory_space<vmem>>, vector<16xf32>,
      %swap3A_31 = vector.shape_cast %swap3A_30 : vector<16xf32> to vector<16xf32>
      %swap3A_32 = vector.shape_cast %broadcast_in_dim3A_27 : vector<16xf32> to vector<16xf32>
      tpu.vector_store %arg8[%swap3A], %swap3A_32 {strides = array<i32>} : memref<640xf32, #tpu.memory_space<vmem>>, vector<16xf32>,
      %scan3A_33 = arith.constant 0 : i32
      scf.yield %scan3A_33 : i32
    }
    %scan3A_6 = arith.constant 40 : i32
    %scan3A_7 = arith.constant 0 : i32
    %scan3A_8 = arith.constant 0 : i32
    %scan3A_9 = arith.constant 5 : i32
    %scan3A_10 = arith.addi %scan3A_8, %scan3A_9 : i32
    %scan3A_11 = arith.constant 1 : i32
    %scan3A_12 = scf.for %scan3A_25 = %scan3A_8 to %scan3A_10 step %scan3A_11 iter_args(%scan3A_26 = %scan3A_7) -> (i32)  : i32 {
      %broadcast_in_dim3A = arith.constant 1.000000e+00 : f32
      %broadcast_in_dim3A_27 = vector.broadcast %broadcast_in_dim3A : f32 to vector<16xf32>
      %mul3A_28 = arith.constant 16 : i32
      %mul3A_29 = arith.muli %scan3A_25, %mul3A_28 : i32
      %swap3A = arith.index_cast %mul3A_29 : i32 to index
      %swap3A_30 = tpu.vector_load %arg7[%swap3A] {strides = array<i32>} : memref<80xf32, #tpu.memory_space<vmem>>, vector<16xf32>,
      %swap3A_31 = vector.shape_cast %swap3A_30 : vector<16xf32> to vector<16xf32>
      %swap3A_32 = vector.shape_cast %broadcast_in_dim3A_27 : vector<16xf32> to vector<16xf32>
      tpu.vector_store %arg7[%swap3A], %swap3A_32 {strides = array<i32>} : memref<80xf32, #tpu.memory_space<vmem>>, vector<16xf32>,
      %scan3A_33 = arith.constant 0 : i32
      scf.yield %scan3A_33 : i32
    }
    %scan3A_13 = arith.constant 5 : i32
    %mul3A_14 = arith.constant 640 : i32
    %mul3A_15 = arith.muli %arg1, %mul3A_14 : i32
    "tpu.region"() ({
      %run_scoped3A_25 = tpu.sem_alloc : memref<!tpu.dma_semaphore, #tpu.memory_space<semaphore_mem>>
      %dma_start3A = tpu.memref_slice %arg9[%mul3A_15] : memref<10240xf32, #tpu.memory_space<vmem_shared>> -> memref<640xf32, #tpu.memory_space<vmem_shared>>
      %dma_start3A_26 = tpu.memref_slice %arg9[%mul3A_15] : memref<10240xf32, #tpu.memory_space<vmem_shared>> -> memref<640xf32, #tpu.memory_space<vmem_shared>>
      tpu.enqueue_dma source(%arg8 : memref<640xf32, #tpu.memory_space<vmem>>) target(%dma_start3A_26 : memref<640xf32, #tpu.memory_space<vmem_shared>>) target_semaphore(%run_scoped3A_25 : memref<!tpu.dma_semaphore, #tpu.memory_space<semaphore_mem>>)
      %dma_wait3A = tpu.memref_slice %arg9[%mul3A_15] : memref<10240xf32, #tpu.memory_space<vmem_shared>> -> memref<640xf32, #tpu.memory_space<vmem_shared>>
      %dma_wait3A_27 = tpu.memref_slice %arg9[%mul3A_15] : memref<10240xf32, #tpu.memory_space<vmem_shared>> -> memref<640xf32, #tpu.memory_space<vmem_shared>>
      tpu.wait_dma2 semaphore(%run_scoped3A_25 : memref<!tpu.dma_semaphore, #tpu.memory_space<semaphore_mem>>) src(%arg8 : memref<640xf32, #tpu.memory_space<vmem>>) dst(%dma_wait3A_27 : memref<640xf32, #tpu.memory_space<vmem_shared>>)
      tpu.yield
    }) : () -> ()
    "tpu.region"() ({
      %run_scoped3A_25 = tpu.sem_alloc : memref<!tpu.dma_semaphore, #tpu.memory_space<semaphore_mem>>
      %dma_start3A = tpu.memref_slice %arg10[%mul3A_15] : memref<10240xf32, #tpu.memory_space<vmem_shared>> -> memref<640xf32, #tpu.memory_space<vmem_shared>>
      %dma_start3A_26 = tpu.memref_slice %arg10[%mul3A_15] : memref<10240xf32, #tpu.memory_space<vmem_shared>> -> memref<640xf32, #tpu.memory_space<vmem_shared>>
      tpu.enqueue_dma source(%arg8 : memref<640xf32, #tpu.memory_space<vmem>>) target(%dma_start3A_26 : memref<640xf32, #tpu.memory_space<vmem_shared>>) target_semaphore(%run_scoped3A_25 : memref<!tpu.dma_semaphore, #tpu.memory_space<semaphore_mem>>)
      %dma_wait3A = tpu.memref_slice %arg10[%mul3A_15] : memref<10240xf32, #tpu.memory_space<vmem_shared>> -> memref<640xf32, #tpu.memory_space<vmem_shared>>
      %dma_wait3A_27 = tpu.memref_slice %arg10[%mul3A_15] : memref<10240xf32, #tpu.memory_space<vmem_shared>> -> memref<640xf32, #tpu.memory_space<vmem_shared>>
      tpu.wait_dma2 semaphore(%run_scoped3A_25 : memref<!tpu.dma_semaphore, #tpu.memory_space<semaphore_mem>>) src(%arg8 : memref<640xf32, #tpu.memory_space<vmem>>) dst(%dma_wait3A_27 : memref<640xf32, #tpu.memory_space<vmem_shared>>)
      tpu.yield
    }) : () -> ()
    %barrier3A = arith.constant 0 : index
    tpu.barrier barrier_id(%barrier3A)
    "tpu.region"() ({
      %run_scoped3A_25 = tpu.sem_alloc : memref<!tpu.dma_semaphore, #tpu.memory_space<semaphore_mem>>
      %dma_start3A = arith.constant 0 : i32
      %dma_start3A_26 = arith.constant 0 : i32
      %dma_start3A_27 = tpu.memref_slice %arg2[%add3A, %dma_start3A, %dma_start3A_26] : memref<32x125x80xi32, #tpu.memory_space<hbm>> -> memref<1x125x80xi32, #tpu.memory_space<hbm>>
      %dma_start3A_28 = tpu.memref_squeeze %dma_start3A_27 : memref<1x125x80xi32, #tpu.memory_space<hbm>> -> memref<125x80xi32, #tpu.memory_space<hbm>>
      %dma_start3A_29 = arith.constant 0 : i32
      %dma_start3A_30 = arith.constant 0 : i32
      %dma_start3A_31 = tpu.memref_slice %arg2[%add3A, %dma_start3A_29, %dma_start3A_30] : memref<32x125x80xi32, #tpu.memory_space<hbm>> -> memref<1x125x80xi32, #tpu.memory_space<hbm>>
      %dma_start3A_32 = tpu.memref_squeeze %dma_start3A_31 : memref<1x125x80xi32, #tpu.memory_space<hbm>> -> memref<125x80xi32, #tpu.memory_space<hbm>>
      tpu.enqueue_dma source(%dma_start3A_32 : memref<125x80xi32, #tpu.memory_space<hbm>>) target(%arg5 : memref<125x80xi32, #tpu.memory_space<vmem>>) target_semaphore(%run_scoped3A_25 : memref<!tpu.dma_semaphore, #tpu.memory_space<semaphore_mem>>)
      %dma_wait3A = arith.constant 0 : i32
      %dma_wait3A_33 = arith.constant 0 : i32
      %dma_wait3A_34 = tpu.memref_slice %arg2[%add3A, %dma_wait3A, %dma_wait3A_33] : memref<32x125x80xi32, #tpu.memory_space<hbm>> -> memref<1x125x80xi32, #tpu.memory_space<hbm>>
      %dma_wait3A_35 = tpu.memref_squeeze %dma_wait3A_34 : memref<1x125x80xi32, #tpu.memory_space<hbm>> -> memref<125x80xi32, #tpu.memory_space<hbm>>
      %dma_wait3A_36 = arith.constant 0 : i32
      %dma_wait3A_37 = arith.constant 0 : i32
      %dma_wait3A_38 = tpu.memref_slice %arg2[%add3A, %dma_wait3A_36, %dma_wait3A_37] : memref<32x125x80xi32, #tpu.memory_space<hbm>> -> memref<1x125x80xi32, #tpu.memory_space<hbm>>
      %dma_wait3A_39 = tpu.memref_squeeze %dma_wait3A_38 : memref<1x125x80xi32, #tpu.memory_space<hbm>> -> memref<125x80xi32, #tpu.memory_space<hbm>>
      tpu.wait_dma2 semaphore(%run_scoped3A_25 : memref<!tpu.dma_semaphore, #tpu.memory_space<semaphore_mem>>) src(%dma_wait3A_39 : memref<125x80xi32, #tpu.memory_space<hbm>>) dst(%arg5 : memref<125x80xi32, #tpu.memory_space<vmem>>)
      tpu.yield
    }) : () -> ()
    "tpu.region"() ({
      %run_scoped3A_25 = tpu.sem_alloc : memref<!tpu.dma_semaphore, #tpu.memory_space<semaphore_mem>>
      %dma_start3A = arith.constant 0 : i32
      %dma_start3A_26 = arith.constant 0 : i32
      %dma_start3A_27 = tpu.memref_slice %arg3[%add3A, %dma_start3A, %dma_start3A_26] : memref<32x125x80xi32, #tpu.memory_space<hbm>> -> memref<1x125x80xi32, #tpu.memory_space<hbm>>
      %dma_start3A_28 = tpu.memref_squeeze %dma_start3A_27 : memref<1x125x80xi32, #tpu.memory_space<hbm>> -> memref<125x80xi32, #tpu.memory_space<hbm>>
      %dma_start3A_29 = arith.constant 0 : i32
      %dma_start3A_30 = arith.constant 0 : i32
      %dma_start3A_31 = tpu.memref_slice %arg3[%add3A, %dma_start3A_29, %dma_start3A_30] : memref<32x125x80xi32, #tpu.memory_space<hbm>> -> memref<1x125x80xi32, #tpu.memory_space<hbm>>
      %dma_start3A_32 = tpu.memref_squeeze %dma_start3A_31 : memref<1x125x80xi32, #tpu.memory_space<hbm>> -> memref<125x80xi32, #tpu.memory_space<hbm>>
      tpu.enqueue_dma source(%dma_start3A_32 : memref<125x80xi32, #tpu.memory_space<hbm>>) target(%arg6 : memref<125x80xi32, #tpu.memory_space<vmem>>) target_semaphore(%run_scoped3A_25 : memref<!tpu.dma_semaphore, #tpu.memory_space<semaphore_mem>>)
      %dma_wait3A = arith.constant 0 : i32
      %dma_wait3A_33 = arith.constant 0 : i32
      %dma_wait3A_34 = tpu.memref_slice %arg3[%add3A, %dma_wait3A, %dma_wait3A_33] : memref<32x125x80xi32, #tpu.memory_space<hbm>> -> memref<1x125x80xi32, #tpu.memory_space<hbm>>
      %dma_wait3A_35 = tpu.memref_squeeze %dma_wait3A_34 : memref<1x125x80xi32, #tpu.memory_space<hbm>> -> memref<125x80xi32, #tpu.memory_space<hbm>>
      %dma_wait3A_36 = arith.constant 0 : i32
      %dma_wait3A_37 = arith.constant 0 : i32
      %dma_wait3A_38 = tpu.memref_slice %arg3[%add3A, %dma_wait3A_36, %dma_wait3A_37] : memref<32x125x80xi32, #tpu.memory_space<hbm>> -> memref<1x125x80xi32, #tpu.memory_space<hbm>>
      %dma_wait3A_39 = tpu.memref_squeeze %dma_wait3A_38 : memref<1x125x80xi32, #tpu.memory_space<hbm>> -> memref<125x80xi32, #tpu.memory_space<hbm>>
      tpu.wait_dma2 semaphore(%run_scoped3A_25 : memref<!tpu.dma_semaphore, #tpu.memory_space<semaphore_mem>>) src(%dma_wait3A_39 : memref<125x80xi32, #tpu.memory_space<hbm>>) dst(%arg6 : memref<125x80xi32, #tpu.memory_space<vmem>>)
      tpu.yield
    }) : () -> ()
    %scan3A_16 = arith.constant 0 : i32
    %scan3A_17 = arith.constant 0 : i32
    %scan3A_18 = arith.constant 25 : i32
    %scan3A_19 = arith.addi %scan3A_17, %scan3A_18 : i32
    %scan3A_20 = arith.constant 1 : i32
    %scan3A_21 = scf.for %scan3A_25 = %scan3A_17 to %scan3A_19 step %scan3A_20 iter_args(%scan3A_26 = %scan3A_16) -> (i32)  : i32 {
      %mul3A_27 = arith.constant 5 : i32
      %mul3A_28 = arith.muli %scan3A_25, %mul3A_27 : i32
      %add3A_29 = arith.constant 0 : i32
      %add3A_30 = arith.addi %mul3A_28, %add3A_29 : i32
      %dma_start3A = arith.constant 0 : i32
      %dma_start3A_31 = tpu.memref_slice %arg5[%add3A_30, %dma_start3A] : memref<125x80xi32, #tpu.memory_space<vmem>> -> memref<1x80xi32, #tpu.memory_space<vmem>>
      %dma_start3A_32 = tpu.memref_squeeze %dma_start3A_31 : memref<1x80xi32, #tpu.memory_space<vmem>> -> memref<80xi32, #tpu.memory_space<vmem>>
      %dma_start3A_33 = arith.constant 0 : i32
      %dma_start3A_34 = tpu.memref_slice %arg9[%dma_start3A_33] : memref<10240xf32, #tpu.memory_space<vmem_shared>> -> memref<10240xf32, #tpu.memory_space<vmem_shared>>
      tpu.enqueue_indirect_dma source(%arg7 : memref<80xf32, #tpu.memory_space<vmem>>) target(%dma_start3A_34 : memref<10240xf32, #tpu.memory_space<vmem_shared>>) offsets(%dma_start3A_32 : memref<80xi32, #tpu.memory_space<vmem>>) semaphore(%arg11 : memref<!tpu.dma_semaphore, #tpu.memory_space<semaphore_mem>>) {add = true}
      %dma_start3A_35 = arith.constant 0 : i32
      %dma_start3A_36 = tpu.memref_slice %arg6[%add3A_30, %dma_start3A_35] : memref<125x80xi32, #tpu.memory_space<vmem>> -> memref<1x80xi32, #tpu.memory_space<vmem>>
      %dma_start3A_37 = tpu.memref_squeeze %dma_start3A_36 : memref<1x80xi32, #tpu.memory_space<vmem>> -> memref<80xi32, #tpu.memory_space<vmem>>
      %dma_start3A_38 = arith.constant 0 : i32
      %dma_start3A_39 = tpu.memref_slice %arg10[%dma_start3A_38] : memref<10240xf32, #tpu.memory_space<vmem_shared>> -> memref<10240xf32, #tpu.memory_space<vmem_shared>>
      tpu.enqueue_indirect_dma source(%arg7 : memref<80xf32, #tpu.memory_space<vmem>>) target(%dma_start3A_39 : memref<10240xf32, #tpu.memory_space<vmem_shared>>) offsets(%dma_start3A_37 : memref<80xi32, #tpu.memory_space<vmem>>) semaphore(%arg12 : memref<!tpu.dma_semaphore, #tpu.memory_space<semaphore_mem>>) {add = true}
      %mul3A_40 = arith.constant 5 : i32
      %mul3A_41 = arith.muli %scan3A_25, %mul3A_40 : i32
      %add3A_42 = arith.constant 1 : i32
      %add3A_43 = arith.addi %mul3A_41, %add3A_42 : i32
      %dma_start3A_44 = arith.constant 0 : i32
      %dma_start3A_45 = tpu.memref_slice %arg5[%add3A_43, %dma_start3A_44] : memref<125x80xi32, #tpu.memory_space<vmem>> -> memref<1x80xi32, #tpu.memory_space<vmem>>
      %dma_start3A_46 = tpu.memref_squeeze %dma_start3A_45 : memref<1x80xi32, #tpu.memory_space<vmem>> -> memref<80xi32, #tpu.memory_space<vmem>>
      %dma_start3A_47 = arith.constant 0 : i32
      %dma_start3A_48 = tpu.memref_slice %arg9[%dma_start3A_47] : memref<10240xf32, #tpu.memory_space<vmem_shared>> -> memref<10240xf32, #tpu.memory_space<vmem_shared>>
      tpu.enqueue_indirect_dma source(%arg7 : memref<80xf32, #tpu.memory_space<vmem>>) target(%dma_start3A_48 : memref<10240xf32, #tpu.memory_space<vmem_shared>>) offsets(%dma_start3A_46 : memref<80xi32, #tpu.memory_space<vmem>>) semaphore(%arg11 : memref<!tpu.dma_semaphore, #tpu.memory_space<semaphore_mem>>) {add = true}
      %dma_start3A_49 = arith.constant 0 : i32
      %dma_start3A_50 = tpu.memref_slice %arg6[%add3A_43, %dma_start3A_49] : memref<125x80xi32, #tpu.memory_space<vmem>> -> memref<1x80xi32, #tpu.memory_space<vmem>>
      %dma_start3A_51 = tpu.memref_squeeze %dma_start3A_50 : memref<1x80xi32, #tpu.memory_space<vmem>> -> memref<80xi32, #tpu.memory_space<vmem>>
      %dma_start3A_52 = arith.constant 0 : i32
      %dma_start3A_53 = tpu.memref_slice %arg10[%dma_start3A_52] : memref<10240xf32, #tpu.memory_space<vmem_shared>> -> memref<10240xf32, #tpu.memory_space<vmem_shared>>
      tpu.enqueue_indirect_dma source(%arg7 : memref<80xf32, #tpu.memory_space<vmem>>) target(%dma_start3A_53 : memref<10240xf32, #tpu.memory_space<vmem_shared>>) offsets(%dma_start3A_51 : memref<80xi32, #tpu.memory_space<vmem>>) semaphore(%arg12 : memref<!tpu.dma_semaphore, #tpu.memory_space<semaphore_mem>>) {add = true}
      %mul3A_54 = arith.constant 5 : i32
      %mul3A_55 = arith.muli %scan3A_25, %mul3A_54 : i32
      %add3A_56 = arith.constant 2 : i32
      %add3A_57 = arith.addi %mul3A_55, %add3A_56 : i32
      %dma_start3A_58 = arith.constant 0 : i32
      %dma_start3A_59 = tpu.memref_slice %arg5[%add3A_57, %dma_start3A_58] : memref<125x80xi32, #tpu.memory_space<vmem>> -> memref<1x80xi32, #tpu.memory_space<vmem>>
      %dma_start3A_60 = tpu.memref_squeeze %dma_start3A_59 : memref<1x80xi32, #tpu.memory_space<vmem>> -> memref<80xi32, #tpu.memory_space<vmem>>
      %dma_start3A_61 = arith.constant 0 : i32
      %dma_start3A_62 = tpu.memref_slice %arg9[%dma_start3A_61] : memref<10240xf32, #tpu.memory_space<vmem_shared>> -> memref<10240xf32, #tpu.memory_space<vmem_shared>>
      tpu.enqueue_indirect_dma source(%arg7 : memref<80xf32, #tpu.memory_space<vmem>>) target(%dma_start3A_62 : memref<10240xf32, #tpu.memory_space<vmem_shared>>) offsets(%dma_start3A_60 : memref<80xi32, #tpu.memory_space<vmem>>) semaphore(%arg11 : memref<!tpu.dma_semaphore, #tpu.memory_space<semaphore_mem>>) {add = true}
      %dma_start3A_63 = arith.constant 0 : i32
      %dma_start3A_64 = tpu.memref_slice %arg6[%add3A_57, %dma_start3A_63] : memref<125x80xi32, #tpu.memory_space<vmem>> -> memref<1x80xi32, #tpu.memory_space<vmem>>
      %dma_start3A_65 = tpu.memref_squeeze %dma_start3A_64 : memref<1x80xi32, #tpu.memory_space<vmem>> -> memref<80xi32, #tpu.memory_space<vmem>>
      %dma_start3A_66 = arith.constant 0 : i32
      %dma_start3A_67 = tpu.memref_slice %arg10[%dma_start3A_66] : memref<10240xf32, #tpu.memory_space<vmem_shared>> -> memref<10240xf32, #tpu.memory_space<vmem_shared>>
      tpu.enqueue_indirect_dma source(%arg7 : memref<80xf32, #tpu.memory_space<vmem>>) target(%dma_start3A_67 : memref<10240xf32, #tpu.memory_space<vmem_shared>>) offsets(%dma_start3A_65 : memref<80xi32, #tpu.memory_space<vmem>>) semaphore(%arg12 : memref<!tpu.dma_semaphore, #tpu.memory_space<semaphore_mem>>) {add = true}
      %mul3A_68 = arith.constant 5 : i32
      %mul3A_69 = arith.muli %scan3A_25, %mul3A_68 : i32
      %add3A_70 = arith.constant 3 : i32
      %add3A_71 = arith.addi %mul3A_69, %add3A_70 : i32
      %dma_start3A_72 = arith.constant 0 : i32
      %dma_start3A_73 = tpu.memref_slice %arg5[%add3A_71, %dma_start3A_72] : memref<125x80xi32, #tpu.memory_space<vmem>> -> memref<1x80xi32, #tpu.memory_space<vmem>>
      %dma_start3A_74 = tpu.memref_squeeze %dma_start3A_73 : memref<1x80xi32, #tpu.memory_space<vmem>> -> memref<80xi32, #tpu.memory_space<vmem>>
      %dma_start3A_75 = arith.constant 0 : i32
      %dma_start3A_76 = tpu.memref_slice %arg9[%dma_start3A_75] : memref<10240xf32, #tpu.memory_space<vmem_shared>> -> memref<10240xf32, #tpu.memory_space<vmem_shared>>
      tpu.enqueue_indirect_dma source(%arg7 : memref<80xf32, #tpu.memory_space<vmem>>) target(%dma_start3A_76 : memref<10240xf32, #tpu.memory_space<vmem_shared>>) offsets(%dma_start3A_74 : memref<80xi32, #tpu.memory_space<vmem>>) semaphore(%arg11 : memref<!tpu.dma_semaphore, #tpu.memory_space<semaphore_mem>>) {add = true}
      %dma_start3A_77 = arith.constant 0 : i32
      %dma_start3A_78 = tpu.memref_slice %arg6[%add3A_71, %dma_start3A_77] : memref<125x80xi32, #tpu.memory_space<vmem>> -> memref<1x80xi32, #tpu.memory_space<vmem>>
      %dma_start3A_79 = tpu.memref_squeeze %dma_start3A_78 : memref<1x80xi32, #tpu.memory_space<vmem>> -> memref<80xi32, #tpu.memory_space<vmem>>
      %dma_start3A_80 = arith.constant 0 : i32
      %dma_start3A_81 = tpu.memref_slice %arg10[%dma_start3A_80] : memref<10240xf32, #tpu.memory_space<vmem_shared>> -> memref<10240xf32, #tpu.memory_space<vmem_shared>>
      tpu.enqueue_indirect_dma source(%arg7 : memref<80xf32, #tpu.memory_space<vmem>>) target(%dma_start3A_81 : memref<10240xf32, #tpu.memory_space<vmem_shared>>) offsets(%dma_start3A_79 : memref<80xi32, #tpu.memory_space<vmem>>) semaphore(%arg12 : memref<!tpu.dma_semaphore, #tpu.memory_space<semaphore_mem>>) {add = true}
      %mul3A_82 = arith.constant 5 : i32
      %mul3A_83 = arith.muli %scan3A_25, %mul3A_82 : i32
      %add3A_84 = arith.constant 4 : i32
      %add3A_85 = arith.addi %mul3A_83, %add3A_84 : i32
      %dma_start3A_86 = arith.constant 0 : i32
      %dma_start3A_87 = tpu.memref_slice %arg5[%add3A_85, %dma_start3A_86] : memref<125x80xi32, #tpu.memory_space<vmem>> -> memref<1x80xi32, #tpu.memory_space<vmem>>
      %dma_start3A_88 = tpu.memref_squeeze %dma_start3A_87 : memref<1x80xi32, #tpu.memory_space<vmem>> -> memref<80xi32, #tpu.memory_space<vmem>>
      %dma_start3A_89 = arith.constant 0 : i32
      %dma_start3A_90 = tpu.memref_slice %arg9[%dma_start3A_89] : memref<10240xf32, #tpu.memory_space<vmem_shared>> -> memref<10240xf32, #tpu.memory_space<vmem_shared>>
      tpu.enqueue_indirect_dma source(%arg7 : memref<80xf32, #tpu.memory_space<vmem>>) target(%dma_start3A_90 : memref<10240xf32, #tpu.memory_space<vmem_shared>>) offsets(%dma_start3A_88 : memref<80xi32, #tpu.memory_space<vmem>>) semaphore(%arg11 : memref<!tpu.dma_semaphore, #tpu.memory_space<semaphore_mem>>) {add = true}
      %dma_start3A_91 = arith.constant 0 : i32
      %dma_start3A_92 = tpu.memref_slice %arg6[%add3A_85, %dma_start3A_91] : memref<125x80xi32, #tpu.memory_space<vmem>> -> memref<1x80xi32, #tpu.memory_space<vmem>>
      %dma_start3A_93 = tpu.memref_squeeze %dma_start3A_92 : memref<1x80xi32, #tpu.memory_space<vmem>> -> memref<80xi32, #tpu.memory_space<vmem>>
      %dma_start3A_94 = arith.constant 0 : i32
      %dma_start3A_95 = tpu.memref_slice %arg10[%dma_start3A_94] : memref<10240xf32, #tpu.memory_space<vmem_shared>> -> memref<10240xf32, #tpu.memory_space<vmem_shared>>
      tpu.enqueue_indirect_dma source(%arg7 : memref<80xf32, #tpu.memory_space<vmem>>) target(%dma_start3A_95 : memref<10240xf32, #tpu.memory_space<vmem_shared>>) offsets(%dma_start3A_93 : memref<80xi32, #tpu.memory_space<vmem>>) semaphore(%arg12 : memref<!tpu.dma_semaphore, #tpu.memory_space<semaphore_mem>>) {add = true}
      %mul3A_96 = arith.constant 5 : i32
      %mul3A_97 = arith.muli %scan3A_25, %mul3A_96 : i32
      %add3A_98 = arith.constant 0 : i32
      %add3A_99 = arith.addi %mul3A_97, %add3A_98 : i32
      %dma_wait3A = arith.constant 0 : i32
      %dma_wait3A_100 = tpu.memref_slice %arg5[%add3A_99, %dma_wait3A] : memref<125x80xi32, #tpu.memory_space<vmem>> -> memref<1x80xi32, #tpu.memory_space<vmem>>
      %dma_wait3A_101 = tpu.memref_squeeze %dma_wait3A_100 : memref<1x80xi32, #tpu.memory_space<vmem>> -> memref<80xi32, #tpu.memory_space<vmem>>
      %dma_wait3A_102 = arith.constant 0 : i32
      %dma_wait3A_103 = tpu.memref_slice %arg9[%dma_wait3A_102] : memref<10240xf32, #tpu.memory_space<vmem_shared>> -> memref<10240xf32, #tpu.memory_space<vmem_shared>>
      tpu.wait_indirect_dma semaphore(%arg11 : memref<!tpu.dma_semaphore, #tpu.memory_space<semaphore_mem>>) src(%arg7 : memref<80xf32, #tpu.memory_space<vmem>>) dst(%dma_wait3A_103 : memref<10240xf32, #tpu.memory_space<vmem_shared>>)
      %dma_wait3A_104 = arith.constant 0 : i32
      %dma_wait3A_105 = tpu.memref_slice %arg6[%add3A_99, %dma_wait3A_104] : memref<125x80xi32, #tpu.memory_space<vmem>> -> memref<1x80xi32, #tpu.memory_space<vmem>>
      %dma_wait3A_106 = tpu.memref_squeeze %dma_wait3A_105 : memref<1x80xi32, #tpu.memory_space<vmem>> -> memref<80xi32, #tpu.memory_space<vmem>>
      %dma_wait3A_107 = arith.constant 0 : i32
      %dma_wait3A_108 = tpu.memref_slice %arg10[%dma_wait3A_107] : memref<10240xf32, #tpu.memory_space<vmem_shared>> -> memref<10240xf32, #tpu.memory_space<vmem_shared>>
      tpu.wait_indirect_dma semaphore(%arg12 : memref<!tpu.dma_semaphore, #tpu.memory_space<semaphore_mem>>) src(%arg7 : memref<80xf32, #tpu.memory_space<vmem>>) dst(%dma_wait3A_108 : memref<10240xf32, #tpu.memory_space<vmem_shared>>)
      %mul3A_109 = arith.constant 5 : i32
      %mul3A_110 = arith.muli %scan3A_25, %mul3A_109 : i32
      %add3A_111 = arith.constant 1 : i32
      %add3A_112 = arith.addi %mul3A_110, %add3A_111 : i32
      %dma_wait3A_113 = arith.constant 0 : i32
      %dma_wait3A_114 = tpu.memref_slice %arg5[%add3A_112, %dma_wait3A_113] : memref<125x80xi32, #tpu.memory_space<vmem>> -> memref<1x80xi32, #tpu.memory_space<vmem>>
      %dma_wait3A_115 = tpu.memref_squeeze %dma_wait3A_114 : memref<1x80xi32, #tpu.memory_space<vmem>> -> memref<80xi32, #tpu.memory_space<vmem>>
      %dma_wait3A_116 = arith.constant 0 : i32
      %dma_wait3A_117 = tpu.memref_slice %arg9[%dma_wait3A_116] : memref<10240xf32, #tpu.memory_space<vmem_shared>> -> memref<10240xf32, #tpu.memory_space<vmem_shared>>
      tpu.wait_indirect_dma semaphore(%arg11 : memref<!tpu.dma_semaphore, #tpu.memory_space<semaphore_mem>>) src(%arg7 : memref<80xf32, #tpu.memory_space<vmem>>) dst(%dma_wait3A_117 : memref<10240xf32, #tpu.memory_space<vmem_shared>>)
      %dma_wait3A_118 = arith.constant 0 : i32
      %dma_wait3A_119 = tpu.memref_slice %arg6[%add3A_112, %dma_wait3A_118] : memref<125x80xi32, #tpu.memory_space<vmem>> -> memref<1x80xi32, #tpu.memory_space<vmem>>
      %dma_wait3A_120 = tpu.memref_squeeze %dma_wait3A_119 : memref<1x80xi32, #tpu.memory_space<vmem>> -> memref<80xi32, #tpu.memory_space<vmem>>
      %dma_wait3A_121 = arith.constant 0 : i32
      %dma_wait3A_122 = tpu.memref_slice %arg10[%dma_wait3A_121] : memref<10240xf32, #tpu.memory_space<vmem_shared>> -> memref<10240xf32, #tpu.memory_space<vmem_shared>>
      tpu.wait_indirect_dma semaphore(%arg12 : memref<!tpu.dma_semaphore, #tpu.memory_space<semaphore_mem>>) src(%arg7 : memref<80xf32, #tpu.memory_space<vmem>>) dst(%dma_wait3A_122 : memref<10240xf32, #tpu.memory_space<vmem_shared>>)
      %mul3A_123 = arith.constant 5 : i32
      %mul3A_124 = arith.muli %scan3A_25, %mul3A_123 : i32
      %add3A_125 = arith.constant 2 : i32
      %add3A_126 = arith.addi %mul3A_124, %add3A_125 : i32
      %dma_wait3A_127 = arith.constant 0 : i32
      %dma_wait3A_128 = tpu.memref_slice %arg5[%add3A_126, %dma_wait3A_127] : memref<125x80xi32, #tpu.memory_space<vmem>> -> memref<1x80xi32, #tpu.memory_space<vmem>>
      %dma_wait3A_129 = tpu.memref_squeeze %dma_wait3A_128 : memref<1x80xi32, #tpu.memory_space<vmem>> -> memref<80xi32, #tpu.memory_space<vmem>>
      %dma_wait3A_130 = arith.constant 0 : i32
      %dma_wait3A_131 = tpu.memref_slice %arg9[%dma_wait3A_130] : memref<10240xf32, #tpu.memory_space<vmem_shared>> -> memref<10240xf32, #tpu.memory_space<vmem_shared>>
      tpu.wait_indirect_dma semaphore(%arg11 : memref<!tpu.dma_semaphore, #tpu.memory_space<semaphore_mem>>) src(%arg7 : memref<80xf32, #tpu.memory_space<vmem>>) dst(%dma_wait3A_131 : memref<10240xf32, #tpu.memory_space<vmem_shared>>)
      %dma_wait3A_132 = arith.constant 0 : i32
      %dma_wait3A_133 = tpu.memref_slice %arg6[%add3A_126, %dma_wait3A_132] : memref<125x80xi32, #tpu.memory_space<vmem>> -> memref<1x80xi32, #tpu.memory_space<vmem>>
      %dma_wait3A_134 = tpu.memref_squeeze %dma_wait3A_133 : memref<1x80xi32, #tpu.memory_space<vmem>> -> memref<80xi32, #tpu.memory_space<vmem>>
      %dma_wait3A_135 = arith.constant 0 : i32
      %dma_wait3A_136 = tpu.memref_slice %arg10[%dma_wait3A_135] : memref<10240xf32, #tpu.memory_space<vmem_shared>> -> memref<10240xf32, #tpu.memory_space<vmem_shared>>
      tpu.wait_indirect_dma semaphore(%arg12 : memref<!tpu.dma_semaphore, #tpu.memory_space<semaphore_mem>>) src(%arg7 : memref<80xf32, #tpu.memory_space<vmem>>) dst(%dma_wait3A_136 : memref<10240xf32, #tpu.memory_space<vmem_shared>>)
      %mul3A_137 = arith.constant 5 : i32
      %mul3A_138 = arith.muli %scan3A_25, %mul3A_137 : i32
      %add3A_139 = arith.constant 3 : i32
      %add3A_140 = arith.addi %mul3A_138, %add3A_139 : i32
      %dma_wait3A_141 = arith.constant 0 : i32
      %dma_wait3A_142 = tpu.memref_slice %arg5[%add3A_140, %dma_wait3A_141] : memref<125x80xi32, #tpu.memory_space<vmem>> -> memref<1x80xi32, #tpu.memory_space<vmem>>
      %dma_wait3A_143 = tpu.memref_squeeze %dma_wait3A_142 : memref<1x80xi32, #tpu.memory_space<vmem>> -> memref<80xi32, #tpu.memory_space<vmem>>
      %dma_wait3A_144 = arith.constant 0 : i32
      %dma_wait3A_145 = tpu.memref_slice %arg9[%dma_wait3A_144] : memref<10240xf32, #tpu.memory_space<vmem_shared>> -> memref<10240xf32, #tpu.memory_space<vmem_shared>>
      tpu.wait_indirect_dma semaphore(%arg11 : memref<!tpu.dma_semaphore, #tpu.memory_space<semaphore_mem>>) src(%arg7 : memref<80xf32, #tpu.memory_space<vmem>>) dst(%dma_wait3A_145 : memref<10240xf32, #tpu.memory_space<vmem_shared>>)
      %dma_wait3A_146 = arith.constant 0 : i32
      %dma_wait3A_147 = tpu.memref_slice %arg6[%add3A_140, %dma_wait3A_146] : memref<125x80xi32, #tpu.memory_space<vmem>> -> memref<1x80xi32, #tpu.memory_space<vmem>>
      %dma_wait3A_148 = tpu.memref_squeeze %dma_wait3A_147 : memref<1x80xi32, #tpu.memory_space<vmem>> -> memref<80xi32, #tpu.memory_space<vmem>>
      %dma_wait3A_149 = arith.constant 0 : i32
      %dma_wait3A_150 = tpu.memref_slice %arg10[%dma_wait3A_149] : memref<10240xf32, #tpu.memory_space<vmem_shared>> -> memref<10240xf32, #tpu.memory_space<vmem_shared>>
      tpu.wait_indirect_dma semaphore(%arg12 : memref<!tpu.dma_semaphore, #tpu.memory_space<semaphore_mem>>) src(%arg7 : memref<80xf32, #tpu.memory_space<vmem>>) dst(%dma_wait3A_150 : memref<10240xf32, #tpu.memory_space<vmem_shared>>)
      %mul3A_151 = arith.constant 5 : i32
      %mul3A_152 = arith.muli %scan3A_25, %mul3A_151 : i32
      %add3A_153 = arith.constant 4 : i32
      %add3A_154 = arith.addi %mul3A_152, %add3A_153 : i32
      %dma_wait3A_155 = arith.constant 0 : i32
      %dma_wait3A_156 = tpu.memref_slice %arg5[%add3A_154, %dma_wait3A_155] : memref<125x80xi32, #tpu.memory_space<vmem>> -> memref<1x80xi32, #tpu.memory_space<vmem>>
      %dma_wait3A_157 = tpu.memref_squeeze %dma_wait3A_156 : memref<1x80xi32, #tpu.memory_space<vmem>> -> memref<80xi32, #tpu.memory_space<vmem>>
      %dma_wait3A_158 = arith.constant 0 : i32
      %dma_wait3A_159 = tpu.memref_slice %arg9[%dma_wait3A_158] : memref<10240xf32, #tpu.memory_space<vmem_shared>> -> memref<10240xf32, #tpu.memory_space<vmem_shared>>
      tpu.wait_indirect_dma semaphore(%arg11 : memref<!tpu.dma_semaphore, #tpu.memory_space<semaphore_mem>>) src(%arg7 : memref<80xf32, #tpu.memory_space<vmem>>) dst(%dma_wait3A_159 : memref<10240xf32, #tpu.memory_space<vmem_shared>>)
      %dma_wait3A_160 = arith.constant 0 : i32
      %dma_wait3A_161 = tpu.memref_slice %arg6[%add3A_154, %dma_wait3A_160] : memref<125x80xi32, #tpu.memory_space<vmem>> -> memref<1x80xi32, #tpu.memory_space<vmem>>
      %dma_wait3A_162 = tpu.memref_squeeze %dma_wait3A_161 : memref<1x80xi32, #tpu.memory_space<vmem>> -> memref<80xi32, #tpu.memory_space<vmem>>
      %dma_wait3A_163 = arith.constant 0 : i32
      %dma_wait3A_164 = tpu.memref_slice %arg10[%dma_wait3A_163] : memref<10240xf32, #tpu.memory_space<vmem_shared>> -> memref<10240xf32, #tpu.memory_space<vmem_shared>>
      tpu.wait_indirect_dma semaphore(%arg12 : memref<!tpu.dma_semaphore, #tpu.memory_space<semaphore_mem>>) src(%arg7 : memref<80xf32, #tpu.memory_space<vmem>>) dst(%dma_wait3A_164 : memref<10240xf32, #tpu.memory_space<vmem_shared>>)
      %scan3A_165 = arith.constant 0 : i32
      scf.yield %scan3A_165 : i32
    }
    %scan3A_22 = arith.constant 25 : i32
    %barrier3A_23 = arith.constant 0 : index
    tpu.barrier barrier_id(%barrier3A_23)
    "tpu.region"() ({
      %run_scoped3A_25 = tpu.sem_alloc : memref<!tpu.dma_semaphore, #tpu.memory_space<semaphore_mem>>
      %dma_start3A = tpu.memref_slice %arg9[%mul3A_15] : memref<10240xf32, #tpu.memory_space<vmem_shared>> -> memref<640xf32, #tpu.memory_space<vmem_shared>>
      %dma_start3A_26 = tpu.memref_slice %arg9[%mul3A_15] : memref<10240xf32, #tpu.memory_space<vmem_shared>> -> memref<640xf32, #tpu.memory_space<vmem_shared>>
      tpu.enqueue_dma source(%dma_start3A_26 : memref<640xf32, #tpu.memory_space<vmem_shared>>) target(%arg8 : memref<640xf32, #tpu.memory_space<vmem>>) target_semaphore(%run_scoped3A_25 : memref<!tpu.dma_semaphore, #tpu.memory_space<semaphore_mem>>)
      %dma_wait3A = tpu.memref_slice %arg9[%mul3A_15] : memref<10240xf32, #tpu.memory_space<vmem_shared>> -> memref<640xf32, #tpu.memory_space<vmem_shared>>
      %dma_wait3A_27 = tpu.memref_slice %arg9[%mul3A_15] : memref<10240xf32, #tpu.memory_space<vmem_shared>> -> memref<640xf32, #tpu.memory_space<vmem_shared>>
      tpu.wait_dma2 semaphore(%run_scoped3A_25 : memref<!tpu.dma_semaphore, #tpu.memory_space<semaphore_mem>>) src(%dma_wait3A_27 : memref<640xf32, #tpu.memory_space<vmem_shared>>) dst(%arg8 : memref<640xf32, #tpu.memory_space<vmem>>)
      tpu.yield
    }) : () -> ()
    %run_scoped3A = arith.constant 0 : i32
    "tpu.region"() ({
      %run_scoped3A_25 = tpu.sem_alloc : memref<!tpu.dma_semaphore, #tpu.memory_space<semaphore_mem>>
      %dma_start3A = tpu.memref_slice %arg4[%arg0, %run_scoped3A, %mul3A_15] : memref<2x2x10240xf32, #tpu.memory_space<hbm>> -> memref<1x1x640xf32, #tpu.memory_space<hbm>>
      %dma_start3A_26 = tpu.memref_squeeze %dma_start3A : memref<1x1x640xf32, #tpu.memory_space<hbm>> -> memref<640xf32, #tpu.memory_space<hbm>>
      %dma_start3A_27 = tpu.memref_slice %arg4[%arg0, %run_scoped3A, %mul3A_15] : memref<2x2x10240xf32, #tpu.memory_space<hbm>> -> memref<1x1x640xf32, #tpu.memory_space<hbm>>
      %dma_start3A_28 = tpu.memref_squeeze %dma_start3A_27 : memref<1x1x640xf32, #tpu.memory_space<hbm>> -> memref<640xf32, #tpu.memory_space<hbm>>
      tpu.enqueue_dma source(%arg8 : memref<640xf32, #tpu.memory_space<vmem>>) target(%dma_start3A_28 : memref<640xf32, #tpu.memory_space<hbm>>) target_semaphore(%run_scoped3A_25 : memref<!tpu.dma_semaphore, #tpu.memory_space<semaphore_mem>>)
      %dma_wait3A = tpu.memref_slice %arg4[%arg0, %run_scoped3A, %mul3A_15] : memref<2x2x10240xf32, #tpu.memory_space<hbm>> -> memref<1x1x640xf32, #tpu.memory_space<hbm>>
      %dma_wait3A_29 = tpu.memref_squeeze %dma_wait3A : memref<1x1x640xf32, #tpu.memory_space<hbm>> -> memref<640xf32, #tpu.memory_space<hbm>>
      %dma_wait3A_30 = tpu.memref_slice %arg4[%arg0, %run_scoped3A, %mul3A_15] : memref<2x2x10240xf32, #tpu.memory_space<hbm>> -> memref<1x1x640xf32, #tpu.memory_space<hbm>>
      %dma_wait3A_31 = tpu.memref_squeeze %dma_wait3A_30 : memref<1x1x640xf32, #tpu.memory_space<hbm>> -> memref<640xf32, #tpu.memory_space<hbm>>
      tpu.wait_dma2 semaphore(%run_scoped3A_25 : memref<!tpu.dma_semaphore, #tpu.memory_space<semaphore_mem>>) src(%arg8 : memref<640xf32, #tpu.memory_space<vmem>>) dst(%dma_wait3A_31 : memref<640xf32, #tpu.memory_space<hbm>>)
      tpu.yield
    }) : () -> ()
    "tpu.region"() ({
      %run_scoped3A_25 = tpu.sem_alloc : memref<!tpu.dma_semaphore, #tpu.memory_space<semaphore_mem>>
      %dma_start3A = tpu.memref_slice %arg10[%mul3A_15] : memref<10240xf32, #tpu.memory_space<vmem_shared>> -> memref<640xf32, #tpu.memory_space<vmem_shared>>
      %dma_start3A_26 = tpu.memref_slice %arg10[%mul3A_15] : memref<10240xf32, #tpu.memory_space<vmem_shared>> -> memref<640xf32, #tpu.memory_space<vmem_shared>>
      tpu.enqueue_dma source(%dma_start3A_26 : memref<640xf32, #tpu.memory_space<vmem_shared>>) target(%arg8 : memref<640xf32, #tpu.memory_space<vmem>>) target_semaphore(%run_scoped3A_25 : memref<!tpu.dma_semaphore, #tpu.memory_space<semaphore_mem>>)
      %dma_wait3A = tpu.memref_slice %arg10[%mul3A_15] : memref<10240xf32, #tpu.memory_space<vmem_shared>> -> memref<640xf32, #tpu.memory_space<vmem_shared>>
      %dma_wait3A_27 = tpu.memref_slice %arg10[%mul3A_15] : memref<10240xf32, #tpu.memory_space<vmem_shared>> -> memref<640xf32, #tpu.memory_space<vmem_shared>>
      tpu.wait_dma2 semaphore(%run_scoped3A_25 : memref<!tpu.dma_semaphore, #tpu.memory_space<semaphore_mem>>) src(%dma_wait3A_27 : memref<640xf32, #tpu.memory_space<vmem_shared>>) dst(%arg8 : memref<640xf32, #tpu.memory_space<vmem>>)
      tpu.yield
    }) : () -> ()
    %run_scoped3A_24 = arith.constant 1 : i32
    "tpu.region"() ({
      %run_scoped3A_25 = tpu.sem_alloc : memref<!tpu.dma_semaphore, #tpu.memory_space<semaphore_mem>>
      %dma_start3A = tpu.memref_slice %arg4[%arg0, %run_scoped3A_24, %mul3A_15] : memref<2x2x10240xf32, #tpu.memory_space<hbm>> -> memref<1x1x640xf32, #tpu.memory_space<hbm>>
      %dma_start3A_26 = tpu.memref_squeeze %dma_start3A : memref<1x1x640xf32, #tpu.memory_space<hbm>> -> memref<640xf32, #tpu.memory_space<hbm>>
      %dma_start3A_27 = tpu.memref_slice %arg4[%arg0, %run_scoped3A_24, %mul3A_15] : memref<2x2x10240xf32, #tpu.memory_space<hbm>> -> memref<1x1x640xf32, #tpu.memory_space<hbm>>
      %dma_start3A_28 = tpu.memref_squeeze %dma_start3A_27 : memref<1x1x640xf32, #tpu.memory_space<hbm>> -> memref<640xf32, #tpu.memory_space<hbm>>
      tpu.enqueue_dma source(%arg8 : memref<640xf32, #tpu.memory_space<vmem>>) target(%dma_start3A_28 : memref<640xf32, #tpu.memory_space<hbm>>) target_semaphore(%run_scoped3A_25 : memref<!tpu.dma_semaphore, #tpu.memory_space<semaphore_mem>>)
      %dma_wait3A = tpu.memref_slice %arg4[%arg0, %run_scoped3A_24, %mul3A_15] : memref<2x2x10240xf32, #tpu.memory_space<hbm>> -> memref<1x1x640xf32, #tpu.memory_space<hbm>>
      %dma_wait3A_29 = tpu.memref_squeeze %dma_wait3A : memref<1x1x640xf32, #tpu.memory_space<hbm>> -> memref<640xf32, #tpu.memory_space<hbm>>
      %dma_wait3A_30 = tpu.memref_slice %arg4[%arg0, %run_scoped3A_24, %mul3A_15] : memref<2x2x10240xf32, #tpu.memory_space<hbm>> -> memref<1x1x640xf32, #tpu.memory_space<hbm>>
      %dma_wait3A_31 = tpu.memref_squeeze %dma_wait3A_30 : memref<1x1x640xf32, #tpu.memory_space<hbm>> -> memref<640xf32, #tpu.memory_space<hbm>>
      tpu.wait_dma2 semaphore(%run_scoped3A_25 : memref<!tpu.dma_semaphore, #tpu.memory_space<semaphore_mem>>) src(%arg8 : memref<640xf32, #tpu.memory_space<vmem>>) dst(%dma_wait3A_31 : memref<640xf32, #tpu.memory_space<hbm>>)
      tpu.yield
    }) : () -> ()
    return
  }
}

module attributes {stable_mosaic.version = 14 : i64} {
  func.func @_prep_body(%arg0: memref<10000x4xf32, #tpu.memory_space<vmem>>, %arg1: memref<10000x128xf32, #tpu.memory_space<vmem>>, %arg2: memref<10000x128xf32, #tpu.memory_space<vmem>>, %arg3: memref<10000x1xf32, #tpu.memory_space<vmem>>, %arg4: memref<10000x1xf32, #tpu.memory_space<vmem>>) attributes {dimension_semantics = [], scalar_prefetch = 0 : i64, scratch_operands = 0 : i64, tpu.core_type = #tpu.core_type<tc>} {
    %get3A = arith.constant 0 : index
    %get3A_0 = arith.constant 0 : index
    %get3A_1 = vector.load %arg0[%get3A, %get3A_0] : memref<10000x4xf32, #tpu.memory_space<vmem>>, vector<10000x4xf32>
    %slice3A = vector.extract_strided_slice %get3A_1 {offsets = [0, 0], sizes = [10000, 1], strides = [1, 1]} : vector<10000x4xf32> to vector<10000x1xf32>
    %slice3A_2 = vector.extract_strided_slice %get3A_1 {offsets = [0, 1], sizes = [10000, 1], strides = [1, 1]} : vector<10000x4xf32> to vector<10000x1xf32>
    %add3A = arith.addf %slice3A, %slice3A_2 : vector<10000x1xf32>
    %slice3A_3 = vector.extract_strided_slice %get3A_1 {offsets = [0, 2], sizes = [10000, 1], strides = [1, 1]} : vector<10000x4xf32> to vector<10000x1xf32>
    %slice3A_4 = vector.extract_strided_slice %get3A_1 {offsets = [0, 3], sizes = [10000, 1], strides = [1, 1]} : vector<10000x4xf32> to vector<10000x1xf32>
    %add3A_5 = arith.addf %slice3A_3, %slice3A_4 : vector<10000x1xf32>
    %max3A = arith.constant 1.000000e+00 : f32
    %max3A_6 = vector.broadcast %max3A : f32 to vector<10000x1xf32>
    %max3A_7 = arith.maximumf %add3A, %max3A_6 : vector<10000x1xf32>
    %rsqrt3A = math.rsqrt %max3A_7 : vector<10000x1xf32>
    %max3A_8 = arith.constant 1.000000e+00 : f32
    %max3A_9 = vector.broadcast %max3A_8 : f32 to vector<10000x1xf32>
    %max3A_10 = arith.maximumf %add3A_5, %max3A_9 : vector<10000x1xf32>
    %rsqrt3A_11 = math.rsqrt %max3A_10 : vector<10000x1xf32>
    %get3A_12 = arith.constant 0 : index
    %get3A_13 = arith.constant 0 : index
    %get3A_14 = vector.load %arg1[%get3A_12, %get3A_13] : memref<10000x128xf32, #tpu.memory_space<vmem>>, vector<10000x128xf32>
    %mul3A = vector.broadcast %rsqrt3A : vector<10000x1xf32> to vector<10000x128xf32>
    %mul3A_15 = arith.mulf %get3A_14, %mul3A : vector<10000x128xf32>
    %swap3A = arith.constant 0 : index
    %swap3A_16 = arith.constant 0 : index
    %swap3A_17 = vector.load %arg2[%swap3A, %swap3A_16] : memref<10000x128xf32, #tpu.memory_space<vmem>>, vector<10000x128xf32>
    tpu.vector_store %arg2[%swap3A, %swap3A_16], %mul3A_15 {strides = array<i32>} : memref<10000x128xf32, #tpu.memory_space<vmem>>, vector<10000x128xf32>,
    %swap3A_18 = arith.constant 0 : index
    %swap3A_19 = arith.constant 0 : index
    %swap3A_20 = vector.load %arg3[%swap3A_18, %swap3A_19] : memref<10000x1xf32, #tpu.memory_space<vmem>>, vector<10000x1xf32>
    tpu.vector_store %arg3[%swap3A_18, %swap3A_19], %rsqrt3A {strides = array<i32>} : memref<10000x1xf32, #tpu.memory_space<vmem>>, vector<10000x1xf32>,
    %swap3A_21 = arith.constant 0 : index
    %swap3A_22 = arith.constant 0 : index
    %swap3A_23 = vector.load %arg4[%swap3A_21, %swap3A_22] : memref<10000x1xf32, #tpu.memory_space<vmem>>, vector<10000x1xf32>
    tpu.vector_store %arg4[%swap3A_21, %swap3A_22], %rsqrt3A_11 {strides = array<i32>} : memref<10000x1xf32, #tpu.memory_space<vmem>>, vector<10000x1xf32>,
    return
  }
}

module attributes {stable_mosaic.version = 14 : i64} {
  func.func @_mid_body(%arg0: memref<2x10240x128xf32, #tpu.memory_space<vmem>>, %arg1: memref<10000x1xf32, #tpu.memory_space<vmem>>, %arg2: memref<10000x1xf32, #tpu.memory_space<vmem>>, %arg3: memref<128x128xf32, #tpu.memory_space<vmem>>, %arg4: memref<1x128xf32, #tpu.memory_space<vmem>>, %arg5: memref<10000x128xf32, #tpu.memory_space<vmem>>) attributes {dimension_semantics = [], scalar_prefetch = 0 : i64, scratch_operands = 0 : i64, tpu.core_type = #tpu.core_type<tc>} {
    %get3A = arith.constant 0 : index
    %get3A_0 = arith.constant 0 : index
    %get3A_1 = arith.constant 0 : index
    %get3A_2 = vector.load %arg0[%get3A, %get3A_0, %get3A_1] : memref<2x10240x128xf32, #tpu.memory_space<vmem>>, vector<1x10000x128xf32>
    %get3A_3 = vector.shape_cast %get3A_2 : vector<1x10000x128xf32> to vector<10000x128xf32>
    %get3A_4 = arith.constant 1 : index
    %get3A_5 = arith.constant 0 : index
    %get3A_6 = arith.constant 0 : index
    %get3A_7 = vector.load %arg0[%get3A_4, %get3A_5, %get3A_6] : memref<2x10240x128xf32, #tpu.memory_space<vmem>>, vector<1x10000x128xf32>
    %get3A_8 = vector.shape_cast %get3A_7 : vector<1x10000x128xf32> to vector<10000x128xf32>
    %add3A = arith.addf %get3A_3, %get3A_8 : vector<10000x128xf32>
    %get3A_9 = arith.constant 0 : index
    %get3A_10 = arith.constant 0 : index
    %get3A_11 = vector.load %arg2[%get3A_9, %get3A_10] : memref<10000x1xf32, #tpu.memory_space<vmem>>, vector<10000x1xf32>
    %mul3A = vector.broadcast %get3A_11 : vector<10000x1xf32> to vector<10000x128xf32>
    %mul3A_12 = arith.mulf %add3A, %mul3A : vector<10000x128xf32>
    %get3A_13 = arith.constant 0 : index
    %get3A_14 = arith.constant 0 : index
    %get3A_15 = vector.load %arg3[%get3A_13, %get3A_14] : memref<128x128xf32, #tpu.memory_space<vmem>>, vector<128x128xf32>
    %dot_general3A = arith.constant dense<0.000000e+00> : vector<10000x128xf32>
    %dot_general3A_16 = tpu.matmul %mul3A_12, %get3A_15, %dot_general3A {dimension_numbers = #tpu.dot_dimension_numbers<[1], [0], [0], [1], [0, 0, 1, 1], [], []>, transpose_lhs_hint = false} : vector<10000x128xf32>, vector<128x128xf32>, vector<10000x128xf32> -> vector<10000x128xf32>
    %get3A_17 = arith.constant 0 : index
    %get3A_18 = arith.constant 0 : index
    %get3A_19 = vector.load %arg4[%get3A_17, %get3A_18] : memref<1x128xf32, #tpu.memory_space<vmem>>, vector<1x128xf32>
    %add3A_20 = vector.broadcast %get3A_19 : vector<1x128xf32> to vector<10000x128xf32>
    %add3A_21 = arith.addf %dot_general3A_16, %add3A_20 : vector<10000x128xf32>
    %max3A = arith.constant 0.000000e+00 : f32
    %max3A_22 = vector.broadcast %max3A : f32 to vector<10000x128xf32>
    %max3A_23 = arith.maximumf %add3A_21, %max3A_22 : vector<10000x128xf32>
    %get3A_24 = arith.constant 0 : index
    %get3A_25 = arith.constant 0 : index
    %get3A_26 = vector.load %arg1[%get3A_24, %get3A_25] : memref<10000x1xf32, #tpu.memory_space<vmem>>, vector<10000x1xf32>
    %mul3A_27 = vector.broadcast %get3A_26 : vector<10000x1xf32> to vector<10000x128xf32>
    %mul3A_28 = arith.mulf %max3A_23, %mul3A_27 : vector<10000x128xf32>
    %swap3A = arith.constant 0 : index
    %swap3A_29 = arith.constant 0 : index
    %swap3A_30 = vector.load %arg5[%swap3A, %swap3A_29] : memref<10000x128xf32, #tpu.memory_space<vmem>>, vector<10000x128xf32>
    tpu.vector_store %arg5[%swap3A, %swap3A_29], %mul3A_28 {strides = array<i32>} : memref<10000x128xf32, #tpu.memory_space<vmem>>, vector<10000x128xf32>,
    return
  }
}

module attributes {stable_mosaic.version = 14 : i64} {
  func.func @_final_body(%arg0: memref<2x10240x128xf32, #tpu.memory_space<vmem>>, %arg1: memref<10000x1xf32, #tpu.memory_space<vmem>>, %arg2: memref<128x128xf32, #tpu.memory_space<vmem>>, %arg3: memref<1x128xf32, #tpu.memory_space<vmem>>, %arg4: memref<128x10xf32, #tpu.memory_space<vmem>>, %arg5: memref<1x10xf32, #tpu.memory_space<vmem>>, %arg6: memref<1x10xf32, #tpu.memory_space<vmem>>) attributes {dimension_semantics = [], scalar_prefetch = 0 : i64, scratch_operands = 0 : i64, tpu.core_type = #tpu.core_type<tc>} {
    %get3A = arith.constant 0 : index
    %get3A_0 = arith.constant 0 : index
    %get3A_1 = arith.constant 0 : index
    %get3A_2 = vector.load %arg0[%get3A, %get3A_0, %get3A_1] : memref<2x10240x128xf32, #tpu.memory_space<vmem>>, vector<1x10000x128xf32>
    %get3A_3 = vector.shape_cast %get3A_2 : vector<1x10000x128xf32> to vector<10000x128xf32>
    %get3A_4 = arith.constant 1 : index
    %get3A_5 = arith.constant 0 : index
    %get3A_6 = arith.constant 0 : index
    %get3A_7 = vector.load %arg0[%get3A_4, %get3A_5, %get3A_6] : memref<2x10240x128xf32, #tpu.memory_space<vmem>>, vector<1x10000x128xf32>
    %get3A_8 = vector.shape_cast %get3A_7 : vector<1x10000x128xf32> to vector<10000x128xf32>
    %add3A = arith.addf %get3A_3, %get3A_8 : vector<10000x128xf32>
    %get3A_9 = arith.constant 0 : index
    %get3A_10 = arith.constant 0 : index
    %get3A_11 = vector.load %arg1[%get3A_9, %get3A_10] : memref<10000x1xf32, #tpu.memory_space<vmem>>, vector<10000x1xf32>
    %mul3A = vector.broadcast %get3A_11 : vector<10000x1xf32> to vector<10000x128xf32>
    %mul3A_12 = arith.mulf %add3A, %mul3A : vector<10000x128xf32>
    %get3A_13 = arith.constant 0 : index
    %get3A_14 = arith.constant 0 : index
    %get3A_15 = vector.load %arg2[%get3A_13, %get3A_14] : memref<128x128xf32, #tpu.memory_space<vmem>>, vector<128x128xf32>
    %dot_general3A = arith.constant dense<0.000000e+00> : vector<10000x128xf32>
    %dot_general3A_16 = tpu.matmul %mul3A_12, %get3A_15, %dot_general3A {dimension_numbers = #tpu.dot_dimension_numbers<[1], [0], [0], [1], [0, 0, 1, 1], [], []>, transpose_lhs_hint = false} : vector<10000x128xf32>, vector<128x128xf32>, vector<10000x128xf32> -> vector<10000x128xf32>
    %get3A_17 = arith.constant 0 : index
    %get3A_18 = arith.constant 0 : index
    %get3A_19 = vector.load %arg3[%get3A_17, %get3A_18] : memref<1x128xf32, #tpu.memory_space<vmem>>, vector<1x128xf32>
    %add3A_20 = vector.broadcast %get3A_19 : vector<1x128xf32> to vector<10000x128xf32>
    %add3A_21 = arith.addf %dot_general3A_16, %add3A_20 : vector<10000x128xf32>
    %max3A = arith.constant 0.000000e+00 : f32
    %max3A_22 = vector.broadcast %max3A : f32 to vector<10000x128xf32>
    %max3A_23 = arith.maximumf %add3A_21, %max3A_22 : vector<10000x128xf32>
    %reduce_sum3A = arith.constant dense<0.000000e+00> : vector<128xf32>
    %reduce_sum3A_24 = vector.multi_reduction <add>, %max3A_23, %reduce_sum3A [0] : vector<10000x128xf32> to vector<128xf32>
    %broadcast_in_dim3A = vector.shape_cast %reduce_sum3A_24 : vector<128xf32> to vector<1x128xf32>
    %mul3A_25 = arith.constant 9.99999974E-5 : f32
    %mul3A_26 = vector.broadcast %mul3A_25 : f32 to vector<1x128xf32>
    %mul3A_27 = arith.mulf %broadcast_in_dim3A, %mul3A_26 : vector<1x128xf32>
    %get3A_28 = arith.constant 0 : index
    %get3A_29 = arith.constant 0 : index
    %get3A_30 = vector.load %arg4[%get3A_28, %get3A_29] : memref<128x10xf32, #tpu.memory_space<vmem>>, vector<128x10xf32>
    %dot_general3A_31 = arith.constant dense<0.000000e+00> : vector<1x10xf32>
    %dot_general3A_32 = tpu.matmul %mul3A_27, %get3A_30, %dot_general3A_31 {dimension_numbers = #tpu.dot_dimension_numbers<[1], [0], [0], [1], [0, 0, 1, 1], [], []>, transpose_lhs_hint = false} : vector<1x128xf32>, vector<128x10xf32>, vector<1x10xf32> -> vector<1x10xf32>
    %get3A_33 = arith.constant 0 : index
    %get3A_34 = arith.constant 0 : index
    %get3A_35 = vector.load %arg5[%get3A_33, %get3A_34] : memref<1x10xf32, #tpu.memory_space<vmem>>, vector<1x10xf32>
    %add3A_36 = arith.addf %dot_general3A_32, %get3A_35 : vector<1x10xf32>
    %reduce_max3A = arith.constant dense<0xFF800000> : vector<1xf32>
    %reduce_max3A_37 = vector.multi_reduction <maximumf>, %add3A_36, %reduce_max3A [1] : vector<1x10xf32> to vector<1xf32>
    %broadcast_in_dim3A_38 = vector.shape_cast %reduce_max3A_37 : vector<1xf32> to vector<1x1xf32>
    %sub3A = vector.broadcast %broadcast_in_dim3A_38 : vector<1x1xf32> to vector<1x10xf32>
    %sub3A_39 = arith.subf %add3A_36, %sub3A : vector<1x10xf32>
    %exp3A = math.exp %sub3A_39 : vector<1x10xf32>
    %reduce_sum3A_40 = arith.constant dense<0.000000e+00> : vector<1xf32>
    %reduce_sum3A_41 = vector.multi_reduction <add>, %exp3A, %reduce_sum3A_40 [1] : vector<1x10xf32> to vector<1xf32>
    %broadcast_in_dim3A_42 = vector.shape_cast %reduce_sum3A_41 : vector<1xf32> to vector<1x1xf32>
    %div3A = vector.broadcast %broadcast_in_dim3A_42 : vector<1x1xf32> to vector<1x10xf32>
    %div3A_43 = arith.divf %exp3A, %div3A : vector<1x10xf32>
    %swap3A = arith.constant 0 : index
    %swap3A_44 = arith.constant 0 : index
    %swap3A_45 = vector.load %arg6[%swap3A, %swap3A_44] : memref<1x10xf32, #tpu.memory_space<vmem>>, vector<1x10xf32>
    tpu.vector_store %arg6[%swap3A, %swap3A_44], %div3A_43 {strides = array<i32>} : memref<1x10xf32, #tpu.memory_space<vmem>>, vector<1x10xf32>,
    return
  }
}

</mosaic_0001>

<sc_bundles>
// kernel: kernel.11.cloned.1.call-start
scs
__scs_entry_jumppad:
0x0: {  	(pc) =	sbr.rel $0x88, $3  }
0x1: {  	(tag) =	ssettag $0x0;
	lr =	simm.s32 $0x1  }
0x2: {  	[smem:$0x3F99] =	sst lr;
	_ =	strace $0xD0000000  }
0x3: {  	_ = 	snop  }
0x4: {  	_ = 	snop  }
0x5: {  	_ = 	snop  }
0x6: {  	_ = 	snop  }
0x7: {  	_ = 	snop  }
__scs_overlays_trampoline_lowered:
0x8: {  	[smem:$0x3FA8] =	sst s0  }
0x9: {  	[smem:$0x3FA9] =	sst s1  }
0xa: {  	[smem:$0x3FAA] =	sst s2  }
0xb: {  	[smem:$0x3FAB] =	sst s3  }
0xc: {  	[smem:$0x3FAC] =	sst s4  }
0xd: {  	[smem:$0x3FAD] =	sst s5  }
0xe: {  	[smem:$0x3FAE] =	sst s6  }
0xf: {  	[smem:$0x3FAF] =	sst s7  }
0x10: {  	[smem:$0x3FB0] =	sst s8  }
0x11: {  	[smem:$0x3FB1] =	sst s9;
	s0 =	simm.s32 @!p0 $0x0  }
0x12: {  	s1 =	sld [smem:$0x3F97];
	s0 =	simm.s32 @p0 $0x1  }
0x13: {  	[smem:$0x3FB2] =	sst s0;
	s0 =	simm.s32 @!p1 $0x0  }
0x14: {  	s2 =	sld [smem:$0x3F96];
	s0 =	simm.s32 @p1 $0x1  }
0x15: {  	[smem:$0x3FB3] =	sst s0;
	s0 =	simm.s32 @!p2 $0x0  }
0x16: {  	s3 =	sld [smem:$0x3FDB];
	s0 =	simm.s32 @p2 $0x1  }
0x17: {  	s4 =	simm.s32 $0x1BF5;
	[smem:$0x3FB5] =	sst s0  }
0x18: {  	s0 =	sld [smem:$0x3F98];
	_ =	swait.ge [sflag:s4], $0x0  }
0x19: {  	s7 =	sld [smem:$0x3F99]  }
0x1a: {  	s8 =	sadd.s32 $0xFFFFE003, lr  }
0x1b: {  	s9 =	sadd.s32 $0xFFFFFEF7, lr;
	s5 =	simm.s32 $0xFFFFFFFF;
	p2 =	slt.u32 s8, $0xFFFFF086  }
0x1c: {  	p1 =	slt.u32 s9, $0xF7A;
	s5 =	simm.s32 @!p2 $0x0  }
0x1d: {  	s5 =	simm.s32 @p1 $0x1;
	p0 =	seq.s32 s7, s2  }
0x1e: {  	s7 =	smul.u32 @!p0 $0xF7A, s2;
	p2 =	seq.s32 @!p0 s5, $0x0  }
0x1f: {  	s9 =	smul.u32 $0xF7A, s1;
	s8 =	simm.s32 @!p0 $0x1BF5;
	p2 =	por !p2, p0  }
0x20: {  	[sflag:s8] =	ssyncset.s32 @!p0 $0xFFFFF086;
	s6 =	sadd.s32 @!p0 s3, s7;
	s7 =	simm.s32 @!p0 $0x108  }
0x21: {  	s3 =	sadd.s32 s3, s9;
	s6 =	sadd.s32 @!p0 $0x88, s6;
	s7 =	simm.s32 @p2 $0x1082  }
0x22: {  	[simem:s7], [sflag:s8] =	dma.local @!p0 [hbm:s6], $0xF7A  }
0x23: {  	s9 =	sor.u32 $0xD0000000, s2;
	s6 =	simm.s32 $0x108;
	_ =	swait.ge @!p0 [sflag:s8], $0x0  }
0x24: {  	s3 =	sadd.s32 $0x88, s3;
	s6 =	simm.s32 @!p1 $0x1082;
	[sflag:s4] =	ssyncset.s32 $0xFFFFF086  }
0x25: {  	[simem:s6], [sflag:s4] =	dma.local [hbm:s3], $0xF7A  }
0x26: {  	[smem:$0x3F99] =	sst s1;
	(tag) =	ssettag s2;
	_ =	strace s9  }
0x27: {  	s1 =	sld [smem:$0x3FA9]  }
0x28: {  	s2 =	sld [smem:$0x3FAA]  }
0x29: {  	s4 =	sld [smem:$0x3FAC]  }
0x2a: {  	p0 =	seq.s32 s5, $0x0;
	s5 =	sld [smem:$0x3FAD]  }
0x2b: {  	s6 =	sld [smem:$0x3FAE]  }
0x2c: {  	s7 =	sld [smem:$0x3FAF]  }
0x2d: {  	s3 =	simm.s32 $0x108;
	s8 =	sld [smem:$0x3FB0]  }
0x2e: {  	s3 =	simm.s32 @!p0 $0x1082;
	s9 =	sld [smem:$0x3FB1]  }
0x2f: {  	lr =	sadd.s32 s0, s3;
	s0 =	sld [smem:$0x3FA8]  }
0x30: {  	s3 =	sld [smem:$0x3FAB]  }
0x31: {  	[smem:$0x3FB4] =	sst s10  }
0x32: {  	s10 =	sld [smem:$0x3FB2];
	_ =	sdelay $0x3  }
0x33: {  	p0 =	seq.s32 s10, $0x1;
	s10 =	sld [smem:$0x3FB4];
	_ =	sdelay $0x3  }
0x34: {  	[smem:$0x3FB4] =	sst s10  }
0x35: {  	s10 =	sld [smem:$0x3FB3];
	_ =	sdelay $0x3  }
0x36: {  	p1 =	seq.s32 s10, $0x1;
	s10 =	sld [smem:$0x3FB4];
	_ =	sdelay $0x3  }
0x37: {  	[smem:$0x3FB4] =	sst s10  }
0x38: {  	s10 =	sld [smem:$0x3FB5]  }
0x39: {  	_ = 	snop;
	(pc) =	sbr.ind lr, $3  }
0x3a: {  	_ = 	snop  }
0x3b: {  	_ = 	snop  }
0x3c: {  	p2 =	seq.s32 s10, $0x1;
	s10 =	sld [smem:$0x3FB4]  }
0x3d: {  	_ =	shalt  }
0x3e: {  	_ =	shalt  }
0x3f: {  	_ =	shalt  }
0x40: {  	_ =	shalt  }
0x41: {  	_ =	shalt  }
0x42: {  	_ =	shalt  }
0x43: {  	_ =	shalt  }
0x44: {  	_ =	shalt  }
0x45: {  	_ =	shalt  }
0x46: {  	_ =	shalt  }
0x47: {  	_ =	shalt  }
0x48: {  	_ =	shalt  }
0x49: {  	_ =	shalt  }
0x4a: {  	_ =	shalt  }
0x4b: {  	_ =	shalt  }
0x4c: {  	_ =	shalt  }
0x4d: {  	_ =	shalt  }
0x4e: {  	_ =	shalt  }
0x4f: {  	_ =	shalt  }
0x50: {  	_ =	shalt  }
0x51: {  	_ =	shalt  }
0x52: {  	_ =	shalt  }
0x53: {  	_ =	shalt  }
0x54: {  	_ =	shalt  }
0x55: {  	_ =	shalt  }
0x56: {  	_ =	shalt  }
0x57: {  	_ =	shalt  }
0x58: {  	_ =	shalt  }
0x59: {  	_ =	shalt  }
0x5a: {  	_ =	shalt  }
0x5b: {  	_ =	shalt  }
0x5c: {  	_ =	shalt  }
0x5d: {  	_ =	shalt  }
0x5e: {  	_ =	shalt  }
0x5f: {  	_ =	shalt  }
0x60: {  	_ =	shalt  }
0x61: {  	_ =	shalt  }
0x62: {  	_ =	shalt  }
0x63: {  	_ =	shalt  }
0x64: {  	_ =	shalt  }
0x65: {  	_ =	shalt  }
0x66: {  	_ =	shalt  }
0x67: {  	_ =	shalt  }
0x68: {  	_ =	shalt  }
0x69: {  	_ =	shalt  }
0x6a: {  	_ =	shalt  }
0x6b: {  	_ =	shalt  }
0x6c: {  	_ =	shalt  }
0x6d: {  	_ =	shalt  }
0x6e: {  	_ =	shalt  }
0x6f: {  	_ =	shalt  }
0x70: {  	_ =	shalt  }
0x71: {  	_ =	shalt  }
0x72: {  	_ =	shalt  }
0x73: {  	_ =	shalt  }
0x74: {  	_ =	shalt  }
0x75: {  	_ =	shalt  }
0x76: {  	_ =	shalt  }
0x77: {  	_ =	shalt  }
0x78: {  	_ =	shalt  }
0x79: {  	_ =	shalt  }
0x7a: {  	_ =	shalt  }
0x7b: {  	_ =	shalt  }
0x7c: {  	_ =	shalt  }
0x7d: {  	_ =	shalt  }
0x7e: {  	_ =	shalt  }
0x7f: {  	_ =	shalt  }
0x80: {  	_ =	shalt  }
0x81: {  	_ =	shalt  }
0x82: {  	_ =	shalt  }
0x83: {  	_ =	shalt  }
0x84: {  	_ =	shalt  }
0x85: {  	_ =	shalt  }
0x86: {  	_ =	shalt  }
0x87: {  	_ =	shalt  }
.Lfunc_end0:
.L_simem_size_0:
called_computation.1_lowered:
.L_overlay_start_0:
0x88: {  	s2 =	sld [smem:$0x3FD9]  }
0x89: {  	s3 =	sld [smem:$0x3FFE];
	_ =	sdelay $0x1  }
0x8a: {  	s1 =	srdreg.scid  }
0x8b: {  	s0 =	sand.u32 $0x1, s1  }
0x8c: {  	s16 =	sshll.u32 s0, $0xA;
	s2 =	sadd.s32 s3, s2  }
0x8d: {  	s2 =	sadd.s32 s2, s16  }
0x8e: {  	[smem:$0x3FC0] =	sst s2  }
0x8f: {  	_ = 	snop  }
0x90: {  	(tm) =	ssettm $0x1  }
0x91: {  	s17 =	sld [smem:$0x3FFB];
	_ =	sdelay $0x3  }
0x92: {  	_ =	strace s17  }
0x93: {  	s2 =	sld [smem:$0x3FFC];
	_ =	sdelay $0x3  }
0x94: {  	_ =	strace s2  }
0x95: {  	s2 =	sld [smem:$0x3FFD];
	_ =	sdelay $0x3  }
0x96: {  	_ =	strace s2  }
0x97: {  	_ =	strace $0x8FFFFFFF  }
0x98: {  	s18 =	sld [smem:$0x3FDB];
	_ =	sdelay $0x1  }
0x99: {  	s19 =	simm.s32 $_scs_section_size  }
0x9a: {  	s4 =	simm.s32 $_size__tile_overlayer_lowered;
	s5 =	simm.s32 $_tile_overlayer_lowered  }
0x9b: {  	s22 =	simm.s32 $0x1BFF;
	s21 =	sshll.u32 s5, $0x1;
	s2 =	sadd.s32 s19, s18  }
0x9c: {  	s6 =	simm.s32 $0x0;
	s20 =	sshll.u32 s4, $0x1;
	s4 =	sadd.s32 s21, s2  }
0x9d: {  	[timem:s6], [sflag:s22] =	dma.local [hbm:s4], s20  }
0x9e: {  	_ =	swait.ge [sflag:s22], s20  }
0x9f: {  	s3 =	ssub.s32 $0x0, s20;
	[sflag:s22] =	ssyncset.done $0x0  }
0xa0: {  	[sflag:s22] =	ssyncadd.s32 s3;
	_ =	sdelay $0x1  }
0xa1: {  	s23 =	simm.s32 $0x1B8B  }
0xa2: {  	_ =	swait.ge [sflag:s23], $0x1  }
0xa3: {  	[sflag:s23] =	ssyncset.done $0x0  }
0xa4: {  	s25 =	simm.s32 $0x1B8E;
	s24 =	sld [smem:$0x3FFE];
	[sflag:s23] =	ssyncadd.s32 $0xFFFFFFFF  }
0xa5: {  	s26 =	simm.s32 $execute0_lowered;
	[smem:$0x3FD2] =	sst s25  }
0xa6: {  	s4 =	sshll.u32 s26, $0x1;
	_ =	strace $0x80000049;
	[dreg:$0x1] =	wrdreg $0xFFFFFFFF  }
0xa7: {  	s28 =	simm.s32 $_size_execute0_lowered;
	s2 =	sadd.s32 s2, s4;
	[dreg:$0x0] =	wrdreg $0x0  }
0xa8: {  	s4 =	sshll.u32 s28, $0x1;
	[dreg:$0x2] =	wrdreg s2  }
0xa9: {  	[dreg:$0x3] =	wrdreg s4  }
0xaa: {  	[dreg:$0x4] =	wrdreg $0xC0  }
0xab: {  	_ =	task [dreg:s6], $0x5FFFF  }
0xac: {  	[dreg:$0x1] =	wrdreg $0xFFFFFFFF  }
0xad: {  	[dreg:$0x0] =	wrdreg $0x60  }
0xae: {  	[dreg:$0x2] =	wrdreg s24  }
0xaf: {  	[dreg:$0x3] =	wrdreg $0x7B000  }
0xb0: {  	[dreg:$0x4] =	wrdreg $0x9  }
0xb1: {  	_ =	task.clear_ibuf [dreg:s6], $0x5FFFF;
	_ =	strace $0x90000049  }
0xb2: {  	s29 =	simm.s32 $0x9;
	_ =	strace $0x8000004B  }
0xb3: {  	_ =	swait.ge [sflag:s29], $0x1  }
0xb4: {  	[sflag:s29] =	ssyncadd.s32 $0xFFFFFFFF  }
0xb5: {  	_ =	strace $0x9000004B  }
0xb6: {  	_ =	sfence  }
0xb7: {  	s30 =	sld [smem:$0x0];
	_ =	sdelay $0x2  }
0xb8: {  	s31 =	sshll.u32 s1, $0xD;
	s1 =	sshrl.u32 s1, $0x2  }
0xb9: {  	s3 =	sand.u32 $0x4000, s31;
	s1 =	sadd.s32 s1, s30  }
0xba: {  	s0 =	sor.u32 s3, s0;
	s1 =	sshll.u32 s1, $0x11  }
0xbb: {  	s0 =	sor.u32 s1, s0  }
0xbc: {  	s0 =	sadd.s32 $0x8F2B, s0  }
0xbd: {  	[sflag:s0] =	ssyncadd.remote.s32 $0x1  }
0xbe: {  	_ =	sfence.sel $0xFFFF  }
0xbf: {  	[dreg:$0x0] =	wrdreg $0xFFFFFFFF;
	(pc) =	sbr.abs _section_cstart, $3  }
0xc0: {  	[dreg:$0x1] =	wrdreg $0xFFFFFFFF  }
0xc1: {  	_ =	task.clear_ibuf [dreg:s6], $0x2FFFF;
	_ =	strace $0x9FFFFFFF  }
0xc2: {  	(tm) =	ssettm $0x7FFFFFFF  }
0xc3: {  	_ =	shalt  }
tec
execute0_lowered:
.L_overlay_start_1:
0x0: {  	(tag) =	ssettag $0x1  }
0x1: {  	s0 =	rddreg [dreg:$0x0]  }
0x2: {  	s1 =	rddreg [dreg:$0x1];
	s3 =	simm.s32 $0x0;
	s2 =	srdreg.scid  }
0x3: {  	s13 =	stileid.u32;
	s28 =	simm.s32 $0x3;
	s29 =	simm.s32 $0x5300  }
0x4: {  	s30 =	simm.s32 $0x4;
	s31 =	simm.s32 $0x5;
	[smem:$0x7FF] =	sst s3  }
0x5: {  	s4 =	sadd.s32 $0x21800, s0;
	s2 =	sand.u32 $0x1, s2;
	s7 =	smul.u32 $0x50000, s13  }
0x6: {  	s5 =	sadd.s32 $0x1800, s0;
	s9 =	smul.u32 $0x14000, s13;
	s6 =	sadd.s32 $0x11800, s0  }
0x7: {  	s0 =	sadd.s32 $0x48A00, s0;
	s25 =	sshll.u32 s13, $0xE;
	_ =	strace $0x8000004A  }
0x8: {  	s8 =	ssub.s32 $0x2, s2;
	s17 =	smul.u32 $0x140000, s2;
	s2 =	sshll.u32 s2, $0x12  }
0x9: {  	s10 =	sshrl.u32 s8, $0x1;
	s7 =	sshrl.u32 s7, $0x2;
	s18 =	sor.u32 $0x2800, s9  }
0xa: {  	s20 =	sadd.s32 $0x5000, s9;
	s21 =	sadd.s32 $0x7800, s9;
	s12 =	sadd.s32 $0xA000, s9  }
0xb: {  	s15 =	sadd.s32 $0xC800, s9;
	s16 =	sadd.s32 $0xF000, s9;
	s7 =	sadd.s32 s7, s1  }
0xc: {  	s8 =	ssub.s32 s8, s10;
	s19 =	sadd.s32 s18, s1;
	[dreg:$0x3] =	wrdreg s7  }
0xd: {  	s11 =	sadd.s32 s20, s1;
	s14 =	sadd.s32 s21, s1;
	[dreg:$0x4] =	wrdreg s19  }
0xe: {  	s22 =	sadd.s32 s12, s1;
	s23 =	sadd.s32 s15, s1;
	[dreg:$0x5] =	wrdreg s11  }
0xf: {  	s24 =	sadd.s32 s16, s1;
	s26 =	sadd.s32 s9, s17;
	[dreg:$0x6] =	wrdreg s14  }
0x10: {  	s10 =	sadd.s32 s17, s18;
	s9 =	sadd.s32 $0x11800, s9;
	[dreg:$0x7] =	wrdreg s22  }
0x11: {  	s18 =	sadd.s32 s17, s20;
	s20 =	sadd.s32 s17, s12;
	[dreg:$0x8] =	wrdreg s23  }
0x12: {  	[dreg:$0x9] =	wrdreg s24;
	s14 =	sor.u32 s25, s2;
	s2 =	sshrl.u32 s26, $0x3  }
0x13: {  	s10 =	sshrl.u32 s10, $0x3;
	s19 =	sadd.s32 s17, s21;
	s22 =	sshrl.u32 s20, $0x3  }
0x14: {  	s24 =	sadd.s32 s17, s15;
	s25 =	sadd.s32 s17, s16;
	s26 =	sadd.s32 s17, s9  }
0x15: {  	s7 =	simm.s32 $0x9;
	s2 =	sadd.s32 s0, s2;
	s13 =	sadd.s32 s0, s10  }
0x16: {  	s21 =	sshrl.u32 s19, $0x3;
	s23 =	sadd.s32 s0, s22;
	s11 =	sshrl.u32 s25, $0x3  }
0x17: {  	s12 =	sshrl.u32 s26, $0x3;
	s26 =	smax.u32 s8, $0x1;
	[dreg:$0xa] =	wrdreg s2  }
0x18: {  	s8 =	simm.s32 $0xA;
	[dreg:$0xb] =	wrdreg s13;
	s2 =	sshrl.u32 s18, $0x3  }
0x19: {  	[dreg:$0xe] =	wrdreg s23;
	s13 =	sshrl.u32 s14, $0x3;
	s23 =	sadd.s32 s9, s1  }
0x1a: {  	[dreg:$0x1c] =	wrdreg s26;
	s26 =	simm.s32 $0x2B00;
	s2 =	sadd.s32 s0, s2  }
0x1b: {  	s9 =	simm.s32 $0x0;
	s20 =	sadd.s32 s5, s13;
	[dreg:$0xc] =	wrdreg s2  }
0x1c: {  	s15 =	sor.u32 $0x10, s13;
	s22 =	sadd.s32 s6, s13;
	[dreg:$0x16] =	wrdreg s20  }
0x1d: {  	s16 =	sor.u32 $0x20, s13;
	s2 =	sadd.s32 s0, s21;
	[dreg:$0x17] =	wrdreg s22  }
0x1e: {  	s17 =	sadd.s32 s5, s15;
	s18 =	sadd.s32 s5, s16;
	[dreg:$0xd] =	wrdreg s2  }
0x1f: {  	s19 =	sadd.s32 s6, s16;
	s21 =	sor.u32 $0x7B0, s13;
	[dreg:$0x12] =	wrdreg s17  }
0x20: {  	s20 =	simm.s32 $0x80;
	s22 =	simm.s32 $0x100;
	[dreg:$0x14] =	wrdreg s18  }
0x21: {  	s2 =	sshrl.u32 s24, $0x3;
	[dreg:$0x15] =	wrdreg s19;
	s24 =	sadd.s32 s5, s21  }
0x22: {  	s16 =	simm.s32 $0x8;
	s2 =	sadd.s32 s0, s2;
	[dreg:$0x18] =	wrdreg s24  }
0x23: {  	s17 =	simm.s32 $0x300;
	[dreg:$0xf] =	wrdreg s2;
	s2 =	sadd.s32 s0, s11  }
0x24: {  	s18 =	simm.s32 $0x1;
	s0 =	sadd.s32 s0, s12;
	[dreg:$0x10] =	wrdreg s2  }
0x25: {  	[dreg:$0x11] =	wrdreg s0;
	s2 =	sadd.s32 s6, s15;
	s0 =	sor.u32 $0x7C0, s13  }
.Ltmp0:
0x26: {  	[dreg:$0x13] =	wrdreg s2;
	s2 =	sadd.s32 s6, s21;
	(pc) =	sbr.rel .LBB2_1-.Ltmp0, $4  }
0x27: {  	s19 =	simm.s32 $0x180;
	s25 =	sadd.s32 s5, s0;
	[dreg:$0x19] =	wrdreg s2  }
0x28: {  	s24 =	simm.s32 $0x50;
	s0 =	sadd.s32 s6, s0;
	[dreg:$0x1a] =	wrdreg s25  }
0x29: {  	s15 =	simm.s32 $0x7;
	s21 =	simm.s32 $0x200;
	[dreg:$0x1b] =	wrdreg s0  }
0x2a: {  	v0 =	vimm.f32 $0.0e+00;
	s25 =	simm.s32 $0x2;
	s0 =	simm.s32 $0x6;
	s2 =	simm.s32 $0x280  }
.LBB2_6:
0x2b: {  	s10 =	rddreg [dreg:$0x18]  }
0x2c: {  	[tilespmem:s3], [sflag:$0x1] =	stream.linear.gather [hbm4b:s10+s3], $0x80, $0x38;
	[tilespmem:$0x1BB00] =	vst v63  }
0x2d: {  	s13 =	rddreg [dreg:$0x19]  }
0x2e: {  	[tilespmem:s19], [sflag:$0x1] =	stream.linear.gather [hbm4b:s13+s3], $0x80, $0x38;
	[tilespmem:$0x1BB00] =	vst v63  }
0x2f: {  	_ =	swait.ge [sflag:s16], $0x2800  }
0x30: {  	[sflag:s16] =	ssyncset.done $0x0  }
0x31: {  	s11 =	rddreg [dreg:$0x1a];
	[sflag:s16] =	ssyncadd.s32 $0xFFFFD800  }
0x32: {  	[tilespmem:s20], [sflag:$0x2] =	stream.linear.gather [hbm4b:s11+s3], $0x80, $0x38;
	[tilespmem:$0x1BB00] =	vst v63  }
0x33: {  	s12 =	rddreg [dreg:$0x1b]  }
0x34: {  	[tilespmem:s21], [sflag:$0x2] =	stream.linear.gather [hbm4b:s12+s3], $0x80, $0x38;
	[tilespmem:$0x1BB00] =	vst v63  }
0x35: {  	_ =	swait.ge [sflag:s18], $0x80  }
0x36: {  	[sflag:s18] =	ssyncset.done $0x0  }
0x37: {  	[sflag:s18] =	ssyncadd.s32 $0xFFFFFF80  }
0x38: {  	_ =	swait.ge [sflag:s18], $0x80  }
0x39: {  	[sflag:s18] =	ssyncset.done $0x0  }
0x3a: {  	[sflag:s18] =	ssyncadd.s32 $0xFFFFFF80  }
0x3b: {  	[tilespmem:s17], [sflag:$0x4] =	stream.indirect.gather [hbm4b:s4+s24], $0x80, s3, s24, $0xb8;
	[tilespmem:$0x1BB00] =	vst v63  }
0x3c: {  	_ =	swait.ge [sflag:s25], $0x80  }
0x3d: {  	[sflag:s25] =	ssyncset.done $0x0  }
0x3e: {  	[sflag:s25] =	ssyncadd.s32 $0xFFFFFF80  }
0x3f: {  	_ =	swait.ge [sflag:s25], $0x80  }
0x40: {  	[sflag:s25] =	ssyncset.done $0x0  }
0x41: {  	[sflag:s25] =	ssyncadd.s32 $0xFFFFFF80  }
0x42: {  	[tilespmem:s26], [sflag:$0x5] =	stream.indirect.gather [hbm4b:s4+s24], $0x80, s20, s24, $0xb8;
	[tilespmem:$0x1BB00] =	vst v63  }
0x43: {  	_ =	swait.ge [sflag:s30], $0x2800  }
0x44: {  	[sflag:s30] =	ssyncset.done $0x0  }
0x45: {  	[sflag:s30] =	ssyncadd.s32 $0xFFFFD800  }
0x46: {  	[spmem:s1] =	stream.indirect.scatter.add.f32 [tilespmem:s17], [sflag:$0x7], $0x80, s19, s24, $0xb8;
	[tilespmem:$0x1BB00] =	vst v63  }
0x47: {  	_ =	swait.ge [sflag:s31], $0x2800  }
0x48: {  	[sflag:s31] =	ssyncset.done $0x0  }
0x49: {  	[sflag:s31] =	ssyncadd.s32 $0xFFFFD800  }
0x4a: {  	[spmem:s1] =	stream.indirect.scatter.add.f32 [tilespmem:s26], [sflag:$0x8], $0x80, s21, s24, $0xb8;
	[tilespmem:$0x1BB00] =	vst v63  }
0x4b: {  	_ =	swait.ge [sflag:s15], $0x2800  }
0x4c: {  	[sflag:s15] =	ssyncset.done $0x0  }
0x4d: {  	[sflag:s15] =	ssyncadd.s32 $0xFFFFD800  }
0x4e: {  	_ =	swait.ge [sflag:s16], $0x2800  }
0x4f: {  	[sflag:s16] =	ssyncset.done $0x0  }
0x50: {  	[sflag:s16] =	ssyncadd.s32 $0xFFFFD800  }
0x51: {  	_ =	swait.ge [sflag:s7], $0x2800  }
0x52: {  	[sflag:s7] =	ssyncset.done $0x0  }
0x53: {  	[sflag:s7] =	ssyncadd.s32 $0xFFFFD800  }
0x54: {  	[bflag:$0x0] =	sbarrier.arrive $0xFFFF  }
0x55: {  	s13 =	rddreg [dreg:$0x3]  }
0x56: {  	[tilespmem:s17], [sflag:$0xA] =	stream.linear.gather [spmem:s13], $0x2800, $0x38;
	[tilespmem:$0x1BB00] =	vst v63  }
0x57: {  	_ =	swait.ge [sflag:s8], $0x2800  }
0x58: {  	[sflag:s8] =	ssyncset.done $0x0  }
0x59: {  	s11 =	rddreg [dreg:$0xa];
	[sflag:s8] =	ssyncadd.s32 $0xFFFFD800  }
0x5a: {  	[hbm4b:s11+s3] =	stream.linear.scatter [tilespmem:s17], [sflag:$0x4], $0x2800, $0x38;
	[tilespmem:$0x1BB00] =	vst v63  }
0x5b: {  	s12 =	rddreg [dreg:$0x4]  }
0x5c: {  	[tilespmem:s26], [sflag:$0xA] =	stream.linear.gather [spmem:s12], $0x2800, $0x38;
	[tilespmem:$0x1BB00] =	vst v63  }
0x5d: {  	_ =	swait.ge [sflag:s8], $0x2800  }
0x5e: {  	[sflag:s8] =	ssyncset.done $0x0  }
0x5f: {  	s13 =	rddreg [dreg:$0xb];
	[sflag:s8] =	ssyncadd.s32 $0xFFFFD800  }
0x60: {  	[hbm4b:s13+s3] =	stream.linear.scatter [tilespmem:s26], [sflag:$0x5], $0x2800, $0x38;
	[tilespmem:$0x1BB00] =	vst v63  }
0x61: {  	_ =	swait.ge [sflag:s30], $0x2800  }
0x62: {  	[sflag:s30] =	ssyncset.done $0x0  }
0x63: {  	s11 =	rddreg [dreg:$0x5];
	[sflag:s30] =	ssyncadd.s32 $0xFFFFD800  }
0x64: {  	[tilespmem:s17], [sflag:$0xA] =	stream.linear.gather [spmem:s11], $0x2800, $0x38;
	[tilespmem:$0x1BB00] =	vst v63  }
0x65: {  	_ =	swait.ge [sflag:s8], $0x2800  }
0x66: {  	[sflag:s8] =	ssyncset.done $0x0  }
0x67: {  	s12 =	rddreg [dreg:$0xc];
	[sflag:s8] =	ssyncadd.s32 $0xFFFFD800  }
0x68: {  	[hbm4b:s12+s3] =	stream.linear.scatter [tilespmem:s17], [sflag:$0x4], $0x2800, $0x38;
	[tilespmem:$0x1BB00] =	vst v63  }
0x69: {  	_ =	swait.ge [sflag:s31], $0x2800  }
0x6a: {  	[sflag:s31] =	ssyncset.done $0x0  }
0x6b: {  	s13 =	rddreg [dreg:$0x6];
	[sflag:s31] =	ssyncadd.s32 $0xFFFFD800  }
0x6c: {  	[tilespmem:s26], [sflag:$0xA] =	stream.linear.gather [spmem:s13], $0x2800, $0x38;
	[tilespmem:$0x1BB00] =	vst v63  }
0x6d: {  	_ =	swait.ge [sflag:s8], $0x2800  }
0x6e: {  	[sflag:s8] =	ssyncset.done $0x0  }
0x6f: {  	s11 =	rddreg [dreg:$0xd];
	[sflag:s8] =	ssyncadd.s32 $0xFFFFD800  }
0x70: {  	[hbm4b:s11+s3] =	stream.linear.scatter [tilespmem:s26], [sflag:$0x5], $0x2800, $0x38;
	[tilespmem:$0x1BB00] =	vst v63  }
0x71: {  	_ =	swait.ge [sflag:s30], $0x2800  }
0x72: {  	[sflag:s30] =	ssyncset.done $0x0  }
0x73: {  	s12 =	rddreg [dreg:$0x7];
	[sflag:s30] =	ssyncadd.s32 $0xFFFFD800  }
0x74: {  	[tilespmem:s17], [sflag:$0xA] =	stream.linear.gather [spmem:s12], $0x2800, $0x38;
	[tilespmem:$0x1BB00] =	vst v63  }
0x75: {  	_ =	swait.ge [sflag:s8], $0x2800  }
0x76: {  	[sflag:s8] =	ssyncset.done $0x0  }
0x77: {  	s13 =	rddreg [dreg:$0xe];
	[sflag:s8] =	ssyncadd.s32 $0xFFFFD800  }
0x78: {  	[hbm4b:s13+s3] =	stream.linear.scatter [tilespmem:s17], [sflag:$0x4], $0x2800, $0x38;
	[tilespmem:$0x1BB00] =	vst v63  }
0x79: {  	_ =	swait.ge [sflag:s31], $0x2800  }
0x7a: {  	[sflag:s31] =	ssyncset.done $0x0  }
0x7b: {  	s11 =	rddreg [dreg:$0x8];
	[sflag:s31] =	ssyncadd.s32 $0xFFFFD800  }
0x7c: {  	[tilespmem:s26], [sflag:$0xA] =	stream.linear.gather [spmem:s11], $0x2800, $0x38;
	[tilespmem:$0x1BB00] =	vst v63  }
0x7d: {  	_ =	swait.ge [sflag:s8], $0x2800  }
0x7e: {  	[sflag:s8] =	ssyncset.done $0x0  }
0x7f: {  	s12 =	rddreg [dreg:$0xf];
	[sflag:s8] =	ssyncadd.s32 $0xFFFFD800  }
0x80: {  	[hbm4b:s12+s3] =	stream.linear.scatter [tilespmem:s26], [sflag:$0x5], $0x2800, $0x38;
	[tilespmem:$0x1BB00] =	vst v63  }
0x81: {  	_ =	swait.ge [sflag:s30], $0x2800  }
0x82: {  	[sflag:s30] =	ssyncset.done $0x0  }
0x83: {  	s13 =	rddreg [dreg:$0x9];
	[sflag:s30] =	ssyncadd.s32 $0xFFFFD800  }
0x84: {  	[tilespmem:s17], [sflag:$0xA] =	stream.linear.gather [spmem:s13], $0x2800, $0x38;
	[tilespmem:$0x1BB00] =	vst v63  }
0x85: {  	_ =	swait.ge [sflag:s8], $0x2800  }
0x86: {  	[sflag:s8] =	ssyncset.done $0x0  }
0x87: {  	s11 =	rddreg [dreg:$0x10];
	[sflag:s8] =	ssyncadd.s32 $0xFFFFD800  }
0x88: {  	[hbm4b:s11+s3] =	stream.linear.scatter [tilespmem:s17], [sflag:$0x4], $0x2800, $0x38;
	[tilespmem:$0x1BB00] =	vst v63  }
0x89: {  	_ =	swait.ge [sflag:s31], $0x2800  }
0x8a: {  	[sflag:s31] =	ssyncset.done $0x0  }
0x8b: {  	[sflag:s31] =	ssyncadd.s32 $0xFFFFD800  }
0x8c: {  	[tilespmem:s26], [sflag:$0xA] =	stream.linear.gather [spmem:s23], $0x2800, $0x38;
	[tilespmem:$0x1BB00] =	vst v63  }
0x8d: {  	_ =	swait.ge [sflag:s8], $0x2800  }
0x8e: {  	[sflag:s8] =	ssyncset.done $0x0  }
0x8f: {  	s12 =	rddreg [dreg:$0x11];
	[sflag:s8] =	ssyncadd.s32 $0xFFFFD800  }
0x90: {  	[hbm4b:s12+s3] =	stream.linear.scatter [tilespmem:s26], [sflag:$0x5], $0x2800, $0x38;
	[tilespmem:$0x1BB00] =	vst v63  }
0x91: {  	_ =	swait.ge [sflag:s30], $0x2800  }
0x92: {  	[sflag:s30] =	ssyncset.done $0x0  }
0x93: {  	[sflag:s30] =	ssyncadd.s32 $0xFFFFD800  }
0x94: {  	_ =	swait.ge [sflag:s31], $0x2800  }
0x95: {  	s9 =	sadd.s32 $0x1, s9;
	s13 =	rddreg [dreg:$0x1c]  }
0x96: {  	p0 =	sne.s32 s9, s13  }
.Ltmp1:
0x97: {  	_ = 	snop;
	(pc) =	sbr.rel @!p0 .LBB2_7-.Ltmp1, $3  }
0x98: {  	_ =	sdelay $0x1  }
0x99: {  	[sflag:s31] =	ssyncset.done $0x0  }
0x9a: {  	[sflag:s31] =	ssyncadd.s32 $0xFFFFD800  }
.LBB2_1:
0x9b: {  	s10 =	sand.u32 $0xFE00, s3  }
0x9c: {  	s11 =	sand.u32 $0x70, s3;
	s12 =	sshrl.u32 s10, $0x2  }
0x9d: {  	s10 =	simm.s32 $0x40;
	s12 =	sor.u32 s11, s12;
	s11 =	simm.s32 $0x0  }
.LBB2_2:
0x9e: {  	p0 =	sne.s32 s10, $0x9FC0  }
0x9f: {  	[tilespmem:s12+$0x300] =	vst v0;
	s11 =	sadd.s32 $0x10, s11;
	s12 =	smov.u32 s10;
	s10 =	sadd.s32 $0x40, s10  }
.Ltmp2:
0xa0: {  	(pc) =	sbr.rel @p0 .LBB2_2-.Ltmp2, $4  }
0xa1: {  	_ = 	snop  }
0xa2: {  	s12 =	sand.u32 $0xFE00, s12  }
0xa3: {  	s13 =	sand.u32 $0x70, s11;
	s12 =	sshrl.u32 s12, $0x2  }
0xa4: {  	s12 =	sor.u32 s13, s12  }
0xa5: {  	[tilespmem:s12+$0x300] =	vst v0;
	s10 =	rddreg [dreg:$0x3]  }
0xa6: {  	[spmem:s10] =	stream.linear.scatter [tilespmem:s17], [sflag:$0x1], $0x2800, $0x38;
	[tilespmem:$0x1BB00] =	vst v63  }
0xa7: {  	s12 =	rddreg [dreg:$0x4]  }
0xa8: {  	[spmem:s12] =	stream.linear.scatter [tilespmem:s17], [sflag:$0x1], $0x2800, $0x38;
	[tilespmem:$0x1BB00] =	vst v63  }
0xa9: {  	s13 =	rddreg [dreg:$0x5]  }
0xaa: {  	[spmem:s13] =	stream.linear.scatter [tilespmem:s17], [sflag:$0x1], $0x2800, $0x38;
	[tilespmem:$0x1BB00] =	vst v63  }
0xab: {  	s11 =	rddreg [dreg:$0x6]  }
0xac: {  	[spmem:s11] =	stream.linear.scatter [tilespmem:s17], [sflag:$0x1], $0x2800, $0x38;
	[tilespmem:$0x1BB00] =	vst v63  }
0xad: {  	s12 =	rddreg [dreg:$0x7]  }
0xae: {  	[spmem:s12] =	stream.linear.scatter [tilespmem:s17], [sflag:$0x1], $0x2800, $0x38;
	[tilespmem:$0x1BB00] =	vst v63  }
0xaf: {  	s13 =	rddreg [dreg:$0x8]  }
0xb0: {  	[spmem:s13] =	stream.linear.scatter [tilespmem:s17], [sflag:$0x1], $0x2800, $0x38;
	[tilespmem:$0x1BB00] =	vst v63  }
0xb1: {  	s11 =	rddreg [dreg:$0x9]  }
0xb2: {  	[spmem:s11] =	stream.linear.scatter [tilespmem:s17], [sflag:$0x1], $0x2800, $0x38;
	[tilespmem:$0x1BB00] =	vst v63  }
0xb3: {  	_ = 	snop  }
0xb4: {  	[spmem:s23] =	stream.linear.scatter [tilespmem:s17], [sflag:$0x1], $0x2800, $0x38;
	[tilespmem:$0x1BB00] =	vst v63  }
0xb5: {  	_ =	swait.ge [sflag:s18], $0x2800  }
0xb6: {  	[sflag:s18] =	ssyncset.done $0x0  }
0xb7: {  	[sflag:s18] =	ssyncadd.s32 $0xFFFFD800  }
0xb8: {  	_ =	swait.ge [sflag:s18], $0x2800  }
0xb9: {  	[sflag:s18] =	ssyncset.done $0x0  }
0xba: {  	[sflag:s18] =	ssyncadd.s32 $0xFFFFD800  }
0xbb: {  	_ =	swait.ge [sflag:s18], $0x2800  }
0xbc: {  	[sflag:s18] =	ssyncset.done $0x0  }
0xbd: {  	[sflag:s18] =	ssyncadd.s32 $0xFFFFD800  }
0xbe: {  	_ =	swait.ge [sflag:s18], $0x2800  }
0xbf: {  	[sflag:s18] =	ssyncset.done $0x0  }
0xc0: {  	[sflag:s18] =	ssyncadd.s32 $0xFFFFD800  }
0xc1: {  	_ =	swait.ge [sflag:s18], $0x2800  }
0xc2: {  	[sflag:s18] =	ssyncset.done $0x0  }
0xc3: {  	[sflag:s18] =	ssyncadd.s32 $0xFFFFD800  }
0xc4: {  	_ =	swait.ge [sflag:s18], $0x2800  }
0xc5: {  	[sflag:s18] =	ssyncset.done $0x0  }
0xc6: {  	[sflag:s18] =	ssyncadd.s32 $0xFFFFD800  }
0xc7: {  	_ =	swait.ge [sflag:s18], $0x2800  }
0xc8: {  	[sflag:s18] =	ssyncset.done $0x0  }
0xc9: {  	[sflag:s18] =	ssyncadd.s32 $0xFFFFD800  }
0xca: {  	_ =	swait.ge [sflag:s18], $0x2800  }
0xcb: {  	[sflag:s18] =	ssyncset.done $0x0  }
0xcc: {  	[sflag:s18] =	ssyncadd.s32 $0xFFFFD800  }
0xcd: {  	[bflag:$0x0] =	sbarrier.arrive $0xFFFF  }
0xce: {  	s12 =	rddreg [dreg:$0x16]  }
0xcf: {  	[tilespmem:s3], [sflag:$0x1] =	stream.linear.gather [hbm4b:s12+s3], $0x80, $0x38;
	[tilespmem:$0x1BB00] =	vst v63  }
0xd0: {  	s13 =	rddreg [dreg:$0x17]  }
0xd1: {  	[tilespmem:s19], [sflag:$0x1] =	stream.linear.gather [hbm4b:s13+s3], $0x80, $0x38;
	[tilespmem:$0x1BB00] =	vst v63  }
0xd2: {  	s11 =	rddreg [dreg:$0x12]  }
0xd3: {  	[tilespmem:s20], [sflag:$0x2] =	stream.linear.gather [hbm4b:s11+s3], $0x80, $0x38;
	[tilespmem:$0x1BB00] =	vst v63  }
0xd4: {  	s12 =	rddreg [dreg:$0x13]  }
0xd5: {  	[tilespmem:s21], [sflag:$0x2] =	stream.linear.gather [hbm4b:s12+s3], $0x80, $0x38;
	[tilespmem:$0x1BB00] =	vst v63  }
0xd6: {  	s13 =	rddreg [dreg:$0x14]  }
0xd7: {  	[tilespmem:s22], [sflag:$0x3] =	stream.linear.gather [hbm4b:s13+s3], $0x80, $0x38;
	[tilespmem:$0x1BB00] =	vst v63  }
0xd8: {  	s10 =	simm.s32 $0x280;
	s11 =	rddreg [dreg:$0x15]  }
0xd9: {  	[tilespmem:s10], [sflag:$0x3] =	stream.linear.gather [hbm4b:s11+s3], $0x80, $0x38;
	[tilespmem:$0x1BB00] =	vst v63  }
0xda: {  	_ =	swait.ge [sflag:s18], $0x80  }
0xdb: {  	[sflag:s18] =	ssyncset.done $0x0  }
0xdc: {  	[sflag:s18] =	ssyncadd.s32 $0xFFFFFF80  }
0xdd: {  	_ =	swait.ge [sflag:s18], $0x80  }
0xde: {  	[sflag:s18] =	ssyncset.done $0x0  }
0xdf: {  	[sflag:s18] =	ssyncadd.s32 $0xFFFFFF80  }
0xe0: {  	[tilespmem:s17], [sflag:$0x4] =	stream.indirect.gather [hbm4b:s4+s24], $0x80, s3, s24, $0xb8;
	[tilespmem:$0x1BB00] =	vst v63  }
0xe1: {  	_ =	swait.ge [sflag:s25], $0x80  }
0xe2: {  	[sflag:s25] =	ssyncset.done $0x0  }
0xe3: {  	[sflag:s25] =	ssyncadd.s32 $0xFFFFFF80  }
0xe4: {  	_ =	swait.ge [sflag:s25], $0x80  }
0xe5: {  	[sflag:s25] =	ssyncset.done $0x0  }
0xe6: {  	[sflag:s25] =	ssyncadd.s32 $0xFFFFFF80  }
0xe7: {  	[tilespmem:s26], [sflag:$0x5] =	stream.indirect.gather [hbm4b:s4+s24], $0x80, s20, s24, $0xb8;
	[tilespmem:$0x1BB00] =	vst v63  }
0xe8: {  	_ =	swait.ge [sflag:s28], $0x80  }
0xe9: {  	[sflag:s28] =	ssyncset.done $0x0  }
0xea: {  	[sflag:s28] =	ssyncadd.s32 $0xFFFFFF80  }
0xeb: {  	_ =	swait.ge [sflag:s28], $0x80  }
0xec: {  	[sflag:s28] =	ssyncset.done $0x0  }
0xed: {  	[sflag:s28] =	ssyncadd.s32 $0xFFFFFF80  }
0xee: {  	[tilespmem:s29], [sflag:$0x6] =	stream.indirect.gather [hbm4b:s4+s24], $0x80, s22, s24, $0xb8;
	[tilespmem:$0x1BB00] =	vst v63  }
.LBB2_4:
0xef: {  	_ =	swait.ge [sflag:s30], $0x2800  }
0xf0: {  	[sflag:s30] =	ssyncset.done $0x0  }
0xf1: {  	[sflag:s30] =	ssyncadd.s32 $0xFFFFD800  }
0xf2: {  	[spmem:s1] =	stream.indirect.scatter.add.f32 [tilespmem:s17], [sflag:$0x7], $0x80, s19, s24, $0xb8;
	[tilespmem:$0x1BB00] =	vst v63  }
0xf3: {  	_ =	swait.ge [sflag:s31], $0x2800  }
0xf4: {  	[sflag:s31] =	ssyncset.done $0x0  }
0xf5: {  	[sflag:s31] =	ssyncadd.s32 $0xFFFFD800  }
0xf6: {  	[spmem:s1] =	stream.indirect.scatter.add.f32 [tilespmem:s26], [sflag:$0x8], $0x80, s21, s24, $0xb8;
	[tilespmem:$0x1BB00] =	vst v63  }
0xf7: {  	_ =	swait.ge [sflag:s0], $0x2800  }
0xf8: {  	p0 =	seq.s32 s10, $0x3E80;
	[sflag:s0] =	ssyncset.done $0x0  }
.Ltmp3:
0xf9: {  	[sflag:s0] =	ssyncadd.s32 $0xFFFFD800;
	(pc) =	sbr.rel @p0 .LBB2_6-.Ltmp3, $4  }
0xfa: {  	[spmem:s1] =	stream.indirect.scatter.add.f32 [tilespmem:s29], [sflag:$0x9], $0x80, s2, s24, $0xb8;
	[tilespmem:$0x1BB00] =	vst v63  }
0xfb: {  	_ =	swait.ge [sflag:s15], $0x2800  }
0xfc: {  	[sflag:s15] =	ssyncset.done $0x0  }
0xfd: {  	[sflag:s15] =	ssyncadd.s32 $0xFFFFD800  }
0xfe: {  	s11 =	sadd.s32 $0xFFFFFF00, s10  }
0xff: {  	s12 =	sand.u32 $0xFC00, s11  }
0x100: {  	s11 =	sand.u32 $0x380, s11;
	s12 =	sadd.s32 s14, s12  }
0x101: {  	s11 =	sor.u32 s11, s12  }
0x102: {  	s11 =	sshrl.u32 s11, $0x3  }
0x103: {  	s13 =	sadd.s32 s5, s11  }
0x104: {  	[tilespmem:s3], [sflag:$0x1] =	stream.linear.gather [hbm4b:s13+s3], $0x80, $0x38;
	[tilespmem:$0x1BB00] =	vst v63  }
0x105: {  	s11 =	sadd.s32 s6, s11  }
0x106: {  	[tilespmem:s19], [sflag:$0x1] =	stream.linear.gather [hbm4b:s11+s3], $0x80, $0x38;
	[tilespmem:$0x1BB00] =	vst v63  }
0x107: {  	s11 =	sadd.s32 $0xFFFFFF80, s10  }
0x108: {  	s13 =	sand.u32 $0xFC00, s11  }
0x109: {  	s11 =	sand.u32 $0x380, s11;
	s12 =	sadd.s32 s14, s13  }
0x10a: {  	_ =	swait.ge [sflag:s16], $0x2800;
	s11 =	sor.u32 s11, s12  }
0x10b: {  	[sflag:s16] =	ssyncset.done $0x0;
	s11 =	sshrl.u32 s11, $0x3  }
0x10c: {  	[sflag:s16] =	ssyncadd.s32 $0xFFFFD800;
	s13 =	sadd.s32 s5, s11  }
0x10d: {  	[tilespmem:s20], [sflag:$0x2] =	stream.linear.gather [hbm4b:s13+s3], $0x80, $0x38;
	[tilespmem:$0x1BB00] =	vst v63  }
0x10e: {  	s12 =	sand.u32 $0xFC00, s10;
	s11 =	sadd.s32 s6, s11  }
0x10f: {  	[tilespmem:s21], [sflag:$0x2] =	stream.linear.gather [hbm4b:s11+s3], $0x80, $0x38;
	[tilespmem:$0x1BB00] =	vst v63  }
0x110: {  	s13 =	sand.u32 $0x380, s10;
	s11 =	sadd.s32 s14, s12  }
0x111: {  	_ =	swait.ge [sflag:s7], $0x2800;
	s11 =	sor.u32 s13, s11  }
0x112: {  	[sflag:s7] =	ssyncset.done $0x0;
	s11 =	sshrl.u32 s11, $0x3  }
0x113: {  	[sflag:s7] =	ssyncadd.s32 $0xFFFFD800;
	s13 =	sadd.s32 s5, s11  }
0x114: {  	[tilespmem:s22], [sflag:$0x3] =	stream.linear.gather [hbm4b:s13+s3], $0x80, $0x38;
	[tilespmem:$0x1BB00] =	vst v63  }
0x115: {  	s11 =	sadd.s32 s6, s11  }
0x116: {  	[tilespmem:s2], [sflag:$0x3] =	stream.linear.gather [hbm4b:s11+s3], $0x80, $0x38;
	[tilespmem:$0x1BB00] =	vst v63  }
0x117: {  	_ =	swait.ge [sflag:s18], $0x80  }
0x118: {  	[sflag:s18] =	ssyncset.done $0x0  }
0x119: {  	[sflag:s18] =	ssyncadd.s32 $0xFFFFFF80  }
0x11a: {  	_ =	swait.ge [sflag:s18], $0x80  }
0x11b: {  	[sflag:s18] =	ssyncset.done $0x0  }
0x11c: {  	[sflag:s18] =	ssyncadd.s32 $0xFFFFFF80  }
0x11d: {  	[tilespmem:s17], [sflag:$0x4] =	stream.indirect.gather [hbm4b:s4+s24], $0x80, s3, s24, $0xb8;
	[tilespmem:$0x1BB00] =	vst v63  }
0x11e: {  	_ =	swait.ge [sflag:s25], $0x80  }
0x11f: {  	[sflag:s25] =	ssyncset.done $0x0  }
0x120: {  	[sflag:s25] =	ssyncadd.s32 $0xFFFFFF80  }
0x121: {  	_ =	swait.ge [sflag:s25], $0x80  }
0x122: {  	[sflag:s25] =	ssyncset.done $0x0  }
0x123: {  	[sflag:s25] =	ssyncadd.s32 $0xFFFFFF80  }
0x124: {  	[tilespmem:s26], [sflag:$0x5] =	stream.indirect.gather [hbm4b:s4+s24], $0x80, s20, s24, $0xb8;
	[tilespmem:$0x1BB00] =	vst v63  }
0x125: {  	_ =	swait.ge [sflag:s28], $0x80  }
0x126: {  	[sflag:s28] =	ssyncset.done $0x0  }
.Ltmp4:
0x127: {  	[sflag:s28] =	ssyncadd.s32 $0xFFFFFF80;
	(pc) =	sbr.rel .LBB2_4-.Ltmp4, $4  }
0x128: {  	_ =	swait.ge [sflag:s28], $0x80  }
0x129: {  	[sflag:s28] =	ssyncset.done $0x0  }
0x12a: {  	s10 =	sadd.s32 $0x180, s10;
	[sflag:s28] =	ssyncadd.s32 $0xFFFFFF80  }
0x12b: {  	[tilespmem:s29], [sflag:$0x6] =	stream.indirect.gather [hbm4b:s4+s24], $0x80, s22, s24, $0xb8;
	[tilespmem:$0x1BB00] =	vst v63  }
.LBB2_7:
0x12c: {  	_ =	sfence.sel $0x180000  }
0x12d: {  	[bflag:$0x0] =	sbarrier.arrive $0xFFFF  }
0x12e: {  	_ =	strace $0x9000004A  }
0x12f: {  	s0 =	stileid.u32;
	[bflag:$0x2] =	sbarrier.arrive $0xFFFF  }
0x130: {  	p0 =	sne.s32 s0, $0x0;
	s0 =	rddreg [dreg:$0x2]  }
0x131: {  	s0 =	sadd.s32 @!p0 $0x100000, s0  }
0x132: {  	[sflag:s0] =	ssyncadd.tile.s32 @!p0 $0x1;
	_ =	shalt  }
.Lfunc_end2:
_tile_overlayer_lowered:
.L_overlay_start_2:
0x133: {  	(tag) =	ssettag $0x2  }
0x134: {  	s0 =	rddreg [dreg:$0x0];
	s2 =	stileid.u32  }
0x135: {  	s1 =	rddreg [dreg:$0x1];
	p0 =	sne.s32 s2, $0x0  }
0x136: {  	s3 =	rddreg [dreg:$0x2];
	[bflag:$0x3] =	sbarrier.arrive $0xFFFF;
	s2 =	simm.s32 @!p0 $0x1C0A  }
0x137: {  	[timem:s3], [sflag:s2] =	dma.local @!p0 [hbm:s0], s1  }
0x138: {  	s0 =	simm.s32 @!p0 $0xA  }
0x139: {  	_ =	swait.ge @!p0 [sflag:s0], s1  }
0x13a: {  	s1 =	ssub.s32 @!p0 $0x0, s1;
	[sflag:s0] =	ssyncset.done @!p0 $0x0  }
0x13b: {  	[sflag:s0] =	ssyncadd.s32 @!p0 s1  }
0x13c: {  	[bflag:$0x3] =	sbarrier.arrive $0xFFFF  }
0x13d: {  	_ =	shalt  }

// kernel: kernel.14.cloned.1.call-start
scs
__scs_entry_jumppad:
0x0: {  	(pc) =	sbr.rel $0x88, $3  }
0x1: {  	(tag) =	ssettag $0x0;
	lr =	simm.s32 $0x1  }
0x2: {  	[smem:$0x3F99] =	sst lr;
	_ =	strace $0xD0000000  }
0x3: {  	_ = 	snop  }
0x4: {  	_ = 	snop  }
0x5: {  	_ = 	snop  }
0x6: {  	_ = 	snop  }
0x7: {  	_ = 	snop  }
__scs_overlays_trampoline_lowered:
0x8: {  	[smem:$0x3FA8] =	sst s0  }
0x9: {  	[smem:$0x3FA9] =	sst s1  }
0xa: {  	[smem:$0x3FAA] =	sst s2  }
0xb: {  	[smem:$0x3FAB] =	sst s3  }
0xc: {  	[smem:$0x3FAC] =	sst s4  }
0xd: {  	[smem:$0x3FAD] =	sst s5  }
0xe: {  	[smem:$0x3FAE] =	sst s6  }
0xf: {  	[smem:$0x3FAF] =	sst s7  }
0x10: {  	[smem:$0x3FB0] =	sst s8  }
0x11: {  	[smem:$0x3FB1] =	sst s9;
	s0 =	simm.s32 @!p0 $0x0  }
0x12: {  	s1 =	sld [smem:$0x3F97];
	s0 =	simm.s32 @p0 $0x1  }
0x13: {  	[smem:$0x3FB2] =	sst s0;
	s0 =	simm.s32 @!p1 $0x0  }
0x14: {  	s2 =	sld [smem:$0x3F96];
	s0 =	simm.s32 @p1 $0x1  }
0x15: {  	[smem:$0x3FB3] =	sst s0;
	s0 =	simm.s32 @!p2 $0x0  }
0x16: {  	s3 =	sld [smem:$0x3FDB];
	s0 =	simm.s32 @p2 $0x1  }
0x17: {  	s4 =	simm.s32 $0x1BF5;
	[smem:$0x3FB5] =	sst s0  }
0x18: {  	s0 =	sld [smem:$0x3F98];
	_ =	swait.ge [sflag:s4], $0x0  }
0x19: {  	s7 =	sld [smem:$0x3F99]  }
0x1a: {  	s8 =	sadd.s32 $0xFFFFE003, lr  }
0x1b: {  	s9 =	sadd.s32 $0xFFFFFEF7, lr;
	s5 =	simm.s32 $0xFFFFFFFF;
	p2 =	slt.u32 s8, $0xFFFFF086  }
0x1c: {  	p1 =	slt.u32 s9, $0xF7A;
	s5 =	simm.s32 @!p2 $0x0  }
0x1d: {  	s5 =	simm.s32 @p1 $0x1;
	p0 =	seq.s32 s7, s2  }
0x1e: {  	s7 =	smul.u32 @!p0 $0xF7A, s2;
	p2 =	seq.s32 @!p0 s5, $0x0  }
0x1f: {  	s9 =	smul.u32 $0xF7A, s1;
	s8 =	simm.s32 @!p0 $0x1BF5;
	p2 =	por !p2, p0  }
0x20: {  	[sflag:s8] =	ssyncset.s32 @!p0 $0xFFFFF086;
	s6 =	sadd.s32 @!p0 s3, s7;
	s7 =	simm.s32 @!p0 $0x108  }
0x21: {  	s3 =	sadd.s32 s3, s9;
	s6 =	sadd.s32 @!p0 $0x88, s6;
	s7 =	simm.s32 @p2 $0x1082  }
0x22: {  	[simem:s7], [sflag:s8] =	dma.local @!p0 [hbm:s6], $0xF7A  }
0x23: {  	s9 =	sor.u32 $0xD0000000, s2;
	s6 =	simm.s32 $0x108;
	_ =	swait.ge @!p0 [sflag:s8], $0x0  }
0x24: {  	s3 =	sadd.s32 $0x88, s3;
	s6 =	simm.s32 @!p1 $0x1082;
	[sflag:s4] =	ssyncset.s32 $0xFFFFF086  }
0x25: {  	[simem:s6], [sflag:s4] =	dma.local [hbm:s3], $0xF7A  }
0x26: {  	[smem:$0x3F99] =	sst s1;
	(tag) =	ssettag s2;
	_ =	strace s9  }
0x27: {  	s1 =	sld [smem:$0x3FA9]  }
0x28: {  	s2 =	sld [smem:$0x3FAA]  }
0x29: {  	s4 =	sld [smem:$0x3FAC]  }
0x2a: {  	p0 =	seq.s32 s5, $0x0;
	s5 =	sld [smem:$0x3FAD]  }
0x2b: {  	s6 =	sld [smem:$0x3FAE]  }
0x2c: {  	s7 =	sld [smem:$0x3FAF]  }
0x2d: {  	s3 =	simm.s32 $0x108;
	s8 =	sld [smem:$0x3FB0]  }
0x2e: {  	s3 =	simm.s32 @!p0 $0x1082;
	s9 =	sld [smem:$0x3FB1]  }
0x2f: {  	lr =	sadd.s32 s0, s3;
	s0 =	sld [smem:$0x3FA8]  }
0x30: {  	s3 =	sld [smem:$0x3FAB]  }
0x31: {  	[smem:$0x3FB4] =	sst s10  }
0x32: {  	s10 =	sld [smem:$0x3FB2];
	_ =	sdelay $0x3  }
0x33: {  	p0 =	seq.s32 s10, $0x1;
	s10 =	sld [smem:$0x3FB4];
	_ =	sdelay $0x3  }
0x34: {  	[smem:$0x3FB4] =	sst s10  }
0x35: {  	s10 =	sld [smem:$0x3FB3];
	_ =	sdelay $0x3  }
0x36: {  	p1 =	seq.s32 s10, $0x1;
	s10 =	sld [smem:$0x3FB4];
	_ =	sdelay $0x3  }
0x37: {  	[smem:$0x3FB4] =	sst s10  }
0x38: {  	s10 =	sld [smem:$0x3FB5]  }
0x39: {  	_ = 	snop;
	(pc) =	sbr.ind lr, $3  }
0x3a: {  	_ = 	snop  }
0x3b: {  	_ = 	snop  }
0x3c: {  	p2 =	seq.s32 s10, $0x1;
	s10 =	sld [smem:$0x3FB4]  }
0x3d: {  	_ =	shalt  }
0x3e: {  	_ =	shalt  }
0x3f: {  	_ =	shalt  }
0x40: {  	_ =	shalt  }
0x41: {  	_ =	shalt  }
0x42: {  	_ =	shalt  }
0x43: {  	_ =	shalt  }
0x44: {  	_ =	shalt  }
0x45: {  	_ =	shalt  }
0x46: {  	_ =	shalt  }
0x47: {  	_ =	shalt  }
0x48: {  	_ =	shalt  }
0x49: {  	_ =	shalt  }
0x4a: {  	_ =	shalt  }
0x4b: {  	_ =	shalt  }
0x4c: {  	_ =	shalt  }
0x4d: {  	_ =	shalt  }
0x4e: {  	_ =	shalt  }
0x4f: {  	_ =	shalt  }
0x50: {  	_ =	shalt  }
0x51: {  	_ =	shalt  }
0x52: {  	_ =	shalt  }
0x53: {  	_ =	shalt  }
0x54: {  	_ =	shalt  }
0x55: {  	_ =	shalt  }
0x56: {  	_ =	shalt  }
0x57: {  	_ =	shalt  }
0x58: {  	_ =	shalt  }
0x59: {  	_ =	shalt  }
0x5a: {  	_ =	shalt  }
0x5b: {  	_ =	shalt  }
0x5c: {  	_ =	shalt  }
0x5d: {  	_ =	shalt  }
0x5e: {  	_ =	shalt  }
0x5f: {  	_ =	shalt  }
0x60: {  	_ =	shalt  }
0x61: {  	_ =	shalt  }
0x62: {  	_ =	shalt  }
0x63: {  	_ =	shalt  }
0x64: {  	_ =	shalt  }
0x65: {  	_ =	shalt  }
0x66: {  	_ =	shalt  }
0x67: {  	_ =	shalt  }
0x68: {  	_ =	shalt  }
0x69: {  	_ =	shalt  }
0x6a: {  	_ =	shalt  }
0x6b: {  	_ =	shalt  }
0x6c: {  	_ =	shalt  }
0x6d: {  	_ =	shalt  }
0x6e: {  	_ =	shalt  }
0x6f: {  	_ =	shalt  }
0x70: {  	_ =	shalt  }
0x71: {  	_ =	shalt  }
0x72: {  	_ =	shalt  }
0x73: {  	_ =	shalt  }
0x74: {  	_ =	shalt  }
0x75: {  	_ =	shalt  }
0x76: {  	_ =	shalt  }
0x77: {  	_ =	shalt  }
0x78: {  	_ =	shalt  }
0x79: {  	_ =	shalt  }
0x7a: {  	_ =	shalt  }
0x7b: {  	_ =	shalt  }
0x7c: {  	_ =	shalt  }
0x7d: {  	_ =	shalt  }
0x7e: {  	_ =	shalt  }
0x7f: {  	_ =	shalt  }
0x80: {  	_ =	shalt  }
0x81: {  	_ =	shalt  }
0x82: {  	_ =	shalt  }
0x83: {  	_ =	shalt  }
0x84: {  	_ =	shalt  }
0x85: {  	_ =	shalt  }
0x86: {  	_ =	shalt  }
0x87: {  	_ =	shalt  }
.Lfunc_end0:
.L_simem_size_0:
called_computation.2_lowered:
.L_overlay_start_0:
0x88: {  	s2 =	sld [smem:$0x3FD9]  }
0x89: {  	s3 =	sld [smem:$0x3FFE];
	_ =	sdelay $0x1  }
0x8a: {  	s1 =	srdreg.scid  }
0x8b: {  	s0 =	sand.u32 $0x1, s1  }
0x8c: {  	s16 =	sshll.u32 s0, $0xA;
	s2 =	sadd.s32 s3, s2  }
0x8d: {  	s2 =	sadd.s32 s2, s16  }
0x8e: {  	[smem:$0x3FC0] =	sst s2  }
0x8f: {  	_ = 	snop  }
0x90: {  	(tm) =	ssettm $0x1  }
0x91: {  	s17 =	sld [smem:$0x3FFB];
	_ =	sdelay $0x3  }
0x92: {  	_ =	strace s17  }
0x93: {  	s2 =	sld [smem:$0x3FFC];
	_ =	sdelay $0x3  }
0x94: {  	_ =	strace s2  }
0x95: {  	s2 =	sld [smem:$0x3FFD];
	_ =	sdelay $0x3  }
0x96: {  	_ =	strace s2  }
0x97: {  	_ =	strace $0x8FFFFFFF  }
0x98: {  	s18 =	sld [smem:$0x3FDB];
	_ =	sdelay $0x1  }
0x99: {  	s19 =	simm.s32 $_scs_section_size  }
0x9a: {  	s4 =	simm.s32 $_size__tile_overlayer_lowered;
	s5 =	simm.s32 $_tile_overlayer_lowered  }
0x9b: {  	s22 =	simm.s32 $0x1BFF;
	s21 =	sshll.u32 s5, $0x1;
	s2 =	sadd.s32 s19, s18  }
0x9c: {  	s6 =	simm.s32 $0x0;
	s20 =	sshll.u32 s4, $0x1;
	s4 =	sadd.s32 s21, s2  }
0x9d: {  	[timem:s6], [sflag:s22] =	dma.local [hbm:s4], s20  }
0x9e: {  	_ =	swait.ge [sflag:s22], s20  }
0x9f: {  	s3 =	ssub.s32 $0x0, s20;
	[sflag:s22] =	ssyncset.done $0x0  }
0xa0: {  	[sflag:s22] =	ssyncadd.s32 s3;
	_ =	sdelay $0x1  }
0xa1: {  	s23 =	simm.s32 $0x1B8B  }
0xa2: {  	_ =	swait.ge [sflag:s23], $0x1  }
0xa3: {  	[sflag:s23] =	ssyncset.done $0x0  }
0xa4: {  	s25 =	simm.s32 $0x1B8E;
	s24 =	sld [smem:$0x3FFE];
	[sflag:s23] =	ssyncadd.s32 $0xFFFFFFFF  }
0xa5: {  	s26 =	simm.s32 $execute0_lowered;
	[smem:$0x3FD2] =	sst s25  }
0xa6: {  	s4 =	sshll.u32 s26, $0x1;
	_ =	strace $0x8000004C;
	[dreg:$0x1] =	wrdreg $0xFFFFFFFF  }
0xa7: {  	s28 =	simm.s32 $_size_execute0_lowered;
	s2 =	sadd.s32 s2, s4;
	[dreg:$0x0] =	wrdreg $0x0  }
0xa8: {  	s4 =	sshll.u32 s28, $0x1;
	[dreg:$0x2] =	wrdreg s2  }
0xa9: {  	[dreg:$0x3] =	wrdreg s4  }
0xaa: {  	[dreg:$0x4] =	wrdreg $0xC0  }
0xab: {  	_ =	task [dreg:s6], $0x5FFFF  }
0xac: {  	[dreg:$0x1] =	wrdreg $0xFFFFFFFF  }
0xad: {  	[dreg:$0x0] =	wrdreg $0x60  }
0xae: {  	[dreg:$0x2] =	wrdreg s24  }
0xaf: {  	[dreg:$0x3] =	wrdreg $0x7B000  }
0xb0: {  	[dreg:$0x4] =	wrdreg $0x9  }
0xb1: {  	_ =	task.clear_ibuf [dreg:s6], $0x5FFFF;
	_ =	strace $0x9000004C  }
0xb2: {  	s29 =	simm.s32 $0x9;
	_ =	strace $0x8000004E  }
0xb3: {  	_ =	swait.ge [sflag:s29], $0x1  }
0xb4: {  	[sflag:s29] =	ssyncadd.s32 $0xFFFFFFFF  }
0xb5: {  	_ =	strace $0x9000004E  }
0xb6: {  	_ =	sfence  }
0xb7: {  	s30 =	sld [smem:$0x0];
	_ =	sdelay $0x2  }
0xb8: {  	s31 =	sshll.u32 s1, $0xD;
	s1 =	sshrl.u32 s1, $0x2  }
0xb9: {  	s3 =	sand.u32 $0x4000, s31;
	s1 =	sadd.s32 s1, s30  }
0xba: {  	s0 =	sor.u32 s3, s0;
	s1 =	sshll.u32 s1, $0x11  }
0xbb: {  	s0 =	sor.u32 s1, s0  }
0xbc: {  	s0 =	sadd.s32 $0x8F2B, s0  }
0xbd: {  	[sflag:s0] =	ssyncadd.remote.s32 $0x1  }
0xbe: {  	_ =	sfence.sel $0xFFFF  }
0xbf: {  	[dreg:$0x0] =	wrdreg $0xFFFFFFFF;
	(pc) =	sbr.abs _section_cstart, $3  }
0xc0: {  	[dreg:$0x1] =	wrdreg $0xFFFFFFFF  }
0xc1: {  	_ =	task.clear_ibuf [dreg:s6], $0x2FFFF;
	_ =	strace $0x9FFFFFFF  }
0xc2: {  	(tm) =	ssettm $0x7FFFFFFF  }
0xc3: {  	_ =	shalt  }
tec
execute0_lowered:
.L_overlay_start_1:
0x0: {  	(tag) =	ssettag $0x1  }
0x1: {  	s0 =	rddreg [dreg:$0x0]  }
0x2: {  	s1 =	rddreg [dreg:$0x1];
	s3 =	simm.s32 $0x0;
	s2 =	srdreg.scid  }
0x3: {  	s13 =	stileid.u32;
	s28 =	simm.s32 $0x3;
	s29 =	simm.s32 $0x5300  }
0x4: {  	s30 =	simm.s32 $0x4;
	s31 =	simm.s32 $0x5;
	[smem:$0x7FF] =	sst s3  }
0x5: {  	s4 =	sadd.s32 $0x21800, s0;
	s2 =	sand.u32 $0x1, s2;
	s7 =	smul.u32 $0x50000, s13  }
0x6: {  	s5 =	sadd.s32 $0x1800, s0;
	s9 =	smul.u32 $0x14000, s13;
	s6 =	sadd.s32 $0x11800, s0  }
0x7: {  	s0 =	sadd.s32 $0x48A00, s0;
	s25 =	sshll.u32 s13, $0xE;
	_ =	strace $0x8000004D  }
0x8: {  	s8 =	ssub.s32 $0x2, s2;
	s17 =	smul.u32 $0x140000, s2;
	s2 =	sshll.u32 s2, $0x12  }
0x9: {  	s10 =	sshrl.u32 s8, $0x1;
	s7 =	sshrl.u32 s7, $0x2;
	s18 =	sor.u32 $0x2800, s9  }
0xa: {  	s20 =	sadd.s32 $0x5000, s9;
	s21 =	sadd.s32 $0x7800, s9;
	s12 =	sadd.s32 $0xA000, s9  }
0xb: {  	s15 =	sadd.s32 $0xC800, s9;
	s16 =	sadd.s32 $0xF000, s9;
	s7 =	sadd.s32 s7, s1  }
0xc: {  	s8 =	ssub.s32 s8, s10;
	s19 =	sadd.s32 s18, s1;
	[dreg:$0x3] =	wrdreg s7  }
0xd: {  	s11 =	sadd.s32 s20, s1;
	s14 =	sadd.s32 s21, s1;
	[dreg:$0x4] =	wrdreg s19  }
0xe: {  	s22 =	sadd.s32 s12, s1;
	s23 =	sadd.s32 s15, s1;
	[dreg:$0x5] =	wrdreg s11  }
0xf: {  	s24 =	sadd.s32 s16, s1;
	s26 =	sadd.s32 s9, s17;
	[dreg:$0x6] =	wrdreg s14  }
0x10: {  	s10 =	sadd.s32 s17, s18;
	s9 =	sadd.s32 $0x11800, s9;
	[dreg:$0x7] =	wrdreg s22  }
0x11: {  	s18 =	sadd.s32 s17, s20;
	s20 =	sadd.s32 s17, s12;
	[dreg:$0x8] =	wrdreg s23  }
0x12: {  	[dreg:$0x9] =	wrdreg s24;
	s14 =	sor.u32 s25, s2;
	s2 =	sshrl.u32 s26, $0x3  }
0x13: {  	s10 =	sshrl.u32 s10, $0x3;
	s19 =	sadd.s32 s17, s21;
	s22 =	sshrl.u32 s20, $0x3  }
0x14: {  	s24 =	sadd.s32 s17, s15;
	s25 =	sadd.s32 s17, s16;
	s26 =	sadd.s32 s17, s9  }
0x15: {  	s7 =	simm.s32 $0x9;
	s2 =	sadd.s32 s0, s2;
	s13 =	sadd.s32 s0, s10  }
0x16: {  	s21 =	sshrl.u32 s19, $0x3;
	s23 =	sadd.s32 s0, s22;
	s11 =	sshrl.u32 s25, $0x3  }
0x17: {  	s12 =	sshrl.u32 s26, $0x3;
	s26 =	smax.u32 s8, $0x1;
	[dreg:$0xa] =	wrdreg s2  }
0x18: {  	s8 =	simm.s32 $0xA;
	[dreg:$0xb] =	wrdreg s13;
	s2 =	sshrl.u32 s18, $0x3  }
0x19: {  	[dreg:$0xe] =	wrdreg s23;
	s13 =	sshrl.u32 s14, $0x3;
	s23 =	sadd.s32 s9, s1  }
0x1a: {  	[dreg:$0x1c] =	wrdreg s26;
	s26 =	simm.s32 $0x2B00;
	s2 =	sadd.s32 s0, s2  }
0x1b: {  	s9 =	simm.s32 $0x0;
	s20 =	sadd.s32 s5, s13;
	[dreg:$0xc] =	wrdreg s2  }
0x1c: {  	s15 =	sor.u32 $0x10, s13;
	s22 =	sadd.s32 s6, s13;
	[dreg:$0x16] =	wrdreg s20  }
0x1d: {  	s16 =	sor.u32 $0x20, s13;
	s2 =	sadd.s32 s0, s21;
	[dreg:$0x17] =	wrdreg s22  }
0x1e: {  	s17 =	sadd.s32 s5, s15;
	s18 =	sadd.s32 s5, s16;
	[dreg:$0xd] =	wrdreg s2  }
0x1f: {  	s19 =	sadd.s32 s6, s16;
	s21 =	sor.u32 $0x7B0, s13;
	[dreg:$0x12] =	wrdreg s17  }
0x20: {  	s20 =	simm.s32 $0x80;
	s22 =	simm.s32 $0x100;
	[dreg:$0x14] =	wrdreg s18  }
0x21: {  	s2 =	sshrl.u32 s24, $0x3;
	[dreg:$0x15] =	wrdreg s19;
	s24 =	sadd.s32 s5, s21  }
0x22: {  	s16 =	simm.s32 $0x8;
	s2 =	sadd.s32 s0, s2;
	[dreg:$0x18] =	wrdreg s24  }
0x23: {  	s17 =	simm.s32 $0x300;
	[dreg:$0xf] =	wrdreg s2;
	s2 =	sadd.s32 s0, s11  }
0x24: {  	s18 =	simm.s32 $0x1;
	s0 =	sadd.s32 s0, s12;
	[dreg:$0x10] =	wrdreg s2  }
0x25: {  	[dreg:$0x11] =	wrdreg s0;
	s2 =	sadd.s32 s6, s15;
	s0 =	sor.u32 $0x7C0, s13  }
.Ltmp0:
0x26: {  	[dreg:$0x13] =	wrdreg s2;
	s2 =	sadd.s32 s6, s21;
	(pc) =	sbr.rel .LBB2_1-.Ltmp0, $4  }
0x27: {  	s19 =	simm.s32 $0x180;
	s25 =	sadd.s32 s5, s0;
	[dreg:$0x19] =	wrdreg s2  }
0x28: {  	s24 =	simm.s32 $0x50;
	s0 =	sadd.s32 s6, s0;
	[dreg:$0x1a] =	wrdreg s25  }
0x29: {  	s15 =	simm.s32 $0x7;
	s21 =	simm.s32 $0x200;
	[dreg:$0x1b] =	wrdreg s0  }
0x2a: {  	v0 =	vimm.f32 $0.0e+00;
	s25 =	simm.s32 $0x2;
	s0 =	simm.s32 $0x6;
	s2 =	simm.s32 $0x280  }
.LBB2_6:
0x2b: {  	s10 =	rddreg [dreg:$0x18]  }
0x2c: {  	[tilespmem:s3], [sflag:$0x1] =	stream.linear.gather [hbm4b:s10+s3], $0x80, $0x38;
	[tilespmem:$0x1BB00] =	vst v63  }
0x2d: {  	s13 =	rddreg [dreg:$0x19]  }
0x2e: {  	[tilespmem:s19], [sflag:$0x1] =	stream.linear.gather [hbm4b:s13+s3], $0x80, $0x38;
	[tilespmem:$0x1BB00] =	vst v63  }
0x2f: {  	_ =	swait.ge [sflag:s16], $0x2800  }
0x30: {  	[sflag:s16] =	ssyncset.done $0x0  }
0x31: {  	s11 =	rddreg [dreg:$0x1a];
	[sflag:s16] =	ssyncadd.s32 $0xFFFFD800  }
0x32: {  	[tilespmem:s20], [sflag:$0x2] =	stream.linear.gather [hbm4b:s11+s3], $0x80, $0x38;
	[tilespmem:$0x1BB00] =	vst v63  }
0x33: {  	s12 =	rddreg [dreg:$0x1b]  }
0x34: {  	[tilespmem:s21], [sflag:$0x2] =	stream.linear.gather [hbm4b:s12+s3], $0x80, $0x38;
	[tilespmem:$0x1BB00] =	vst v63  }
0x35: {  	_ =	swait.ge [sflag:s18], $0x80  }
0x36: {  	[sflag:s18] =	ssyncset.done $0x0  }
0x37: {  	[sflag:s18] =	ssyncadd.s32 $0xFFFFFF80  }
0x38: {  	_ =	swait.ge [sflag:s18], $0x80  }
0x39: {  	[sflag:s18] =	ssyncset.done $0x0  }
0x3a: {  	[sflag:s18] =	ssyncadd.s32 $0xFFFFFF80  }
0x3b: {  	[tilespmem:s17], [sflag:$0x4] =	stream.indirect.gather [hbm4b:s4+s24], $0x80, s3, s24, $0xb8;
	[tilespmem:$0x1BB00] =	vst v63  }
0x3c: {  	_ =	swait.ge [sflag:s25], $0x80  }
0x3d: {  	[sflag:s25] =	ssyncset.done $0x0  }
0x3e: {  	[sflag:s25] =	ssyncadd.s32 $0xFFFFFF80  }
0x3f: {  	_ =	swait.ge [sflag:s25], $0x80  }
0x40: {  	[sflag:s25] =	ssyncset.done $0x0  }
0x41: {  	[sflag:s25] =	ssyncadd.s32 $0xFFFFFF80  }
0x42: {  	[tilespmem:s26], [sflag:$0x5] =	stream.indirect.gather [hbm4b:s4+s24], $0x80, s20, s24, $0xb8;
	[tilespmem:$0x1BB00] =	vst v63  }
0x43: {  	_ =	swait.ge [sflag:s30], $0x2800  }
0x44: {  	[sflag:s30] =	ssyncset.done $0x0  }
0x45: {  	[sflag:s30] =	ssyncadd.s32 $0xFFFFD800  }
0x46: {  	[spmem:s1] =	stream.indirect.scatter.add.f32 [tilespmem:s17], [sflag:$0x7], $0x80, s19, s24, $0xb8;
	[tilespmem:$0x1BB00] =	vst v63  }
0x47: {  	_ =	swait.ge [sflag:s31], $0x2800  }
0x48: {  	[sflag:s31] =	ssyncset.done $0x0  }
0x49: {  	[sflag:s31] =	ssyncadd.s32 $0xFFFFD800  }
0x4a: {  	[spmem:s1] =	stream.indirect.scatter.add.f32 [tilespmem:s26], [sflag:$0x8], $0x80, s21, s24, $0xb8;
	[tilespmem:$0x1BB00] =	vst v63  }
0x4b: {  	_ =	swait.ge [sflag:s15], $0x2800  }
0x4c: {  	[sflag:s15] =	ssyncset.done $0x0  }
0x4d: {  	[sflag:s15] =	ssyncadd.s32 $0xFFFFD800  }
0x4e: {  	_ =	swait.ge [sflag:s16], $0x2800  }
0x4f: {  	[sflag:s16] =	ssyncset.done $0x0  }
0x50: {  	[sflag:s16] =	ssyncadd.s32 $0xFFFFD800  }
0x51: {  	_ =	swait.ge [sflag:s7], $0x2800  }
0x52: {  	[sflag:s7] =	ssyncset.done $0x0  }
0x53: {  	[sflag:s7] =	ssyncadd.s32 $0xFFFFD800  }
0x54: {  	[bflag:$0x0] =	sbarrier.arrive $0xFFFF  }
0x55: {  	s13 =	rddreg [dreg:$0x3]  }
0x56: {  	[tilespmem:s17], [sflag:$0xA] =	stream.linear.gather [spmem:s13], $0x2800, $0x38;
	[tilespmem:$0x1BB00] =	vst v63  }
0x57: {  	_ =	swait.ge [sflag:s8], $0x2800  }
0x58: {  	[sflag:s8] =	ssyncset.done $0x0  }
0x59: {  	s11 =	rddreg [dreg:$0xa];
	[sflag:s8] =	ssyncadd.s32 $0xFFFFD800  }
0x5a: {  	[hbm4b:s11+s3] =	stream.linear.scatter [tilespmem:s17], [sflag:$0x4], $0x2800, $0x38;
	[tilespmem:$0x1BB00] =	vst v63  }
0x5b: {  	s12 =	rddreg [dreg:$0x4]  }
0x5c: {  	[tilespmem:s26], [sflag:$0xA] =	stream.linear.gather [spmem:s12], $0x2800, $0x38;
	[tilespmem:$0x1BB00] =	vst v63  }
0x5d: {  	_ =	swait.ge [sflag:s8], $0x2800  }
0x5e: {  	[sflag:s8] =	ssyncset.done $0x0  }
0x5f: {  	s13 =	rddreg [dreg:$0xb];
	[sflag:s8] =	ssyncadd.s32 $0xFFFFD800  }
0x60: {  	[hbm4b:s13+s3] =	stream.linear.scatter [tilespmem:s26], [sflag:$0x5], $0x2800, $0x38;
	[tilespmem:$0x1BB00] =	vst v63  }
0x61: {  	_ =	swait.ge [sflag:s30], $0x2800  }
0x62: {  	[sflag:s30] =	ssyncset.done $0x0  }
0x63: {  	s11 =	rddreg [dreg:$0x5];
	[sflag:s30] =	ssyncadd.s32 $0xFFFFD800  }
0x64: {  	[tilespmem:s17], [sflag:$0xA] =	stream.linear.gather [spmem:s11], $0x2800, $0x38;
	[tilespmem:$0x1BB00] =	vst v63  }
0x65: {  	_ =	swait.ge [sflag:s8], $0x2800  }
0x66: {  	[sflag:s8] =	ssyncset.done $0x0  }
0x67: {  	s12 =	rddreg [dreg:$0xc];
	[sflag:s8] =	ssyncadd.s32 $0xFFFFD800  }
0x68: {  	[hbm4b:s12+s3] =	stream.linear.scatter [tilespmem:s17], [sflag:$0x4], $0x2800, $0x38;
	[tilespmem:$0x1BB00] =	vst v63  }
0x69: {  	_ =	swait.ge [sflag:s31], $0x2800  }
0x6a: {  	[sflag:s31] =	ssyncset.done $0x0  }
0x6b: {  	s13 =	rddreg [dreg:$0x6];
	[sflag:s31] =	ssyncadd.s32 $0xFFFFD800  }
0x6c: {  	[tilespmem:s26], [sflag:$0xA] =	stream.linear.gather [spmem:s13], $0x2800, $0x38;
	[tilespmem:$0x1BB00] =	vst v63  }
0x6d: {  	_ =	swait.ge [sflag:s8], $0x2800  }
0x6e: {  	[sflag:s8] =	ssyncset.done $0x0  }
0x6f: {  	s11 =	rddreg [dreg:$0xd];
	[sflag:s8] =	ssyncadd.s32 $0xFFFFD800  }
0x70: {  	[hbm4b:s11+s3] =	stream.linear.scatter [tilespmem:s26], [sflag:$0x5], $0x2800, $0x38;
	[tilespmem:$0x1BB00] =	vst v63  }
0x71: {  	_ =	swait.ge [sflag:s30], $0x2800  }
0x72: {  	[sflag:s30] =	ssyncset.done $0x0  }
0x73: {  	s12 =	rddreg [dreg:$0x7];
	[sflag:s30] =	ssyncadd.s32 $0xFFFFD800  }
0x74: {  	[tilespmem:s17], [sflag:$0xA] =	stream.linear.gather [spmem:s12], $0x2800, $0x38;
	[tilespmem:$0x1BB00] =	vst v63  }
0x75: {  	_ =	swait.ge [sflag:s8], $0x2800  }
0x76: {  	[sflag:s8] =	ssyncset.done $0x0  }
0x77: {  	s13 =	rddreg [dreg:$0xe];
	[sflag:s8] =	ssyncadd.s32 $0xFFFFD800  }
0x78: {  	[hbm4b:s13+s3] =	stream.linear.scatter [tilespmem:s17], [sflag:$0x4], $0x2800, $0x38;
	[tilespmem:$0x1BB00] =	vst v63  }
0x79: {  	_ =	swait.ge [sflag:s31], $0x2800  }
0x7a: {  	[sflag:s31] =	ssyncset.done $0x0  }
0x7b: {  	s11 =	rddreg [dreg:$0x8];
	[sflag:s31] =	ssyncadd.s32 $0xFFFFD800  }
0x7c: {  	[tilespmem:s26], [sflag:$0xA] =	stream.linear.gather [spmem:s11], $0x2800, $0x38;
	[tilespmem:$0x1BB00] =	vst v63  }
0x7d: {  	_ =	swait.ge [sflag:s8], $0x2800  }
0x7e: {  	[sflag:s8] =	ssyncset.done $0x0  }
0x7f: {  	s12 =	rddreg [dreg:$0xf];
	[sflag:s8] =	ssyncadd.s32 $0xFFFFD800  }
0x80: {  	[hbm4b:s12+s3] =	stream.linear.scatter [tilespmem:s26], [sflag:$0x5], $0x2800, $0x38;
	[tilespmem:$0x1BB00] =	vst v63  }
0x81: {  	_ =	swait.ge [sflag:s30], $0x2800  }
0x82: {  	[sflag:s30] =	ssyncset.done $0x0  }
0x83: {  	s13 =	rddreg [dreg:$0x9];
	[sflag:s30] =	ssyncadd.s32 $0xFFFFD800  }
0x84: {  	[tilespmem:s17], [sflag:$0xA] =	stream.linear.gather [spmem:s13], $0x2800, $0x38;
	[tilespmem:$0x1BB00] =	vst v63  }
0x85: {  	_ =	swait.ge [sflag:s8], $0x2800  }
0x86: {  	[sflag:s8] =	ssyncset.done $0x0  }
0x87: {  	s11 =	rddreg [dreg:$0x10];
	[sflag:s8] =	ssyncadd.s32 $0xFFFFD800  }
0x88: {  	[hbm4b:s11+s3] =	stream.linear.scatter [tilespmem:s17], [sflag:$0x4], $0x2800, $0x38;
	[tilespmem:$0x1BB00] =	vst v63  }
0x89: {  	_ =	swait.ge [sflag:s31], $0x2800  }
0x8a: {  	[sflag:s31] =	ssyncset.done $0x0  }
0x8b: {  	[sflag:s31] =	ssyncadd.s32 $0xFFFFD800  }
0x8c: {  	[tilespmem:s26], [sflag:$0xA] =	stream.linear.gather [spmem:s23], $0x2800, $0x38;
	[tilespmem:$0x1BB00] =	vst v63  }
0x8d: {  	_ =	swait.ge [sflag:s8], $0x2800  }
0x8e: {  	[sflag:s8] =	ssyncset.done $0x0  }
0x8f: {  	s12 =	rddreg [dreg:$0x11];
	[sflag:s8] =	ssyncadd.s32 $0xFFFFD800  }
0x90: {  	[hbm4b:s12+s3] =	stream.linear.scatter [tilespmem:s26], [sflag:$0x5], $0x2800, $0x38;
	[tilespmem:$0x1BB00] =	vst v63  }
0x91: {  	_ =	swait.ge [sflag:s30], $0x2800  }
0x92: {  	[sflag:s30] =	ssyncset.done $0x0  }
0x93: {  	[sflag:s30] =	ssyncadd.s32 $0xFFFFD800  }
0x94: {  	_ =	swait.ge [sflag:s31], $0x2800  }
0x95: {  	s9 =	sadd.s32 $0x1, s9;
	s13 =	rddreg [dreg:$0x1c]  }
0x96: {  	p0 =	sne.s32 s9, s13  }
.Ltmp1:
0x97: {  	_ = 	snop;
	(pc) =	sbr.rel @!p0 .LBB2_7-.Ltmp1, $3  }
0x98: {  	_ =	sdelay $0x1  }
0x99: {  	[sflag:s31] =	ssyncset.done $0x0  }
0x9a: {  	[sflag:s31] =	ssyncadd.s32 $0xFFFFD800  }
.LBB2_1:
0x9b: {  	s10 =	sand.u32 $0xFE00, s3  }
0x9c: {  	s11 =	sand.u32 $0x70, s3;
	s12 =	sshrl.u32 s10, $0x2  }
0x9d: {  	s10 =	simm.s32 $0x40;
	s12 =	sor.u32 s11, s12;
	s11 =	simm.s32 $0x0  }
.LBB2_2:
0x9e: {  	p0 =	sne.s32 s10, $0x9FC0  }
0x9f: {  	[tilespmem:s12+$0x300] =	vst v0;
	s11 =	sadd.s32 $0x10, s11;
	s12 =	smov.u32 s10;
	s10 =	sadd.s32 $0x40, s10  }
.Ltmp2:
0xa0: {  	(pc) =	sbr.rel @p0 .LBB2_2-.Ltmp2, $4  }
0xa1: {  	_ = 	snop  }
0xa2: {  	s12 =	sand.u32 $0xFE00, s12  }
0xa3: {  	s13 =	sand.u32 $0x70, s11;
	s12 =	sshrl.u32 s12, $0x2  }
0xa4: {  	s12 =	sor.u32 s13, s12  }
0xa5: {  	[tilespmem:s12+$0x300] =	vst v0;
	s10 =	rddreg [dreg:$0x3]  }
0xa6: {  	[spmem:s10] =	stream.linear.scatter [tilespmem:s17], [sflag:$0x1], $0x2800, $0x38;
	[tilespmem:$0x1BB00] =	vst v63  }
0xa7: {  	s12 =	rddreg [dreg:$0x4]  }
0xa8: {  	[spmem:s12] =	stream.linear.scatter [tilespmem:s17], [sflag:$0x1], $0x2800, $0x38;
	[tilespmem:$0x1BB00] =	vst v63  }
0xa9: {  	s13 =	rddreg [dreg:$0x5]  }
0xaa: {  	[spmem:s13] =	stream.linear.scatter [tilespmem:s17], [sflag:$0x1], $0x2800, $0x38;
	[tilespmem:$0x1BB00] =	vst v63  }
0xab: {  	s11 =	rddreg [dreg:$0x6]  }
0xac: {  	[spmem:s11] =	stream.linear.scatter [tilespmem:s17], [sflag:$0x1], $0x2800, $0x38;
	[tilespmem:$0x1BB00] =	vst v63  }
0xad: {  	s12 =	rddreg [dreg:$0x7]  }
0xae: {  	[spmem:s12] =	stream.linear.scatter [tilespmem:s17], [sflag:$0x1], $0x2800, $0x38;
	[tilespmem:$0x1BB00] =	vst v63  }
0xaf: {  	s13 =	rddreg [dreg:$0x8]  }
0xb0: {  	[spmem:s13] =	stream.linear.scatter [tilespmem:s17], [sflag:$0x1], $0x2800, $0x38;
	[tilespmem:$0x1BB00] =	vst v63  }
0xb1: {  	s11 =	rddreg [dreg:$0x9]  }
0xb2: {  	[spmem:s11] =	stream.linear.scatter [tilespmem:s17], [sflag:$0x1], $0x2800, $0x38;
	[tilespmem:$0x1BB00] =	vst v63  }
0xb3: {  	_ = 	snop  }
0xb4: {  	[spmem:s23] =	stream.linear.scatter [tilespmem:s17], [sflag:$0x1], $0x2800, $0x38;
	[tilespmem:$0x1BB00] =	vst v63  }
0xb5: {  	_ =	swait.ge [sflag:s18], $0x2800  }
0xb6: {  	[sflag:s18] =	ssyncset.done $0x0  }
0xb7: {  	[sflag:s18] =	ssyncadd.s32 $0xFFFFD800  }
0xb8: {  	_ =	swait.ge [sflag:s18], $0x2800  }
0xb9: {  	[sflag:s18] =	ssyncset.done $0x0  }
0xba: {  	[sflag:s18] =	ssyncadd.s32 $0xFFFFD800  }
0xbb: {  	_ =	swait.ge [sflag:s18], $0x2800  }
0xbc: {  	[sflag:s18] =	ssyncset.done $0x0  }
0xbd: {  	[sflag:s18] =	ssyncadd.s32 $0xFFFFD800  }
0xbe: {  	_ =	swait.ge [sflag:s18], $0x2800  }
0xbf: {  	[sflag:s18] =	ssyncset.done $0x0  }
0xc0: {  	[sflag:s18] =	ssyncadd.s32 $0xFFFFD800  }
0xc1: {  	_ =	swait.ge [sflag:s18], $0x2800  }
0xc2: {  	[sflag:s18] =	ssyncset.done $0x0  }
0xc3: {  	[sflag:s18] =	ssyncadd.s32 $0xFFFFD800  }
0xc4: {  	_ =	swait.ge [sflag:s18], $0x2800  }
0xc5: {  	[sflag:s18] =	ssyncset.done $0x0  }
0xc6: {  	[sflag:s18] =	ssyncadd.s32 $0xFFFFD800  }
0xc7: {  	_ =	swait.ge [sflag:s18], $0x2800  }
0xc8: {  	[sflag:s18] =	ssyncset.done $0x0  }
0xc9: {  	[sflag:s18] =	ssyncadd.s32 $0xFFFFD800  }
0xca: {  	_ =	swait.ge [sflag:s18], $0x2800  }
0xcb: {  	[sflag:s18] =	ssyncset.done $0x0  }
0xcc: {  	[sflag:s18] =	ssyncadd.s32 $0xFFFFD800  }
0xcd: {  	[bflag:$0x0] =	sbarrier.arrive $0xFFFF  }
0xce: {  	s12 =	rddreg [dreg:$0x16]  }
0xcf: {  	[tilespmem:s3], [sflag:$0x1] =	stream.linear.gather [hbm4b:s12+s3], $0x80, $0x38;
	[tilespmem:$0x1BB00] =	vst v63  }
0xd0: {  	s13 =	rddreg [dreg:$0x17]  }
0xd1: {  	[tilespmem:s19], [sflag:$0x1] =	stream.linear.gather [hbm4b:s13+s3], $0x80, $0x38;
	[tilespmem:$0x1BB00] =	vst v63  }
0xd2: {  	s11 =	rddreg [dreg:$0x12]  }
0xd3: {  	[tilespmem:s20], [sflag:$0x2] =	stream.linear.gather [hbm4b:s11+s3], $0x80, $0x38;
	[tilespmem:$0x1BB00] =	vst v63  }
0xd4: {  	s12 =	rddreg [dreg:$0x13]  }
0xd5: {  	[tilespmem:s21], [sflag:$0x2] =	stream.linear.gather [hbm4b:s12+s3], $0x80, $0x38;
	[tilespmem:$0x1BB00] =	vst v63  }
0xd6: {  	s13 =	rddreg [dreg:$0x14]  }
0xd7: {  	[tilespmem:s22], [sflag:$0x3] =	stream.linear.gather [hbm4b:s13+s3], $0x80, $0x38;
	[tilespmem:$0x1BB00] =	vst v63  }
0xd8: {  	s10 =	simm.s32 $0x280;
	s11 =	rddreg [dreg:$0x15]  }
0xd9: {  	[tilespmem:s10], [sflag:$0x3] =	stream.linear.gather [hbm4b:s11+s3], $0x80, $0x38;
	[tilespmem:$0x1BB00] =	vst v63  }
0xda: {  	_ =	swait.ge [sflag:s18], $0x80  }
0xdb: {  	[sflag:s18] =	ssyncset.done $0x0  }
0xdc: {  	[sflag:s18] =	ssyncadd.s32 $0xFFFFFF80  }
0xdd: {  	_ =	swait.ge [sflag:s18], $0x80  }
0xde: {  	[sflag:s18] =	ssyncset.done $0x0  }
0xdf: {  	[sflag:s18] =	ssyncadd.s32 $0xFFFFFF80  }
0xe0: {  	[tilespmem:s17], [sflag:$0x4] =	stream.indirect.gather [hbm4b:s4+s24], $0x80, s3, s24, $0xb8;
	[tilespmem:$0x1BB00] =	vst v63  }
0xe1: {  	_ =	swait.ge [sflag:s25], $0x80  }
0xe2: {  	[sflag:s25] =	ssyncset.done $0x0  }
0xe3: {  	[sflag:s25] =	ssyncadd.s32 $0xFFFFFF80  }
0xe4: {  	_ =	swait.ge [sflag:s25], $0x80  }
0xe5: {  	[sflag:s25] =	ssyncset.done $0x0  }
0xe6: {  	[sflag:s25] =	ssyncadd.s32 $0xFFFFFF80  }
0xe7: {  	[tilespmem:s26], [sflag:$0x5] =	stream.indirect.gather [hbm4b:s4+s24], $0x80, s20, s24, $0xb8;
	[tilespmem:$0x1BB00] =	vst v63  }
0xe8: {  	_ =	swait.ge [sflag:s28], $0x80  }
0xe9: {  	[sflag:s28] =	ssyncset.done $0x0  }
0xea: {  	[sflag:s28] =	ssyncadd.s32 $0xFFFFFF80  }
0xeb: {  	_ =	swait.ge [sflag:s28], $0x80  }
0xec: {  	[sflag:s28] =	ssyncset.done $0x0  }
0xed: {  	[sflag:s28] =	ssyncadd.s32 $0xFFFFFF80  }
0xee: {  	[tilespmem:s29], [sflag:$0x6] =	stream.indirect.gather [hbm4b:s4+s24], $0x80, s22, s24, $0xb8;
	[tilespmem:$0x1BB00] =	vst v63  }
.LBB2_4:
0xef: {  	_ =	swait.ge [sflag:s30], $0x2800  }
0xf0: {  	[sflag:s30] =	ssyncset.done $0x0  }
0xf1: {  	[sflag:s30] =	ssyncadd.s32 $0xFFFFD800  }
0xf2: {  	[spmem:s1] =	stream.indirect.scatter.add.f32 [tilespmem:s17], [sflag:$0x7], $0x80, s19, s24, $0xb8;
	[tilespmem:$0x1BB00] =	vst v63  }
0xf3: {  	_ =	swait.ge [sflag:s31], $0x2800  }
0xf4: {  	[sflag:s31] =	ssyncset.done $0x0  }
0xf5: {  	[sflag:s31] =	ssyncadd.s32 $0xFFFFD800  }
0xf6: {  	[spmem:s1] =	stream.indirect.scatter.add.f32 [tilespmem:s26], [sflag:$0x8], $0x80, s21, s24, $0xb8;
	[tilespmem:$0x1BB00] =	vst v63  }
0xf7: {  	_ =	swait.ge [sflag:s0], $0x2800  }
0xf8: {  	p0 =	seq.s32 s10, $0x3E80;
	[sflag:s0] =	ssyncset.done $0x0  }
.Ltmp3:
0xf9: {  	[sflag:s0] =	ssyncadd.s32 $0xFFFFD800;
	(pc) =	sbr.rel @p0 .LBB2_6-.Ltmp3, $4  }
0xfa: {  	[spmem:s1] =	stream.indirect.scatter.add.f32 [tilespmem:s29], [sflag:$0x9], $0x80, s2, s24, $0xb8;
	[tilespmem:$0x1BB00] =	vst v63  }
0xfb: {  	_ =	swait.ge [sflag:s15], $0x2800  }
0xfc: {  	[sflag:s15] =	ssyncset.done $0x0  }
0xfd: {  	[sflag:s15] =	ssyncadd.s32 $0xFFFFD800  }
0xfe: {  	s11 =	sadd.s32 $0xFFFFFF00, s10  }
0xff: {  	s12 =	sand.u32 $0xFC00, s11  }
0x100: {  	s11 =	sand.u32 $0x380, s11;
	s12 =	sadd.s32 s14, s12  }
0x101: {  	s11 =	sor.u32 s11, s12  }
0x102: {  	s11 =	sshrl.u32 s11, $0x3  }
0x103: {  	s13 =	sadd.s32 s5, s11  }
0x104: {  	[tilespmem:s3], [sflag:$0x1] =	stream.linear.gather [hbm4b:s13+s3], $0x80, $0x38;
	[tilespmem:$0x1BB00] =	vst v63  }
0x105: {  	s11 =	sadd.s32 s6, s11  }
0x106: {  	[tilespmem:s19], [sflag:$0x1] =	stream.linear.gather [hbm4b:s11+s3], $0x80, $0x38;
	[tilespmem:$0x1BB00] =	vst v63  }
0x107: {  	s11 =	sadd.s32 $0xFFFFFF80, s10  }
0x108: {  	s13 =	sand.u32 $0xFC00, s11  }
0x109: {  	s11 =	sand.u32 $0x380, s11;
	s12 =	sadd.s32 s14, s13  }
0x10a: {  	_ =	swait.ge [sflag:s16], $0x2800;
	s11 =	sor.u32 s11, s12  }
0x10b: {  	[sflag:s16] =	ssyncset.done $0x0;
	s11 =	sshrl.u32 s11, $0x3  }
0x10c: {  	[sflag:s16] =	ssyncadd.s32 $0xFFFFD800;
	s13 =	sadd.s32 s5, s11  }
0x10d: {  	[tilespmem:s20], [sflag:$0x2] =	stream.linear.gather [hbm4b:s13+s3], $0x80, $0x38;
	[tilespmem:$0x1BB00] =	vst v63  }
0x10e: {  	s12 =	sand.u32 $0xFC00, s10;
	s11 =	sadd.s32 s6, s11  }
0x10f: {  	[tilespmem:s21], [sflag:$0x2] =	stream.linear.gather [hbm4b:s11+s3], $0x80, $0x38;
	[tilespmem:$0x1BB00] =	vst v63  }
0x110: {  	s13 =	sand.u32 $0x380, s10;
	s11 =	sadd.s32 s14, s12  }
0x111: {  	_ =	swait.ge [sflag:s7], $0x2800;
	s11 =	sor.u32 s13, s11  }
0x112: {  	[sflag:s7] =	ssyncset.done $0x0;
	s11 =	sshrl.u32 s11, $0x3  }
0x113: {  	[sflag:s7] =	ssyncadd.s32 $0xFFFFD800;
	s13 =	sadd.s32 s5, s11  }
0x114: {  	[tilespmem:s22], [sflag:$0x3] =	stream.linear.gather [hbm4b:s13+s3], $0x80, $0x38;
	[tilespmem:$0x1BB00] =	vst v63  }
0x115: {  	s11 =	sadd.s32 s6, s11  }
0x116: {  	[tilespmem:s2], [sflag:$0x3] =	stream.linear.gather [hbm4b:s11+s3], $0x80, $0x38;
	[tilespmem:$0x1BB00] =	vst v63  }
0x117: {  	_ =	swait.ge [sflag:s18], $0x80  }
0x118: {  	[sflag:s18] =	ssyncset.done $0x0  }
0x119: {  	[sflag:s18] =	ssyncadd.s32 $0xFFFFFF80  }
0x11a: {  	_ =	swait.ge [sflag:s18], $0x80  }
0x11b: {  	[sflag:s18] =	ssyncset.done $0x0  }
0x11c: {  	[sflag:s18] =	ssyncadd.s32 $0xFFFFFF80  }
0x11d: {  	[tilespmem:s17], [sflag:$0x4] =	stream.indirect.gather [hbm4b:s4+s24], $0x80, s3, s24, $0xb8;
	[tilespmem:$0x1BB00] =	vst v63  }
0x11e: {  	_ =	swait.ge [sflag:s25], $0x80  }
0x11f: {  	[sflag:s25] =	ssyncset.done $0x0  }
0x120: {  	[sflag:s25] =	ssyncadd.s32 $0xFFFFFF80  }
0x121: {  	_ =	swait.ge [sflag:s25], $0x80  }
0x122: {  	[sflag:s25] =	ssyncset.done $0x0  }
0x123: {  	[sflag:s25] =	ssyncadd.s32 $0xFFFFFF80  }
0x124: {  	[tilespmem:s26], [sflag:$0x5] =	stream.indirect.gather [hbm4b:s4+s24], $0x80, s20, s24, $0xb8;
	[tilespmem:$0x1BB00] =	vst v63  }
0x125: {  	_ =	swait.ge [sflag:s28], $0x80  }
0x126: {  	[sflag:s28] =	ssyncset.done $0x0  }
.Ltmp4:
0x127: {  	[sflag:s28] =	ssyncadd.s32 $0xFFFFFF80;
	(pc) =	sbr.rel .LBB2_4-.Ltmp4, $4  }
0x128: {  	_ =	swait.ge [sflag:s28], $0x80  }
0x129: {  	[sflag:s28] =	ssyncset.done $0x0  }
0x12a: {  	s10 =	sadd.s32 $0x180, s10;
	[sflag:s28] =	ssyncadd.s32 $0xFFFFFF80  }
0x12b: {  	[tilespmem:s29], [sflag:$0x6] =	stream.indirect.gather [hbm4b:s4+s24], $0x80, s22, s24, $0xb8;
	[tilespmem:$0x1BB00] =	vst v63  }
.LBB2_7:
0x12c: {  	_ =	sfence.sel $0x180000  }
0x12d: {  	[bflag:$0x0] =	sbarrier.arrive $0xFFFF  }
0x12e: {  	_ =	strace $0x9000004D  }
0x12f: {  	s0 =	stileid.u32;
	[bflag:$0x2] =	sbarrier.arrive $0xFFFF  }
0x130: {  	p0 =	sne.s32 s0, $0x0;
	s0 =	rddreg [dreg:$0x2]  }
0x131: {  	s0 =	sadd.s32 @!p0 $0x100000, s0  }
0x132: {  	[sflag:s0] =	ssyncadd.tile.s32 @!p0 $0x1;
	_ =	shalt  }
.Lfunc_end2:
_tile_overlayer_lowered:
.L_overlay_start_2:
0x133: {  	(tag) =	ssettag $0x2  }
0x134: {  	s0 =	rddreg [dreg:$0x0];
	s2 =	stileid.u32  }
0x135: {  	s1 =	rddreg [dreg:$0x1];
	p0 =	sne.s32 s2, $0x0  }
0x136: {  	s3 =	rddreg [dreg:$0x2];
	[bflag:$0x3] =	sbarrier.arrive $0xFFFF;
	s2 =	simm.s32 @!p0 $0x1C0A  }
0x137: {  	[timem:s3], [sflag:s2] =	dma.local @!p0 [hbm:s0], s1  }
0x138: {  	s0 =	simm.s32 @!p0 $0xA  }
0x139: {  	_ =	swait.ge @!p0 [sflag:s0], s1  }
0x13a: {  	s1 =	ssub.s32 @!p0 $0x0, s1;
	[sflag:s0] =	ssyncset.done @!p0 $0x0  }
0x13b: {  	[sflag:s0] =	ssyncadd.s32 @!p0 s1  }
0x13c: {  	[bflag:$0x3] =	sbarrier.arrive $0xFFFF  }
0x13d: {  	_ =	shalt  }

// kernel: kernel.8.cloned.1.call-start
scs
__scs_entry_jumppad:
0x0: {  	(pc) =	sbr.rel $0x88, $3  }
0x1: {  	(tag) =	ssettag $0x0;
	lr =	simm.s32 $0x1  }
0x2: {  	[smem:$0x3F99] =	sst lr;
	_ =	strace $0xD0000000  }
0x3: {  	_ = 	snop  }
0x4: {  	_ = 	snop  }
0x5: {  	_ = 	snop  }
0x6: {  	_ = 	snop  }
0x7: {  	_ = 	snop  }
__scs_overlays_trampoline_lowered:
0x8: {  	[smem:$0x3FA8] =	sst s0  }
0x9: {  	[smem:$0x3FA9] =	sst s1  }
0xa: {  	[smem:$0x3FAA] =	sst s2  }
0xb: {  	[smem:$0x3FAB] =	sst s3  }
0xc: {  	[smem:$0x3FAC] =	sst s4  }
0xd: {  	[smem:$0x3FAD] =	sst s5  }
0xe: {  	[smem:$0x3FAE] =	sst s6  }
0xf: {  	[smem:$0x3FAF] =	sst s7  }
0x10: {  	[smem:$0x3FB0] =	sst s8  }
0x11: {  	[smem:$0x3FB1] =	sst s9;
	s0 =	simm.s32 @!p0 $0x0  }
0x12: {  	s1 =	sld [smem:$0x3F97];
	s0 =	simm.s32 @p0 $0x1  }
0x13: {  	[smem:$0x3FB2] =	sst s0;
	s0 =	simm.s32 @!p1 $0x0  }
0x14: {  	s2 =	sld [smem:$0x3F96];
	s0 =	simm.s32 @p1 $0x1  }
0x15: {  	[smem:$0x3FB3] =	sst s0;
	s0 =	simm.s32 @!p2 $0x0  }
0x16: {  	s3 =	sld [smem:$0x3FDB];
	s0 =	simm.s32 @p2 $0x1  }
0x17: {  	s4 =	simm.s32 $0x1BF5;
	[smem:$0x3FB5] =	sst s0  }
0x18: {  	s0 =	sld [smem:$0x3F98];
	_ =	swait.ge [sflag:s4], $0x0  }
0x19: {  	s7 =	sld [smem:$0x3F99]  }
0x1a: {  	s8 =	sadd.s32 $0xFFFFE003, lr  }
0x1b: {  	s9 =	sadd.s32 $0xFFFFFEF7, lr;
	s5 =	simm.s32 $0xFFFFFFFF;
	p2 =	slt.u32 s8, $0xFFFFF086  }
0x1c: {  	p1 =	slt.u32 s9, $0xF7A;
	s5 =	simm.s32 @!p2 $0x0  }
0x1d: {  	s5 =	simm.s32 @p1 $0x1;
	p0 =	seq.s32 s7, s2  }
0x1e: {  	s7 =	smul.u32 @!p0 $0xF7A, s2;
	p2 =	seq.s32 @!p0 s5, $0x0  }
0x1f: {  	s9 =	smul.u32 $0xF7A, s1;
	s8 =	simm.s32 @!p0 $0x1BF5;
	p2 =	por !p2, p0  }
0x20: {  	[sflag:s8] =	ssyncset.s32 @!p0 $0xFFFFF086;
	s6 =	sadd.s32 @!p0 s3, s7;
	s7 =	simm.s32 @!p0 $0x108  }
0x21: {  	s3 =	sadd.s32 s3, s9;
	s6 =	sadd.s32 @!p0 $0x88, s6;
	s7 =	simm.s32 @p2 $0x1082  }
0x22: {  	[simem:s7], [sflag:s8] =	dma.local @!p0 [hbm:s6], $0xF7A  }
0x23: {  	s9 =	sor.u32 $0xD0000000, s2;
	s6 =	simm.s32 $0x108;
	_ =	swait.ge @!p0 [sflag:s8], $0x0  }
0x24: {  	s3 =	sadd.s32 $0x88, s3;
	s6 =	simm.s32 @!p1 $0x1082;
	[sflag:s4] =	ssyncset.s32 $0xFFFFF086  }
0x25: {  	[simem:s6], [sflag:s4] =	dma.local [hbm:s3], $0xF7A  }
0x26: {  	[smem:$0x3F99] =	sst s1;
	(tag) =	ssettag s2;
	_ =	strace s9  }
0x27: {  	s1 =	sld [smem:$0x3FA9]  }
0x28: {  	s2 =	sld [smem:$0x3FAA]  }
0x29: {  	s4 =	sld [smem:$0x3FAC]  }
0x2a: {  	p0 =	seq.s32 s5, $0x0;
	s5 =	sld [smem:$0x3FAD]  }
0x2b: {  	s6 =	sld [smem:$0x3FAE]  }
0x2c: {  	s7 =	sld [smem:$0x3FAF]  }
0x2d: {  	s3 =	simm.s32 $0x108;
	s8 =	sld [smem:$0x3FB0]  }
0x2e: {  	s3 =	simm.s32 @!p0 $0x1082;
	s9 =	sld [smem:$0x3FB1]  }
0x2f: {  	lr =	sadd.s32 s0, s3;
	s0 =	sld [smem:$0x3FA8]  }
0x30: {  	s3 =	sld [smem:$0x3FAB]  }
0x31: {  	[smem:$0x3FB4] =	sst s10  }
0x32: {  	s10 =	sld [smem:$0x3FB2];
	_ =	sdelay $0x3  }
0x33: {  	p0 =	seq.s32 s10, $0x1;
	s10 =	sld [smem:$0x3FB4];
	_ =	sdelay $0x3  }
0x34: {  	[smem:$0x3FB4] =	sst s10  }
0x35: {  	s10 =	sld [smem:$0x3FB3];
	_ =	sdelay $0x3  }
0x36: {  	p1 =	seq.s32 s10, $0x1;
	s10 =	sld [smem:$0x3FB4];
	_ =	sdelay $0x3  }
0x37: {  	[smem:$0x3FB4] =	sst s10  }
0x38: {  	s10 =	sld [smem:$0x3FB5]  }
0x39: {  	_ = 	snop;
	(pc) =	sbr.ind lr, $3  }
0x3a: {  	_ = 	snop  }
0x3b: {  	_ = 	snop  }
0x3c: {  	p2 =	seq.s32 s10, $0x1;
	s10 =	sld [smem:$0x3FB4]  }
0x3d: {  	_ =	shalt  }
0x3e: {  	_ =	shalt  }
0x3f: {  	_ =	shalt  }
0x40: {  	_ =	shalt  }
0x41: {  	_ =	shalt  }
0x42: {  	_ =	shalt  }
0x43: {  	_ =	shalt  }
0x44: {  	_ =	shalt  }
0x45: {  	_ =	shalt  }
0x46: {  	_ =	shalt  }
0x47: {  	_ =	shalt  }
0x48: {  	_ =	shalt  }
0x49: {  	_ =	shalt  }
0x4a: {  	_ =	shalt  }
0x4b: {  	_ =	shalt  }
0x4c: {  	_ =	shalt  }
0x4d: {  	_ =	shalt  }
0x4e: {  	_ =	shalt  }
0x4f: {  	_ =	shalt  }
0x50: {  	_ =	shalt  }
0x51: {  	_ =	shalt  }
0x52: {  	_ =	shalt  }
0x53: {  	_ =	shalt  }
0x54: {  	_ =	shalt  }
0x55: {  	_ =	shalt  }
0x56: {  	_ =	shalt  }
0x57: {  	_ =	shalt  }
0x58: {  	_ =	shalt  }
0x59: {  	_ =	shalt  }
0x5a: {  	_ =	shalt  }
0x5b: {  	_ =	shalt  }
0x5c: {  	_ =	shalt  }
0x5d: {  	_ =	shalt  }
0x5e: {  	_ =	shalt  }
0x5f: {  	_ =	shalt  }
0x60: {  	_ =	shalt  }
0x61: {  	_ =	shalt  }
0x62: {  	_ =	shalt  }
0x63: {  	_ =	shalt  }
0x64: {  	_ =	shalt  }
0x65: {  	_ =	shalt  }
0x66: {  	_ =	shalt  }
0x67: {  	_ =	shalt  }
0x68: {  	_ =	shalt  }
0x69: {  	_ =	shalt  }
0x6a: {  	_ =	shalt  }
0x6b: {  	_ =	shalt  }
0x6c: {  	_ =	shalt  }
0x6d: {  	_ =	shalt  }
0x6e: {  	_ =	shalt  }
0x6f: {  	_ =	shalt  }
0x70: {  	_ =	shalt  }
0x71: {  	_ =	shalt  }
0x72: {  	_ =	shalt  }
0x73: {  	_ =	shalt  }
0x74: {  	_ =	shalt  }
0x75: {  	_ =	shalt  }
0x76: {  	_ =	shalt  }
0x77: {  	_ =	shalt  }
0x78: {  	_ =	shalt  }
0x79: {  	_ =	shalt  }
0x7a: {  	_ =	shalt  }
0x7b: {  	_ =	shalt  }
0x7c: {  	_ =	shalt  }
0x7d: {  	_ =	shalt  }
0x7e: {  	_ =	shalt  }
0x7f: {  	_ =	shalt  }
0x80: {  	_ =	shalt  }
0x81: {  	_ =	shalt  }
0x82: {  	_ =	shalt  }
0x83: {  	_ =	shalt  }
0x84: {  	_ =	shalt  }
0x85: {  	_ =	shalt  }
0x86: {  	_ =	shalt  }
0x87: {  	_ =	shalt  }
.Lfunc_end0:
.L_simem_size_0:
called_computation_lowered:
.L_overlay_start_0:
0x88: {  	s2 =	sld [smem:$0x3FD9]  }
0x89: {  	s3 =	sld [smem:$0x3FFE];
	_ =	sdelay $0x1  }
0x8a: {  	s1 =	srdreg.scid  }
0x8b: {  	s0 =	sand.u32 $0x1, s1  }
0x8c: {  	s16 =	sshll.u32 s0, $0xA;
	s2 =	sadd.s32 s3, s2  }
0x8d: {  	s2 =	sadd.s32 s2, s16  }
0x8e: {  	[smem:$0x3FC0] =	sst s2  }
0x8f: {  	_ = 	snop  }
0x90: {  	(tm) =	ssettm $0x1  }
0x91: {  	s17 =	sld [smem:$0x3FFB];
	_ =	sdelay $0x3  }
0x92: {  	_ =	strace s17  }
0x93: {  	s2 =	sld [smem:$0x3FFC];
	_ =	sdelay $0x3  }
0x94: {  	_ =	strace s2  }
0x95: {  	s2 =	sld [smem:$0x3FFD];
	_ =	sdelay $0x3  }
0x96: {  	_ =	strace s2  }
0x97: {  	_ =	strace $0x8FFFFFFF  }
0x98: {  	s18 =	sld [smem:$0x3FDB];
	_ =	sdelay $0x1  }
0x99: {  	s19 =	simm.s32 $_scs_section_size  }
0x9a: {  	s4 =	simm.s32 $_size__tile_overlayer_lowered;
	s5 =	simm.s32 $_tile_overlayer_lowered  }
0x9b: {  	s22 =	simm.s32 $0x1BFF;
	s21 =	sshll.u32 s5, $0x1;
	s2 =	sadd.s32 s19, s18  }
0x9c: {  	s6 =	simm.s32 $0x0;
	s20 =	sshll.u32 s4, $0x1;
	s4 =	sadd.s32 s21, s2  }
0x9d: {  	[timem:s6], [sflag:s22] =	dma.local [hbm:s4], s20  }
0x9e: {  	_ =	swait.ge [sflag:s22], s20  }
0x9f: {  	s3 =	ssub.s32 $0x0, s20;
	[sflag:s22] =	ssyncset.done $0x0  }
0xa0: {  	[sflag:s22] =	ssyncadd.s32 s3;
	_ =	sdelay $0x1  }
0xa1: {  	s23 =	simm.s32 $0x1B8B  }
0xa2: {  	_ =	swait.ge [sflag:s23], $0x1  }
0xa3: {  	[sflag:s23] =	ssyncset.done $0x0  }
0xa4: {  	s25 =	simm.s32 $0x1B8E;
	s24 =	sld [smem:$0x3FFE];
	[sflag:s23] =	ssyncadd.s32 $0xFFFFFFFF  }
0xa5: {  	s26 =	simm.s32 $execute0_lowered;
	[smem:$0x3FD2] =	sst s25  }
0xa6: {  	s4 =	sshll.u32 s26, $0x1;
	_ =	strace $0x80000046;
	[dreg:$0x1] =	wrdreg $0xFFFFFFFF  }
0xa7: {  	s28 =	simm.s32 $_size_execute0_lowered;
	s2 =	sadd.s32 s2, s4;
	[dreg:$0x0] =	wrdreg $0x0  }
0xa8: {  	s4 =	sshll.u32 s28, $0x1;
	[dreg:$0x2] =	wrdreg s2  }
0xa9: {  	[dreg:$0x3] =	wrdreg s4  }
0xaa: {  	[dreg:$0x4] =	wrdreg $0xC0  }
0xab: {  	_ =	task [dreg:s6], $0x5FFFF  }
0xac: {  	[dreg:$0x1] =	wrdreg $0xFFFFFFFF  }
0xad: {  	[dreg:$0x0] =	wrdreg $0x60  }
0xae: {  	[dreg:$0x2] =	wrdreg s24  }
0xaf: {  	[dreg:$0x3] =	wrdreg $0x83000  }
0xb0: {  	[dreg:$0x4] =	wrdreg $0x85800  }
0xb1: {  	[dreg:$0x5] =	wrdreg $0x9  }
0xb2: {  	_ =	task.clear_ibuf [dreg:s6], $0x6FFFF;
	_ =	strace $0x90000046  }
0xb3: {  	s29 =	simm.s32 $0x9;
	_ =	strace $0x80000048  }
0xb4: {  	_ =	swait.ge [sflag:s29], $0x1  }
0xb5: {  	[sflag:s29] =	ssyncadd.s32 $0xFFFFFFFF  }
0xb6: {  	_ =	strace $0x90000048  }
0xb7: {  	_ =	sfence  }
0xb8: {  	s30 =	sld [smem:$0x0];
	_ =	sdelay $0x2  }
0xb9: {  	s31 =	sshll.u32 s1, $0xD;
	s1 =	sshrl.u32 s1, $0x2  }
0xba: {  	s3 =	sand.u32 $0x4000, s31;
	s1 =	sadd.s32 s1, s30  }
0xbb: {  	s0 =	sor.u32 s3, s0;
	s1 =	sshll.u32 s1, $0x11  }
0xbc: {  	s0 =	sor.u32 s1, s0  }
0xbd: {  	s0 =	sadd.s32 $0x8F2B, s0  }
0xbe: {  	[sflag:s0] =	ssyncadd.remote.s32 $0x1  }
0xbf: {  	_ =	sfence.sel $0xFFFF  }
0xc0: {  	[dreg:$0x0] =	wrdreg $0xFFFFFFFF;
	(pc) =	sbr.abs _section_cstart, $3  }
0xc1: {  	[dreg:$0x1] =	wrdreg $0xFFFFFFFF  }
0xc2: {  	_ =	task.clear_ibuf [dreg:s6], $0x2FFFF;
	_ =	strace $0x9FFFFFFF  }
0xc3: {  	(tm) =	ssettm $0x7FFFFFFF  }
tec
execute0_lowered:
.L_overlay_start_1:
0x0: {  	(tag) =	ssettag $0x1  }
0x1: {  	s5 =	rddreg [dreg:$0x0]  }
0x2: {  	s2 =	rddreg [dreg:$0x1]  }
0x3: {  	s0 =	srdreg.scid;
	s3 =	rddreg [dreg:$0x2]  }
0x4: {  	s1 =	stileid.u32;
	s4 =	simm.s32 $0x0;
	s12 =	simm.s32 $0x8080  }
0x5: {  	s13 =	simm.s32 $0x3;
	s14 =	simm.s32 $0x4000;
	s15 =	simm.s32 $0x50  }
0x6: {  	s16 =	simm.s32 $0x8000;
	s17 =	simm.s32 $0x1;
	s18 =	simm.s32 $0x2  }
0x7: {  	s19 =	simm.s32 $0x80;
	s20 =	simm.s32 $0x100;
	s21 =	simm.s32 $0x0  }
0x8: {  	s6 =	sand.u32 $0x1, s0;
	s0 =	rddreg [dreg:$0x3];
	s8 =	smul.u32 $0x500, s1  }
0x9: {  	[smem:$0x7FF] =	sst s4;
	s10 =	sshll.u32 s1, $0xB;
	s29 =	smul.u32 $0x280, s1  }
0xa: {  	s7 =	smul.u32 $0x5000, s6;
	s9 =	sshll.u32 s6, $0xF;
	s6 =	ssub.s32 $0x2, s6  }
0xb: {  	_ =	strace $0x80000047;
	s9 =	sor.u32 s10, s9;
	s31 =	sshrl.u32 s6, $0x1  }
0xc: {  	s7 =	sadd.s32 s8, s7;
	s9 =	sadd.s32 s9, s5;
	s11 =	ssub.s32 s6, s31  }
0xd: {  	s6 =	sadd.s32 s29, s3;
	s7 =	sshrl.u32 s7, $0x3;
	s8 =	sadd.s32 $0x11800, s9  }
0xe: {  	s11 =	smax.u32 s11, $0x1;
	s30 =	sadd.s32 s7, s5;
	s5 =	sadd.s32 s29, s2  }
0xf: {  	v0 =	vimm.f32 $0.0e+00;
	v1 =	vimm.f32 $1.000000000e+00;
	s7 =	sadd.s32 $0x1800, s9;
	s9 =	sadd.s32 $0x21800, s30;
	s10 =	sadd.s32 $0x21810, s30  }
.LBB2_1:
0x10: {  	[tilespmem:$0x8080] =	vst v0  }
0x11: {  	[tilespmem:$0x8090] =	vst v0  }
0x12: {  	[tilespmem:$0x80A0] =	vst v0  }
0x13: {  	[tilespmem:$0x80B0] =	vst v0  }
0x14: {  	[tilespmem:$0x80C0] =	vst v0  }
0x15: {  	[tilespmem:$0x80D0] =	vst v0  }
0x16: {  	[tilespmem:$0x80E0] =	vst v0  }
0x17: {  	[tilespmem:$0x80F0] =	vst v0  }
0x18: {  	[tilespmem:$0x8100] =	vst v0  }
0x19: {  	[tilespmem:$0x8110] =	vst v0  }
0x1a: {  	[tilespmem:$0x8120] =	vst v0  }
0x1b: {  	[tilespmem:$0x8130] =	vst v0  }
0x1c: {  	[tilespmem:$0x8140] =	vst v0  }
0x1d: {  	[tilespmem:$0x8150] =	vst v0  }
0x1e: {  	[tilespmem:$0x8160] =	vst v0  }
0x1f: {  	[tilespmem:$0x8170] =	vst v0  }
0x20: {  	[tilespmem:$0x8180] =	vst v0  }
0x21: {  	[tilespmem:$0x8190] =	vst v0  }
0x22: {  	[tilespmem:$0x81A0] =	vst v0  }
0x23: {  	[tilespmem:$0x81B0] =	vst v0  }
0x24: {  	[tilespmem:$0x81C0] =	vst v0  }
0x25: {  	[tilespmem:$0x81D0] =	vst v0  }
0x26: {  	[tilespmem:$0x81E0] =	vst v0  }
0x27: {  	[tilespmem:$0x81F0] =	vst v0  }
0x28: {  	[tilespmem:$0x8200] =	vst v0  }
0x29: {  	[tilespmem:$0x8210] =	vst v0  }
0x2a: {  	[tilespmem:$0x8220] =	vst v0  }
0x2b: {  	[tilespmem:$0x8230] =	vst v0  }
0x2c: {  	[tilespmem:$0x8240] =	vst v0  }
0x2d: {  	[tilespmem:$0x8250] =	vst v0  }
0x2e: {  	[tilespmem:$0x8260] =	vst v0  }
0x2f: {  	[tilespmem:$0x8270] =	vst v0  }
0x30: {  	[tilespmem:$0x8280] =	vst v0  }
0x31: {  	[tilespmem:$0x8290] =	vst v0  }
0x32: {  	[tilespmem:$0x82A0] =	vst v0  }
0x33: {  	[tilespmem:$0x82B0] =	vst v0  }
0x34: {  	[tilespmem:$0x82C0] =	vst v0  }
0x35: {  	[tilespmem:$0x82D0] =	vst v0  }
0x36: {  	[tilespmem:$0x82E0] =	vst v0  }
0x37: {  	[tilespmem:$0x82F0] =	vst v0  }
0x38: {  	[tilespmem:$0x8000] =	vst v1  }
0x39: {  	[tilespmem:$0x8010] =	vst v1  }
0x3a: {  	[tilespmem:$0x8020] =	vst v1  }
0x3b: {  	[tilespmem:$0x8030] =	vst v1  }
0x3c: {  	[tilespmem:$0x8040] =	vst v1  }
0x3d: {  	[spmem:s5] =	stream.linear.scatter [tilespmem:s12], [sflag:$0x3], $0x280, $0x38;
	[tilespmem:$0x8800] =	vst v63  }
0x3e: {  	_ =	swait.ge [sflag:s13], $0x280  }
0x3f: {  	[sflag:s13] =	ssyncset.done $0x0  }
0x40: {  	[sflag:s13] =	ssyncadd.s32 $0xFFFFFD80  }
0x41: {  	[spmem:s6] =	stream.linear.scatter [tilespmem:s12], [sflag:$0x3], $0x280, $0x38;
	[tilespmem:$0x8800] =	vst v63  }
0x42: {  	_ =	swait.ge [sflag:s13], $0x280  }
0x43: {  	[sflag:s13] =	ssyncset.done $0x0  }
0x44: {  	[sflag:s13] =	ssyncadd.s32 $0xFFFFFD80  }
0x45: {  	[bflag:$0x0] =	sbarrier.arrive $0xFFFF  }
0x46: {  	[tilespmem:s4], [sflag:$0x3] =	stream.linear.gather [hbm4b:s7+s4], $0x3E80, $0x38;
	[tilespmem:$0x8800] =	vst v63  }
0x47: {  	_ =	swait.ge [sflag:s13], $0x3E80  }
0x48: {  	[sflag:s13] =	ssyncset.done $0x0  }
0x49: {  	[sflag:s13] =	ssyncadd.s32 $0xFFFFC180  }
0x4a: {  	[tilespmem:s14], [sflag:$0x3] =	stream.linear.gather [hbm4b:s8+s4], $0x3E80, $0x38;
	[tilespmem:$0x8800] =	vst v63  }
0x4b: {  	_ =	swait.ge [sflag:s13], $0x3E80  }
0x4c: {  	[sflag:s13] =	ssyncset.done $0x0  }
0x4d: {  	s22 =	simm.s32 $0x0;
	[sflag:s13] =	ssyncadd.s32 $0xFFFFC180  }
0x4e: {  	[spmem:s2] =	stream.indirect.scatter.add.f32 [tilespmem:s16], [sflag:$0x1], $0x1, s22, s15, $0xb8;
	[tilespmem:$0x8800] =	vst v63  }
0x4f: {  	s31 =	simm.s32 $0x4000  }
0x50: {  	[spmem:s3] =	stream.indirect.scatter.add.f32 [tilespmem:s16], [sflag:$0x2], $0x1, s31, s15, $0xb8;
	[tilespmem:$0x8800] =	vst v63  }
0x51: {  	s23 =	simm.s32 $0x80  }
0x52: {  	[spmem:s2] =	stream.indirect.scatter.add.f32 [tilespmem:s16], [sflag:$0x1], $0x1, s23, s15, $0xb8;
	[tilespmem:$0x8800] =	vst v63  }
0x53: {  	s24 =	simm.s32 $0x4080  }
0x54: {  	[spmem:s3] =	stream.indirect.scatter.add.f32 [tilespmem:s16], [sflag:$0x2], $0x1, s24, s15, $0xb8;
	[tilespmem:$0x8800] =	vst v63  }
0x55: {  	s25 =	simm.s32 $0x100  }
0x56: {  	[spmem:s2] =	stream.indirect.scatter.add.f32 [tilespmem:s16], [sflag:$0x1], $0x1, s25, s15, $0xb8;
	[tilespmem:$0x8800] =	vst v63  }
0x57: {  	s26 =	simm.s32 $0x4100  }
0x58: {  	[spmem:s3] =	stream.indirect.scatter.add.f32 [tilespmem:s16], [sflag:$0x2], $0x1, s26, s15, $0xb8;
	[tilespmem:$0x8800] =	vst v63  }
0x59: {  	s28 =	simm.s32 $0x180  }
0x5a: {  	[spmem:s2] =	stream.indirect.scatter.add.f32 [tilespmem:s16], [sflag:$0x1], $0x1, s28, s15, $0xb8;
	[tilespmem:$0x8800] =	vst v63  }
0x5b: {  	s29 =	simm.s32 $0x4180  }
0x5c: {  	[spmem:s3] =	stream.indirect.scatter.add.f32 [tilespmem:s16], [sflag:$0x2], $0x1, s29, s15, $0xb8;
	[tilespmem:$0x8800] =	vst v63  }
0x5d: {  	s30 =	simm.s32 $0x200  }
0x5e: {  	[spmem:s2] =	stream.indirect.scatter.add.f32 [tilespmem:s16], [sflag:$0x1], $0x1, s30, s15, $0xb8;
	[tilespmem:$0x8800] =	vst v63  }
0x5f: {  	s31 =	simm.s32 $0x4200  }
0x60: {  	[spmem:s3] =	stream.indirect.scatter.add.f32 [tilespmem:s16], [sflag:$0x2], $0x1, s31, s15, $0xb8;
	[tilespmem:$0x8800] =	vst v63  }
0x61: {  	_ =	swait.ge [sflag:s17], $0x50  }
0x62: {  	[sflag:s17] =	ssyncset.done $0x0  }
0x63: {  	[sflag:s17] =	ssyncadd.s32 $0xFFFFFFB0  }
0x64: {  	_ =	swait.ge [sflag:s18], $0x50  }
0x65: {  	[sflag:s18] =	ssyncset.done $0x0  }
0x66: {  	[sflag:s18] =	ssyncadd.s32 $0xFFFFFFB0  }
0x67: {  	_ =	swait.ge [sflag:s17], $0x50  }
0x68: {  	[sflag:s17] =	ssyncset.done $0x0  }
0x69: {  	[sflag:s17] =	ssyncadd.s32 $0xFFFFFFB0  }
0x6a: {  	_ =	swait.ge [sflag:s18], $0x50  }
0x6b: {  	[sflag:s18] =	ssyncset.done $0x0  }
0x6c: {  	[sflag:s18] =	ssyncadd.s32 $0xFFFFFFB0  }
0x6d: {  	_ =	swait.ge [sflag:s17], $0x50  }
0x6e: {  	[sflag:s17] =	ssyncset.done $0x0  }
0x6f: {  	[sflag:s17] =	ssyncadd.s32 $0xFFFFFFB0  }
0x70: {  	_ =	swait.ge [sflag:s18], $0x50  }
0x71: {  	[sflag:s18] =	ssyncset.done $0x0  }
0x72: {  	[sflag:s18] =	ssyncadd.s32 $0xFFFFFFB0  }
0x73: {  	_ =	swait.ge [sflag:s17], $0x50  }
0x74: {  	[sflag:s17] =	ssyncset.done $0x0  }
0x75: {  	[sflag:s17] =	ssyncadd.s32 $0xFFFFFFB0  }
0x76: {  	_ =	swait.ge [sflag:s18], $0x50  }
0x77: {  	[sflag:s18] =	ssyncset.done $0x0  }
0x78: {  	[sflag:s18] =	ssyncadd.s32 $0xFFFFFFB0  }
0x79: {  	_ =	swait.ge [sflag:s17], $0x50  }
0x7a: {  	[sflag:s17] =	ssyncset.done $0x0  }
0x7b: {  	[sflag:s17] =	ssyncadd.s32 $0xFFFFFFB0  }
0x7c: {  	_ =	swait.ge [sflag:s18], $0x50  }
0x7d: {  	s22 =	simm.s32 $0xA00;
	s24 =	simm.s32 $0x1400;
	[sflag:s18] =	ssyncset.done $0x0  }
.LBB2_2:
0x7e: {  	s25 =	sshra.s32 s22, $0x2  }
0x7f: {  	[sflag:s18] =	ssyncadd.s32 $0xFFFFFFB0;
	s22 =	smov.u32 s24;
	s23 =	sadd.s32 $0xA00, s24  }
0x80: {  	[spmem:s2] =	stream.indirect.scatter.add.f32 [tilespmem:s16], [sflag:$0x1], $0x1, s25, s15, $0xb8;
	[tilespmem:$0x8800] =	vst v63  }
0x81: {  	p0 =	sne.s32 s24, $0xF000;
	s24 =	sadd.s32 $0x4000, s25  }
0x82: {  	[spmem:s3] =	stream.indirect.scatter.add.f32 [tilespmem:s16], [sflag:$0x2], $0x1, s24, s15, $0xb8;
	[tilespmem:$0x8800] =	vst v63  }
0x83: {  	s24 =	sadd.s32 $0x80, s25  }
0x84: {  	[spmem:s2] =	stream.indirect.scatter.add.f32 [tilespmem:s16], [sflag:$0x1], $0x1, s24, s15, $0xb8;
	[tilespmem:$0x8800] =	vst v63  }
0x85: {  	s24 =	sadd.s32 $0x4080, s25  }
0x86: {  	[spmem:s3] =	stream.indirect.scatter.add.f32 [tilespmem:s16], [sflag:$0x2], $0x1, s24, s15, $0xb8;
	[tilespmem:$0x8800] =	vst v63  }
0x87: {  	s24 =	sadd.s32 $0x100, s25  }
0x88: {  	[spmem:s2] =	stream.indirect.scatter.add.f32 [tilespmem:s16], [sflag:$0x1], $0x1, s24, s15, $0xb8;
	[tilespmem:$0x8800] =	vst v63  }
0x89: {  	s24 =	sadd.s32 $0x4100, s25  }
0x8a: {  	[spmem:s3] =	stream.indirect.scatter.add.f32 [tilespmem:s16], [sflag:$0x2], $0x1, s24, s15, $0xb8;
	[tilespmem:$0x8800] =	vst v63  }
0x8b: {  	s24 =	sadd.s32 $0x180, s25  }
0x8c: {  	[spmem:s2] =	stream.indirect.scatter.add.f32 [tilespmem:s16], [sflag:$0x1], $0x1, s24, s15, $0xb8;
	[tilespmem:$0x8800] =	vst v63  }
0x8d: {  	s24 =	sadd.s32 $0x4180, s25  }
0x8e: {  	[spmem:s3] =	stream.indirect.scatter.add.f32 [tilespmem:s16], [sflag:$0x2], $0x1, s24, s15, $0xb8;
	[tilespmem:$0x8800] =	vst v63  }
0x8f: {  	s24 =	sadd.s32 $0x200, s25  }
0x90: {  	[spmem:s2] =	stream.indirect.scatter.add.f32 [tilespmem:s16], [sflag:$0x1], $0x1, s24, s15, $0xb8;
	[tilespmem:$0x8800] =	vst v63  }
0x91: {  	s24 =	sadd.s32 $0x4200, s25  }
0x92: {  	[spmem:s3] =	stream.indirect.scatter.add.f32 [tilespmem:s16], [sflag:$0x2], $0x1, s24, s15, $0xb8;
	[tilespmem:$0x8800] =	vst v63  }
0x93: {  	_ =	swait.ge [sflag:s17], $0x50  }
0x94: {  	[sflag:s17] =	ssyncset.done $0x0  }
0x95: {  	[sflag:s17] =	ssyncadd.s32 $0xFFFFFFB0  }
0x96: {  	_ =	swait.ge [sflag:s18], $0x50  }
0x97: {  	[sflag:s18] =	ssyncset.done $0x0  }
0x98: {  	[sflag:s18] =	ssyncadd.s32 $0xFFFFFFB0  }
0x99: {  	_ =	swait.ge [sflag:s17], $0x50  }
0x9a: {  	[sflag:s17] =	ssyncset.done $0x0  }
0x9b: {  	[sflag:s17] =	ssyncadd.s32 $0xFFFFFFB0  }
0x9c: {  	_ =	swait.ge [sflag:s18], $0x50  }
0x9d: {  	[sflag:s18] =	ssyncset.done $0x0  }
0x9e: {  	[sflag:s18] =	ssyncadd.s32 $0xFFFFFFB0  }
0x9f: {  	_ =	swait.ge [sflag:s17], $0x50  }
0xa0: {  	[sflag:s17] =	ssyncset.done $0x0  }
0xa1: {  	[sflag:s17] =	ssyncadd.s32 $0xFFFFFFB0  }
0xa2: {  	_ =	swait.ge [sflag:s18], $0x50  }
0xa3: {  	[sflag:s18] =	ssyncset.done $0x0  }
0xa4: {  	[sflag:s18] =	ssyncadd.s32 $0xFFFFFFB0  }
0xa5: {  	_ =	swait.ge [sflag:s17], $0x50  }
0xa6: {  	[sflag:s17] =	ssyncset.done $0x0  }
0xa7: {  	[sflag:s17] =	ssyncadd.s32 $0xFFFFFFB0  }
0xa8: {  	_ =	swait.ge [sflag:s18], $0x50  }
0xa9: {  	[sflag:s18] =	ssyncset.done $0x0  }
0xaa: {  	[sflag:s18] =	ssyncadd.s32 $0xFFFFFFB0  }
.Ltmp0:
0xab: {  	_ =	swait.ge [sflag:s17], $0x50;
	(pc) =	sbr.rel @p0 .LBB2_2-.Ltmp0, $4  }
0xac: {  	[sflag:s17] =	ssyncset.done $0x0  }
0xad: {  	[sflag:s17] =	ssyncadd.s32 $0xFFFFFFB0  }
0xae: {  	_ =	swait.ge [sflag:s18], $0x50  }
0xaf: {  	s24 =	smov.u32 s23;
	[sflag:s18] =	ssyncset.done $0x0  }
0xb0: {  	s22 =	sshra.s32 s22, $0x2;
	[sflag:s18] =	ssyncadd.s32 $0xFFFFFFB0  }
0xb1: {  	[spmem:s2] =	stream.indirect.scatter.add.f32 [tilespmem:s16], [sflag:$0x1], $0x1, s22, s15, $0xb8;
	[tilespmem:$0x8800] =	vst v63  }
0xb2: {  	s23 =	sadd.s32 $0x4000, s22  }
0xb3: {  	[spmem:s3] =	stream.indirect.scatter.add.f32 [tilespmem:s16], [sflag:$0x2], $0x1, s23, s15, $0xb8;
	[tilespmem:$0x8800] =	vst v63  }
0xb4: {  	s24 =	sadd.s32 $0x80, s22  }
0xb5: {  	[spmem:s2] =	stream.indirect.scatter.add.f32 [tilespmem:s16], [sflag:$0x1], $0x1, s24, s15, $0xb8;
	[tilespmem:$0x8800] =	vst v63  }
0xb6: {  	s25 =	sadd.s32 $0x4080, s22  }
0xb7: {  	[spmem:s3] =	stream.indirect.scatter.add.f32 [tilespmem:s16], [sflag:$0x2], $0x1, s25, s15, $0xb8;
	[tilespmem:$0x8800] =	vst v63  }
0xb8: {  	s26 =	sadd.s32 $0x100, s22  }
0xb9: {  	[spmem:s2] =	stream.indirect.scatter.add.f32 [tilespmem:s16], [sflag:$0x1], $0x1, s26, s15, $0xb8;
	[tilespmem:$0x8800] =	vst v63  }
0xba: {  	s28 =	sadd.s32 $0x4100, s22  }
0xbb: {  	[spmem:s3] =	stream.indirect.scatter.add.f32 [tilespmem:s16], [sflag:$0x2], $0x1, s28, s15, $0xb8;
	[tilespmem:$0x8800] =	vst v63  }
0xbc: {  	s29 =	sadd.s32 $0x180, s22  }
0xbd: {  	[spmem:s2] =	stream.indirect.scatter.add.f32 [tilespmem:s16], [sflag:$0x1], $0x1, s29, s15, $0xb8;
	[tilespmem:$0x8800] =	vst v63  }
0xbe: {  	s30 =	sadd.s32 $0x4180, s22  }
0xbf: {  	[spmem:s3] =	stream.indirect.scatter.add.f32 [tilespmem:s16], [sflag:$0x2], $0x1, s30, s15, $0xb8;
	[tilespmem:$0x8800] =	vst v63  }
0xc0: {  	s31 =	sadd.s32 $0x200, s22  }
0xc1: {  	[spmem:s2] =	stream.indirect.scatter.add.f32 [tilespmem:s16], [sflag:$0x1], $0x1, s31, s15, $0xb8;
	[tilespmem:$0x8800] =	vst v63  }
0xc2: {  	s22 =	sadd.s32 $0x4200, s22  }
0xc3: {  	[spmem:s3] =	stream.indirect.scatter.add.f32 [tilespmem:s16], [sflag:$0x2], $0x1, s22, s15, $0xb8;
	[tilespmem:$0x8800] =	vst v63  }
0xc4: {  	_ =	swait.ge [sflag:s17], $0x50  }
0xc5: {  	[sflag:s17] =	ssyncset.done $0x0  }
0xc6: {  	[sflag:s17] =	ssyncadd.s32 $0xFFFFFFB0  }
0xc7: {  	_ =	swait.ge [sflag:s18], $0x50  }
0xc8: {  	[sflag:s18] =	ssyncset.done $0x0  }
0xc9: {  	[sflag:s18] =	ssyncadd.s32 $0xFFFFFFB0  }
0xca: {  	_ =	swait.ge [sflag:s17], $0x50  }
0xcb: {  	[sflag:s17] =	ssyncset.done $0x0  }
0xcc: {  	[sflag:s17] =	ssyncadd.s32 $0xFFFFFFB0  }
0xcd: {  	_ =	swait.ge [sflag:s18], $0x50  }
0xce: {  	[sflag:s18] =	ssyncset.done $0x0  }
0xcf: {  	[sflag:s18] =	ssyncadd.s32 $0xFFFFFFB0  }
0xd0: {  	_ =	swait.ge [sflag:s17], $0x50  }
0xd1: {  	[sflag:s17] =	ssyncset.done $0x0  }
0xd2: {  	[sflag:s17] =	ssyncadd.s32 $0xFFFFFFB0  }
0xd3: {  	_ =	swait.ge [sflag:s18], $0x50  }
0xd4: {  	[sflag:s18] =	ssyncset.done $0x0  }
0xd5: {  	[sflag:s18] =	ssyncadd.s32 $0xFFFFFFB0  }
0xd6: {  	_ =	swait.ge [sflag:s17], $0x50  }
0xd7: {  	[sflag:s17] =	ssyncset.done $0x0  }
0xd8: {  	[sflag:s17] =	ssyncadd.s32 $0xFFFFFFB0  }
0xd9: {  	_ =	swait.ge [sflag:s18], $0x50  }
0xda: {  	[sflag:s18] =	ssyncset.done $0x0  }
0xdb: {  	[sflag:s18] =	ssyncadd.s32 $0xFFFFFFB0  }
0xdc: {  	_ =	swait.ge [sflag:s17], $0x50  }
0xdd: {  	[sflag:s17] =	ssyncset.done $0x0  }
0xde: {  	[sflag:s17] =	ssyncadd.s32 $0xFFFFFFB0  }
0xdf: {  	_ =	swait.ge [sflag:s18], $0x50  }
0xe0: {  	[sflag:s18] =	ssyncset.done $0x0  }
0xe1: {  	[sflag:s18] =	ssyncadd.s32 $0xFFFFFFB0  }
0xe2: {  	[bflag:$0x0] =	sbarrier.arrive $0xFFFF  }
0xe3: {  	[tilespmem:s12], [sflag:$0x3] =	stream.linear.gather [spmem:s5], $0x280, $0x38;
	[tilespmem:$0x8800] =	vst v63  }
0xe4: {  	_ =	swait.ge [sflag:s13], $0x280  }
0xe5: {  	[sflag:s13] =	ssyncset.done $0x0  }
0xe6: {  	[sflag:s13] =	ssyncadd.s32 $0xFFFFFD80  }
0xe7: {  	[hbm4b:s9+s19] =	stream.strided.scatter [tilespmem:s12], [sflag:$0x3], $0x280, s20, s19, $0x38;
	[tilespmem:$0x8800] =	vst v63  }
0xe8: {  	_ =	swait.ge [sflag:s13], $0x280  }
0xe9: {  	[sflag:s13] =	ssyncset.done $0x0  }
0xea: {  	[sflag:s13] =	ssyncadd.s32 $0xFFFFFD80  }
0xeb: {  	[tilespmem:s12], [sflag:$0x3] =	stream.linear.gather [spmem:s6], $0x280, $0x38;
	[tilespmem:$0x8800] =	vst v63  }
0xec: {  	s21 =	sadd.s32 $0x1, s21;
	_ =	swait.ge [sflag:s13], $0x280  }
0xed: {  	p0 =	sne.s32 s21, s11;
	[sflag:s13] =	ssyncset.done $0x0  }
.Ltmp1:
0xee: {  	[sflag:s13] =	ssyncadd.s32 $0xFFFFFD80;
	(pc) =	sbr.rel @p0 .LBB2_1-.Ltmp1, $4  }
0xef: {  	[hbm4b:s10+s19] =	stream.strided.scatter [tilespmem:s12], [sflag:$0x3], $0x280, s20, s19, $0x38;
	[tilespmem:$0x8800] =	vst v63  }
0xf0: {  	_ =	swait.ge [sflag:s13], $0x280  }
0xf1: {  	[sflag:s13] =	ssyncset.done $0x0  }
0xf2: {  	[sflag:s13] =	ssyncadd.s32 $0xFFFFFD80  }
0xf3: {  	_ =	sfence.sel $0x180000  }
0xf4: {  	[bflag:$0x0] =	sbarrier.arrive $0xFFFF  }
0xf5: {  	p0 =	sne.s32 s1, $0x0;
	_ =	strace $0x90000047  }
0xf6: {  	s0 =	sadd.s32 @!p0 $0x100000, s0;
	[bflag:$0x2] =	sbarrier.arrive $0xFFFF  }
0xf7: {  	[sflag:s0] =	ssyncadd.tile.s32 @!p0 $0x1;
	_ =	shalt  }
.Lfunc_end2:
_tile_overlayer_lowered:
.L_overlay_start_2:
0xf8: {  	(tag) =	ssettag $0x2  }
0xf9: {  	s0 =	rddreg [dreg:$0x0];
	s2 =	stileid.u32  }
0xfa: {  	s1 =	rddreg [dreg:$0x1];
	p0 =	sne.s32 s2, $0x0  }
0xfb: {  	s3 =	rddreg [dreg:$0x2];
	[bflag:$0x3] =	sbarrier.arrive $0xFFFF;
	s2 =	simm.s32 @!p0 $0x1C03  }
0xfc: {  	[timem:s3], [sflag:s2] =	dma.local @!p0 [hbm:s0], s1  }
0xfd: {  	s0 =	simm.s32 @!p0 $0x3  }
0xfe: {  	_ =	swait.ge @!p0 [sflag:s0], s1  }
0xff: {  	s1 =	ssub.s32 @!p0 $0x0, s1;
	[sflag:s0] =	ssyncset.done @!p0 $0x0  }
0x100: {  	[sflag:s0] =	ssyncadd.s32 @!p0 s1  }
0x101: {  	[bflag:$0x3] =	sbarrier.arrive $0xFFFF  }
0x102: {  	_ =	shalt  }

</sc_bundles>
